<compile_context>
chip_gen: v7x
topology: tpu7x:2x2x1
jax: 0.10.2.dev20260603
libtpu: 0.0.44.dev20260713+nightly
codegen_flags: <defaults>
</compile_context>

<pallas_src>
import functools

import jax
import jax.numpy as jnp
from jax import lax
from jax.experimental import pallas as pl
from jax.experimental.pallas import tpu as pltpu
from jax.experimental.pallas import tpu_sc as plsc

_N = 10000
_E = 320000
_DF = 128
_DE = 16
_H = 256
_HH = 128
_L = 4
_G = 16

_F32 = jnp.float32



def _h0_body(x_ref, w_ref, b_ref, out_ref):
    h = jnp.dot(x_ref[...], w_ref[...], preferred_element_type=_F32) + b_ref[...]
    h = jnp.maximum(h, 0.0)
    out_ref[0] = h[:, :_HH]
    out_ref[1] = h[:, _HH:]


def _tc_h0(x, node_W, node_b):
    return pl.pallas_call(
        _h0_body,
        out_shape=jax.ShapeDtypeStruct((2, _N, _HH), _F32),
    )(x, node_W, node_b)



_BE = 2560


def _lea_body(eattr_ref, ew_ref, eb_ref, lw_ref, lb_ref, out_ref):
    ea = jnp.dot(eattr_ref[...], ew_ref[...], preferred_element_type=_F32) + eb_ref[...]
    ea = jnp.maximum(ea, 0.0)
    lea = jnp.dot(ea.astype(jnp.bfloat16), lw_ref[...],
                  preferred_element_type=_F32) + lb_ref[...]
    out_ref[0] = lea[:, :_HH]
    out_ref[1] = lea[:, _HH:]


def _tc_lea(edge_attr, edge_W, edge_b, lin_W_bf, lin_b):
    n_e = _E // _BE
    return pl.pallas_call(
        _lea_body,
        grid=(n_e,),
        in_specs=[
            pl.BlockSpec((_BE, _DE), lambda e: (e, 0)),
            pl.BlockSpec((_DE, _H), lambda e: (0, 0)),
            pl.BlockSpec((1, _H), lambda e: (0, 0)),
            pl.BlockSpec((_H, _H), lambda e: (0, 0)),
            pl.BlockSpec((1, _H), lambda e: (0, 0)),
        ],
        out_specs=pl.BlockSpec((2, _BE, _HH), lambda e: (0, e, 0)),
        out_shape=jax.ShapeDtypeStruct((2, _E, _HH), _F32),
    )(edge_attr, edge_W, edge_b, lin_W_bf, lin_b)



_K = 160
_EPT = _E // 16
_NCH = _EPT // _K
_NP = 10240
_NPT = _NP // 16


def _sc_body(h2, lea2, src2, dst, agg2, aggsp,
             msg0, msg1, sidx0, sidx1, didx0, didx1,
             sem_ix0, sem_ix1, sem_lea0, sem_lea1,
             sem_g0, sem_g1, sem_s0, sem_s1):
    c = lax.axis_index("c")
    s = lax.axis_index("s")
    ebase = s * _EPT

    msgs = (msg0, msg1)
    sidxs = (sidx0, sidx1)
    didxs = (didx0, didx1)
    sem_ix = (sem_ix0, sem_ix1)
    sem_lea = (sem_lea0, sem_lea1)
    sem_g = (sem_g0, sem_g1)
    sem_s = (sem_s0, sem_s1)

    def issue_inputs(n, b):
        base = ebase + n * _K
        pltpu.async_copy(src2.at[pl.ds(c * _E + base, _K)], sidxs[b], sem_ix[b])
        pltpu.async_copy(dst.at[pl.ds(base, _K)], didxs[b], sem_ix[b])
        pltpu.async_copy(lea2.at[pl.ds(c * _E + base, _K)], msgs[b], sem_lea[b])

    def wait_inputs(b):
        pltpu.make_async_copy(src2.at[pl.ds(0, _K)], sidxs[b], sem_ix[b]).wait()
        pltpu.make_async_copy(dst.at[pl.ds(0, _K)], didxs[b], sem_ix[b]).wait()
        pltpu.make_async_copy(lea2.at[pl.ds(0, _K)], msgs[b], sem_lea[b]).wait()

    def issue_gather(b):
        pltpu.async_copy(h2.at[sidxs[b]], msgs[b], sem_g[b], add=True)

    def wait_gather(b):
        pltpu.make_async_copy(h2.at[sidxs[b]], msgs[b], sem_g[b]).wait()

    def issue_scatter(b):
        pltpu.async_copy(msgs[b], aggsp.at[didxs[b]], sem_s[b], add=True)

    def wait_scatter(b):
        pltpu.make_async_copy(msgs[b], aggsp.at[didxs[b]], sem_s[b]).wait()

    def relu(b):
        mref = msgs[b]

        @pl.loop(0, _K)
        def _relu_row(e):
            for j in range(_HH // 16):
                v = mref[e, pl.ds(j * 16, 16)]
                mref[e, pl.ds(j * 16, 16)] = jnp.maximum(v, 0.0)

    issue_inputs(0, 0)

    @pl.loop(0, _K)
    def _zero_row(e):
        for j in range(_HH // 16):
            msg1[e, pl.ds(j * 16, 16)] = jnp.zeros((16,), _F32)

    for off in range(0, _NPT - _K + 1, _K):
        pltpu.sync_copy(msg1.at[pl.ds(0, _K)], aggsp.at[pl.ds(s * _NPT + off, _K)])
    plsc.subcore_barrier()

    wait_inputs(0)
    issue_gather(0)

    @pl.loop(0, (_NCH - 1) // 2)
    def _pair(m):
        a = 2 * m + 1

        @pl.when(m > 0)
        def _():
            wait_scatter(1)

        issue_inputs(a, 1)
        wait_gather(0)
        relu(0)
        issue_scatter(0)
        wait_inputs(1)
        issue_gather(1)
        wait_scatter(0)
        issue_inputs(a + 1, 0)
        wait_gather(1)
        relu(1)
        issue_scatter(1)
        wait_inputs(0)
        issue_gather(0)

    wait_gather(0)
    relu(0)
    issue_scatter(0)
    wait_scatter(0)
    wait_scatter(1)
    plsc.subcore_barrier()
    pltpu.sync_copy(aggsp.at[pl.ds(s * _NPT, _NPT)],
                    agg2.at[pl.ds(c * _NP + s * _NPT, _NPT)])


def _sc_layer(h2, lea2, src2, dst):
    mesh = plsc.VectorSubcoreMesh(core_axis_name="c", subcore_axis_name="s",
                                  num_cores=2, num_subcores=16)
    fn = pl.kernel(
        _sc_body,
        out_type=jax.ShapeDtypeStruct((2 * _NP, _HH), _F32),
        mesh=mesh,
        scratch_types=[
            pltpu.VMEM_SHARED((_NP, _HH), _F32),
            pltpu.VMEM((_K, _HH), _F32),
            pltpu.VMEM((_K, _HH), _F32),
            pltpu.VMEM((_K,), jnp.int32),
            pltpu.VMEM((_K,), jnp.int32),
            pltpu.VMEM((_K,), jnp.int32),
            pltpu.VMEM((_K,), jnp.int32),
            pltpu.SemaphoreType.DMA,
            pltpu.SemaphoreType.DMA,
            pltpu.SemaphoreType.DMA,
            pltpu.SemaphoreType.DMA,
            pltpu.SemaphoreType.DMA,
            pltpu.SemaphoreType.DMA,
            pltpu.SemaphoreType.DMA,
            pltpu.SemaphoreType.DMA,
        ],
    )
    return fn(h2, lea2, src2, dst)



_BN = 2000


def _node_a_body(agg_ref, h_ref, m1_ref, b1_ref, m2_ref, b2_ref, t2_ref, sums_ref):
    i = pl.program_id(0)
    m1 = m1_ref[...]
    t_lo = agg_ref[0] + h_ref[0]
    t_hi = agg_ref[1] + h_ref[1]
    r1 = jnp.dot(t_lo, m1[:_HH], preferred_element_type=_F32)
    r1 = r1 + jnp.dot(t_hi, m1[_HH:], preferred_element_type=_F32) + b1_ref[...]
    r1 = jnp.maximum(r1, 0.0)
    t2 = jnp.dot(r1, m2_ref[...], preferred_element_type=_F32) + b2_ref[...]
    t2_ref[...] = t2
    ssum = jnp.sum(t2, axis=0, keepdims=True)
    ssq = jnp.sum(t2 * t2, axis=0, keepdims=True)
    both = jnp.concatenate([ssum, ssq], axis=0)

    @pl.when(i == 0)
    def _():
        sums_ref[...] = both

    @pl.when(i > 0)
    def _():
        sums_ref[...] = sums_ref[...] + both


def _node_b_body(t2_ref, h_ref, sums_ref, gnw_ref, gnb_ref, gnms_ref, out_ref):
    inv_n = 1.0 / _N
    mu = sums_ref[0:1] * inv_n
    m2s = sums_ref[1:2] * inv_n
    ms = gnms_ref[...]
    var = m2s - mu * mu * ms * (2.0 - ms)
    cen = t2_ref[...] - mu * ms
    t3 = gnw_ref[...] * cen * lax.rsqrt(var + 1e-5) + gnb_ref[...]
    t3 = jnp.maximum(t3, 0.0)
    out_ref[0] = h_ref[0] + t3[:, :_HH]
    out_ref[1] = h_ref[1] + t3[:, _HH:]


def _tc_node(agg, h, m1_W, m1_b, m2_W, m2_b, gn_w, gn_b, gn_ms):
    n_b = _N // _BN
    t2, sums = pl.pallas_call(
        _node_a_body,
        grid=(n_b,),
        in_specs=[
            pl.BlockSpec((2, _BN, _HH), lambda i: (0, i, 0)),
            pl.BlockSpec((2, _BN, _HH), lambda i: (0, i, 0)),
            pl.BlockSpec((_H, _H), lambda i: (0, 0)),
            pl.BlockSpec((1, _H), lambda i: (0, 0)),
            pl.BlockSpec((_H, _H), lambda i: (0, 0)),
            pl.BlockSpec((1, _H), lambda i: (0, 0)),
        ],
        out_specs=[
            pl.BlockSpec((_BN, _H), lambda i: (i, 0)),
            pl.BlockSpec((2, _H), lambda i: (0, 0)),
        ],
        out_shape=[
            jax.ShapeDtypeStruct((_N, _H), _F32),
            jax.ShapeDtypeStruct((2, _H), _F32),
        ],
    )(agg, h, m1_W, m1_b, m2_W, m2_b)

    return pl.pallas_call(
        _node_b_body,
        grid=(n_b,),
        in_specs=[
            pl.BlockSpec((_BN, _H), lambda i: (i, 0)),
            pl.BlockSpec((2, _BN, _HH), lambda i: (0, i, 0)),
            pl.BlockSpec((2, _H), lambda i: (0, 0)),
            pl.BlockSpec((1, _H), lambda i: (0, 0)),
            pl.BlockSpec((1, _H), lambda i: (0, 0)),
            pl.BlockSpec((1, _H), lambda i: (0, 0)),
        ],
        out_specs=pl.BlockSpec((2, _BN, _HH), lambda i: (0, i, 0)),
        out_shape=jax.ShapeDtypeStruct((2, _N, _HH), _F32),
    )(t2, h, sums, gn_w, gn_b, gn_ms)




def _final_body(h_ref, bcol_ref, brow_ref, gx_ref, g1_ref, g1b_ref, g2_ref,
                g2b_ref, gp_ref, gpb_ref, lnw_ref, lnb_ref, h1_ref, h1b_ref,
                h2_ref, h2b_ref, out_ref):
    hf = jnp.concatenate([h_ref[0], h_ref[1]], axis=1)
    bm = bcol_ref[...] == lax.broadcasted_iota(jnp.int32, (_N, _G), 1)
    bmT = brow_ref[...] == lax.broadcasted_iota(jnp.int32, (_G, _N), 0)
    bf = bm.astype(_F32)
    bfT = bmT.astype(_F32)

    cnt = jnp.dot(bfT, jnp.ones((_N, 1), _F32), preferred_element_type=_F32)
    hsum = jnp.dot(bfT, hf, preferred_element_type=_F32)
    h_mean = hsum / jnp.maximum(cnt, 1.0)

    g1 = g1_ref[...]
    gh = jnp.dot(h_ref[0], g1[:_HH], preferred_element_type=_F32)
    gh = gh + jnp.dot(h_ref[1], g1[_HH:], preferred_element_type=_F32) + g1b_ref[...]
    gh = jnp.maximum(gh, 0.0)
    gate = jnp.dot(gh, g2_ref[...], preferred_element_type=_F32) + g2b_ref[...]

    gm = jnp.max(jnp.where(bm, gate, -jnp.inf), axis=0, keepdims=True)
    gm = jnp.where(jnp.isfinite(gm), gm, 0.0)
    gmb = jnp.sum(bf * gm, axis=1, keepdims=True)
    eg = jnp.exp(gate - gmb)
    den = jnp.dot(bfT, eg, preferred_element_type=_F32)
    denb = jnp.dot(bf, den, preferred_element_type=_F32)
    alpha = eg / (denb + 1e-16)
    h_attn = jnp.dot(bfT, alpha * hf, preferred_element_type=_F32)

    g = jnp.dot(gx_ref[...], gp_ref[...], preferred_element_type=_F32) + gpb_ref[...]
    g = jnp.maximum(g, 0.0)

    zc = jnp.concatenate([h_mean, h_attn, g], axis=1)
    mu = jnp.mean(zc, axis=1, keepdims=True)
    var = jnp.mean((zc - mu) ** 2, axis=1, keepdims=True)
    zcn = lnw_ref[...] * (zc - mu) / jnp.sqrt(var + 1e-5) + lnb_ref[...]

    z1 = jnp.dot(zcn, h1_ref[...], preferred_element_type=_F32) + h1b_ref[...]
    z1 = jnp.maximum(z1, 0.0)
    out_ref[...] = jnp.dot(z1, h2_ref[...], preferred_element_type=_F32) + h2b_ref[...]


def _tc_final(h, batch_col, batch_row, global_x, g1_W, g1_b, g2_W, g2_b,
              gp_W, gp_b, ln_w, ln_b, h1_W, h1_b, h2_W, h2_b):
    return pl.pallas_call(
        _final_body,
        out_shape=jax.ShapeDtypeStruct((_G, 64), _F32),
    )(h, batch_col, batch_row, global_x, g1_W, g1_b, g2_W, g2_b,
      gp_W, gp_b, ln_w, ln_b, h1_W, h1_b, h2_W, h2_b)




def kernel(x, edge_index, edge_attr, batch, global_x, node_W, node_b, edge_W,
           edge_b, lin_W, lin_b, m1_W, m1_b, m2_W, m2_b, gn_w, gn_b, gn_ms,
           g1_W, g1_b, g2_W, g2_b, gp_W, gp_b, ln_w, ln_b, h1_W, h1_b, h2_W,
           h2_b):
    src = edge_index[0]
    dst = edge_index[1]
    src2 = jnp.concatenate([src, src + _N])

    h = _tc_h0(x, node_W, jnp.reshape(node_b, (1, _H)))
    lin_W_bf = lin_W.astype(jnp.bfloat16)
    eb_r = jnp.reshape(edge_b, (1, _H))

    for i in range(_L):
        lea = _tc_lea(edge_attr, edge_W, eb_r, lin_W_bf[i],
                      jnp.reshape(lin_b[i], (1, _H)))
        lea2 = jnp.reshape(lea, (2 * _E, _HH))
        h2 = jnp.reshape(h, (2 * _N, _HH))
        agg2 = _sc_layer(h2, lea2, src2, dst)
        agg = jnp.reshape(agg2, (2, _NP, _HH))[:, :_N]
        h = _tc_node(agg, h, m1_W[i], jnp.reshape(m1_b[i], (1, _H)),
                     m2_W[i], jnp.reshape(m2_b[i], (1, _H)),
                     jnp.reshape(gn_w[i], (1, _H)), jnp.reshape(gn_b[i], (1, _H)),
                     jnp.reshape(gn_ms[i], (1, _H)))

    out = _tc_final(h, jnp.reshape(batch, (_N, 1)), jnp.reshape(batch, (1, _N)),
                    global_x, g1_W, jnp.reshape(g1_b, (1, _HH)), g2_W,
                    jnp.reshape(g2_b, (1, 1)), gp_W, jnp.reshape(gp_b, (1, _H)),
                    jnp.reshape(ln_w, (1, 3 * _H)), jnp.reshape(ln_b, (1, 3 * _H)),
                    h1_W, jnp.reshape(h1_b, (1, _H)), h2_W, jnp.reshape(h2_b, (1, 64)))
    return out

# --- scband reference (transcript-rebuilt; emitter-appended) ---
"""Pipeline reference for scband-crugnn-64252710748260 (READ-ONLY COPY).

The authoritative reference and input builder live on the scoring server;
editing this copy changes nothing except your own understanding.
"""

import jax, jax.numpy as jnp
import numpy as np

N = 10000; E = 320000; DF = 128; DE = 16; H = 256; L = 4; G = 16; GIN = 64; OUT = 64


def setup_inputs(seed: int = 0):
    key = jax.random.key(seed)
    ks = jax.random.split(key, 24)
    r = lambda i, s: jax.random.normal(ks[i], s, jnp.float32) * 0.05
    z = lambda s: jnp.zeros(s, jnp.float32)
    o = lambda s: jnp.ones(s, jnp.float32)
    return {
        'x': jax.random.normal(ks[0], (N, DF), jnp.float32),
        'edge_index': jax.random.randint(ks[1], (2, E), 0, N),
        'edge_attr': jax.random.normal(ks[2], (E, DE), jnp.float32),
        'batch': jnp.sort(jax.random.randint(ks[3], (N,), 0, G)),
        'global_x': jax.random.normal(ks[4], (G, GIN), jnp.float32),
        'node_W': r(5, (DF, H)), 'node_b': z((H,)),
        'edge_W': r(6, (DE, H)), 'edge_b': z((H,)),
        'lin_W': r(7, (L, H, H)), 'lin_b': z((L, H)),
        'm1_W': r(8, (L, H, H)), 'm1_b': z((L, H)),
        'm2_W': r(9, (L, H, H)), 'm2_b': z((L, H)),
        'gn_w': o((L, H)), 'gn_b': z((L, H)), 'gn_ms': o((L, H)),
        'g1_W': r(10, (H, H // 2)), 'g1_b': z((H // 2,)),
        'g2_W': r(11, (H // 2, 1)), 'g2_b': z((1,)),
        'gp_W': r(12, (GIN, H)), 'gp_b': z((H,)),
        'ln_w': o((3 * H,)), 'ln_b': z((3 * H,)),
        'h1_W': r(13, (3 * H, H)), 'h1_b': z((H,)),
        'h2_W': r(14, (H, OUT)), 'h2_b': z((OUT,)),
    }


def _fwd(x, edge_attr, global_x, node_W, node_b, edge_W, edge_b, lin_W, lin_b, m1_W, m1_b, m2_W, m2_b, gn_w, gn_b, gn_ms, g1_W, g1_b, g2_W, g2_b, gp_W, gp_b, ln_w, ln_b, h1_W, h1_b, h2_W, h2_b, edge_index, batch):
    src, dst = edge_index[0], edge_index[1]
    n = x.shape[0]
    h = jax.nn.relu(x @ node_W + node_b)
    ea = jax.nn.relu(edge_attr @ edge_W + edge_b)
    for i in range(L):
        # GINEConv: msg = relu(x_j + lin(edge_attr)), sum-aggregate at dst, (1+eps)*x_i + aggr (eps=0), then MLP
        lea = ea @ lin_W[i] + lin_b[i]
        msg = jax.nn.relu(h[src] + lea)
        agg = jax.ops.segment_sum(msg, dst, num_segments=n)
        t = agg + h
        t = jax.nn.relu(t @ m1_W[i] + m1_b[i]) @ m2_W[i] + m2_b[i]
        # GraphNorm called with batch=None -> single-graph normalization over all nodes
        mu = t.mean(0)
        c = t - mu * gn_ms[i]
        var = (c * c).mean(0)
        t = gn_w[i] * c / jnp.sqrt(var + 1e-5) + gn_b[i]
        t = jax.nn.relu(t)
        h = h + t  # dropout identity in eval
    cnt = jax.ops.segment_sum(jnp.ones((n,), h.dtype), batch, num_segments=G)
    h_mean = jax.ops.segment_sum(h, batch, num_segments=G) / jnp.maximum(cnt, 1.0)[:, None]
    gate = jax.nn.relu(h @ g1_W + g1_b) @ g2_W + g2_b
    gmax = jax.ops.segment_max(gate, batch, num_segments=G)
    gmax = jnp.where(jnp.isfinite(gmax), gmax, 0.0)
    eg = jnp.exp(gate - gmax[batch])
    den = jax.ops.segment_sum(eg, batch, num_segments=G)
    alpha = eg / (den[batch] + 1e-16)
    h_attn = jax.ops.segment_sum(alpha * h, batch, num_segments=G)
    g = jax.nn.relu(global_x @ gp_W + gp_b)
    zc = jnp.concatenate([h_mean, h_attn, g], axis=-1)
    mu = zc.mean(-1, keepdims=True)
    var = ((zc - mu) ** 2).mean(-1, keepdims=True)
    zc = ln_w * (zc - mu) / jnp.sqrt(var + 1e-5) + ln_b
    return jax.nn.relu(zc @ h1_W + h1_b) @ h2_W + h2_b


def reference(x, edge_index, edge_attr, batch, global_x, node_W, node_b, edge_W, edge_b, lin_W, lin_b, m1_W, m1_b, m2_W, m2_b, gn_w, gn_b, gn_ms, g1_W, g1_b, g2_W, g2_b, gp_W, gp_b, ln_w, ln_b, h1_W, h1_b, h2_W, h2_b):
    return _fwd(x, edge_attr, global_x, node_W, node_b, edge_W, edge_b, lin_W, lin_b, m1_W, m1_b, m2_W, m2_b, gn_w, gn_b, gn_ms, g1_W, g1_b, g2_W, g2_b, gp_W, gp_b, ln_w, ln_b, h1_W, h1_b, h2_W, h2_b, edge_index, batch)

if __name__ == "__main__":
    import jax
    _d = setup_inputs()
    print(jax.jit(kernel)(*tuple(_d.values())))

</pallas_src>

<mosaic_0001>
#map = affine_map<(d0, d1) -> (0, 0)>
#map1 = affine_map<(d0, d1) -> (0)>
module attributes {stable_mosaic.version = 14 : i64} {
  func.func @_sc_body(%arg0: i32, %arg1: i32, %arg2: memref<20000x128xf32, #tpu.memory_space<hbm>>, %arg3: memref<640000x128xf32, #tpu.memory_space<hbm>>, %arg4: memref<640000xi32, #tpu.memory_space<hbm>>, %arg5: memref<320000xi32, #tpu.memory_space<hbm>>, %arg6: memref<20480x128xf32, #tpu.memory_space<hbm>>, %arg7: memref<10240x128xf32, #tpu.memory_space<vmem_shared>>, %arg8: memref<160x128xf32, #tpu.memory_space<vmem>>, %arg9: memref<160x128xf32, #tpu.memory_space<vmem>>, %arg10: memref<160xi32, #tpu.memory_space<vmem>>, %arg11: memref<160xi32, #tpu.memory_space<vmem>>, %arg12: memref<160xi32, #tpu.memory_space<vmem>>, %arg13: memref<160xi32, #tpu.memory_space<vmem>>, %arg14: memref<!tpu.dma_semaphore, #tpu.memory_space<semaphore_mem>>, %arg15: memref<!tpu.dma_semaphore, #tpu.memory_space<semaphore_mem>>, %arg16: memref<!tpu.dma_semaphore, #tpu.memory_space<semaphore_mem>>, %arg17: memref<!tpu.dma_semaphore, #tpu.memory_space<semaphore_mem>>, %arg18: memref<!tpu.dma_semaphore, #tpu.memory_space<semaphore_mem>>, %arg19: memref<!tpu.dma_semaphore, #tpu.memory_space<semaphore_mem>>, %arg20: memref<!tpu.dma_semaphore, #tpu.memory_space<semaphore_mem>>, %arg21: memref<!tpu.dma_semaphore, #tpu.memory_space<semaphore_mem>>) attributes {dimension_semantics = [#tpu.dimension_semantics<core_parallel>, #tpu.dimension_semantics<subcore_parallel>], iteration_bounds = array<i64: 2, 16>, scalar_prefetch = 0 : i64, scratch_operands = 15 : i64, tpu.core_type = #tpu.core_type<sc_vector_subcore>, window_params = [{transform_indices = #map}, {transform_indices = #map}, {transform_indices = #map1}, {transform_indices = #map1}, {transform_indices = #map}]} {
    %mul3A = arith.constant 20000 : i32
    %mul3A_0 = arith.muli %arg1, %mul3A : i32
    %add3A = arith.constant 0 : i32
    %add3A_1 = arith.addi %mul3A_0, %add3A : i32
    %mul3A_2 = arith.constant 320000 : i32
    %mul3A_3 = arith.muli %arg0, %mul3A_2 : i32
    %add3A_4 = arith.addi %mul3A_3, %add3A_1 : i32
    %dma_start3A = tpu.memref_slice %arg4[%add3A_4] : memref<640000xi32, #tpu.memory_space<hbm>> -> memref<160xi32, #tpu.memory_space<hbm>>
    %dma_start3A_5 = tpu.memref_slice %arg4[%add3A_4] : memref<640000xi32, #tpu.memory_space<hbm>> -> memref<160xi32, #tpu.memory_space<hbm>>
    tpu.enqueue_dma source(%dma_start3A_5 : memref<160xi32, #tpu.memory_space<hbm>>) target(%arg10 : memref<160xi32, #tpu.memory_space<vmem>>) target_semaphore(%arg14 : memref<!tpu.dma_semaphore, #tpu.memory_space<semaphore_mem>>)
    %dma_start3A_6 = tpu.memref_slice %arg5[%add3A_1] : memref<320000xi32, #tpu.memory_space<hbm>> -> memref<160xi32, #tpu.memory_space<hbm>>
    %dma_start3A_7 = tpu.memref_slice %arg5[%add3A_1] : memref<320000xi32, #tpu.memory_space<hbm>> -> memref<160xi32, #tpu.memory_space<hbm>>
    tpu.enqueue_dma source(%dma_start3A_7 : memref<160xi32, #tpu.memory_space<hbm>>) target(%arg12 : memref<160xi32, #tpu.memory_space<vmem>>) target_semaphore(%arg14 : memref<!tpu.dma_semaphore, #tpu.memory_space<semaphore_mem>>)
    %mul3A_8 = arith.constant 320000 : i32
    %mul3A_9 = arith.muli %arg0, %mul3A_8 : i32
    %add3A_10 = arith.addi %mul3A_9, %add3A_1 : i32
    %dma_start3A_11 = arith.constant 0 : i32
    %dma_start3A_12 = tpu.memref_slice %arg3[%add3A_10, %dma_start3A_11] : memref<640000x128xf32, #tpu.memory_space<hbm>> -> memref<160x128xf32, #tpu.memory_space<hbm>>
    %dma_start3A_13 = arith.constant 0 : i32
    %dma_start3A_14 = tpu.memref_slice %arg3[%add3A_10, %dma_start3A_13] : memref<640000x128xf32, #tpu.memory_space<hbm>> -> memref<160x128xf32, #tpu.memory_space<hbm>>
    tpu.enqueue_dma source(%dma_start3A_14 : memref<160x128xf32, #tpu.memory_space<hbm>>) target(%arg8 : memref<160x128xf32, #tpu.memory_space<vmem>>) target_semaphore(%arg16 : memref<!tpu.dma_semaphore, #tpu.memory_space<semaphore_mem>>)
    %scan3A = arith.constant 0 : i32
    %scan3A_15 = arith.constant 160 : i32
    %scan3A_16 = arith.addi %scan3A, %scan3A_15 : i32
    %scan3A_17 = arith.constant 1 : i32
    scf.for %scan3A_81 = %scan3A to %scan3A_16 step %scan3A_17  : i32 {
      %mul3A_82 = arith.constant 1 : i32
      %mul3A_83 = arith.muli %scan3A_81, %mul3A_82 : i32
      %add3A_84 = arith.constant 0 : i32
      %add3A_85 = arith.addi %add3A_84, %mul3A_83 : i32
      %broadcast_in_dim3A = arith.constant 0.000000e+00 : f32
      %broadcast_in_dim3A_86 = vector.broadcast %broadcast_in_dim3A : f32 to vector<16xf32>
      %swap3A = arith.index_cast %add3A_85 : i32 to index
      %swap3A_87 = arith.constant 0 : index
      %swap3A_88 = tpu.vector_load %arg9[%swap3A, %swap3A_87] {strides = array<i32>} : memref<160x128xf32, #tpu.memory_space<vmem>>, vector<1x16xf32>,
      %swap3A_89 = vector.shape_cast %swap3A_88 : vector<1x16xf32> to vector<16xf32>
      %swap3A_90 = vector.shape_cast %broadcast_in_dim3A_86 : vector<16xf32> to vector<1x16xf32>
      tpu.vector_store %arg9[%swap3A, %swap3A_87], %swap3A_90 {strides = array<i32>} : memref<160x128xf32, #tpu.memory_space<vmem>>, vector<1x16xf32>,
      %broadcast_in_dim3A_91 = arith.constant 0.000000e+00 : f32
      %broadcast_in_dim3A_92 = vector.broadcast %broadcast_in_dim3A_91 : f32 to vector<16xf32>
      %swap3A_93 = arith.index_cast %add3A_85 : i32 to index
      %swap3A_94 = arith.constant 16 : index
      %swap3A_95 = tpu.vector_load %arg9[%swap3A_93, %swap3A_94] {strides = array<i32>} : memref<160x128xf32, #tpu.memory_space<vmem>>, vector<1x16xf32>,
      %swap3A_96 = vector.shape_cast %swap3A_95 : vector<1x16xf32> to vector<16xf32>
      %swap3A_97 = vector.shape_cast %broadcast_in_dim3A_92 : vector<16xf32> to vector<1x16xf32>
      tpu.vector_store %arg9[%swap3A_93, %swap3A_94], %swap3A_97 {strides = array<i32>} : memref<160x128xf32, #tpu.memory_space<vmem>>, vector<1x16xf32>,
      %broadcast_in_dim3A_98 = arith.constant 0.000000e+00 : f32
      %broadcast_in_dim3A_99 = vector.broadcast %broadcast_in_dim3A_98 : f32 to vector<16xf32>
      %swap3A_100 = arith.index_cast %add3A_85 : i32 to index
      %swap3A_101 = arith.constant 32 : index
      %swap3A_102 = tpu.vector_load %arg9[%swap3A_100, %swap3A_101] {strides = array<i32>} : memref<160x128xf32, #tpu.memory_space<vmem>>, vector<1x16xf32>,
      %swap3A_103 = vector.shape_cast %swap3A_102 : vector<1x16xf32> to vector<16xf32>
      %swap3A_104 = vector.shape_cast %broadcast_in_dim3A_99 : vector<16xf32> to vector<1x16xf32>
      tpu.vector_store %arg9[%swap3A_100, %swap3A_101], %swap3A_104 {strides = array<i32>} : memref<160x128xf32, #tpu.memory_space<vmem>>, vector<1x16xf32>,
      %broadcast_in_dim3A_105 = arith.constant 0.000000e+00 : f32
      %broadcast_in_dim3A_106 = vector.broadcast %broadcast_in_dim3A_105 : f32 to vector<16xf32>
      %swap3A_107 = arith.index_cast %add3A_85 : i32 to index
      %swap3A_108 = arith.constant 48 : index
      %swap3A_109 = tpu.vector_load %arg9[%swap3A_107, %swap3A_108] {strides = array<i32>} : memref<160x128xf32, #tpu.memory_space<vmem>>, vector<1x16xf32>,
      %swap3A_110 = vector.shape_cast %swap3A_109 : vector<1x16xf32> to vector<16xf32>
      %swap3A_111 = vector.shape_cast %broadcast_in_dim3A_106 : vector<16xf32> to vector<1x16xf32>
      tpu.vector_store %arg9[%swap3A_107, %swap3A_108], %swap3A_111 {strides = array<i32>} : memref<160x128xf32, #tpu.memory_space<vmem>>, vector<1x16xf32>,
      %broadcast_in_dim3A_112 = arith.constant 0.000000e+00 : f32
      %broadcast_in_dim3A_113 = vector.broadcast %broadcast_in_dim3A_112 : f32 to vector<16xf32>
      %swap3A_114 = arith.index_cast %add3A_85 : i32 to index
      %swap3A_115 = arith.constant 64 : index
      %swap3A_116 = tpu.vector_load %arg9[%swap3A_114, %swap3A_115] {strides = array<i32>} : memref<160x128xf32, #tpu.memory_space<vmem>>, vector<1x16xf32>,
      %swap3A_117 = vector.shape_cast %swap3A_116 : vector<1x16xf32> to vector<16xf32>
      %swap3A_118 = vector.shape_cast %broadcast_in_dim3A_113 : vector<16xf32> to vector<1x16xf32>
      tpu.vector_store %arg9[%swap3A_114, %swap3A_115], %swap3A_118 {strides = array<i32>} : memref<160x128xf32, #tpu.memory_space<vmem>>, vector<1x16xf32>,
      %broadcast_in_dim3A_119 = arith.constant 0.000000e+00 : f32
      %broadcast_in_dim3A_120 = vector.broadcast %broadcast_in_dim3A_119 : f32 to vector<16xf32>
      %swap3A_121 = arith.index_cast %add3A_85 : i32 to index
      %swap3A_122 = arith.constant 80 : index
      %swap3A_123 = tpu.vector_load %arg9[%swap3A_121, %swap3A_122] {strides = array<i32>} : memref<160x128xf32, #tpu.memory_space<vmem>>, vector<1x16xf32>,
      %swap3A_124 = vector.shape_cast %swap3A_123 : vector<1x16xf32> to vector<16xf32>
      %swap3A_125 = vector.shape_cast %broadcast_in_dim3A_120 : vector<16xf32> to vector<1x16xf32>
      tpu.vector_store %arg9[%swap3A_121, %swap3A_122], %swap3A_125 {strides = array<i32>} : memref<160x128xf32, #tpu.memory_space<vmem>>, vector<1x16xf32>,
      %broadcast_in_dim3A_126 = arith.constant 0.000000e+00 : f32
      %broadcast_in_dim3A_127 = vector.broadcast %broadcast_in_dim3A_126 : f32 to vector<16xf32>
      %swap3A_128 = arith.index_cast %add3A_85 : i32 to index
      %swap3A_129 = arith.constant 96 : index
      %swap3A_130 = tpu.vector_load %arg9[%swap3A_128, %swap3A_129] {strides = array<i32>} : memref<160x128xf32, #tpu.memory_space<vmem>>, vector<1x16xf32>,
      %swap3A_131 = vector.shape_cast %swap3A_130 : vector<1x16xf32> to vector<16xf32>
      %swap3A_132 = vector.shape_cast %broadcast_in_dim3A_127 : vector<16xf32> to vector<1x16xf32>
      tpu.vector_store %arg9[%swap3A_128, %swap3A_129], %swap3A_132 {strides = array<i32>} : memref<160x128xf32, #tpu.memory_space<vmem>>, vector<1x16xf32>,
      %broadcast_in_dim3A_133 = arith.constant 0.000000e+00 : f32
      %broadcast_in_dim3A_134 = vector.broadcast %broadcast_in_dim3A_133 : f32 to vector<16xf32>
      %swap3A_135 = arith.index_cast %add3A_85 : i32 to index
      %swap3A_136 = arith.constant 112 : index
      %swap3A_137 = tpu.vector_load %arg9[%swap3A_135, %swap3A_136] {strides = array<i32>} : memref<160x128xf32, #tpu.memory_space<vmem>>, vector<1x16xf32>,
      %swap3A_138 = vector.shape_cast %swap3A_137 : vector<1x16xf32> to vector<16xf32>
      %swap3A_139 = vector.shape_cast %broadcast_in_dim3A_134 : vector<16xf32> to vector<1x16xf32>
      tpu.vector_store %arg9[%swap3A_135, %swap3A_136], %swap3A_139 {strides = array<i32>} : memref<160x128xf32, #tpu.memory_space<vmem>>, vector<1x16xf32>,
    }
    %scan3A_18 = arith.constant 160 : i32
    %mul3A_19 = arith.constant 640 : i32
    %mul3A_20 = arith.muli %arg1, %mul3A_19 : i32
    %add3A_21 = arith.constant 0 : i32
    %add3A_22 = arith.addi %mul3A_20, %add3A_21 : i32
    "tpu.region"() ({
      %run_scoped3A = tpu.sem_alloc : memref<!tpu.dma_semaphore, #tpu.memory_space<semaphore_mem>>
      %dma_start3A_81 = arith.constant 0 : i32
      %dma_start3A_82 = arith.constant 0 : i32
      %dma_start3A_83 = tpu.memref_slice %arg9[%dma_start3A_81, %dma_start3A_82] : memref<160x128xf32, #tpu.memory_space<vmem>> -> memref<160x128xf32, #tpu.memory_space<vmem>>
      %dma_start3A_84 = arith.constant 0 : i32
      %dma_start3A_85 = tpu.memref_slice %arg7[%add3A_22, %dma_start3A_84] : memref<10240x128xf32, #tpu.memory_space<vmem_shared>> -> memref<160x128xf32, #tpu.memory_space<vmem_shared>>
      %dma_start3A_86 = arith.constant 0 : i32
      %dma_start3A_87 = tpu.memref_slice %arg7[%add3A_22, %dma_start3A_86] : memref<10240x128xf32, #tpu.memory_space<vmem_shared>> -> memref<160x128xf32, #tpu.memory_space<vmem_shared>>
      %dma_start3A_88 = arith.constant 0 : i32
      %dma_start3A_89 = arith.constant 0 : i32
      %dma_start3A_90 = tpu.memref_slice %arg9[%dma_start3A_88, %dma_start3A_89] : memref<160x128xf32, #tpu.memory_space<vmem>> -> memref<160x128xf32, #tpu.memory_space<vmem>>
      tpu.enqueue_dma source(%dma_start3A_90 : memref<160x128xf32, #tpu.memory_space<vmem>>) target(%dma_start3A_87 : memref<160x128xf32, #tpu.memory_space<vmem_shared>>) target_semaphore(%run_scoped3A : memref<!tpu.dma_semaphore, #tpu.memory_space<semaphore_mem>>)
      %dma_wait3A_91 = arith.constant 0 : i32
      %dma_wait3A_92 = arith.constant 0 : i32
      %dma_wait3A_93 = tpu.memref_slice %arg9[%dma_wait3A_91, %dma_wait3A_92] : memref<160x128xf32, #tpu.memory_space<vmem>> -> memref<160x128xf32, #tpu.memory_space<vmem>>
      %dma_wait3A_94 = arith.constant 0 : i32
      %dma_wait3A_95 = tpu.memref_slice %arg7[%add3A_22, %dma_wait3A_94] : memref<10240x128xf32, #tpu.memory_space<vmem_shared>> -> memref<160x128xf32, #tpu.memory_space<vmem_shared>>
      %dma_wait3A_96 = arith.constant 0 : i32
      %dma_wait3A_97 = tpu.memref_slice %arg7[%add3A_22, %dma_wait3A_96] : memref<10240x128xf32, #tpu.memory_space<vmem_shared>> -> memref<160x128xf32, #tpu.memory_space<vmem_shared>>
      %dma_wait3A_98 = arith.constant 0 : i32
      %dma_wait3A_99 = arith.constant 0 : i32
      %dma_wait3A_100 = tpu.memref_slice %arg9[%dma_wait3A_98, %dma_wait3A_99] : memref<160x128xf32, #tpu.memory_space<vmem>> -> memref<160x128xf32, #tpu.memory_space<vmem>>
      tpu.wait_dma2 semaphore(%run_scoped3A : memref<!tpu.dma_semaphore, #tpu.memory_space<semaphore_mem>>) src(%dma_wait3A_100 : memref<160x128xf32, #tpu.memory_space<vmem>>) dst(%dma_wait3A_97 : memref<160x128xf32, #tpu.memory_space<vmem_shared>>)
      tpu.yield
    }) : () -> ()
    %mul3A_23 = arith.constant 640 : i32
    %mul3A_24 = arith.muli %arg1, %mul3A_23 : i32
    %add3A_25 = arith.constant 160 : i32
    %add3A_26 = arith.addi %mul3A_24, %add3A_25 : i32
    "tpu.region"() ({
      %run_scoped3A = tpu.sem_alloc : memref<!tpu.dma_semaphore, #tpu.memory_space<semaphore_mem>>
      %dma_start3A_81 = arith.constant 0 : i32
      %dma_start3A_82 = arith.constant 0 : i32
      %dma_start3A_83 = tpu.memref_slice %arg9[%dma_start3A_81, %dma_start3A_82] : memref<160x128xf32, #tpu.memory_space<vmem>> -> memref<160x128xf32, #tpu.memory_space<vmem>>
      %dma_start3A_84 = arith.constant 0 : i32
      %dma_start3A_85 = tpu.memref_slice %arg7[%add3A_26, %dma_start3A_84] : memref<10240x128xf32, #tpu.memory_space<vmem_shared>> -> memref<160x128xf32, #tpu.memory_space<vmem_shared>>
      %dma_start3A_86 = arith.constant 0 : i32
      %dma_start3A_87 = tpu.memref_slice %arg7[%add3A_26, %dma_start3A_86] : memref<10240x128xf32, #tpu.memory_space<vmem_shared>> -> memref<160x128xf32, #tpu.memory_space<vmem_shared>>
      %dma_start3A_88 = arith.constant 0 : i32
      %dma_start3A_89 = arith.constant 0 : i32
      %dma_start3A_90 = tpu.memref_slice %arg9[%dma_start3A_88, %dma_start3A_89] : memref<160x128xf32, #tpu.memory_space<vmem>> -> memref<160x128xf32, #tpu.memory_space<vmem>>
      tpu.enqueue_dma source(%dma_start3A_90 : memref<160x128xf32, #tpu.memory_space<vmem>>) target(%dma_start3A_87 : memref<160x128xf32, #tpu.memory_space<vmem_shared>>) target_semaphore(%run_scoped3A : memref<!tpu.dma_semaphore, #tpu.memory_space<semaphore_mem>>)
      %dma_wait3A_91 = arith.constant 0 : i32
      %dma_wait3A_92 = arith.constant 0 : i32
      %dma_wait3A_93 = tpu.memref_slice %arg9[%dma_wait3A_91, %dma_wait3A_92] : memref<160x128xf32, #tpu.memory_space<vmem>> -> memref<160x128xf32, #tpu.memory_space<vmem>>
      %dma_wait3A_94 = arith.constant 0 : i32
      %dma_wait3A_95 = tpu.memref_slice %arg7[%add3A_26, %dma_wait3A_94] : memref<10240x128xf32, #tpu.memory_space<vmem_shared>> -> memref<160x128xf32, #tpu.memory_space<vmem_shared>>
      %dma_wait3A_96 = arith.constant 0 : i32
      %dma_wait3A_97 = tpu.memref_slice %arg7[%add3A_26, %dma_wait3A_96] : memref<10240x128xf32, #tpu.memory_space<vmem_shared>> -> memref<160x128xf32, #tpu.memory_space<vmem_shared>>
      %dma_wait3A_98 = arith.constant 0 : i32
      %dma_wait3A_99 = arith.constant 0 : i32
      %dma_wait3A_100 = tpu.memref_slice %arg9[%dma_wait3A_98, %dma_wait3A_99] : memref<160x128xf32, #tpu.memory_space<vmem>> -> memref<160x128xf32, #tpu.memory_space<vmem>>
      tpu.wait_dma2 semaphore(%run_scoped3A : memref<!tpu.dma_semaphore, #tpu.memory_space<semaphore_mem>>) src(%dma_wait3A_100 : memref<160x128xf32, #tpu.memory_space<vmem>>) dst(%dma_wait3A_97 : memref<160x128xf32, #tpu.memory_space<vmem_shared>>)
      tpu.yield
    }) : () -> ()
    %mul3A_27 = arith.constant 640 : i32
    %mul3A_28 = arith.muli %arg1, %mul3A_27 : i32
    %add3A_29 = arith.constant 320 : i32
    %add3A_30 = arith.addi %mul3A_28, %add3A_29 : i32
    "tpu.region"() ({
      %run_scoped3A = tpu.sem_alloc : memref<!tpu.dma_semaphore, #tpu.memory_space<semaphore_mem>>
      %dma_start3A_81 = arith.constant 0 : i32
      %dma_start3A_82 = arith.constant 0 : i32
      %dma_start3A_83 = tpu.memref_slice %arg9[%dma_start3A_81, %dma_start3A_82] : memref<160x128xf32, #tpu.memory_space<vmem>> -> memref<160x128xf32, #tpu.memory_space<vmem>>
      %dma_start3A_84 = arith.constant 0 : i32
      %dma_start3A_85 = tpu.memref_slice %arg7[%add3A_30, %dma_start3A_84] : memref<10240x128xf32, #tpu.memory_space<vmem_shared>> -> memref<160x128xf32, #tpu.memory_space<vmem_shared>>
      %dma_start3A_86 = arith.constant 0 : i32
      %dma_start3A_87 = tpu.memref_slice %arg7[%add3A_30, %dma_start3A_86] : memref<10240x128xf32, #tpu.memory_space<vmem_shared>> -> memref<160x128xf32, #tpu.memory_space<vmem_shared>>
      %dma_start3A_88 = arith.constant 0 : i32
      %dma_start3A_89 = arith.constant 0 : i32
      %dma_start3A_90 = tpu.memref_slice %arg9[%dma_start3A_88, %dma_start3A_89] : memref<160x128xf32, #tpu.memory_space<vmem>> -> memref<160x128xf32, #tpu.memory_space<vmem>>
      tpu.enqueue_dma source(%dma_start3A_90 : memref<160x128xf32, #tpu.memory_space<vmem>>) target(%dma_start3A_87 : memref<160x128xf32, #tpu.memory_space<vmem_shared>>) target_semaphore(%run_scoped3A : memref<!tpu.dma_semaphore, #tpu.memory_space<semaphore_mem>>)
      %dma_wait3A_91 = arith.constant 0 : i32
      %dma_wait3A_92 = arith.constant 0 : i32
      %dma_wait3A_93 = tpu.memref_slice %arg9[%dma_wait3A_91, %dma_wait3A_92] : memref<160x128xf32, #tpu.memory_space<vmem>> -> memref<160x128xf32, #tpu.memory_space<vmem>>
      %dma_wait3A_94 = arith.constant 0 : i32
      %dma_wait3A_95 = tpu.memref_slice %arg7[%add3A_30, %dma_wait3A_94] : memref<10240x128xf32, #tpu.memory_space<vmem_shared>> -> memref<160x128xf32, #tpu.memory_space<vmem_shared>>
      %dma_wait3A_96 = arith.constant 0 : i32
      %dma_wait3A_97 = tpu.memref_slice %arg7[%add3A_30, %dma_wait3A_96] : memref<10240x128xf32, #tpu.memory_space<vmem_shared>> -> memref<160x128xf32, #tpu.memory_space<vmem_shared>>
      %dma_wait3A_98 = arith.constant 0 : i32
      %dma_wait3A_99 = arith.constant 0 : i32
      %dma_wait3A_100 = tpu.memref_slice %arg9[%dma_wait3A_98, %dma_wait3A_99] : memref<160x128xf32, #tpu.memory_space<vmem>> -> memref<160x128xf32, #tpu.memory_space<vmem>>
      tpu.wait_dma2 semaphore(%run_scoped3A : memref<!tpu.dma_semaphore, #tpu.memory_space<semaphore_mem>>) src(%dma_wait3A_100 : memref<160x128xf32, #tpu.memory_space<vmem>>) dst(%dma_wait3A_97 : memref<160x128xf32, #tpu.memory_space<vmem_shared>>)
      tpu.yield
    }) : () -> ()
    %mul3A_31 = arith.constant 640 : i32
    %mul3A_32 = arith.muli %arg1, %mul3A_31 : i32
    %add3A_33 = arith.constant 480 : i32
    %add3A_34 = arith.addi %mul3A_32, %add3A_33 : i32
    "tpu.region"() ({
      %run_scoped3A = tpu.sem_alloc : memref<!tpu.dma_semaphore, #tpu.memory_space<semaphore_mem>>
      %dma_start3A_81 = arith.constant 0 : i32
      %dma_start3A_82 = arith.constant 0 : i32
      %dma_start3A_83 = tpu.memref_slice %arg9[%dma_start3A_81, %dma_start3A_82] : memref<160x128xf32, #tpu.memory_space<vmem>> -> memref<160x128xf32, #tpu.memory_space<vmem>>
      %dma_start3A_84 = arith.constant 0 : i32
      %dma_start3A_85 = tpu.memref_slice %arg7[%add3A_34, %dma_start3A_84] : memref<10240x128xf32, #tpu.memory_space<vmem_shared>> -> memref<160x128xf32, #tpu.memory_space<vmem_shared>>
      %dma_start3A_86 = arith.constant 0 : i32
      %dma_start3A_87 = tpu.memref_slice %arg7[%add3A_34, %dma_start3A_86] : memref<10240x128xf32, #tpu.memory_space<vmem_shared>> -> memref<160x128xf32, #tpu.memory_space<vmem_shared>>
      %dma_start3A_88 = arith.constant 0 : i32
      %dma_start3A_89 = arith.constant 0 : i32
      %dma_start3A_90 = tpu.memref_slice %arg9[%dma_start3A_88, %dma_start3A_89] : memref<160x128xf32, #tpu.memory_space<vmem>> -> memref<160x128xf32, #tpu.memory_space<vmem>>
      tpu.enqueue_dma source(%dma_start3A_90 : memref<160x128xf32, #tpu.memory_space<vmem>>) target(%dma_start3A_87 : memref<160x128xf32, #tpu.memory_space<vmem_shared>>) target_semaphore(%run_scoped3A : memref<!tpu.dma_semaphore, #tpu.memory_space<semaphore_mem>>)
      %dma_wait3A_91 = arith.constant 0 : i32
      %dma_wait3A_92 = arith.constant 0 : i32
      %dma_wait3A_93 = tpu.memref_slice %arg9[%dma_wait3A_91, %dma_wait3A_92] : memref<160x128xf32, #tpu.memory_space<vmem>> -> memref<160x128xf32, #tpu.memory_space<vmem>>
      %dma_wait3A_94 = arith.constant 0 : i32
      %dma_wait3A_95 = tpu.memref_slice %arg7[%add3A_34, %dma_wait3A_94] : memref<10240x128xf32, #tpu.memory_space<vmem_shared>> -> memref<160x128xf32, #tpu.memory_space<vmem_shared>>
      %dma_wait3A_96 = arith.constant 0 : i32
      %dma_wait3A_97 = tpu.memref_slice %arg7[%add3A_34, %dma_wait3A_96] : memref<10240x128xf32, #tpu.memory_space<vmem_shared>> -> memref<160x128xf32, #tpu.memory_space<vmem_shared>>
      %dma_wait3A_98 = arith.constant 0 : i32
      %dma_wait3A_99 = arith.constant 0 : i32
      %dma_wait3A_100 = tpu.memref_slice %arg9[%dma_wait3A_98, %dma_wait3A_99] : memref<160x128xf32, #tpu.memory_space<vmem>> -> memref<160x128xf32, #tpu.memory_space<vmem>>
      tpu.wait_dma2 semaphore(%run_scoped3A : memref<!tpu.dma_semaphore, #tpu.memory_space<semaphore_mem>>) src(%dma_wait3A_100 : memref<160x128xf32, #tpu.memory_space<vmem>>) dst(%dma_wait3A_97 : memref<160x128xf32, #tpu.memory_space<vmem_shared>>)
      tpu.yield
    }) : () -> ()
    %barrier3A = arith.constant 0 : index
    tpu.barrier barrier_id(%barrier3A)
    %dma_wait3A = arith.constant 0 : i32
    %dma_wait3A_35 = tpu.memref_slice %arg4[%dma_wait3A] : memref<640000xi32, #tpu.memory_space<hbm>> -> memref<160xi32, #tpu.memory_space<hbm>>
    %dma_wait3A_36 = arith.constant 0 : i32
    %dma_wait3A_37 = tpu.memref_slice %arg4[%dma_wait3A_36] : memref<640000xi32, #tpu.memory_space<hbm>> -> memref<160xi32, #tpu.memory_space<hbm>>
    tpu.wait_dma2 semaphore(%arg14 : memref<!tpu.dma_semaphore, #tpu.memory_space<semaphore_mem>>) src(%dma_wait3A_37 : memref<160xi32, #tpu.memory_space<hbm>>) dst(%arg10 : memref<160xi32, #tpu.memory_space<vmem>>)
    %dma_wait3A_38 = arith.constant 0 : i32
    %dma_wait3A_39 = tpu.memref_slice %arg5[%dma_wait3A_38] : memref<320000xi32, #tpu.memory_space<hbm>> -> memref<160xi32, #tpu.memory_space<hbm>>
    %dma_wait3A_40 = arith.constant 0 : i32
    %dma_wait3A_41 = tpu.memref_slice %arg5[%dma_wait3A_40] : memref<320000xi32, #tpu.memory_space<hbm>> -> memref<160xi32, #tpu.memory_space<hbm>>
    tpu.wait_dma2 semaphore(%arg14 : memref<!tpu.dma_semaphore, #tpu.memory_space<semaphore_mem>>) src(%dma_wait3A_41 : memref<160xi32, #tpu.memory_space<hbm>>) dst(%arg12 : memref<160xi32, #tpu.memory_space<vmem>>)
    %dma_wait3A_42 = arith.constant 0 : i32
    %dma_wait3A_43 = arith.constant 0 : i32
    %dma_wait3A_44 = tpu.memref_slice %arg3[%dma_wait3A_42, %dma_wait3A_43] : memref<640000x128xf32, #tpu.memory_space<hbm>> -> memref<160x128xf32, #tpu.memory_space<hbm>>
    %dma_wait3A_45 = arith.constant 0 : i32
    %dma_wait3A_46 = arith.constant 0 : i32
    %dma_wait3A_47 = tpu.memref_slice %arg3[%dma_wait3A_45, %dma_wait3A_46] : memref<640000x128xf32, #tpu.memory_space<hbm>> -> memref<160x128xf32, #tpu.memory_space<hbm>>
    tpu.wait_dma2 semaphore(%arg16 : memref<!tpu.dma_semaphore, #tpu.memory_space<semaphore_mem>>) src(%dma_wait3A_47 : memref<160x128xf32, #tpu.memory_space<hbm>>) dst(%arg8 : memref<160x128xf32, #tpu.memory_space<vmem>>)
    %dma_start3A_48 = arith.constant 0 : i32
    %dma_start3A_49 = arith.constant 0 : i32
    %dma_start3A_50 = tpu.memref_slice %arg2[%dma_start3A_48, %dma_start3A_49] : memref<20000x128xf32, #tpu.memory_space<hbm>> -> memref<20000x128xf32, #tpu.memory_space<hbm>>
    tpu.enqueue_indirect_dma source(%dma_start3A_50 : memref<20000x128xf32, #tpu.memory_space<hbm>>) target(%arg8 : memref<160x128xf32, #tpu.memory_space<vmem>>) offsets(%arg10 : memref<160xi32, #tpu.memory_space<vmem>>) semaphore(%arg18 : memref<!tpu.dma_semaphore, #tpu.memory_space<semaphore_mem>>) {add = true}
    %scan3A_51 = arith.constant 0 : i32
    %scan3A_52 = arith.constant 62 : i32
    %scan3A_53 = arith.addi %scan3A_51, %scan3A_52 : i32
    %scan3A_54 = arith.constant 1 : i32
    scf.for %scan3A_81 = %scan3A_51 to %scan3A_53 step %scan3A_54  : i32 {
      %mul3A_82 = arith.constant 1 : i32
      %mul3A_83 = arith.muli %scan3A_81, %mul3A_82 : i32
      %add3A_84 = arith.constant 0 : i32
      %add3A_85 = arith.addi %add3A_84, %mul3A_83 : i32
      %mul3A_86 = arith.constant 2 : i32
      %mul3A_87 = arith.muli %mul3A_86, %add3A_85 : i32
      %add3A_88 = arith.constant 1 : i32
      %add3A_89 = arith.addi %mul3A_87, %add3A_88 : i32
      %gt3A = arith.constant 0 : i32
      %gt3A_90 = arith.cmpi sgt, %add3A_85, %gt3A : i32
      %convert_element_type3A = arith.extui %gt3A_90 : i1 to i32
      %cond3A = arith.constant 0 : i32
      %cond3A_91 = arith.cmpi ne, %convert_element_type3A, %cond3A : i32
      scf.if %cond3A_91 {
        %dma_wait3A_187 = arith.constant 0 : i32
        %dma_wait3A_188 = arith.constant 0 : i32
        %dma_wait3A_189 = tpu.memref_slice %arg7[%dma_wait3A_187, %dma_wait3A_188] : memref<10240x128xf32, #tpu.memory_space<vmem_shared>> -> memref<10240x128xf32, #tpu.memory_space<vmem_shared>>
        tpu.wait_indirect_dma semaphore(%arg21 : memref<!tpu.dma_semaphore, #tpu.memory_space<semaphore_mem>>) src(%arg9 : memref<160x128xf32, #tpu.memory_space<vmem>>) dst(%dma_wait3A_189 : memref<10240x128xf32, #tpu.memory_space<vmem_shared>>)
      } else {
      }
      %mul3A_92 = arith.constant 160 : i32
      %mul3A_93 = arith.muli %add3A_89, %mul3A_92 : i32
      %add3A_94 = arith.addi %mul3A_0, %mul3A_93 : i32
      %mul3A_95 = arith.constant 320000 : i32
      %mul3A_96 = arith.muli %arg0, %mul3A_95 : i32
      %add3A_97 = arith.addi %mul3A_96, %add3A_94 : i32
      %dma_start3A_98 = tpu.memref_slice %arg4[%add3A_97] : memref<640000xi32, #tpu.memory_space<hbm>> -> memref<160xi32, #tpu.memory_space<hbm>>
      %dma_start3A_99 = tpu.memref_slice %arg4[%add3A_97] : memref<640000xi32, #tpu.memory_space<hbm>> -> memref<160xi32, #tpu.memory_space<hbm>>
      tpu.enqueue_dma source(%dma_start3A_99 : memref<160xi32, #tpu.memory_space<hbm>>) target(%arg11 : memref<160xi32, #tpu.memory_space<vmem>>) target_semaphore(%arg15 : memref<!tpu.dma_semaphore, #tpu.memory_space<semaphore_mem>>)
      %dma_start3A_100 = tpu.memref_slice %arg5[%add3A_94] : memref<320000xi32, #tpu.memory_space<hbm>> -> memref<160xi32, #tpu.memory_space<hbm>>
      %dma_start3A_101 = tpu.memref_slice %arg5[%add3A_94] : memref<320000xi32, #tpu.memory_space<hbm>> -> memref<160xi32, #tpu.memory_space<hbm>>
      tpu.enqueue_dma source(%dma_start3A_101 : memref<160xi32, #tpu.memory_space<hbm>>) target(%arg13 : memref<160xi32, #tpu.memory_space<vmem>>) target_semaphore(%arg15 : memref<!tpu.dma_semaphore, #tpu.memory_space<semaphore_mem>>)
      %mul3A_102 = arith.constant 320000 : i32
      %mul3A_103 = arith.muli %arg0, %mul3A_102 : i32
      %add3A_104 = arith.addi %mul3A_103, %add3A_94 : i32
      %dma_start3A_105 = arith.constant 0 : i32
      %dma_start3A_106 = tpu.memref_slice %arg3[%add3A_104, %dma_start3A_105] : memref<640000x128xf32, #tpu.memory_space<hbm>> -> memref<160x128xf32, #tpu.memory_space<hbm>>
      %dma_start3A_107 = arith.constant 0 : i32
      %dma_start3A_108 = tpu.memref_slice %arg3[%add3A_104, %dma_start3A_107] : memref<640000x128xf32, #tpu.memory_space<hbm>> -> memref<160x128xf32, #tpu.memory_space<hbm>>
      tpu.enqueue_dma source(%dma_start3A_108 : memref<160x128xf32, #tpu.memory_space<hbm>>) target(%arg9 : memref<160x128xf32, #tpu.memory_space<vmem>>) target_semaphore(%arg17 : memref<!tpu.dma_semaphore, #tpu.memory_space<semaphore_mem>>)
      %dma_wait3A_109 = arith.constant 0 : i32
      %dma_wait3A_110 = arith.constant 0 : i32
      %dma_wait3A_111 = tpu.memref_slice %arg2[%dma_wait3A_109, %dma_wait3A_110] : memref<20000x128xf32, #tpu.memory_space<hbm>> -> memref<20000x128xf32, #tpu.memory_space<hbm>>
      tpu.wait_indirect_dma semaphore(%arg18 : memref<!tpu.dma_semaphore, #tpu.memory_space<semaphore_mem>>) src(%dma_wait3A_111 : memref<20000x128xf32, #tpu.memory_space<hbm>>) dst(%arg8 : memref<160x128xf32, #tpu.memory_space<vmem>>)
      %scan3A_112 = arith.constant 0 : i32
      %scan3A_113 = arith.constant 160 : i32
      %scan3A_114 = arith.addi %scan3A_112, %scan3A_113 : i32
      %scan3A_115 = arith.constant 1 : i32
      scf.for %scan3A_187 = %scan3A_112 to %scan3A_114 step %scan3A_115  : i32 {
        %mul3A_188 = arith.constant 1 : i32
        %mul3A_189 = arith.muli %scan3A_187, %mul3A_188 : i32
        %add3A_190 = arith.constant 0 : i32
        %add3A_191 = arith.addi %add3A_190, %mul3A_189 : i32
        %get3A = arith.index_cast %add3A_191 : i32 to index
        %get3A_192 = arith.constant 0 : index
        %get3A_193 = tpu.vector_load %arg8[%get3A, %get3A_192] {strides = array<i32>} : memref<160x128xf32, #tpu.memory_space<vmem>>, vector<1x16xf32>,
        %get3A_194 = vector.shape_cast %get3A_193 : vector<1x16xf32> to vector<16xf32>
        %max3A = arith.constant 0.000000e+00 : f32
        %max3A_195 = vector.broadcast %max3A : f32 to vector<16xf32>
        %max3A_196 = arith.maximumf %get3A_194, %max3A_195 : vector<16xf32>
        %swap3A = arith.index_cast %add3A_191 : i32 to index
        %swap3A_197 = arith.constant 0 : index
        %swap3A_198 = tpu.vector_load %arg8[%swap3A, %swap3A_197] {strides = array<i32>} : memref<160x128xf32, #tpu.memory_space<vmem>>, vector<1x16xf32>,
        %swap3A_199 = vector.shape_cast %swap3A_198 : vector<1x16xf32> to vector<16xf32>
        %swap3A_200 = vector.shape_cast %max3A_196 : vector<16xf32> to vector<1x16xf32>
        tpu.vector_store %arg8[%swap3A, %swap3A_197], %swap3A_200 {strides = array<i32>} : memref<160x128xf32, #tpu.memory_space<vmem>>, vector<1x16xf32>,
        %get3A_201 = arith.index_cast %add3A_191 : i32 to index
        %get3A_202 = arith.constant 16 : index
        %get3A_203 = tpu.vector_load %arg8[%get3A_201, %get3A_202] {strides = array<i32>} : memref<160x128xf32, #tpu.memory_space<vmem>>, vector<1x16xf32>,
        %get3A_204 = vector.shape_cast %get3A_203 : vector<1x16xf32> to vector<16xf32>
        %max3A_205 = arith.constant 0.000000e+00 : f32
        %max3A_206 = vector.broadcast %max3A_205 : f32 to vector<16xf32>
        %max3A_207 = arith.maximumf %get3A_204, %max3A_206 : vector<16xf32>
        %swap3A_208 = arith.index_cast %add3A_191 : i32 to index
        %swap3A_209 = arith.constant 16 : index
        %swap3A_210 = tpu.vector_load %arg8[%swap3A_208, %swap3A_209] {strides = array<i32>} : memref<160x128xf32, #tpu.memory_space<vmem>>, vector<1x16xf32>,
        %swap3A_211 = vector.shape_cast %swap3A_210 : vector<1x16xf32> to vector<16xf32>
        %swap3A_212 = vector.shape_cast %max3A_207 : vector<16xf32> to vector<1x16xf32>
        tpu.vector_store %arg8[%swap3A_208, %swap3A_209], %swap3A_212 {strides = array<i32>} : memref<160x128xf32, #tpu.memory_space<vmem>>, vector<1x16xf32>,
        %get3A_213 = arith.index_cast %add3A_191 : i32 to index
        %get3A_214 = arith.constant 32 : index
        %get3A_215 = tpu.vector_load %arg8[%get3A_213, %get3A_214] {strides = array<i32>} : memref<160x128xf32, #tpu.memory_space<vmem>>, vector<1x16xf32>,
        %get3A_216 = vector.shape_cast %get3A_215 : vector<1x16xf32> to vector<16xf32>
        %max3A_217 = arith.constant 0.000000e+00 : f32
        %max3A_218 = vector.broadcast %max3A_217 : f32 to vector<16xf32>
        %max3A_219 = arith.maximumf %get3A_216, %max3A_218 : vector<16xf32>
        %swap3A_220 = arith.index_cast %add3A_191 : i32 to index
        %swap3A_221 = arith.constant 32 : index
        %swap3A_222 = tpu.vector_load %arg8[%swap3A_220, %swap3A_221] {strides = array<i32>} : memref<160x128xf32, #tpu.memory_space<vmem>>, vector<1x16xf32>,
        %swap3A_223 = vector.shape_cast %swap3A_222 : vector<1x16xf32> to vector<16xf32>
        %swap3A_224 = vector.shape_cast %max3A_219 : vector<16xf32> to vector<1x16xf32>
        tpu.vector_store %arg8[%swap3A_220, %swap3A_221], %swap3A_224 {strides = array<i32>} : memref<160x128xf32, #tpu.memory_space<vmem>>, vector<1x16xf32>,
        %get3A_225 = arith.index_cast %add3A_191 : i32 to index
        %get3A_226 = arith.constant 48 : index
        %get3A_227 = tpu.vector_load %arg8[%get3A_225, %get3A_226] {strides = array<i32>} : memref<160x128xf32, #tpu.memory_space<vmem>>, vector<1x16xf32>,
        %get3A_228 = vector.shape_cast %get3A_227 : vector<1x16xf32> to vector<16xf32>
        %max3A_229 = arith.constant 0.000000e+00 : f32
        %max3A_230 = vector.broadcast %max3A_229 : f32 to vector<16xf32>
        %max3A_231 = arith.maximumf %get3A_228, %max3A_230 : vector<16xf32>
        %swap3A_232 = arith.index_cast %add3A_191 : i32 to index
        %swap3A_233 = arith.constant 48 : index
        %swap3A_234 = tpu.vector_load %arg8[%swap3A_232, %swap3A_233] {strides = array<i32>} : memref<160x128xf32, #tpu.memory_space<vmem>>, vector<1x16xf32>,
        %swap3A_235 = vector.shape_cast %swap3A_234 : vector<1x16xf32> to vector<16xf32>
        %swap3A_236 = vector.shape_cast %max3A_231 : vector<16xf32> to vector<1x16xf32>
        tpu.vector_store %arg8[%swap3A_232, %swap3A_233], %swap3A_236 {strides = array<i32>} : memref<160x128xf32, #tpu.memory_space<vmem>>, vector<1x16xf32>,
        %get3A_237 = arith.index_cast %add3A_191 : i32 to index
        %get3A_238 = arith.constant 64 : index
        %get3A_239 = tpu.vector_load %arg8[%get3A_237, %get3A_238] {strides = array<i32>} : memref<160x128xf32, #tpu.memory_space<vmem>>, vector<1x16xf32>,
        %get3A_240 = vector.shape_cast %get3A_239 : vector<1x16xf32> to vector<16xf32>
        %max3A_241 = arith.constant 0.000000e+00 : f32
        %max3A_242 = vector.broadcast %max3A_241 : f32 to vector<16xf32>
        %max3A_243 = arith.maximumf %get3A_240, %max3A_242 : vector<16xf32>
        %swap3A_244 = arith.index_cast %add3A_191 : i32 to index
        %swap3A_245 = arith.constant 64 : index
        %swap3A_246 = tpu.vector_load %arg8[%swap3A_244, %swap3A_245] {strides = array<i32>} : memref<160x128xf32, #tpu.memory_space<vmem>>, vector<1x16xf32>,
        %swap3A_247 = vector.shape_cast %swap3A_246 : vector<1x16xf32> to vector<16xf32>
        %swap3A_248 = vector.shape_cast %max3A_243 : vector<16xf32> to vector<1x16xf32>
        tpu.vector_store %arg8[%swap3A_244, %swap3A_245], %swap3A_248 {strides = array<i32>} : memref<160x128xf32, #tpu.memory_space<vmem>>, vector<1x16xf32>,
        %get3A_249 = arith.index_cast %add3A_191 : i32 to index
        %get3A_250 = arith.constant 80 : index
        %get3A_251 = tpu.vector_load %arg8[%get3A_249, %get3A_250] {strides = array<i32>} : memref<160x128xf32, #tpu.memory_space<vmem>>, vector<1x16xf32>,
        %get3A_252 = vector.shape_cast %get3A_251 : vector<1x16xf32> to vector<16xf32>
        %max3A_253 = arith.constant 0.000000e+00 : f32
        %max3A_254 = vector.broadcast %max3A_253 : f32 to vector<16xf32>
        %max3A_255 = arith.maximumf %get3A_252, %max3A_254 : vector<16xf32>
        %swap3A_256 = arith.index_cast %add3A_191 : i32 to index
        %swap3A_257 = arith.constant 80 : index
        %swap3A_258 = tpu.vector_load %arg8[%swap3A_256, %swap3A_257] {strides = array<i32>} : memref<160x128xf32, #tpu.memory_space<vmem>>, vector<1x16xf32>,
        %swap3A_259 = vector.shape_cast %swap3A_258 : vector<1x16xf32> to vector<16xf32>
        %swap3A_260 = vector.shape_cast %max3A_255 : vector<16xf32> to vector<1x16xf32>
        tpu.vector_store %arg8[%swap3A_256, %swap3A_257], %swap3A_260 {strides = array<i32>} : memref<160x128xf32, #tpu.memory_space<vmem>>, vector<1x16xf32>,
        %get3A_261 = arith.index_cast %add3A_191 : i32 to index
        %get3A_262 = arith.constant 96 : index
        %get3A_263 = tpu.vector_load %arg8[%get3A_261, %get3A_262] {strides = array<i32>} : memref<160x128xf32, #tpu.memory_space<vmem>>, vector<1x16xf32>,
        %get3A_264 = vector.shape_cast %get3A_263 : vector<1x16xf32> to vector<16xf32>
        %max3A_265 = arith.constant 0.000000e+00 : f32
        %max3A_266 = vector.broadcast %max3A_265 : f32 to vector<16xf32>
        %max3A_267 = arith.maximumf %get3A_264, %max3A_266 : vector<16xf32>
        %swap3A_268 = arith.index_cast %add3A_191 : i32 to index
        %swap3A_269 = arith.constant 96 : index
        %swap3A_270 = tpu.vector_load %arg8[%swap3A_268, %swap3A_269] {strides = array<i32>} : memref<160x128xf32, #tpu.memory_space<vmem>>, vector<1x16xf32>,
        %swap3A_271 = vector.shape_cast %swap3A_270 : vector<1x16xf32> to vector<16xf32>
        %swap3A_272 = vector.shape_cast %max3A_267 : vector<16xf32> to vector<1x16xf32>
        tpu.vector_store %arg8[%swap3A_268, %swap3A_269], %swap3A_272 {strides = array<i32>} : memref<160x128xf32, #tpu.memory_space<vmem>>, vector<1x16xf32>,
        %get3A_273 = arith.index_cast %add3A_191 : i32 to index
        %get3A_274 = arith.constant 112 : index
        %get3A_275 = tpu.vector_load %arg8[%get3A_273, %get3A_274] {strides = array<i32>} : memref<160x128xf32, #tpu.memory_space<vmem>>, vector<1x16xf32>,
        %get3A_276 = vector.shape_cast %get3A_275 : vector<1x16xf32> to vector<16xf32>
        %max3A_277 = arith.constant 0.000000e+00 : f32
        %max3A_278 = vector.broadcast %max3A_277 : f32 to vector<16xf32>
        %max3A_279 = arith.maximumf %get3A_276, %max3A_278 : vector<16xf32>
        %swap3A_280 = arith.index_cast %add3A_191 : i32 to index
        %swap3A_281 = arith.constant 112 : index
        %swap3A_282 = tpu.vector_load %arg8[%swap3A_280, %swap3A_281] {strides = array<i32>} : memref<160x128xf32, #tpu.memory_space<vmem>>, vector<1x16xf32>,
        %swap3A_283 = vector.shape_cast %swap3A_282 : vector<1x16xf32> to vector<16xf32>
        %swap3A_284 = vector.shape_cast %max3A_279 : vector<16xf32> to vector<1x16xf32>
        tpu.vector_store %arg8[%swap3A_280, %swap3A_281], %swap3A_284 {strides = array<i32>} : memref<160x128xf32, #tpu.memory_space<vmem>>, vector<1x16xf32>,
      }
      %scan3A_116 = arith.constant 160 : i32
      %dma_start3A_117 = arith.constant 0 : i32
      %dma_start3A_118 = arith.constant 0 : i32
      %dma_start3A_119 = tpu.memref_slice %arg7[%dma_start3A_117, %dma_start3A_118] : memref<10240x128xf32, #tpu.memory_space<vmem_shared>> -> memref<10240x128xf32, #tpu.memory_space<vmem_shared>>
      tpu.enqueue_indirect_dma source(%arg8 : memref<160x128xf32, #tpu.memory_space<vmem>>) target(%dma_start3A_119 : memref<10240x128xf32, #tpu.memory_space<vmem_shared>>) offsets(%arg12 : memref<160xi32, #tpu.memory_space<vmem>>) semaphore(%arg20 : memref<!tpu.dma_semaphore, #tpu.memory_space<semaphore_mem>>) {add = true}
      %dma_wait3A_120 = arith.constant 0 : i32
      %dma_wait3A_121 = tpu.memref_slice %arg4[%dma_wait3A_120] : memref<640000xi32, #tpu.memory_space<hbm>> -> memref<160xi32, #tpu.memory_space<hbm>>
      %dma_wait3A_122 = arith.constant 0 : i32
      %dma_wait3A_123 = tpu.memref_slice %arg4[%dma_wait3A_122] : memref<640000xi32, #tpu.memory_space<hbm>> -> memref<160xi32, #tpu.memory_space<hbm>>
      tpu.wait_dma2 semaphore(%arg15 : memref<!tpu.dma_semaphore, #tpu.memory_space<semaphore_mem>>) src(%dma_wait3A_123 : memref<160xi32, #tpu.memory_space<hbm>>) dst(%arg11 : memref<160xi32, #tpu.memory_space<vmem>>)
      %dma_wait3A_124 = arith.constant 0 : i32
      %dma_wait3A_125 = tpu.memref_slice %arg5[%dma_wait3A_124] : memref<320000xi32, #tpu.memory_space<hbm>> -> memref<160xi32, #tpu.memory_space<hbm>>
      %dma_wait3A_126 = arith.constant 0 : i32
      %dma_wait3A_127 = tpu.memref_slice %arg5[%dma_wait3A_126] : memref<320000xi32, #tpu.memory_space<hbm>> -> memref<160xi32, #tpu.memory_space<hbm>>
      tpu.wait_dma2 semaphore(%arg15 : memref<!tpu.dma_semaphore, #tpu.memory_space<semaphore_mem>>) src(%dma_wait3A_127 : memref<160xi32, #tpu.memory_space<hbm>>) dst(%arg13 : memref<160xi32, #tpu.memory_space<vmem>>)
      %dma_wait3A_128 = arith.constant 0 : i32
      %dma_wait3A_129 = arith.constant 0 : i32
      %dma_wait3A_130 = tpu.memref_slice %arg3[%dma_wait3A_128, %dma_wait3A_129] : memref<640000x128xf32, #tpu.memory_space<hbm>> -> memref<160x128xf32, #tpu.memory_space<hbm>>
      %dma_wait3A_131 = arith.constant 0 : i32
      %dma_wait3A_132 = arith.constant 0 : i32
      %dma_wait3A_133 = tpu.memref_slice %arg3[%dma_wait3A_131, %dma_wait3A_132] : memref<640000x128xf32, #tpu.memory_space<hbm>> -> memref<160x128xf32, #tpu.memory_space<hbm>>
      tpu.wait_dma2 semaphore(%arg17 : memref<!tpu.dma_semaphore, #tpu.memory_space<semaphore_mem>>) src(%dma_wait3A_133 : memref<160x128xf32, #tpu.memory_space<hbm>>) dst(%arg9 : memref<160x128xf32, #tpu.memory_space<vmem>>)
      %dma_start3A_134 = arith.constant 0 : i32
      %dma_start3A_135 = arith.constant 0 : i32
      %dma_start3A_136 = tpu.memref_slice %arg2[%dma_start3A_134, %dma_start3A_135] : memref<20000x128xf32, #tpu.memory_space<hbm>> -> memref<20000x128xf32, #tpu.memory_space<hbm>>
      tpu.enqueue_indirect_dma source(%dma_start3A_136 : memref<20000x128xf32, #tpu.memory_space<hbm>>) target(%arg9 : memref<160x128xf32, #tpu.memory_space<vmem>>) offsets(%arg11 : memref<160xi32, #tpu.memory_space<vmem>>) semaphore(%arg19 : memref<!tpu.dma_semaphore, #tpu.memory_space<semaphore_mem>>) {add = true}
      %dma_wait3A_137 = arith.constant 0 : i32
      %dma_wait3A_138 = arith.constant 0 : i32
      %dma_wait3A_139 = tpu.memref_slice %arg7[%dma_wait3A_137, %dma_wait3A_138] : memref<10240x128xf32, #tpu.memory_space<vmem_shared>> -> memref<10240x128xf32, #tpu.memory_space<vmem_shared>>
      tpu.wait_indirect_dma semaphore(%arg20 : memref<!tpu.dma_semaphore, #tpu.memory_space<semaphore_mem>>) src(%arg8 : memref<160x128xf32, #tpu.memory_space<vmem>>) dst(%dma_wait3A_139 : memref<10240x128xf32, #tpu.memory_space<vmem_shared>>)
      %add3A_140 = arith.constant 1 : i32
      %add3A_141 = arith.addi %add3A_89, %add3A_140 : i32
      %mul3A_142 = arith.constant 160 : i32
      %mul3A_143 = arith.muli %add3A_141, %mul3A_142 : i32
      %add3A_144 = arith.addi %mul3A_0, %mul3A_143 : i32
      %mul3A_145 = arith.constant 320000 : i32
      %mul3A_146 = arith.muli %arg0, %mul3A_145 : i32
      %add3A_147 = arith.addi %mul3A_146, %add3A_144 : i32
      %dma_start3A_148 = tpu.memref_slice %arg4[%add3A_147] : memref<640000xi32, #tpu.memory_space<hbm>> -> memref<160xi32, #tpu.memory_space<hbm>>
      %dma_start3A_149 = tpu.memref_slice %arg4[%add3A_147] : memref<640000xi32, #tpu.memory_space<hbm>> -> memref<160xi32, #tpu.memory_space<hbm>>
      tpu.enqueue_dma source(%dma_start3A_149 : memref<160xi32, #tpu.memory_space<hbm>>) target(%arg10 : memref<160xi32, #tpu.memory_space<vmem>>) target_semaphore(%arg14 : memref<!tpu.dma_semaphore, #tpu.memory_space<semaphore_mem>>)
      %dma_start3A_150 = tpu.memref_slice %arg5[%add3A_144] : memref<320000xi32, #tpu.memory_space<hbm>> -> memref<160xi32, #tpu.memory_space<hbm>>
      %dma_start3A_151 = tpu.memref_slice %arg5[%add3A_144] : memref<320000xi32, #tpu.memory_space<hbm>> -> memref<160xi32, #tpu.memory_space<hbm>>
      tpu.enqueue_dma source(%dma_start3A_151 : memref<160xi32, #tpu.memory_space<hbm>>) target(%arg12 : memref<160xi32, #tpu.memory_space<vmem>>) target_semaphore(%arg14 : memref<!tpu.dma_semaphore, #tpu.memory_space<semaphore_mem>>)
      %mul3A_152 = arith.constant 320000 : i32
      %mul3A_153 = arith.muli %arg0, %mul3A_152 : i32
      %add3A_154 = arith.addi %mul3A_153, %add3A_144 : i32
      %dma_start3A_155 = arith.constant 0 : i32
      %dma_start3A_156 = tpu.memref_slice %arg3[%add3A_154, %dma_start3A_155] : memref<640000x128xf32, #tpu.memory_space<hbm>> -> memref<160x128xf32, #tpu.memory_space<hbm>>
      %dma_start3A_157 = arith.constant 0 : i32
      %dma_start3A_158 = tpu.memref_slice %arg3[%add3A_154, %dma_start3A_157] : memref<640000x128xf32, #tpu.memory_space<hbm>> -> memref<160x128xf32, #tpu.memory_space<hbm>>
      tpu.enqueue_dma source(%dma_start3A_158 : memref<160x128xf32, #tpu.memory_space<hbm>>) target(%arg8 : memref<160x128xf32, #tpu.memory_space<vmem>>) target_semaphore(%arg16 : memref<!tpu.dma_semaphore, #tpu.memory_space<semaphore_mem>>)
      %dma_wait3A_159 = arith.constant 0 : i32
      %dma_wait3A_160 = arith.constant 0 : i32
      %dma_wait3A_161 = tpu.memref_slice %arg2[%dma_wait3A_159, %dma_wait3A_160] : memref<20000x128xf32, #tpu.memory_space<hbm>> -> memref<20000x128xf32, #tpu.memory_space<hbm>>
      tpu.wait_indirect_dma semaphore(%arg19 : memref<!tpu.dma_semaphore, #tpu.memory_space<semaphore_mem>>) src(%dma_wait3A_161 : memref<20000x128xf32, #tpu.memory_space<hbm>>) dst(%arg9 : memref<160x128xf32, #tpu.memory_space<vmem>>)
      %scan3A_162 = arith.constant 0 : i32
      %scan3A_163 = arith.constant 160 : i32
      %scan3A_164 = arith.addi %scan3A_162, %scan3A_163 : i32
      %scan3A_165 = arith.constant 1 : i32
      scf.for %scan3A_187 = %scan3A_162 to %scan3A_164 step %scan3A_165  : i32 {
        %mul3A_188 = arith.constant 1 : i32
        %mul3A_189 = arith.muli %scan3A_187, %mul3A_188 : i32
        %add3A_190 = arith.constant 0 : i32
        %add3A_191 = arith.addi %add3A_190, %mul3A_189 : i32
        %get3A = arith.index_cast %add3A_191 : i32 to index
        %get3A_192 = arith.constant 0 : index
        %get3A_193 = tpu.vector_load %arg9[%get3A, %get3A_192] {strides = array<i32>} : memref<160x128xf32, #tpu.memory_space<vmem>>, vector<1x16xf32>,
        %get3A_194 = vector.shape_cast %get3A_193 : vector<1x16xf32> to vector<16xf32>
        %max3A = arith.constant 0.000000e+00 : f32
        %max3A_195 = vector.broadcast %max3A : f32 to vector<16xf32>
        %max3A_196 = arith.maximumf %get3A_194, %max3A_195 : vector<16xf32>
        %swap3A = arith.index_cast %add3A_191 : i32 to index
        %swap3A_197 = arith.constant 0 : index
        %swap3A_198 = tpu.vector_load %arg9[%swap3A, %swap3A_197] {strides = array<i32>} : memref<160x128xf32, #tpu.memory_space<vmem>>, vector<1x16xf32>,
        %swap3A_199 = vector.shape_cast %swap3A_198 : vector<1x16xf32> to vector<16xf32>
        %swap3A_200 = vector.shape_cast %max3A_196 : vector<16xf32> to vector<1x16xf32>
        tpu.vector_store %arg9[%swap3A, %swap3A_197], %swap3A_200 {strides = array<i32>} : memref<160x128xf32, #tpu.memory_space<vmem>>, vector<1x16xf32>,
        %get3A_201 = arith.index_cast %add3A_191 : i32 to index
        %get3A_202 = arith.constant 16 : index
        %get3A_203 = tpu.vector_load %arg9[%get3A_201, %get3A_202] {strides = array<i32>} : memref<160x128xf32, #tpu.memory_space<vmem>>, vector<1x16xf32>,
        %get3A_204 = vector.shape_cast %get3A_203 : vector<1x16xf32> to vector<16xf32>
        %max3A_205 = arith.constant 0.000000e+00 : f32
        %max3A_206 = vector.broadcast %max3A_205 : f32 to vector<16xf32>
        %max3A_207 = arith.maximumf %get3A_204, %max3A_206 : vector<16xf32>
        %swap3A_208 = arith.index_cast %add3A_191 : i32 to index
        %swap3A_209 = arith.constant 16 : index
        %swap3A_210 = tpu.vector_load %arg9[%swap3A_208, %swap3A_209] {strides = array<i32>} : memref<160x128xf32, #tpu.memory_space<vmem>>, vector<1x16xf32>,
        %swap3A_211 = vector.shape_cast %swap3A_210 : vector<1x16xf32> to vector<16xf32>
        %swap3A_212 = vector.shape_cast %max3A_207 : vector<16xf32> to vector<1x16xf32>
        tpu.vector_store %arg9[%swap3A_208, %swap3A_209], %swap3A_212 {strides = array<i32>} : memref<160x128xf32, #tpu.memory_space<vmem>>, vector<1x16xf32>,
        %get3A_213 = arith.index_cast %add3A_191 : i32 to index
        %get3A_214 = arith.constant 32 : index
        %get3A_215 = tpu.vector_load %arg9[%get3A_213, %get3A_214] {strides = array<i32>} : memref<160x128xf32, #tpu.memory_space<vmem>>, vector<1x16xf32>,
        %get3A_216 = vector.shape_cast %get3A_215 : vector<1x16xf32> to vector<16xf32>
        %max3A_217 = arith.constant 0.000000e+00 : f32
        %max3A_218 = vector.broadcast %max3A_217 : f32 to vector<16xf32>
        %max3A_219 = arith.maximumf %get3A_216, %max3A_218 : vector<16xf32>
        %swap3A_220 = arith.index_cast %add3A_191 : i32 to index
        %swap3A_221 = arith.constant 32 : index
        %swap3A_222 = tpu.vector_load %arg9[%swap3A_220, %swap3A_221] {strides = array<i32>} : memref<160x128xf32, #tpu.memory_space<vmem>>, vector<1x16xf32>,
        %swap3A_223 = vector.shape_cast %swap3A_222 : vector<1x16xf32> to vector<16xf32>
        %swap3A_224 = vector.shape_cast %max3A_219 : vector<16xf32> to vector<1x16xf32>
        tpu.vector_store %arg9[%swap3A_220, %swap3A_221], %swap3A_224 {strides = array<i32>} : memref<160x128xf32, #tpu.memory_space<vmem>>, vector<1x16xf32>,
        %get3A_225 = arith.index_cast %add3A_191 : i32 to index
        %get3A_226 = arith.constant 48 : index
        %get3A_227 = tpu.vector_load %arg9[%get3A_225, %get3A_226] {strides = array<i32>} : memref<160x128xf32, #tpu.memory_space<vmem>>, vector<1x16xf32>,
        %get3A_228 = vector.shape_cast %get3A_227 : vector<1x16xf32> to vector<16xf32>
        %max3A_229 = arith.constant 0.000000e+00 : f32
        %max3A_230 = vector.broadcast %max3A_229 : f32 to vector<16xf32>
        %max3A_231 = arith.maximumf %get3A_228, %max3A_230 : vector<16xf32>
        %swap3A_232 = arith.index_cast %add3A_191 : i32 to index
        %swap3A_233 = arith.constant 48 : index
        %swap3A_234 = tpu.vector_load %arg9[%swap3A_232, %swap3A_233] {strides = array<i32>} : memref<160x128xf32, #tpu.memory_space<vmem>>, vector<1x16xf32>,
        %swap3A_235 = vector.shape_cast %swap3A_234 : vector<1x16xf32> to vector<16xf32>
        %swap3A_236 = vector.shape_cast %max3A_231 : vector<16xf32> to vector<1x16xf32>
        tpu.vector_store %arg9[%swap3A_232, %swap3A_233], %swap3A_236 {strides = array<i32>} : memref<160x128xf32, #tpu.memory_space<vmem>>, vector<1x16xf32>,
        %get3A_237 = arith.index_cast %add3A_191 : i32 to index
        %get3A_238 = arith.constant 64 : index
        %get3A_239 = tpu.vector_load %arg9[%get3A_237, %get3A_238] {strides = array<i32>} : memref<160x128xf32, #tpu.memory_space<vmem>>, vector<1x16xf32>,
        %get3A_240 = vector.shape_cast %get3A_239 : vector<1x16xf32> to vector<16xf32>
        %max3A_241 = arith.constant 0.000000e+00 : f32
        %max3A_242 = vector.broadcast %max3A_241 : f32 to vector<16xf32>
        %max3A_243 = arith.maximumf %get3A_240, %max3A_242 : vector<16xf32>
        %swap3A_244 = arith.index_cast %add3A_191 : i32 to index
        %swap3A_245 = arith.constant 64 : index
        %swap3A_246 = tpu.vector_load %arg9[%swap3A_244, %swap3A_245] {strides = array<i32>} : memref<160x128xf32, #tpu.memory_space<vmem>>, vector<1x16xf32>,
        %swap3A_247 = vector.shape_cast %swap3A_246 : vector<1x16xf32> to vector<16xf32>
        %swap3A_248 = vector.shape_cast %max3A_243 : vector<16xf32> to vector<1x16xf32>
        tpu.vector_store %arg9[%swap3A_244, %swap3A_245], %swap3A_248 {strides = array<i32>} : memref<160x128xf32, #tpu.memory_space<vmem>>, vector<1x16xf32>,
        %get3A_249 = arith.index_cast %add3A_191 : i32 to index
        %get3A_250 = arith.constant 80 : index
        %get3A_251 = tpu.vector_load %arg9[%get3A_249, %get3A_250] {strides = array<i32>} : memref<160x128xf32, #tpu.memory_space<vmem>>, vector<1x16xf32>,
        %get3A_252 = vector.shape_cast %get3A_251 : vector<1x16xf32> to vector<16xf32>
        %max3A_253 = arith.constant 0.000000e+00 : f32
        %max3A_254 = vector.broadcast %max3A_253 : f32 to vector<16xf32>
        %max3A_255 = arith.maximumf %get3A_252, %max3A_254 : vector<16xf32>
        %swap3A_256 = arith.index_cast %add3A_191 : i32 to index
        %swap3A_257 = arith.constant 80 : index
        %swap3A_258 = tpu.vector_load %arg9[%swap3A_256, %swap3A_257] {strides = array<i32>} : memref<160x128xf32, #tpu.memory_space<vmem>>, vector<1x16xf32>,
        %swap3A_259 = vector.shape_cast %swap3A_258 : vector<1x16xf32> to vector<16xf32>
        %swap3A_260 = vector.shape_cast %max3A_255 : vector<16xf32> to vector<1x16xf32>
        tpu.vector_store %arg9[%swap3A_256, %swap3A_257], %swap3A_260 {strides = array<i32>} : memref<160x128xf32, #tpu.memory_space<vmem>>, vector<1x16xf32>,
        %get3A_261 = arith.index_cast %add3A_191 : i32 to index
        %get3A_262 = arith.constant 96 : index
        %get3A_263 = tpu.vector_load %arg9[%get3A_261, %get3A_262] {strides = array<i32>} : memref<160x128xf32, #tpu.memory_space<vmem>>, vector<1x16xf32>,
        %get3A_264 = vector.shape_cast %get3A_263 : vector<1x16xf32> to vector<16xf32>
        %max3A_265 = arith.constant 0.000000e+00 : f32
        %max3A_266 = vector.broadcast %max3A_265 : f32 to vector<16xf32>
        %max3A_267 = arith.maximumf %get3A_264, %max3A_266 : vector<16xf32>
        %swap3A_268 = arith.index_cast %add3A_191 : i32 to index
        %swap3A_269 = arith.constant 96 : index
        %swap3A_270 = tpu.vector_load %arg9[%swap3A_268, %swap3A_269] {strides = array<i32>} : memref<160x128xf32, #tpu.memory_space<vmem>>, vector<1x16xf32>,
        %swap3A_271 = vector.shape_cast %swap3A_270 : vector<1x16xf32> to vector<16xf32>
        %swap3A_272 = vector.shape_cast %max3A_267 : vector<16xf32> to vector<1x16xf32>
        tpu.vector_store %arg9[%swap3A_268, %swap3A_269], %swap3A_272 {strides = array<i32>} : memref<160x128xf32, #tpu.memory_space<vmem>>, vector<1x16xf32>,
        %get3A_273 = arith.index_cast %add3A_191 : i32 to index
        %get3A_274 = arith.constant 112 : index
        %get3A_275 = tpu.vector_load %arg9[%get3A_273, %get3A_274] {strides = array<i32>} : memref<160x128xf32, #tpu.memory_space<vmem>>, vector<1x16xf32>,
        %get3A_276 = vector.shape_cast %get3A_275 : vector<1x16xf32> to vector<16xf32>
        %max3A_277 = arith.constant 0.000000e+00 : f32
        %max3A_278 = vector.broadcast %max3A_277 : f32 to vector<16xf32>
        %max3A_279 = arith.maximumf %get3A_276, %max3A_278 : vector<16xf32>
        %swap3A_280 = arith.index_cast %add3A_191 : i32 to index
        %swap3A_281 = arith.constant 112 : index
        %swap3A_282 = tpu.vector_load %arg9[%swap3A_280, %swap3A_281] {strides = array<i32>} : memref<160x128xf32, #tpu.memory_space<vmem>>, vector<1x16xf32>,
        %swap3A_283 = vector.shape_cast %swap3A_282 : vector<1x16xf32> to vector<16xf32>
        %swap3A_284 = vector.shape_cast %max3A_279 : vector<16xf32> to vector<1x16xf32>
        tpu.vector_store %arg9[%swap3A_280, %swap3A_281], %swap3A_284 {strides = array<i32>} : memref<160x128xf32, #tpu.memory_space<vmem>>, vector<1x16xf32>,
      }
      %scan3A_166 = arith.constant 160 : i32
      %dma_start3A_167 = arith.constant 0 : i32
      %dma_start3A_168 = arith.constant 0 : i32
      %dma_start3A_169 = tpu.memref_slice %arg7[%dma_start3A_167, %dma_start3A_168] : memref<10240x128xf32, #tpu.memory_space<vmem_shared>> -> memref<10240x128xf32, #tpu.memory_space<vmem_shared>>
      tpu.enqueue_indirect_dma source(%arg9 : memref<160x128xf32, #tpu.memory_space<vmem>>) target(%dma_start3A_169 : memref<10240x128xf32, #tpu.memory_space<vmem_shared>>) offsets(%arg13 : memref<160xi32, #tpu.memory_space<vmem>>) semaphore(%arg21 : memref<!tpu.dma_semaphore, #tpu.memory_space<semaphore_mem>>) {add = true}
      %dma_wait3A_170 = arith.constant 0 : i32
      %dma_wait3A_171 = tpu.memref_slice %arg4[%dma_wait3A_170] : memref<640000xi32, #tpu.memory_space<hbm>> -> memref<160xi32, #tpu.memory_space<hbm>>
      %dma_wait3A_172 = arith.constant 0 : i32
      %dma_wait3A_173 = tpu.memref_slice %arg4[%dma_wait3A_172] : memref<640000xi32, #tpu.memory_space<hbm>> -> memref<160xi32, #tpu.memory_space<hbm>>
      tpu.wait_dma2 semaphore(%arg14 : memref<!tpu.dma_semaphore, #tpu.memory_space<semaphore_mem>>) src(%dma_wait3A_173 : memref<160xi32, #tpu.memory_space<hbm>>) dst(%arg10 : memref<160xi32, #tpu.memory_space<vmem>>)
      %dma_wait3A_174 = arith.constant 0 : i32
      %dma_wait3A_175 = tpu.memref_slice %arg5[%dma_wait3A_174] : memref<320000xi32, #tpu.memory_space<hbm>> -> memref<160xi32, #tpu.memory_space<hbm>>
      %dma_wait3A_176 = arith.constant 0 : i32
      %dma_wait3A_177 = tpu.memref_slice %arg5[%dma_wait3A_176] : memref<320000xi32, #tpu.memory_space<hbm>> -> memref<160xi32, #tpu.memory_space<hbm>>
      tpu.wait_dma2 semaphore(%arg14 : memref<!tpu.dma_semaphore, #tpu.memory_space<semaphore_mem>>) src(%dma_wait3A_177 : memref<160xi32, #tpu.memory_space<hbm>>) dst(%arg12 : memref<160xi32, #tpu.memory_space<vmem>>)
      %dma_wait3A_178 = arith.constant 0 : i32
      %dma_wait3A_179 = arith.constant 0 : i32
      %dma_wait3A_180 = tpu.memref_slice %arg3[%dma_wait3A_178, %dma_wait3A_179] : memref<640000x128xf32, #tpu.memory_space<hbm>> -> memref<160x128xf32, #tpu.memory_space<hbm>>
      %dma_wait3A_181 = arith.constant 0 : i32
      %dma_wait3A_182 = arith.constant 0 : i32
      %dma_wait3A_183 = tpu.memref_slice %arg3[%dma_wait3A_181, %dma_wait3A_182] : memref<640000x128xf32, #tpu.memory_space<hbm>> -> memref<160x128xf32, #tpu.memory_space<hbm>>
      tpu.wait_dma2 semaphore(%arg16 : memref<!tpu.dma_semaphore, #tpu.memory_space<semaphore_mem>>) src(%dma_wait3A_183 : memref<160x128xf32, #tpu.memory_space<hbm>>) dst(%arg8 : memref<160x128xf32, #tpu.memory_space<vmem>>)
      %dma_start3A_184 = arith.constant 0 : i32
      %dma_start3A_185 = arith.constant 0 : i32
      %dma_start3A_186 = tpu.memref_slice %arg2[%dma_start3A_184, %dma_start3A_185] : memref<20000x128xf32, #tpu.memory_space<hbm>> -> memref<20000x128xf32, #tpu.memory_space<hbm>>
      tpu.enqueue_indirect_dma source(%dma_start3A_186 : memref<20000x128xf32, #tpu.memory_space<hbm>>) target(%arg8 : memref<160x128xf32, #tpu.memory_space<vmem>>) offsets(%arg10 : memref<160xi32, #tpu.memory_space<vmem>>) semaphore(%arg18 : memref<!tpu.dma_semaphore, #tpu.memory_space<semaphore_mem>>) {add = true}
    }
    %scan3A_55 = arith.constant 62 : i32
    %dma_wait3A_56 = arith.constant 0 : i32
    %dma_wait3A_57 = arith.constant 0 : i32
    %dma_wait3A_58 = tpu.memref_slice %arg2[%dma_wait3A_56, %dma_wait3A_57] : memref<20000x128xf32, #tpu.memory_space<hbm>> -> memref<20000x128xf32, #tpu.memory_space<hbm>>
    tpu.wait_indirect_dma semaphore(%arg18 : memref<!tpu.dma_semaphore, #tpu.memory_space<semaphore_mem>>) src(%dma_wait3A_58 : memref<20000x128xf32, #tpu.memory_space<hbm>>) dst(%arg8 : memref<160x128xf32, #tpu.memory_space<vmem>>)
    %scan3A_59 = arith.constant 0 : i32
    %scan3A_60 = arith.constant 160 : i32
    %scan3A_61 = arith.addi %scan3A_59, %scan3A_60 : i32
    %scan3A_62 = arith.constant 1 : i32
    scf.for %scan3A_81 = %scan3A_59 to %scan3A_61 step %scan3A_62  : i32 {
      %mul3A_82 = arith.constant 1 : i32
      %mul3A_83 = arith.muli %scan3A_81, %mul3A_82 : i32
      %add3A_84 = arith.constant 0 : i32
      %add3A_85 = arith.addi %add3A_84, %mul3A_83 : i32
      %get3A = arith.index_cast %add3A_85 : i32 to index
      %get3A_86 = arith.constant 0 : index
      %get3A_87 = tpu.vector_load %arg8[%get3A, %get3A_86] {strides = array<i32>} : memref<160x128xf32, #tpu.memory_space<vmem>>, vector<1x16xf32>,
      %get3A_88 = vector.shape_cast %get3A_87 : vector<1x16xf32> to vector<16xf32>
      %max3A = arith.constant 0.000000e+00 : f32
      %max3A_89 = vector.broadcast %max3A : f32 to vector<16xf32>
      %max3A_90 = arith.maximumf %get3A_88, %max3A_89 : vector<16xf32>
      %swap3A = arith.index_cast %add3A_85 : i32 to index
      %swap3A_91 = arith.constant 0 : index
      %swap3A_92 = tpu.vector_load %arg8[%swap3A, %swap3A_91] {strides = array<i32>} : memref<160x128xf32, #tpu.memory_space<vmem>>, vector<1x16xf32>,
      %swap3A_93 = vector.shape_cast %swap3A_92 : vector<1x16xf32> to vector<16xf32>
      %swap3A_94 = vector.shape_cast %max3A_90 : vector<16xf32> to vector<1x16xf32>
      tpu.vector_store %arg8[%swap3A, %swap3A_91], %swap3A_94 {strides = array<i32>} : memref<160x128xf32, #tpu.memory_space<vmem>>, vector<1x16xf32>,
      %get3A_95 = arith.index_cast %add3A_85 : i32 to index
      %get3A_96 = arith.constant 16 : index
      %get3A_97 = tpu.vector_load %arg8[%get3A_95, %get3A_96] {strides = array<i32>} : memref<160x128xf32, #tpu.memory_space<vmem>>, vector<1x16xf32>,
      %get3A_98 = vector.shape_cast %get3A_97 : vector<1x16xf32> to vector<16xf32>
      %max3A_99 = arith.constant 0.000000e+00 : f32
      %max3A_100 = vector.broadcast %max3A_99 : f32 to vector<16xf32>
      %max3A_101 = arith.maximumf %get3A_98, %max3A_100 : vector<16xf32>
      %swap3A_102 = arith.index_cast %add3A_85 : i32 to index
      %swap3A_103 = arith.constant 16 : index
      %swap3A_104 = tpu.vector_load %arg8[%swap3A_102, %swap3A_103] {strides = array<i32>} : memref<160x128xf32, #tpu.memory_space<vmem>>, vector<1x16xf32>,
      %swap3A_105 = vector.shape_cast %swap3A_104 : vector<1x16xf32> to vector<16xf32>
      %swap3A_106 = vector.shape_cast %max3A_101 : vector<16xf32> to vector<1x16xf32>
      tpu.vector_store %arg8[%swap3A_102, %swap3A_103], %swap3A_106 {strides = array<i32>} : memref<160x128xf32, #tpu.memory_space<vmem>>, vector<1x16xf32>,
      %get3A_107 = arith.index_cast %add3A_85 : i32 to index
      %get3A_108 = arith.constant 32 : index
      %get3A_109 = tpu.vector_load %arg8[%get3A_107, %get3A_108] {strides = array<i32>} : memref<160x128xf32, #tpu.memory_space<vmem>>, vector<1x16xf32>,
      %get3A_110 = vector.shape_cast %get3A_109 : vector<1x16xf32> to vector<16xf32>
      %max3A_111 = arith.constant 0.000000e+00 : f32
      %max3A_112 = vector.broadcast %max3A_111 : f32 to vector<16xf32>
      %max3A_113 = arith.maximumf %get3A_110, %max3A_112 : vector<16xf32>
      %swap3A_114 = arith.index_cast %add3A_85 : i32 to index
      %swap3A_115 = arith.constant 32 : index
      %swap3A_116 = tpu.vector_load %arg8[%swap3A_114, %swap3A_115] {strides = array<i32>} : memref<160x128xf32, #tpu.memory_space<vmem>>, vector<1x16xf32>,
      %swap3A_117 = vector.shape_cast %swap3A_116 : vector<1x16xf32> to vector<16xf32>
      %swap3A_118 = vector.shape_cast %max3A_113 : vector<16xf32> to vector<1x16xf32>
      tpu.vector_store %arg8[%swap3A_114, %swap3A_115], %swap3A_118 {strides = array<i32>} : memref<160x128xf32, #tpu.memory_space<vmem>>, vector<1x16xf32>,
      %get3A_119 = arith.index_cast %add3A_85 : i32 to index
      %get3A_120 = arith.constant 48 : index
      %get3A_121 = tpu.vector_load %arg8[%get3A_119, %get3A_120] {strides = array<i32>} : memref<160x128xf32, #tpu.memory_space<vmem>>, vector<1x16xf32>,
      %get3A_122 = vector.shape_cast %get3A_121 : vector<1x16xf32> to vector<16xf32>
      %max3A_123 = arith.constant 0.000000e+00 : f32
      %max3A_124 = vector.broadcast %max3A_123 : f32 to vector<16xf32>
      %max3A_125 = arith.maximumf %get3A_122, %max3A_124 : vector<16xf32>
      %swap3A_126 = arith.index_cast %add3A_85 : i32 to index
      %swap3A_127 = arith.constant 48 : index
      %swap3A_128 = tpu.vector_load %arg8[%swap3A_126, %swap3A_127] {strides = array<i32>} : memref<160x128xf32, #tpu.memory_space<vmem>>, vector<1x16xf32>,
      %swap3A_129 = vector.shape_cast %swap3A_128 : vector<1x16xf32> to vector<16xf32>
      %swap3A_130 = vector.shape_cast %max3A_125 : vector<16xf32> to vector<1x16xf32>
      tpu.vector_store %arg8[%swap3A_126, %swap3A_127], %swap3A_130 {strides = array<i32>} : memref<160x128xf32, #tpu.memory_space<vmem>>, vector<1x16xf32>,
      %get3A_131 = arith.index_cast %add3A_85 : i32 to index
      %get3A_132 = arith.constant 64 : index
      %get3A_133 = tpu.vector_load %arg8[%get3A_131, %get3A_132] {strides = array<i32>} : memref<160x128xf32, #tpu.memory_space<vmem>>, vector<1x16xf32>,
      %get3A_134 = vector.shape_cast %get3A_133 : vector<1x16xf32> to vector<16xf32>
      %max3A_135 = arith.constant 0.000000e+00 : f32
      %max3A_136 = vector.broadcast %max3A_135 : f32 to vector<16xf32>
      %max3A_137 = arith.maximumf %get3A_134, %max3A_136 : vector<16xf32>
      %swap3A_138 = arith.index_cast %add3A_85 : i32 to index
      %swap3A_139 = arith.constant 64 : index
      %swap3A_140 = tpu.vector_load %arg8[%swap3A_138, %swap3A_139] {strides = array<i32>} : memref<160x128xf32, #tpu.memory_space<vmem>>, vector<1x16xf32>,
      %swap3A_141 = vector.shape_cast %swap3A_140 : vector<1x16xf32> to vector<16xf32>
      %swap3A_142 = vector.shape_cast %max3A_137 : vector<16xf32> to vector<1x16xf32>
      tpu.vector_store %arg8[%swap3A_138, %swap3A_139], %swap3A_142 {strides = array<i32>} : memref<160x128xf32, #tpu.memory_space<vmem>>, vector<1x16xf32>,
      %get3A_143 = arith.index_cast %add3A_85 : i32 to index
      %get3A_144 = arith.constant 80 : index
      %get3A_145 = tpu.vector_load %arg8[%get3A_143, %get3A_144] {strides = array<i32>} : memref<160x128xf32, #tpu.memory_space<vmem>>, vector<1x16xf32>,
      %get3A_146 = vector.shape_cast %get3A_145 : vector<1x16xf32> to vector<16xf32>
      %max3A_147 = arith.constant 0.000000e+00 : f32
      %max3A_148 = vector.broadcast %max3A_147 : f32 to vector<16xf32>
      %max3A_149 = arith.maximumf %get3A_146, %max3A_148 : vector<16xf32>
      %swap3A_150 = arith.index_cast %add3A_85 : i32 to index
      %swap3A_151 = arith.constant 80 : index
      %swap3A_152 = tpu.vector_load %arg8[%swap3A_150, %swap3A_151] {strides = array<i32>} : memref<160x128xf32, #tpu.memory_space<vmem>>, vector<1x16xf32>,
      %swap3A_153 = vector.shape_cast %swap3A_152 : vector<1x16xf32> to vector<16xf32>
      %swap3A_154 = vector.shape_cast %max3A_149 : vector<16xf32> to vector<1x16xf32>
      tpu.vector_store %arg8[%swap3A_150, %swap3A_151], %swap3A_154 {strides = array<i32>} : memref<160x128xf32, #tpu.memory_space<vmem>>, vector<1x16xf32>,
      %get3A_155 = arith.index_cast %add3A_85 : i32 to index
      %get3A_156 = arith.constant 96 : index
      %get3A_157 = tpu.vector_load %arg8[%get3A_155, %get3A_156] {strides = array<i32>} : memref<160x128xf32, #tpu.memory_space<vmem>>, vector<1x16xf32>,
      %get3A_158 = vector.shape_cast %get3A_157 : vector<1x16xf32> to vector<16xf32>
      %max3A_159 = arith.constant 0.000000e+00 : f32
      %max3A_160 = vector.broadcast %max3A_159 : f32 to vector<16xf32>
      %max3A_161 = arith.maximumf %get3A_158, %max3A_160 : vector<16xf32>
      %swap3A_162 = arith.index_cast %add3A_85 : i32 to index
      %swap3A_163 = arith.constant 96 : index
      %swap3A_164 = tpu.vector_load %arg8[%swap3A_162, %swap3A_163] {strides = array<i32>} : memref<160x128xf32, #tpu.memory_space<vmem>>, vector<1x16xf32>,
      %swap3A_165 = vector.shape_cast %swap3A_164 : vector<1x16xf32> to vector<16xf32>
      %swap3A_166 = vector.shape_cast %max3A_161 : vector<16xf32> to vector<1x16xf32>
      tpu.vector_store %arg8[%swap3A_162, %swap3A_163], %swap3A_166 {strides = array<i32>} : memref<160x128xf32, #tpu.memory_space<vmem>>, vector<1x16xf32>,
      %get3A_167 = arith.index_cast %add3A_85 : i32 to index
      %get3A_168 = arith.constant 112 : index
      %get3A_169 = tpu.vector_load %arg8[%get3A_167, %get3A_168] {strides = array<i32>} : memref<160x128xf32, #tpu.memory_space<vmem>>, vector<1x16xf32>,
      %get3A_170 = vector.shape_cast %get3A_169 : vector<1x16xf32> to vector<16xf32>
      %max3A_171 = arith.constant 0.000000e+00 : f32
      %max3A_172 = vector.broadcast %max3A_171 : f32 to vector<16xf32>
      %max3A_173 = arith.maximumf %get3A_170, %max3A_172 : vector<16xf32>
      %swap3A_174 = arith.index_cast %add3A_85 : i32 to index
      %swap3A_175 = arith.constant 112 : index
      %swap3A_176 = tpu.vector_load %arg8[%swap3A_174, %swap3A_175] {strides = array<i32>} : memref<160x128xf32, #tpu.memory_space<vmem>>, vector<1x16xf32>,
      %swap3A_177 = vector.shape_cast %swap3A_176 : vector<1x16xf32> to vector<16xf32>
      %swap3A_178 = vector.shape_cast %max3A_173 : vector<16xf32> to vector<1x16xf32>
      tpu.vector_store %arg8[%swap3A_174, %swap3A_175], %swap3A_178 {strides = array<i32>} : memref<160x128xf32, #tpu.memory_space<vmem>>, vector<1x16xf32>,
    }
    %scan3A_63 = arith.constant 160 : i32
    %dma_start3A_64 = arith.constant 0 : i32
    %dma_start3A_65 = arith.constant 0 : i32
    %dma_start3A_66 = tpu.memref_slice %arg7[%dma_start3A_64, %dma_start3A_65] : memref<10240x128xf32, #tpu.memory_space<vmem_shared>> -> memref<10240x128xf32, #tpu.memory_space<vmem_shared>>
    tpu.enqueue_indirect_dma source(%arg8 : memref<160x128xf32, #tpu.memory_space<vmem>>) target(%dma_start3A_66 : memref<10240x128xf32, #tpu.memory_space<vmem_shared>>) offsets(%arg12 : memref<160xi32, #tpu.memory_space<vmem>>) semaphore(%arg20 : memref<!tpu.dma_semaphore, #tpu.memory_space<semaphore_mem>>) {add = true}
    %dma_wait3A_67 = arith.constant 0 : i32
    %dma_wait3A_68 = arith.constant 0 : i32
    %dma_wait3A_69 = tpu.memref_slice %arg7[%dma_wait3A_67, %dma_wait3A_68] : memref<10240x128xf32, #tpu.memory_space<vmem_shared>> -> memref<10240x128xf32, #tpu.memory_space<vmem_shared>>
    tpu.wait_indirect_dma semaphore(%arg20 : memref<!tpu.dma_semaphore, #tpu.memory_space<semaphore_mem>>) src(%arg8 : memref<160x128xf32, #tpu.memory_space<vmem>>) dst(%dma_wait3A_69 : memref<10240x128xf32, #tpu.memory_space<vmem_shared>>)
    %dma_wait3A_70 = arith.constant 0 : i32
    %dma_wait3A_71 = arith.constant 0 : i32
    %dma_wait3A_72 = tpu.memref_slice %arg7[%dma_wait3A_70, %dma_wait3A_71] : memref<10240x128xf32, #tpu.memory_space<vmem_shared>> -> memref<10240x128xf32, #tpu.memory_space<vmem_shared>>
    tpu.wait_indirect_dma semaphore(%arg21 : memref<!tpu.dma_semaphore, #tpu.memory_space<semaphore_mem>>) src(%arg9 : memref<160x128xf32, #tpu.memory_space<vmem>>) dst(%dma_wait3A_72 : memref<10240x128xf32, #tpu.memory_space<vmem_shared>>)
    %barrier3A_73 = arith.constant 0 : index
    tpu.barrier barrier_id(%barrier3A_73)
    %mul3A_74 = arith.constant 640 : i32
    %mul3A_75 = arith.muli %arg1, %mul3A_74 : i32
    %mul3A_76 = arith.constant 10240 : i32
    %mul3A_77 = arith.muli %arg0, %mul3A_76 : i32
    %mul3A_78 = arith.constant 640 : i32
    %mul3A_79 = arith.muli %arg1, %mul3A_78 : i32
    %add3A_80 = arith.addi %mul3A_77, %mul3A_79 : i32
    "tpu.region"() ({
      %run_scoped3A = tpu.sem_alloc : memref<!tpu.dma_semaphore, #tpu.memory_space<semaphore_mem>>
      %dma_start3A_81 = arith.constant 0 : i32
      %dma_start3A_82 = tpu.memref_slice %arg6[%add3A_80, %dma_start3A_81] : memref<20480x128xf32, #tpu.memory_space<hbm>> -> memref<640x128xf32, #tpu.memory_space<hbm>>
      %dma_start3A_83 = arith.constant 0 : i32
      %dma_start3A_84 = tpu.memref_slice %arg7[%mul3A_75, %dma_start3A_83] : memref<10240x128xf32, #tpu.memory_space<vmem_shared>> -> memref<640x128xf32, #tpu.memory_space<vmem_shared>>
      tpu.enqueue_dma source(%dma_start3A_84 : memref<640x128xf32, #tpu.memory_space<vmem_shared>>) target(%dma_start3A_82 : memref<640x128xf32, #tpu.memory_space<hbm>>) target_semaphore(%run_scoped3A : memref<!tpu.dma_semaphore, #tpu.memory_space<semaphore_mem>>)
      %dma_wait3A_85 = arith.constant 0 : i32
      %dma_wait3A_86 = tpu.memref_slice %arg6[%add3A_80, %dma_wait3A_85] : memref<20480x128xf32, #tpu.memory_space<hbm>> -> memref<640x128xf32, #tpu.memory_space<hbm>>
      %dma_wait3A_87 = arith.constant 0 : i32
      %dma_wait3A_88 = tpu.memref_slice %arg7[%mul3A_75, %dma_wait3A_87] : memref<10240x128xf32, #tpu.memory_space<vmem_shared>> -> memref<640x128xf32, #tpu.memory_space<vmem_shared>>
      tpu.wait_dma2 semaphore(%run_scoped3A : memref<!tpu.dma_semaphore, #tpu.memory_space<semaphore_mem>>) src(%dma_wait3A_88 : memref<640x128xf32, #tpu.memory_space<vmem_shared>>) dst(%dma_wait3A_86 : memref<640x128xf32, #tpu.memory_space<hbm>>)
      tpu.yield
    }) : () -> ()
    return
  }
}

#map = affine_map<(d0, d1) -> (0, 0)>
#map1 = affine_map<(d0, d1) -> (0)>
module attributes {stable_mosaic.version = 14 : i64} {
  func.func @_sc_body(%arg0: i32, %arg1: i32, %arg2: memref<20000x128xf32, #tpu.memory_space<hbm>>, %arg3: memref<640000x128xf32, #tpu.memory_space<hbm>>, %arg4: memref<640000xi32, #tpu.memory_space<hbm>>, %arg5: memref<320000xi32, #tpu.memory_space<hbm>>, %arg6: memref<20480x128xf32, #tpu.memory_space<hbm>>, %arg7: memref<10240x128xf32, #tpu.memory_space<vmem_shared>>, %arg8: memref<160x128xf32, #tpu.memory_space<vmem>>, %arg9: memref<160x128xf32, #tpu.memory_space<vmem>>, %arg10: memref<160xi32, #tpu.memory_space<vmem>>, %arg11: memref<160xi32, #tpu.memory_space<vmem>>, %arg12: memref<160xi32, #tpu.memory_space<vmem>>, %arg13: memref<160xi32, #tpu.memory_space<vmem>>, %arg14: memref<!tpu.dma_semaphore, #tpu.memory_space<semaphore_mem>>, %arg15: memref<!tpu.dma_semaphore, #tpu.memory_space<semaphore_mem>>, %arg16: memref<!tpu.dma_semaphore, #tpu.memory_space<semaphore_mem>>, %arg17: memref<!tpu.dma_semaphore, #tpu.memory_space<semaphore_mem>>, %arg18: memref<!tpu.dma_semaphore, #tpu.memory_space<semaphore_mem>>, %arg19: memref<!tpu.dma_semaphore, #tpu.memory_space<semaphore_mem>>, %arg20: memref<!tpu.dma_semaphore, #tpu.memory_space<semaphore_mem>>, %arg21: memref<!tpu.dma_semaphore, #tpu.memory_space<semaphore_mem>>) attributes {dimension_semantics = [#tpu.dimension_semantics<core_parallel>, #tpu.dimension_semantics<subcore_parallel>], iteration_bounds = array<i64: 2, 16>, scalar_prefetch = 0 : i64, scratch_operands = 15 : i64, tpu.core_type = #tpu.core_type<sc_vector_subcore>, window_params = [{transform_indices = #map}, {transform_indices = #map}, {transform_indices = #map1}, {transform_indices = #map1}, {transform_indices = #map}]} {
    %mul3A = arith.constant 20000 : i32
    %mul3A_0 = arith.muli %arg1, %mul3A : i32
    %add3A = arith.constant 0 : i32
    %add3A_1 = arith.addi %mul3A_0, %add3A : i32
    %mul3A_2 = arith.constant 320000 : i32
    %mul3A_3 = arith.muli %arg0, %mul3A_2 : i32
    %add3A_4 = arith.addi %mul3A_3, %add3A_1 : i32
    %dma_start3A = tpu.memref_slice %arg4[%add3A_4] : memref<640000xi32, #tpu.memory_space<hbm>> -> memref<160xi32, #tpu.memory_space<hbm>>
    %dma_start3A_5 = tpu.memref_slice %arg4[%add3A_4] : memref<640000xi32, #tpu.memory_space<hbm>> -> memref<160xi32, #tpu.memory_space<hbm>>
    tpu.enqueue_dma source(%dma_start3A_5 : memref<160xi32, #tpu.memory_space<hbm>>) target(%arg10 : memref<160xi32, #tpu.memory_space<vmem>>) target_semaphore(%arg14 : memref<!tpu.dma_semaphore, #tpu.memory_space<semaphore_mem>>)
    %dma_start3A_6 = tpu.memref_slice %arg5[%add3A_1] : memref<320000xi32, #tpu.memory_space<hbm>> -> memref<160xi32, #tpu.memory_space<hbm>>
    %dma_start3A_7 = tpu.memref_slice %arg5[%add3A_1] : memref<320000xi32, #tpu.memory_space<hbm>> -> memref<160xi32, #tpu.memory_space<hbm>>
    tpu.enqueue_dma source(%dma_start3A_7 : memref<160xi32, #tpu.memory_space<hbm>>) target(%arg12 : memref<160xi32, #tpu.memory_space<vmem>>) target_semaphore(%arg14 : memref<!tpu.dma_semaphore, #tpu.memory_space<semaphore_mem>>)
    %mul3A_8 = arith.constant 320000 : i32
    %mul3A_9 = arith.muli %arg0, %mul3A_8 : i32
    %add3A_10 = arith.addi %mul3A_9, %add3A_1 : i32
    %dma_start3A_11 = arith.constant 0 : i32
    %dma_start3A_12 = tpu.memref_slice %arg3[%add3A_10, %dma_start3A_11] : memref<640000x128xf32, #tpu.memory_space<hbm>> -> memref<160x128xf32, #tpu.memory_space<hbm>>
    %dma_start3A_13 = arith.constant 0 : i32
    %dma_start3A_14 = tpu.memref_slice %arg3[%add3A_10, %dma_start3A_13] : memref<640000x128xf32, #tpu.memory_space<hbm>> -> memref<160x128xf32, #tpu.memory_space<hbm>>
    tpu.enqueue_dma source(%dma_start3A_14 : memref<160x128xf32, #tpu.memory_space<hbm>>) target(%arg8 : memref<160x128xf32, #tpu.memory_space<vmem>>) target_semaphore(%arg16 : memref<!tpu.dma_semaphore, #tpu.memory_space<semaphore_mem>>)
    %scan3A = arith.constant 0 : i32
    %scan3A_15 = arith.constant 160 : i32
    %scan3A_16 = arith.addi %scan3A, %scan3A_15 : i32
    %scan3A_17 = arith.constant 1 : i32
    scf.for %scan3A_81 = %scan3A to %scan3A_16 step %scan3A_17  : i32 {
      %mul3A_82 = arith.constant 1 : i32
      %mul3A_83 = arith.muli %scan3A_81, %mul3A_82 : i32
      %add3A_84 = arith.constant 0 : i32
      %add3A_85 = arith.addi %add3A_84, %mul3A_83 : i32
      %broadcast_in_dim3A = arith.constant 0.000000e+00 : f32
      %broadcast_in_dim3A_86 = vector.broadcast %broadcast_in_dim3A : f32 to vector<16xf32>
      %swap3A = arith.index_cast %add3A_85 : i32 to index
      %swap3A_87 = arith.constant 0 : index
      %swap3A_88 = tpu.vector_load %arg9[%swap3A, %swap3A_87] {strides = array<i32>} : memref<160x128xf32, #tpu.memory_space<vmem>>, vector<1x16xf32>,
      %swap3A_89 = vector.shape_cast %swap3A_88 : vector<1x16xf32> to vector<16xf32>
      %swap3A_90 = vector.shape_cast %broadcast_in_dim3A_86 : vector<16xf32> to vector<1x16xf32>
      tpu.vector_store %arg9[%swap3A, %swap3A_87], %swap3A_90 {strides = array<i32>} : memref<160x128xf32, #tpu.memory_space<vmem>>, vector<1x16xf32>,
      %broadcast_in_dim3A_91 = arith.constant 0.000000e+00 : f32
      %broadcast_in_dim3A_92 = vector.broadcast %broadcast_in_dim3A_91 : f32 to vector<16xf32>
      %swap3A_93 = arith.index_cast %add3A_85 : i32 to index
      %swap3A_94 = arith.constant 16 : index
      %swap3A_95 = tpu.vector_load %arg9[%swap3A_93, %swap3A_94] {strides = array<i32>} : memref<160x128xf32, #tpu.memory_space<vmem>>, vector<1x16xf32>,
      %swap3A_96 = vector.shape_cast %swap3A_95 : vector<1x16xf32> to vector<16xf32>
      %swap3A_97 = vector.shape_cast %broadcast_in_dim3A_92 : vector<16xf32> to vector<1x16xf32>
      tpu.vector_store %arg9[%swap3A_93, %swap3A_94], %swap3A_97 {strides = array<i32>} : memref<160x128xf32, #tpu.memory_space<vmem>>, vector<1x16xf32>,
      %broadcast_in_dim3A_98 = arith.constant 0.000000e+00 : f32
      %broadcast_in_dim3A_99 = vector.broadcast %broadcast_in_dim3A_98 : f32 to vector<16xf32>
      %swap3A_100 = arith.index_cast %add3A_85 : i32 to index
      %swap3A_101 = arith.constant 32 : index
      %swap3A_102 = tpu.vector_load %arg9[%swap3A_100, %swap3A_101] {strides = array<i32>} : memref<160x128xf32, #tpu.memory_space<vmem>>, vector<1x16xf32>,
      %swap3A_103 = vector.shape_cast %swap3A_102 : vector<1x16xf32> to vector<16xf32>
      %swap3A_104 = vector.shape_cast %broadcast_in_dim3A_99 : vector<16xf32> to vector<1x16xf32>
      tpu.vector_store %arg9[%swap3A_100, %swap3A_101], %swap3A_104 {strides = array<i32>} : memref<160x128xf32, #tpu.memory_space<vmem>>, vector<1x16xf32>,
      %broadcast_in_dim3A_105 = arith.constant 0.000000e+00 : f32
      %broadcast_in_dim3A_106 = vector.broadcast %broadcast_in_dim3A_105 : f32 to vector<16xf32>
      %swap3A_107 = arith.index_cast %add3A_85 : i32 to index
      %swap3A_108 = arith.constant 48 : index
      %swap3A_109 = tpu.vector_load %arg9[%swap3A_107, %swap3A_108] {strides = array<i32>} : memref<160x128xf32, #tpu.memory_space<vmem>>, vector<1x16xf32>,
      %swap3A_110 = vector.shape_cast %swap3A_109 : vector<1x16xf32> to vector<16xf32>
      %swap3A_111 = vector.shape_cast %broadcast_in_dim3A_106 : vector<16xf32> to vector<1x16xf32>
      tpu.vector_store %arg9[%swap3A_107, %swap3A_108], %swap3A_111 {strides = array<i32>} : memref<160x128xf32, #tpu.memory_space<vmem>>, vector<1x16xf32>,
      %broadcast_in_dim3A_112 = arith.constant 0.000000e+00 : f32
      %broadcast_in_dim3A_113 = vector.broadcast %broadcast_in_dim3A_112 : f32 to vector<16xf32>
      %swap3A_114 = arith.index_cast %add3A_85 : i32 to index
      %swap3A_115 = arith.constant 64 : index
      %swap3A_116 = tpu.vector_load %arg9[%swap3A_114, %swap3A_115] {strides = array<i32>} : memref<160x128xf32, #tpu.memory_space<vmem>>, vector<1x16xf32>,
      %swap3A_117 = vector.shape_cast %swap3A_116 : vector<1x16xf32> to vector<16xf32>
      %swap3A_118 = vector.shape_cast %broadcast_in_dim3A_113 : vector<16xf32> to vector<1x16xf32>
      tpu.vector_store %arg9[%swap3A_114, %swap3A_115], %swap3A_118 {strides = array<i32>} : memref<160x128xf32, #tpu.memory_space<vmem>>, vector<1x16xf32>,
      %broadcast_in_dim3A_119 = arith.constant 0.000000e+00 : f32
      %broadcast_in_dim3A_120 = vector.broadcast %broadcast_in_dim3A_119 : f32 to vector<16xf32>
      %swap3A_121 = arith.index_cast %add3A_85 : i32 to index
      %swap3A_122 = arith.constant 80 : index
      %swap3A_123 = tpu.vector_load %arg9[%swap3A_121, %swap3A_122] {strides = array<i32>} : memref<160x128xf32, #tpu.memory_space<vmem>>, vector<1x16xf32>,
      %swap3A_124 = vector.shape_cast %swap3A_123 : vector<1x16xf32> to vector<16xf32>
      %swap3A_125 = vector.shape_cast %broadcast_in_dim3A_120 : vector<16xf32> to vector<1x16xf32>
      tpu.vector_store %arg9[%swap3A_121, %swap3A_122], %swap3A_125 {strides = array<i32>} : memref<160x128xf32, #tpu.memory_space<vmem>>, vector<1x16xf32>,
      %broadcast_in_dim3A_126 = arith.constant 0.000000e+00 : f32
      %broadcast_in_dim3A_127 = vector.broadcast %broadcast_in_dim3A_126 : f32 to vector<16xf32>
      %swap3A_128 = arith.index_cast %add3A_85 : i32 to index
      %swap3A_129 = arith.constant 96 : index
      %swap3A_130 = tpu.vector_load %arg9[%swap3A_128, %swap3A_129] {strides = array<i32>} : memref<160x128xf32, #tpu.memory_space<vmem>>, vector<1x16xf32>,
      %swap3A_131 = vector.shape_cast %swap3A_130 : vector<1x16xf32> to vector<16xf32>
      %swap3A_132 = vector.shape_cast %broadcast_in_dim3A_127 : vector<16xf32> to vector<1x16xf32>
      tpu.vector_store %arg9[%swap3A_128, %swap3A_129], %swap3A_132 {strides = array<i32>} : memref<160x128xf32, #tpu.memory_space<vmem>>, vector<1x16xf32>,
      %broadcast_in_dim3A_133 = arith.constant 0.000000e+00 : f32
      %broadcast_in_dim3A_134 = vector.broadcast %broadcast_in_dim3A_133 : f32 to vector<16xf32>
      %swap3A_135 = arith.index_cast %add3A_85 : i32 to index
      %swap3A_136 = arith.constant 112 : index
      %swap3A_137 = tpu.vector_load %arg9[%swap3A_135, %swap3A_136] {strides = array<i32>} : memref<160x128xf32, #tpu.memory_space<vmem>>, vector<1x16xf32>,
      %swap3A_138 = vector.shape_cast %swap3A_137 : vector<1x16xf32> to vector<16xf32>
      %swap3A_139 = vector.shape_cast %broadcast_in_dim3A_134 : vector<16xf32> to vector<1x16xf32>
      tpu.vector_store %arg9[%swap3A_135, %swap3A_136], %swap3A_139 {strides = array<i32>} : memref<160x128xf32, #tpu.memory_space<vmem>>, vector<1x16xf32>,
    }
    %scan3A_18 = arith.constant 160 : i32
    %mul3A_19 = arith.constant 640 : i32
    %mul3A_20 = arith.muli %arg1, %mul3A_19 : i32
    %add3A_21 = arith.constant 0 : i32
    %add3A_22 = arith.addi %mul3A_20, %add3A_21 : i32
    "tpu.region"() ({
      %run_scoped3A = tpu.sem_alloc : memref<!tpu.dma_semaphore, #tpu.memory_space<semaphore_mem>>
      %dma_start3A_81 = arith.constant 0 : i32
      %dma_start3A_82 = arith.constant 0 : i32
      %dma_start3A_83 = tpu.memref_slice %arg9[%dma_start3A_81, %dma_start3A_82] : memref<160x128xf32, #tpu.memory_space<vmem>> -> memref<160x128xf32, #tpu.memory_space<vmem>>
      %dma_start3A_84 = arith.constant 0 : i32
      %dma_start3A_85 = tpu.memref_slice %arg7[%add3A_22, %dma_start3A_84] : memref<10240x128xf32, #tpu.memory_space<vmem_shared>> -> memref<160x128xf32, #tpu.memory_space<vmem_shared>>
      %dma_start3A_86 = arith.constant 0 : i32
      %dma_start3A_87 = tpu.memref_slice %arg7[%add3A_22, %dma_start3A_86] : memref<10240x128xf32, #tpu.memory_space<vmem_shared>> -> memref<160x128xf32, #tpu.memory_space<vmem_shared>>
      %dma_start3A_88 = arith.constant 0 : i32
      %dma_start3A_89 = arith.constant 0 : i32
      %dma_start3A_90 = tpu.memref_slice %arg9[%dma_start3A_88, %dma_start3A_89] : memref<160x128xf32, #tpu.memory_space<vmem>> -> memref<160x128xf32, #tpu.memory_space<vmem>>
      tpu.enqueue_dma source(%dma_start3A_90 : memref<160x128xf32, #tpu.memory_space<vmem>>) target(%dma_start3A_87 : memref<160x128xf32, #tpu.memory_space<vmem_shared>>) target_semaphore(%run_scoped3A : memref<!tpu.dma_semaphore, #tpu.memory_space<semaphore_mem>>)
      %dma_wait3A_91 = arith.constant 0 : i32
      %dma_wait3A_92 = arith.constant 0 : i32
      %dma_wait3A_93 = tpu.memref_slice %arg9[%dma_wait3A_91, %dma_wait3A_92] : memref<160x128xf32, #tpu.memory_space<vmem>> -> memref<160x128xf32, #tpu.memory_space<vmem>>
      %dma_wait3A_94 = arith.constant 0 : i32
      %dma_wait3A_95 = tpu.memref_slice %arg7[%add3A_22, %dma_wait3A_94] : memref<10240x128xf32, #tpu.memory_space<vmem_shared>> -> memref<160x128xf32, #tpu.memory_space<vmem_shared>>
      %dma_wait3A_96 = arith.constant 0 : i32
      %dma_wait3A_97 = tpu.memref_slice %arg7[%add3A_22, %dma_wait3A_96] : memref<10240x128xf32, #tpu.memory_space<vmem_shared>> -> memref<160x128xf32, #tpu.memory_space<vmem_shared>>
      %dma_wait3A_98 = arith.constant 0 : i32
      %dma_wait3A_99 = arith.constant 0 : i32
      %dma_wait3A_100 = tpu.memref_slice %arg9[%dma_wait3A_98, %dma_wait3A_99] : memref<160x128xf32, #tpu.memory_space<vmem>> -> memref<160x128xf32, #tpu.memory_space<vmem>>
      tpu.wait_dma2 semaphore(%run_scoped3A : memref<!tpu.dma_semaphore, #tpu.memory_space<semaphore_mem>>) src(%dma_wait3A_100 : memref<160x128xf32, #tpu.memory_space<vmem>>) dst(%dma_wait3A_97 : memref<160x128xf32, #tpu.memory_space<vmem_shared>>)
      tpu.yield
    }) : () -> ()
    %mul3A_23 = arith.constant 640 : i32
    %mul3A_24 = arith.muli %arg1, %mul3A_23 : i32
    %add3A_25 = arith.constant 160 : i32
    %add3A_26 = arith.addi %mul3A_24, %add3A_25 : i32
    "tpu.region"() ({
      %run_scoped3A = tpu.sem_alloc : memref<!tpu.dma_semaphore, #tpu.memory_space<semaphore_mem>>
      %dma_start3A_81 = arith.constant 0 : i32
      %dma_start3A_82 = arith.constant 0 : i32
      %dma_start3A_83 = tpu.memref_slice %arg9[%dma_start3A_81, %dma_start3A_82] : memref<160x128xf32, #tpu.memory_space<vmem>> -> memref<160x128xf32, #tpu.memory_space<vmem>>
      %dma_start3A_84 = arith.constant 0 : i32
      %dma_start3A_85 = tpu.memref_slice %arg7[%add3A_26, %dma_start3A_84] : memref<10240x128xf32, #tpu.memory_space<vmem_shared>> -> memref<160x128xf32, #tpu.memory_space<vmem_shared>>
      %dma_start3A_86 = arith.constant 0 : i32
      %dma_start3A_87 = tpu.memref_slice %arg7[%add3A_26, %dma_start3A_86] : memref<10240x128xf32, #tpu.memory_space<vmem_shared>> -> memref<160x128xf32, #tpu.memory_space<vmem_shared>>
      %dma_start3A_88 = arith.constant 0 : i32
      %dma_start3A_89 = arith.constant 0 : i32
      %dma_start3A_90 = tpu.memref_slice %arg9[%dma_start3A_88, %dma_start3A_89] : memref<160x128xf32, #tpu.memory_space<vmem>> -> memref<160x128xf32, #tpu.memory_space<vmem>>
      tpu.enqueue_dma source(%dma_start3A_90 : memref<160x128xf32, #tpu.memory_space<vmem>>) target(%dma_start3A_87 : memref<160x128xf32, #tpu.memory_space<vmem_shared>>) target_semaphore(%run_scoped3A : memref<!tpu.dma_semaphore, #tpu.memory_space<semaphore_mem>>)
      %dma_wait3A_91 = arith.constant 0 : i32
      %dma_wait3A_92 = arith.constant 0 : i32
      %dma_wait3A_93 = tpu.memref_slice %arg9[%dma_wait3A_91, %dma_wait3A_92] : memref<160x128xf32, #tpu.memory_space<vmem>> -> memref<160x128xf32, #tpu.memory_space<vmem>>
      %dma_wait3A_94 = arith.constant 0 : i32
      %dma_wait3A_95 = tpu.memref_slice %arg7[%add3A_26, %dma_wait3A_94] : memref<10240x128xf32, #tpu.memory_space<vmem_shared>> -> memref<160x128xf32, #tpu.memory_space<vmem_shared>>
      %dma_wait3A_96 = arith.constant 0 : i32
      %dma_wait3A_97 = tpu.memref_slice %arg7[%add3A_26, %dma_wait3A_96] : memref<10240x128xf32, #tpu.memory_space<vmem_shared>> -> memref<160x128xf32, #tpu.memory_space<vmem_shared>>
      %dma_wait3A_98 = arith.constant 0 : i32
      %dma_wait3A_99 = arith.constant 0 : i32
      %dma_wait3A_100 = tpu.memref_slice %arg9[%dma_wait3A_98, %dma_wait3A_99] : memref<160x128xf32, #tpu.memory_space<vmem>> -> memref<160x128xf32, #tpu.memory_space<vmem>>
      tpu.wait_dma2 semaphore(%run_scoped3A : memref<!tpu.dma_semaphore, #tpu.memory_space<semaphore_mem>>) src(%dma_wait3A_100 : memref<160x128xf32, #tpu.memory_space<vmem>>) dst(%dma_wait3A_97 : memref<160x128xf32, #tpu.memory_space<vmem_shared>>)
      tpu.yield
    }) : () -> ()
    %mul3A_27 = arith.constant 640 : i32
    %mul3A_28 = arith.muli %arg1, %mul3A_27 : i32
    %add3A_29 = arith.constant 320 : i32
    %add3A_30 = arith.addi %mul3A_28, %add3A_29 : i32
    "tpu.region"() ({
      %run_scoped3A = tpu.sem_alloc : memref<!tpu.dma_semaphore, #tpu.memory_space<semaphore_mem>>
      %dma_start3A_81 = arith.constant 0 : i32
      %dma_start3A_82 = arith.constant 0 : i32
      %dma_start3A_83 = tpu.memref_slice %arg9[%dma_start3A_81, %dma_start3A_82] : memref<160x128xf32, #tpu.memory_space<vmem>> -> memref<160x128xf32, #tpu.memory_space<vmem>>
      %dma_start3A_84 = arith.constant 0 : i32
      %dma_start3A_85 = tpu.memref_slice %arg7[%add3A_30, %dma_start3A_84] : memref<10240x128xf32, #tpu.memory_space<vmem_shared>> -> memref<160x128xf32, #tpu.memory_space<vmem_shared>>
      %dma_start3A_86 = arith.constant 0 : i32
      %dma_start3A_87 = tpu.memref_slice %arg7[%add3A_30, %dma_start3A_86] : memref<10240x128xf32, #tpu.memory_space<vmem_shared>> -> memref<160x128xf32, #tpu.memory_space<vmem_shared>>
      %dma_start3A_88 = arith.constant 0 : i32
      %dma_start3A_89 = arith.constant 0 : i32
      %dma_start3A_90 = tpu.memref_slice %arg9[%dma_start3A_88, %dma_start3A_89] : memref<160x128xf32, #tpu.memory_space<vmem>> -> memref<160x128xf32, #tpu.memory_space<vmem>>
      tpu.enqueue_dma source(%dma_start3A_90 : memref<160x128xf32, #tpu.memory_space<vmem>>) target(%dma_start3A_87 : memref<160x128xf32, #tpu.memory_space<vmem_shared>>) target_semaphore(%run_scoped3A : memref<!tpu.dma_semaphore, #tpu.memory_space<semaphore_mem>>)
      %dma_wait3A_91 = arith.constant 0 : i32
      %dma_wait3A_92 = arith.constant 0 : i32
      %dma_wait3A_93 = tpu.memref_slice %arg9[%dma_wait3A_91, %dma_wait3A_92] : memref<160x128xf32, #tpu.memory_space<vmem>> -> memref<160x128xf32, #tpu.memory_space<vmem>>
      %dma_wait3A_94 = arith.constant 0 : i32
      %dma_wait3A_95 = tpu.memref_slice %arg7[%add3A_30, %dma_wait3A_94] : memref<10240x128xf32, #tpu.memory_space<vmem_shared>> -> memref<160x128xf32, #tpu.memory_space<vmem_shared>>
      %dma_wait3A_96 = arith.constant 0 : i32
      %dma_wait3A_97 = tpu.memref_slice %arg7[%add3A_30, %dma_wait3A_96] : memref<10240x128xf32, #tpu.memory_space<vmem_shared>> -> memref<160x128xf32, #tpu.memory_space<vmem_shared>>
      %dma_wait3A_98 = arith.constant 0 : i32
      %dma_wait3A_99 = arith.constant 0 : i32
      %dma_wait3A_100 = tpu.memref_slice %arg9[%dma_wait3A_98, %dma_wait3A_99] : memref<160x128xf32, #tpu.memory_space<vmem>> -> memref<160x128xf32, #tpu.memory_space<vmem>>
      tpu.wait_dma2 semaphore(%run_scoped3A : memref<!tpu.dma_semaphore, #tpu.memory_space<semaphore_mem>>) src(%dma_wait3A_100 : memref<160x128xf32, #tpu.memory_space<vmem>>) dst(%dma_wait3A_97 : memref<160x128xf32, #tpu.memory_space<vmem_shared>>)
      tpu.yield
    }) : () -> ()
    %mul3A_31 = arith.constant 640 : i32
    %mul3A_32 = arith.muli %arg1, %mul3A_31 : i32
    %add3A_33 = arith.constant 480 : i32
    %add3A_34 = arith.addi %mul3A_32, %add3A_33 : i32
    "tpu.region"() ({
      %run_scoped3A = tpu.sem_alloc : memref<!tpu.dma_semaphore, #tpu.memory_space<semaphore_mem>>
      %dma_start3A_81 = arith.constant 0 : i32
      %dma_start3A_82 = arith.constant 0 : i32
      %dma_start3A_83 = tpu.memref_slice %arg9[%dma_start3A_81, %dma_start3A_82] : memref<160x128xf32, #tpu.memory_space<vmem>> -> memref<160x128xf32, #tpu.memory_space<vmem>>
      %dma_start3A_84 = arith.constant 0 : i32
      %dma_start3A_85 = tpu.memref_slice %arg7[%add3A_34, %dma_start3A_84] : memref<10240x128xf32, #tpu.memory_space<vmem_shared>> -> memref<160x128xf32, #tpu.memory_space<vmem_shared>>
      %dma_start3A_86 = arith.constant 0 : i32
      %dma_start3A_87 = tpu.memref_slice %arg7[%add3A_34, %dma_start3A_86] : memref<10240x128xf32, #tpu.memory_space<vmem_shared>> -> memref<160x128xf32, #tpu.memory_space<vmem_shared>>
      %dma_start3A_88 = arith.constant 0 : i32
      %dma_start3A_89 = arith.constant 0 : i32
      %dma_start3A_90 = tpu.memref_slice %arg9[%dma_start3A_88, %dma_start3A_89] : memref<160x128xf32, #tpu.memory_space<vmem>> -> memref<160x128xf32, #tpu.memory_space<vmem>>
      tpu.enqueue_dma source(%dma_start3A_90 : memref<160x128xf32, #tpu.memory_space<vmem>>) target(%dma_start3A_87 : memref<160x128xf32, #tpu.memory_space<vmem_shared>>) target_semaphore(%run_scoped3A : memref<!tpu.dma_semaphore, #tpu.memory_space<semaphore_mem>>)
      %dma_wait3A_91 = arith.constant 0 : i32
      %dma_wait3A_92 = arith.constant 0 : i32
      %dma_wait3A_93 = tpu.memref_slice %arg9[%dma_wait3A_91, %dma_wait3A_92] : memref<160x128xf32, #tpu.memory_space<vmem>> -> memref<160x128xf32, #tpu.memory_space<vmem>>
      %dma_wait3A_94 = arith.constant 0 : i32
      %dma_wait3A_95 = tpu.memref_slice %arg7[%add3A_34, %dma_wait3A_94] : memref<10240x128xf32, #tpu.memory_space<vmem_shared>> -> memref<160x128xf32, #tpu.memory_space<vmem_shared>>
      %dma_wait3A_96 = arith.constant 0 : i32
      %dma_wait3A_97 = tpu.memref_slice %arg7[%add3A_34, %dma_wait3A_96] : memref<10240x128xf32, #tpu.memory_space<vmem_shared>> -> memref<160x128xf32, #tpu.memory_space<vmem_shared>>
      %dma_wait3A_98 = arith.constant 0 : i32
      %dma_wait3A_99 = arith.constant 0 : i32
      %dma_wait3A_100 = tpu.memref_slice %arg9[%dma_wait3A_98, %dma_wait3A_99] : memref<160x128xf32, #tpu.memory_space<vmem>> -> memref<160x128xf32, #tpu.memory_space<vmem>>
      tpu.wait_dma2 semaphore(%run_scoped3A : memref<!tpu.dma_semaphore, #tpu.memory_space<semaphore_mem>>) src(%dma_wait3A_100 : memref<160x128xf32, #tpu.memory_space<vmem>>) dst(%dma_wait3A_97 : memref<160x128xf32, #tpu.memory_space<vmem_shared>>)
      tpu.yield
    }) : () -> ()
    %barrier3A = arith.constant 0 : index
    tpu.barrier barrier_id(%barrier3A)
    %dma_wait3A = arith.constant 0 : i32
    %dma_wait3A_35 = tpu.memref_slice %arg4[%dma_wait3A] : memref<640000xi32, #tpu.memory_space<hbm>> -> memref<160xi32, #tpu.memory_space<hbm>>
    %dma_wait3A_36 = arith.constant 0 : i32
    %dma_wait3A_37 = tpu.memref_slice %arg4[%dma_wait3A_36] : memref<640000xi32, #tpu.memory_space<hbm>> -> memref<160xi32, #tpu.memory_space<hbm>>
    tpu.wait_dma2 semaphore(%arg14 : memref<!tpu.dma_semaphore, #tpu.memory_space<semaphore_mem>>) src(%dma_wait3A_37 : memref<160xi32, #tpu.memory_space<hbm>>) dst(%arg10 : memref<160xi32, #tpu.memory_space<vmem>>)
    %dma_wait3A_38 = arith.constant 0 : i32
    %dma_wait3A_39 = tpu.memref_slice %arg5[%dma_wait3A_38] : memref<320000xi32, #tpu.memory_space<hbm>> -> memref<160xi32, #tpu.memory_space<hbm>>
    %dma_wait3A_40 = arith.constant 0 : i32
    %dma_wait3A_41 = tpu.memref_slice %arg5[%dma_wait3A_40] : memref<320000xi32, #tpu.memory_space<hbm>> -> memref<160xi32, #tpu.memory_space<hbm>>
    tpu.wait_dma2 semaphore(%arg14 : memref<!tpu.dma_semaphore, #tpu.memory_space<semaphore_mem>>) src(%dma_wait3A_41 : memref<160xi32, #tpu.memory_space<hbm>>) dst(%arg12 : memref<160xi32, #tpu.memory_space<vmem>>)
    %dma_wait3A_42 = arith.constant 0 : i32
    %dma_wait3A_43 = arith.constant 0 : i32
    %dma_wait3A_44 = tpu.memref_slice %arg3[%dma_wait3A_42, %dma_wait3A_43] : memref<640000x128xf32, #tpu.memory_space<hbm>> -> memref<160x128xf32, #tpu.memory_space<hbm>>
    %dma_wait3A_45 = arith.constant 0 : i32
    %dma_wait3A_46 = arith.constant 0 : i32
    %dma_wait3A_47 = tpu.memref_slice %arg3[%dma_wait3A_45, %dma_wait3A_46] : memref<640000x128xf32, #tpu.memory_space<hbm>> -> memref<160x128xf32, #tpu.memory_space<hbm>>
    tpu.wait_dma2 semaphore(%arg16 : memref<!tpu.dma_semaphore, #tpu.memory_space<semaphore_mem>>) src(%dma_wait3A_47 : memref<160x128xf32, #tpu.memory_space<hbm>>) dst(%arg8 : memref<160x128xf32, #tpu.memory_space<vmem>>)
    %dma_start3A_48 = arith.constant 0 : i32
    %dma_start3A_49 = arith.constant 0 : i32
    %dma_start3A_50 = tpu.memref_slice %arg2[%dma_start3A_48, %dma_start3A_49] : memref<20000x128xf32, #tpu.memory_space<hbm>> -> memref<20000x128xf32, #tpu.memory_space<hbm>>
    tpu.enqueue_indirect_dma source(%dma_start3A_50 : memref<20000x128xf32, #tpu.memory_space<hbm>>) target(%arg8 : memref<160x128xf32, #tpu.memory_space<vmem>>) offsets(%arg10 : memref<160xi32, #tpu.memory_space<vmem>>) semaphore(%arg18 : memref<!tpu.dma_semaphore, #tpu.memory_space<semaphore_mem>>) {add = true}
    %scan3A_51 = arith.constant 0 : i32
    %scan3A_52 = arith.constant 62 : i32
    %scan3A_53 = arith.addi %scan3A_51, %scan3A_52 : i32
    %scan3A_54 = arith.constant 1 : i32
    scf.for %scan3A_81 = %scan3A_51 to %scan3A_53 step %scan3A_54  : i32 {
      %mul3A_82 = arith.constant 1 : i32
      %mul3A_83 = arith.muli %scan3A_81, %mul3A_82 : i32
      %add3A_84 = arith.constant 0 : i32
      %add3A_85 = arith.addi %add3A_84, %mul3A_83 : i32
      %mul3A_86 = arith.constant 2 : i32
      %mul3A_87 = arith.muli %mul3A_86, %add3A_85 : i32
      %add3A_88 = arith.constant 1 : i32
      %add3A_89 = arith.addi %mul3A_87, %add3A_88 : i32
      %gt3A = arith.constant 0 : i32
      %gt3A_90 = arith.cmpi sgt, %add3A_85, %gt3A : i32
      %convert_element_type3A = arith.extui %gt3A_90 : i1 to i32
      %cond3A = arith.constant 0 : i32
      %cond3A_91 = arith.cmpi ne, %convert_element_type3A, %cond3A : i32
      scf.if %cond3A_91 {
        %dma_wait3A_187 = arith.constant 0 : i32
        %dma_wait3A_188 = arith.constant 0 : i32
        %dma_wait3A_189 = tpu.memref_slice %arg7[%dma_wait3A_187, %dma_wait3A_188] : memref<10240x128xf32, #tpu.memory_space<vmem_shared>> -> memref<10240x128xf32, #tpu.memory_space<vmem_shared>>
        tpu.wait_indirect_dma semaphore(%arg21 : memref<!tpu.dma_semaphore, #tpu.memory_space<semaphore_mem>>) src(%arg9 : memref<160x128xf32, #tpu.memory_space<vmem>>) dst(%dma_wait3A_189 : memref<10240x128xf32, #tpu.memory_space<vmem_shared>>)
      } else {
      }
      %mul3A_92 = arith.constant 160 : i32
      %mul3A_93 = arith.muli %add3A_89, %mul3A_92 : i32
      %add3A_94 = arith.addi %mul3A_0, %mul3A_93 : i32
      %mul3A_95 = arith.constant 320000 : i32
      %mul3A_96 = arith.muli %arg0, %mul3A_95 : i32
      %add3A_97 = arith.addi %mul3A_96, %add3A_94 : i32
      %dma_start3A_98 = tpu.memref_slice %arg4[%add3A_97] : memref<640000xi32, #tpu.memory_space<hbm>> -> memref<160xi32, #tpu.memory_space<hbm>>
      %dma_start3A_99 = tpu.memref_slice %arg4[%add3A_97] : memref<640000xi32, #tpu.memory_space<hbm>> -> memref<160xi32, #tpu.memory_space<hbm>>
      tpu.enqueue_dma source(%dma_start3A_99 : memref<160xi32, #tpu.memory_space<hbm>>) target(%arg11 : memref<160xi32, #tpu.memory_space<vmem>>) target_semaphore(%arg15 : memref<!tpu.dma_semaphore, #tpu.memory_space<semaphore_mem>>)
      %dma_start3A_100 = tpu.memref_slice %arg5[%add3A_94] : memref<320000xi32, #tpu.memory_space<hbm>> -> memref<160xi32, #tpu.memory_space<hbm>>
      %dma_start3A_101 = tpu.memref_slice %arg5[%add3A_94] : memref<320000xi32, #tpu.memory_space<hbm>> -> memref<160xi32, #tpu.memory_space<hbm>>
      tpu.enqueue_dma source(%dma_start3A_101 : memref<160xi32, #tpu.memory_space<hbm>>) target(%arg13 : memref<160xi32, #tpu.memory_space<vmem>>) target_semaphore(%arg15 : memref<!tpu.dma_semaphore, #tpu.memory_space<semaphore_mem>>)
      %mul3A_102 = arith.constant 320000 : i32
      %mul3A_103 = arith.muli %arg0, %mul3A_102 : i32
      %add3A_104 = arith.addi %mul3A_103, %add3A_94 : i32
      %dma_start3A_105 = arith.constant 0 : i32
      %dma_start3A_106 = tpu.memref_slice %arg3[%add3A_104, %dma_start3A_105] : memref<640000x128xf32, #tpu.memory_space<hbm>> -> memref<160x128xf32, #tpu.memory_space<hbm>>
      %dma_start3A_107 = arith.constant 0 : i32
      %dma_start3A_108 = tpu.memref_slice %arg3[%add3A_104, %dma_start3A_107] : memref<640000x128xf32, #tpu.memory_space<hbm>> -> memref<160x128xf32, #tpu.memory_space<hbm>>
      tpu.enqueue_dma source(%dma_start3A_108 : memref<160x128xf32, #tpu.memory_space<hbm>>) target(%arg9 : memref<160x128xf32, #tpu.memory_space<vmem>>) target_semaphore(%arg17 : memref<!tpu.dma_semaphore, #tpu.memory_space<semaphore_mem>>)
      %dma_wait3A_109 = arith.constant 0 : i32
      %dma_wait3A_110 = arith.constant 0 : i32
      %dma_wait3A_111 = tpu.memref_slice %arg2[%dma_wait3A_109, %dma_wait3A_110] : memref<20000x128xf32, #tpu.memory_space<hbm>> -> memref<20000x128xf32, #tpu.memory_space<hbm>>
      tpu.wait_indirect_dma semaphore(%arg18 : memref<!tpu.dma_semaphore, #tpu.memory_space<semaphore_mem>>) src(%dma_wait3A_111 : memref<20000x128xf32, #tpu.memory_space<hbm>>) dst(%arg8 : memref<160x128xf32, #tpu.memory_space<vmem>>)
      %scan3A_112 = arith.constant 0 : i32
      %scan3A_113 = arith.constant 160 : i32
      %scan3A_114 = arith.addi %scan3A_112, %scan3A_113 : i32
      %scan3A_115 = arith.constant 1 : i32
      scf.for %scan3A_187 = %scan3A_112 to %scan3A_114 step %scan3A_115  : i32 {
        %mul3A_188 = arith.constant 1 : i32
        %mul3A_189 = arith.muli %scan3A_187, %mul3A_188 : i32
        %add3A_190 = arith.constant 0 : i32
        %add3A_191 = arith.addi %add3A_190, %mul3A_189 : i32
        %get3A = arith.index_cast %add3A_191 : i32 to index
        %get3A_192 = arith.constant 0 : index
        %get3A_193 = tpu.vector_load %arg8[%get3A, %get3A_192] {strides = array<i32>} : memref<160x128xf32, #tpu.memory_space<vmem>>, vector<1x16xf32>,
        %get3A_194 = vector.shape_cast %get3A_193 : vector<1x16xf32> to vector<16xf32>
        %max3A = arith.constant 0.000000e+00 : f32
        %max3A_195 = vector.broadcast %max3A : f32 to vector<16xf32>
        %max3A_196 = arith.maximumf %get3A_194, %max3A_195 : vector<16xf32>
        %swap3A = arith.index_cast %add3A_191 : i32 to index
        %swap3A_197 = arith.constant 0 : index
        %swap3A_198 = tpu.vector_load %arg8[%swap3A, %swap3A_197] {strides = array<i32>} : memref<160x128xf32, #tpu.memory_space<vmem>>, vector<1x16xf32>,
        %swap3A_199 = vector.shape_cast %swap3A_198 : vector<1x16xf32> to vector<16xf32>
        %swap3A_200 = vector.shape_cast %max3A_196 : vector<16xf32> to vector<1x16xf32>
        tpu.vector_store %arg8[%swap3A, %swap3A_197], %swap3A_200 {strides = array<i32>} : memref<160x128xf32, #tpu.memory_space<vmem>>, vector<1x16xf32>,
        %get3A_201 = arith.index_cast %add3A_191 : i32 to index
        %get3A_202 = arith.constant 16 : index
        %get3A_203 = tpu.vector_load %arg8[%get3A_201, %get3A_202] {strides = array<i32>} : memref<160x128xf32, #tpu.memory_space<vmem>>, vector<1x16xf32>,
        %get3A_204 = vector.shape_cast %get3A_203 : vector<1x16xf32> to vector<16xf32>
        %max3A_205 = arith.constant 0.000000e+00 : f32
        %max3A_206 = vector.broadcast %max3A_205 : f32 to vector<16xf32>
        %max3A_207 = arith.maximumf %get3A_204, %max3A_206 : vector<16xf32>
        %swap3A_208 = arith.index_cast %add3A_191 : i32 to index
        %swap3A_209 = arith.constant 16 : index
        %swap3A_210 = tpu.vector_load %arg8[%swap3A_208, %swap3A_209] {strides = array<i32>} : memref<160x128xf32, #tpu.memory_space<vmem>>, vector<1x16xf32>,
        %swap3A_211 = vector.shape_cast %swap3A_210 : vector<1x16xf32> to vector<16xf32>
        %swap3A_212 = vector.shape_cast %max3A_207 : vector<16xf32> to vector<1x16xf32>
        tpu.vector_store %arg8[%swap3A_208, %swap3A_209], %swap3A_212 {strides = array<i32>} : memref<160x128xf32, #tpu.memory_space<vmem>>, vector<1x16xf32>,
        %get3A_213 = arith.index_cast %add3A_191 : i32 to index
        %get3A_214 = arith.constant 32 : index
        %get3A_215 = tpu.vector_load %arg8[%get3A_213, %get3A_214] {strides = array<i32>} : memref<160x128xf32, #tpu.memory_space<vmem>>, vector<1x16xf32>,
        %get3A_216 = vector.shape_cast %get3A_215 : vector<1x16xf32> to vector<16xf32>
        %max3A_217 = arith.constant 0.000000e+00 : f32
        %max3A_218 = vector.broadcast %max3A_217 : f32 to vector<16xf32>
        %max3A_219 = arith.maximumf %get3A_216, %max3A_218 : vector<16xf32>
        %swap3A_220 = arith.index_cast %add3A_191 : i32 to index
        %swap3A_221 = arith.constant 32 : index
        %swap3A_222 = tpu.vector_load %arg8[%swap3A_220, %swap3A_221] {strides = array<i32>} : memref<160x128xf32, #tpu.memory_space<vmem>>, vector<1x16xf32>,
        %swap3A_223 = vector.shape_cast %swap3A_222 : vector<1x16xf32> to vector<16xf32>
        %swap3A_224 = vector.shape_cast %max3A_219 : vector<16xf32> to vector<1x16xf32>
        tpu.vector_store %arg8[%swap3A_220, %swap3A_221], %swap3A_224 {strides = array<i32>} : memref<160x128xf32, #tpu.memory_space<vmem>>, vector<1x16xf32>,
        %get3A_225 = arith.index_cast %add3A_191 : i32 to index
        %get3A_226 = arith.constant 48 : index
        %get3A_227 = tpu.vector_load %arg8[%get3A_225, %get3A_226] {strides = array<i32>} : memref<160x128xf32, #tpu.memory_space<vmem>>, vector<1x16xf32>,
        %get3A_228 = vector.shape_cast %get3A_227 : vector<1x16xf32> to vector<16xf32>
        %max3A_229 = arith.constant 0.000000e+00 : f32
        %max3A_230 = vector.broadcast %max3A_229 : f32 to vector<16xf32>
        %max3A_231 = arith.maximumf %get3A_228, %max3A_230 : vector<16xf32>
        %swap3A_232 = arith.index_cast %add3A_191 : i32 to index
        %swap3A_233 = arith.constant 48 : index
        %swap3A_234 = tpu.vector_load %arg8[%swap3A_232, %swap3A_233] {strides = array<i32>} : memref<160x128xf32, #tpu.memory_space<vmem>>, vector<1x16xf32>,
        %swap3A_235 = vector.shape_cast %swap3A_234 : vector<1x16xf32> to vector<16xf32>
        %swap3A_236 = vector.shape_cast %max3A_231 : vector<16xf32> to vector<1x16xf32>
        tpu.vector_store %arg8[%swap3A_232, %swap3A_233], %swap3A_236 {strides = array<i32>} : memref<160x128xf32, #tpu.memory_space<vmem>>, vector<1x16xf32>,
        %get3A_237 = arith.index_cast %add3A_191 : i32 to index
        %get3A_238 = arith.constant 64 : index
        %get3A_239 = tpu.vector_load %arg8[%get3A_237, %get3A_238] {strides = array<i32>} : memref<160x128xf32, #tpu.memory_space<vmem>>, vector<1x16xf32>,
        %get3A_240 = vector.shape_cast %get3A_239 : vector<1x16xf32> to vector<16xf32>
        %max3A_241 = arith.constant 0.000000e+00 : f32
        %max3A_242 = vector.broadcast %max3A_241 : f32 to vector<16xf32>
        %max3A_243 = arith.maximumf %get3A_240, %max3A_242 : vector<16xf32>
        %swap3A_244 = arith.index_cast %add3A_191 : i32 to index
        %swap3A_245 = arith.constant 64 : index
        %swap3A_246 = tpu.vector_load %arg8[%swap3A_244, %swap3A_245] {strides = array<i32>} : memref<160x128xf32, #tpu.memory_space<vmem>>, vector<1x16xf32>,
        %swap3A_247 = vector.shape_cast %swap3A_246 : vector<1x16xf32> to vector<16xf32>
        %swap3A_248 = vector.shape_cast %max3A_243 : vector<16xf32> to vector<1x16xf32>
        tpu.vector_store %arg8[%swap3A_244, %swap3A_245], %swap3A_248 {strides = array<i32>} : memref<160x128xf32, #tpu.memory_space<vmem>>, vector<1x16xf32>,
        %get3A_249 = arith.index_cast %add3A_191 : i32 to index
        %get3A_250 = arith.constant 80 : index
        %get3A_251 = tpu.vector_load %arg8[%get3A_249, %get3A_250] {strides = array<i32>} : memref<160x128xf32, #tpu.memory_space<vmem>>, vector<1x16xf32>,
        %get3A_252 = vector.shape_cast %get3A_251 : vector<1x16xf32> to vector<16xf32>
        %max3A_253 = arith.constant 0.000000e+00 : f32
        %max3A_254 = vector.broadcast %max3A_253 : f32 to vector<16xf32>
        %max3A_255 = arith.maximumf %get3A_252, %max3A_254 : vector<16xf32>
        %swap3A_256 = arith.index_cast %add3A_191 : i32 to index
        %swap3A_257 = arith.constant 80 : index
        %swap3A_258 = tpu.vector_load %arg8[%swap3A_256, %swap3A_257] {strides = array<i32>} : memref<160x128xf32, #tpu.memory_space<vmem>>, vector<1x16xf32>,
        %swap3A_259 = vector.shape_cast %swap3A_258 : vector<1x16xf32> to vector<16xf32>
        %swap3A_260 = vector.shape_cast %max3A_255 : vector<16xf32> to vector<1x16xf32>
        tpu.vector_store %arg8[%swap3A_256, %swap3A_257], %swap3A_260 {strides = array<i32>} : memref<160x128xf32, #tpu.memory_space<vmem>>, vector<1x16xf32>,
        %get3A_261 = arith.index_cast %add3A_191 : i32 to index
        %get3A_262 = arith.constant 96 : index
        %get3A_263 = tpu.vector_load %arg8[%get3A_261, %get3A_262] {strides = array<i32>} : memref<160x128xf32, #tpu.memory_space<vmem>>, vector<1x16xf32>,
        %get3A_264 = vector.shape_cast %get3A_263 : vector<1x16xf32> to vector<16xf32>
        %max3A_265 = arith.constant 0.000000e+00 : f32
        %max3A_266 = vector.broadcast %max3A_265 : f32 to vector<16xf32>
        %max3A_267 = arith.maximumf %get3A_264, %max3A_266 : vector<16xf32>
        %swap3A_268 = arith.index_cast %add3A_191 : i32 to index
        %swap3A_269 = arith.constant 96 : index
        %swap3A_270 = tpu.vector_load %arg8[%swap3A_268, %swap3A_269] {strides = array<i32>} : memref<160x128xf32, #tpu.memory_space<vmem>>, vector<1x16xf32>,
        %swap3A_271 = vector.shape_cast %swap3A_270 : vector<1x16xf32> to vector<16xf32>
        %swap3A_272 = vector.shape_cast %max3A_267 : vector<16xf32> to vector<1x16xf32>
        tpu.vector_store %arg8[%swap3A_268, %swap3A_269], %swap3A_272 {strides = array<i32>} : memref<160x128xf32, #tpu.memory_space<vmem>>, vector<1x16xf32>,
        %get3A_273 = arith.index_cast %add3A_191 : i32 to index
        %get3A_274 = arith.constant 112 : index
        %get3A_275 = tpu.vector_load %arg8[%get3A_273, %get3A_274] {strides = array<i32>} : memref<160x128xf32, #tpu.memory_space<vmem>>, vector<1x16xf32>,
        %get3A_276 = vector.shape_cast %get3A_275 : vector<1x16xf32> to vector<16xf32>
        %max3A_277 = arith.constant 0.000000e+00 : f32
        %max3A_278 = vector.broadcast %max3A_277 : f32 to vector<16xf32>
        %max3A_279 = arith.maximumf %get3A_276, %max3A_278 : vector<16xf32>
        %swap3A_280 = arith.index_cast %add3A_191 : i32 to index
        %swap3A_281 = arith.constant 112 : index
        %swap3A_282 = tpu.vector_load %arg8[%swap3A_280, %swap3A_281] {strides = array<i32>} : memref<160x128xf32, #tpu.memory_space<vmem>>, vector<1x16xf32>,
        %swap3A_283 = vector.shape_cast %swap3A_282 : vector<1x16xf32> to vector<16xf32>
        %swap3A_284 = vector.shape_cast %max3A_279 : vector<16xf32> to vector<1x16xf32>
        tpu.vector_store %arg8[%swap3A_280, %swap3A_281], %swap3A_284 {strides = array<i32>} : memref<160x128xf32, #tpu.memory_space<vmem>>, vector<1x16xf32>,
      }
      %scan3A_116 = arith.constant 160 : i32
      %dma_start3A_117 = arith.constant 0 : i32
      %dma_start3A_118 = arith.constant 0 : i32
      %dma_start3A_119 = tpu.memref_slice %arg7[%dma_start3A_117, %dma_start3A_118] : memref<10240x128xf32, #tpu.memory_space<vmem_shared>> -> memref<10240x128xf32, #tpu.memory_space<vmem_shared>>
      tpu.enqueue_indirect_dma source(%arg8 : memref<160x128xf32, #tpu.memory_space<vmem>>) target(%dma_start3A_119 : memref<10240x128xf32, #tpu.memory_space<vmem_shared>>) offsets(%arg12 : memref<160xi32, #tpu.memory_space<vmem>>) semaphore(%arg20 : memref<!tpu.dma_semaphore, #tpu.memory_space<semaphore_mem>>) {add = true}
      %dma_wait3A_120 = arith.constant 0 : i32
      %dma_wait3A_121 = tpu.memref_slice %arg4[%dma_wait3A_120] : memref<640000xi32, #tpu.memory_space<hbm>> -> memref<160xi32, #tpu.memory_space<hbm>>
      %dma_wait3A_122 = arith.constant 0 : i32
      %dma_wait3A_123 = tpu.memref_slice %arg4[%dma_wait3A_122] : memref<640000xi32, #tpu.memory_space<hbm>> -> memref<160xi32, #tpu.memory_space<hbm>>
      tpu.wait_dma2 semaphore(%arg15 : memref<!tpu.dma_semaphore, #tpu.memory_space<semaphore_mem>>) src(%dma_wait3A_123 : memref<160xi32, #tpu.memory_space<hbm>>) dst(%arg11 : memref<160xi32, #tpu.memory_space<vmem>>)
      %dma_wait3A_124 = arith.constant 0 : i32
      %dma_wait3A_125 = tpu.memref_slice %arg5[%dma_wait3A_124] : memref<320000xi32, #tpu.memory_space<hbm>> -> memref<160xi32, #tpu.memory_space<hbm>>
      %dma_wait3A_126 = arith.constant 0 : i32
      %dma_wait3A_127 = tpu.memref_slice %arg5[%dma_wait3A_126] : memref<320000xi32, #tpu.memory_space<hbm>> -> memref<160xi32, #tpu.memory_space<hbm>>
      tpu.wait_dma2 semaphore(%arg15 : memref<!tpu.dma_semaphore, #tpu.memory_space<semaphore_mem>>) src(%dma_wait3A_127 : memref<160xi32, #tpu.memory_space<hbm>>) dst(%arg13 : memref<160xi32, #tpu.memory_space<vmem>>)
      %dma_wait3A_128 = arith.constant 0 : i32
      %dma_wait3A_129 = arith.constant 0 : i32
      %dma_wait3A_130 = tpu.memref_slice %arg3[%dma_wait3A_128, %dma_wait3A_129] : memref<640000x128xf32, #tpu.memory_space<hbm>> -> memref<160x128xf32, #tpu.memory_space<hbm>>
      %dma_wait3A_131 = arith.constant 0 : i32
      %dma_wait3A_132 = arith.constant 0 : i32
      %dma_wait3A_133 = tpu.memref_slice %arg3[%dma_wait3A_131, %dma_wait3A_132] : memref<640000x128xf32, #tpu.memory_space<hbm>> -> memref<160x128xf32, #tpu.memory_space<hbm>>
      tpu.wait_dma2 semaphore(%arg17 : memref<!tpu.dma_semaphore, #tpu.memory_space<semaphore_mem>>) src(%dma_wait3A_133 : memref<160x128xf32, #tpu.memory_space<hbm>>) dst(%arg9 : memref<160x128xf32, #tpu.memory_space<vmem>>)
      %dma_start3A_134 = arith.constant 0 : i32
      %dma_start3A_135 = arith.constant 0 : i32
      %dma_start3A_136 = tpu.memref_slice %arg2[%dma_start3A_134, %dma_start3A_135] : memref<20000x128xf32, #tpu.memory_space<hbm>> -> memref<20000x128xf32, #tpu.memory_space<hbm>>
      tpu.enqueue_indirect_dma source(%dma_start3A_136 : memref<20000x128xf32, #tpu.memory_space<hbm>>) target(%arg9 : memref<160x128xf32, #tpu.memory_space<vmem>>) offsets(%arg11 : memref<160xi32, #tpu.memory_space<vmem>>) semaphore(%arg19 : memref<!tpu.dma_semaphore, #tpu.memory_space<semaphore_mem>>) {add = true}
      %dma_wait3A_137 = arith.constant 0 : i32
      %dma_wait3A_138 = arith.constant 0 : i32
      %dma_wait3A_139 = tpu.memref_slice %arg7[%dma_wait3A_137, %dma_wait3A_138] : memref<10240x128xf32, #tpu.memory_space<vmem_shared>> -> memref<10240x128xf32, #tpu.memory_space<vmem_shared>>
      tpu.wait_indirect_dma semaphore(%arg20 : memref<!tpu.dma_semaphore, #tpu.memory_space<semaphore_mem>>) src(%arg8 : memref<160x128xf32, #tpu.memory_space<vmem>>) dst(%dma_wait3A_139 : memref<10240x128xf32, #tpu.memory_space<vmem_shared>>)
      %add3A_140 = arith.constant 1 : i32
      %add3A_141 = arith.addi %add3A_89, %add3A_140 : i32
      %mul3A_142 = arith.constant 160 : i32
      %mul3A_143 = arith.muli %add3A_141, %mul3A_142 : i32
      %add3A_144 = arith.addi %mul3A_0, %mul3A_143 : i32
      %mul3A_145 = arith.constant 320000 : i32
      %mul3A_146 = arith.muli %arg0, %mul3A_145 : i32
      %add3A_147 = arith.addi %mul3A_146, %add3A_144 : i32
      %dma_start3A_148 = tpu.memref_slice %arg4[%add3A_147] : memref<640000xi32, #tpu.memory_space<hbm>> -> memref<160xi32, #tpu.memory_space<hbm>>
      %dma_start3A_149 = tpu.memref_slice %arg4[%add3A_147] : memref<640000xi32, #tpu.memory_space<hbm>> -> memref<160xi32, #tpu.memory_space<hbm>>
      tpu.enqueue_dma source(%dma_start3A_149 : memref<160xi32, #tpu.memory_space<hbm>>) target(%arg10 : memref<160xi32, #tpu.memory_space<vmem>>) target_semaphore(%arg14 : memref<!tpu.dma_semaphore, #tpu.memory_space<semaphore_mem>>)
      %dma_start3A_150 = tpu.memref_slice %arg5[%add3A_144] : memref<320000xi32, #tpu.memory_space<hbm>> -> memref<160xi32, #tpu.memory_space<hbm>>
      %dma_start3A_151 = tpu.memref_slice %arg5[%add3A_144] : memref<320000xi32, #tpu.memory_space<hbm>> -> memref<160xi32, #tpu.memory_space<hbm>>
      tpu.enqueue_dma source(%dma_start3A_151 : memref<160xi32, #tpu.memory_space<hbm>>) target(%arg12 : memref<160xi32, #tpu.memory_space<vmem>>) target_semaphore(%arg14 : memref<!tpu.dma_semaphore, #tpu.memory_space<semaphore_mem>>)
      %mul3A_152 = arith.constant 320000 : i32
      %mul3A_153 = arith.muli %arg0, %mul3A_152 : i32
      %add3A_154 = arith.addi %mul3A_153, %add3A_144 : i32
      %dma_start3A_155 = arith.constant 0 : i32
      %dma_start3A_156 = tpu.memref_slice %arg3[%add3A_154, %dma_start3A_155] : memref<640000x128xf32, #tpu.memory_space<hbm>> -> memref<160x128xf32, #tpu.memory_space<hbm>>
      %dma_start3A_157 = arith.constant 0 : i32
      %dma_start3A_158 = tpu.memref_slice %arg3[%add3A_154, %dma_start3A_157] : memref<640000x128xf32, #tpu.memory_space<hbm>> -> memref<160x128xf32, #tpu.memory_space<hbm>>
      tpu.enqueue_dma source(%dma_start3A_158 : memref<160x128xf32, #tpu.memory_space<hbm>>) target(%arg8 : memref<160x128xf32, #tpu.memory_space<vmem>>) target_semaphore(%arg16 : memref<!tpu.dma_semaphore, #tpu.memory_space<semaphore_mem>>)
      %dma_wait3A_159 = arith.constant 0 : i32
      %dma_wait3A_160 = arith.constant 0 : i32
      %dma_wait3A_161 = tpu.memref_slice %arg2[%dma_wait3A_159, %dma_wait3A_160] : memref<20000x128xf32, #tpu.memory_space<hbm>> -> memref<20000x128xf32, #tpu.memory_space<hbm>>
      tpu.wait_indirect_dma semaphore(%arg19 : memref<!tpu.dma_semaphore, #tpu.memory_space<semaphore_mem>>) src(%dma_wait3A_161 : memref<20000x128xf32, #tpu.memory_space<hbm>>) dst(%arg9 : memref<160x128xf32, #tpu.memory_space<vmem>>)
      %scan3A_162 = arith.constant 0 : i32
      %scan3A_163 = arith.constant 160 : i32
      %scan3A_164 = arith.addi %scan3A_162, %scan3A_163 : i32
      %scan3A_165 = arith.constant 1 : i32
      scf.for %scan3A_187 = %scan3A_162 to %scan3A_164 step %scan3A_165  : i32 {
        %mul3A_188 = arith.constant 1 : i32
        %mul3A_189 = arith.muli %scan3A_187, %mul3A_188 : i32
        %add3A_190 = arith.constant 0 : i32
        %add3A_191 = arith.addi %add3A_190, %mul3A_189 : i32
        %get3A = arith.index_cast %add3A_191 : i32 to index
        %get3A_192 = arith.constant 0 : index
        %get3A_193 = tpu.vector_load %arg9[%get3A, %get3A_192] {strides = array<i32>} : memref<160x128xf32, #tpu.memory_space<vmem>>, vector<1x16xf32>,
        %get3A_194 = vector.shape_cast %get3A_193 : vector<1x16xf32> to vector<16xf32>
        %max3A = arith.constant 0.000000e+00 : f32
        %max3A_195 = vector.broadcast %max3A : f32 to vector<16xf32>
        %max3A_196 = arith.maximumf %get3A_194, %max3A_195 : vector<16xf32>
        %swap3A = arith.index_cast %add3A_191 : i32 to index
        %swap3A_197 = arith.constant 0 : index
        %swap3A_198 = tpu.vector_load %arg9[%swap3A, %swap3A_197] {strides = array<i32>} : memref<160x128xf32, #tpu.memory_space<vmem>>, vector<1x16xf32>,
        %swap3A_199 = vector.shape_cast %swap3A_198 : vector<1x16xf32> to vector<16xf32>
        %swap3A_200 = vector.shape_cast %max3A_196 : vector<16xf32> to vector<1x16xf32>
        tpu.vector_store %arg9[%swap3A, %swap3A_197], %swap3A_200 {strides = array<i32>} : memref<160x128xf32, #tpu.memory_space<vmem>>, vector<1x16xf32>,
        %get3A_201 = arith.index_cast %add3A_191 : i32 to index
        %get3A_202 = arith.constant 16 : index
        %get3A_203 = tpu.vector_load %arg9[%get3A_201, %get3A_202] {strides = array<i32>} : memref<160x128xf32, #tpu.memory_space<vmem>>, vector<1x16xf32>,
        %get3A_204 = vector.shape_cast %get3A_203 : vector<1x16xf32> to vector<16xf32>
        %max3A_205 = arith.constant 0.000000e+00 : f32
        %max3A_206 = vector.broadcast %max3A_205 : f32 to vector<16xf32>
        %max3A_207 = arith.maximumf %get3A_204, %max3A_206 : vector<16xf32>
        %swap3A_208 = arith.index_cast %add3A_191 : i32 to index
        %swap3A_209 = arith.constant 16 : index
        %swap3A_210 = tpu.vector_load %arg9[%swap3A_208, %swap3A_209] {strides = array<i32>} : memref<160x128xf32, #tpu.memory_space<vmem>>, vector<1x16xf32>,
        %swap3A_211 = vector.shape_cast %swap3A_210 : vector<1x16xf32> to vector<16xf32>
        %swap3A_212 = vector.shape_cast %max3A_207 : vector<16xf32> to vector<1x16xf32>
        tpu.vector_store %arg9[%swap3A_208, %swap3A_209], %swap3A_212 {strides = array<i32>} : memref<160x128xf32, #tpu.memory_space<vmem>>, vector<1x16xf32>,
        %get3A_213 = arith.index_cast %add3A_191 : i32 to index
        %get3A_214 = arith.constant 32 : index
        %get3A_215 = tpu.vector_load %arg9[%get3A_213, %get3A_214] {strides = array<i32>} : memref<160x128xf32, #tpu.memory_space<vmem>>, vector<1x16xf32>,
        %get3A_216 = vector.shape_cast %get3A_215 : vector<1x16xf32> to vector<16xf32>
        %max3A_217 = arith.constant 0.000000e+00 : f32
        %max3A_218 = vector.broadcast %max3A_217 : f32 to vector<16xf32>
        %max3A_219 = arith.maximumf %get3A_216, %max3A_218 : vector<16xf32>
        %swap3A_220 = arith.index_cast %add3A_191 : i32 to index
        %swap3A_221 = arith.constant 32 : index
        %swap3A_222 = tpu.vector_load %arg9[%swap3A_220, %swap3A_221] {strides = array<i32>} : memref<160x128xf32, #tpu.memory_space<vmem>>, vector<1x16xf32>,
        %swap3A_223 = vector.shape_cast %swap3A_222 : vector<1x16xf32> to vector<16xf32>
        %swap3A_224 = vector.shape_cast %max3A_219 : vector<16xf32> to vector<1x16xf32>
        tpu.vector_store %arg9[%swap3A_220, %swap3A_221], %swap3A_224 {strides = array<i32>} : memref<160x128xf32, #tpu.memory_space<vmem>>, vector<1x16xf32>,
        %get3A_225 = arith.index_cast %add3A_191 : i32 to index
        %get3A_226 = arith.constant 48 : index
        %get3A_227 = tpu.vector_load %arg9[%get3A_225, %get3A_226] {strides = array<i32>} : memref<160x128xf32, #tpu.memory_space<vmem>>, vector<1x16xf32>,
        %get3A_228 = vector.shape_cast %get3A_227 : vector<1x16xf32> to vector<16xf32>
        %max3A_229 = arith.constant 0.000000e+00 : f32
        %max3A_230 = vector.broadcast %max3A_229 : f32 to vector<16xf32>
        %max3A_231 = arith.maximumf %get3A_228, %max3A_230 : vector<16xf32>
        %swap3A_232 = arith.index_cast %add3A_191 : i32 to index
        %swap3A_233 = arith.constant 48 : index
        %swap3A_234 = tpu.vector_load %arg9[%swap3A_232, %swap3A_233] {strides = array<i32>} : memref<160x128xf32, #tpu.memory_space<vmem>>, vector<1x16xf32>,
        %swap3A_235 = vector.shape_cast %swap3A_234 : vector<1x16xf32> to vector<16xf32>
        %swap3A_236 = vector.shape_cast %max3A_231 : vector<16xf32> to vector<1x16xf32>
        tpu.vector_store %arg9[%swap3A_232, %swap3A_233], %swap3A_236 {strides = array<i32>} : memref<160x128xf32, #tpu.memory_space<vmem>>, vector<1x16xf32>,
        %get3A_237 = arith.index_cast %add3A_191 : i32 to index
        %get3A_238 = arith.constant 64 : index
        %get3A_239 = tpu.vector_load %arg9[%get3A_237, %get3A_238] {strides = array<i32>} : memref<160x128xf32, #tpu.memory_space<vmem>>, vector<1x16xf32>,
        %get3A_240 = vector.shape_cast %get3A_239 : vector<1x16xf32> to vector<16xf32>
        %max3A_241 = arith.constant 0.000000e+00 : f32
        %max3A_242 = vector.broadcast %max3A_241 : f32 to vector<16xf32>
        %max3A_243 = arith.maximumf %get3A_240, %max3A_242 : vector<16xf32>
        %swap3A_244 = arith.index_cast %add3A_191 : i32 to index
        %swap3A_245 = arith.constant 64 : index
        %swap3A_246 = tpu.vector_load %arg9[%swap3A_244, %swap3A_245] {strides = array<i32>} : memref<160x128xf32, #tpu.memory_space<vmem>>, vector<1x16xf32>,
        %swap3A_247 = vector.shape_cast %swap3A_246 : vector<1x16xf32> to vector<16xf32>
        %swap3A_248 = vector.shape_cast %max3A_243 : vector<16xf32> to vector<1x16xf32>
        tpu.vector_store %arg9[%swap3A_244, %swap3A_245], %swap3A_248 {strides = array<i32>} : memref<160x128xf32, #tpu.memory_space<vmem>>, vector<1x16xf32>,
        %get3A_249 = arith.index_cast %add3A_191 : i32 to index
        %get3A_250 = arith.constant 80 : index
        %get3A_251 = tpu.vector_load %arg9[%get3A_249, %get3A_250] {strides = array<i32>} : memref<160x128xf32, #tpu.memory_space<vmem>>, vector<1x16xf32>,
        %get3A_252 = vector.shape_cast %get3A_251 : vector<1x16xf32> to vector<16xf32>
        %max3A_253 = arith.constant 0.000000e+00 : f32
        %max3A_254 = vector.broadcast %max3A_253 : f32 to vector<16xf32>
        %max3A_255 = arith.maximumf %get3A_252, %max3A_254 : vector<16xf32>
        %swap3A_256 = arith.index_cast %add3A_191 : i32 to index
        %swap3A_257 = arith.constant 80 : index
        %swap3A_258 = tpu.vector_load %arg9[%swap3A_256, %swap3A_257] {strides = array<i32>} : memref<160x128xf32, #tpu.memory_space<vmem>>, vector<1x16xf32>,
        %swap3A_259 = vector.shape_cast %swap3A_258 : vector<1x16xf32> to vector<16xf32>
        %swap3A_260 = vector.shape_cast %max3A_255 : vector<16xf32> to vector<1x16xf32>
        tpu.vector_store %arg9[%swap3A_256, %swap3A_257], %swap3A_260 {strides = array<i32>} : memref<160x128xf32, #tpu.memory_space<vmem>>, vector<1x16xf32>,
        %get3A_261 = arith.index_cast %add3A_191 : i32 to index
        %get3A_262 = arith.constant 96 : index
        %get3A_263 = tpu.vector_load %arg9[%get3A_261, %get3A_262] {strides = array<i32>} : memref<160x128xf32, #tpu.memory_space<vmem>>, vector<1x16xf32>,
        %get3A_264 = vector.shape_cast %get3A_263 : vector<1x16xf32> to vector<16xf32>
        %max3A_265 = arith.constant 0.000000e+00 : f32
        %max3A_266 = vector.broadcast %max3A_265 : f32 to vector<16xf32>
        %max3A_267 = arith.maximumf %get3A_264, %max3A_266 : vector<16xf32>
        %swap3A_268 = arith.index_cast %add3A_191 : i32 to index
        %swap3A_269 = arith.constant 96 : index
        %swap3A_270 = tpu.vector_load %arg9[%swap3A_268, %swap3A_269] {strides = array<i32>} : memref<160x128xf32, #tpu.memory_space<vmem>>, vector<1x16xf32>,
        %swap3A_271 = vector.shape_cast %swap3A_270 : vector<1x16xf32> to vector<16xf32>
        %swap3A_272 = vector.shape_cast %max3A_267 : vector<16xf32> to vector<1x16xf32>
        tpu.vector_store %arg9[%swap3A_268, %swap3A_269], %swap3A_272 {strides = array<i32>} : memref<160x128xf32, #tpu.memory_space<vmem>>, vector<1x16xf32>,
        %get3A_273 = arith.index_cast %add3A_191 : i32 to index
        %get3A_274 = arith.constant 112 : index
        %get3A_275 = tpu.vector_load %arg9[%get3A_273, %get3A_274] {strides = array<i32>} : memref<160x128xf32, #tpu.memory_space<vmem>>, vector<1x16xf32>,
        %get3A_276 = vector.shape_cast %get3A_275 : vector<1x16xf32> to vector<16xf32>
        %max3A_277 = arith.constant 0.000000e+00 : f32
        %max3A_278 = vector.broadcast %max3A_277 : f32 to vector<16xf32>
        %max3A_279 = arith.maximumf %get3A_276, %max3A_278 : vector<16xf32>
        %swap3A_280 = arith.index_cast %add3A_191 : i32 to index
        %swap3A_281 = arith.constant 112 : index
        %swap3A_282 = tpu.vector_load %arg9[%swap3A_280, %swap3A_281] {strides = array<i32>} : memref<160x128xf32, #tpu.memory_space<vmem>>, vector<1x16xf32>,
        %swap3A_283 = vector.shape_cast %swap3A_282 : vector<1x16xf32> to vector<16xf32>
        %swap3A_284 = vector.shape_cast %max3A_279 : vector<16xf32> to vector<1x16xf32>
        tpu.vector_store %arg9[%swap3A_280, %swap3A_281], %swap3A_284 {strides = array<i32>} : memref<160x128xf32, #tpu.memory_space<vmem>>, vector<1x16xf32>,
      }
      %scan3A_166 = arith.constant 160 : i32
      %dma_start3A_167 = arith.constant 0 : i32
      %dma_start3A_168 = arith.constant 0 : i32
      %dma_start3A_169 = tpu.memref_slice %arg7[%dma_start3A_167, %dma_start3A_168] : memref<10240x128xf32, #tpu.memory_space<vmem_shared>> -> memref<10240x128xf32, #tpu.memory_space<vmem_shared>>
      tpu.enqueue_indirect_dma source(%arg9 : memref<160x128xf32, #tpu.memory_space<vmem>>) target(%dma_start3A_169 : memref<10240x128xf32, #tpu.memory_space<vmem_shared>>) offsets(%arg13 : memref<160xi32, #tpu.memory_space<vmem>>) semaphore(%arg21 : memref<!tpu.dma_semaphore, #tpu.memory_space<semaphore_mem>>) {add = true}
      %dma_wait3A_170 = arith.constant 0 : i32
      %dma_wait3A_171 = tpu.memref_slice %arg4[%dma_wait3A_170] : memref<640000xi32, #tpu.memory_space<hbm>> -> memref<160xi32, #tpu.memory_space<hbm>>
      %dma_wait3A_172 = arith.constant 0 : i32
      %dma_wait3A_173 = tpu.memref_slice %arg4[%dma_wait3A_172] : memref<640000xi32, #tpu.memory_space<hbm>> -> memref<160xi32, #tpu.memory_space<hbm>>
      tpu.wait_dma2 semaphore(%arg14 : memref<!tpu.dma_semaphore, #tpu.memory_space<semaphore_mem>>) src(%dma_wait3A_173 : memref<160xi32, #tpu.memory_space<hbm>>) dst(%arg10 : memref<160xi32, #tpu.memory_space<vmem>>)
      %dma_wait3A_174 = arith.constant 0 : i32
      %dma_wait3A_175 = tpu.memref_slice %arg5[%dma_wait3A_174] : memref<320000xi32, #tpu.memory_space<hbm>> -> memref<160xi32, #tpu.memory_space<hbm>>
      %dma_wait3A_176 = arith.constant 0 : i32
      %dma_wait3A_177 = tpu.memref_slice %arg5[%dma_wait3A_176] : memref<320000xi32, #tpu.memory_space<hbm>> -> memref<160xi32, #tpu.memory_space<hbm>>
      tpu.wait_dma2 semaphore(%arg14 : memref<!tpu.dma_semaphore, #tpu.memory_space<semaphore_mem>>) src(%dma_wait3A_177 : memref<160xi32, #tpu.memory_space<hbm>>) dst(%arg12 : memref<160xi32, #tpu.memory_space<vmem>>)
      %dma_wait3A_178 = arith.constant 0 : i32
      %dma_wait3A_179 = arith.constant 0 : i32
      %dma_wait3A_180 = tpu.memref_slice %arg3[%dma_wait3A_178, %dma_wait3A_179] : memref<640000x128xf32, #tpu.memory_space<hbm>> -> memref<160x128xf32, #tpu.memory_space<hbm>>
      %dma_wait3A_181 = arith.constant 0 : i32
      %dma_wait3A_182 = arith.constant 0 : i32
      %dma_wait3A_183 = tpu.memref_slice %arg3[%dma_wait3A_181, %dma_wait3A_182] : memref<640000x128xf32, #tpu.memory_space<hbm>> -> memref<160x128xf32, #tpu.memory_space<hbm>>
      tpu.wait_dma2 semaphore(%arg16 : memref<!tpu.dma_semaphore, #tpu.memory_space<semaphore_mem>>) src(%dma_wait3A_183 : memref<160x128xf32, #tpu.memory_space<hbm>>) dst(%arg8 : memref<160x128xf32, #tpu.memory_space<vmem>>)
      %dma_start3A_184 = arith.constant 0 : i32
      %dma_start3A_185 = arith.constant 0 : i32
      %dma_start3A_186 = tpu.memref_slice %arg2[%dma_start3A_184, %dma_start3A_185] : memref<20000x128xf32, #tpu.memory_space<hbm>> -> memref<20000x128xf32, #tpu.memory_space<hbm>>
      tpu.enqueue_indirect_dma source(%dma_start3A_186 : memref<20000x128xf32, #tpu.memory_space<hbm>>) target(%arg8 : memref<160x128xf32, #tpu.memory_space<vmem>>) offsets(%arg10 : memref<160xi32, #tpu.memory_space<vmem>>) semaphore(%arg18 : memref<!tpu.dma_semaphore, #tpu.memory_space<semaphore_mem>>) {add = true}
    }
    %scan3A_55 = arith.constant 62 : i32
    %dma_wait3A_56 = arith.constant 0 : i32
    %dma_wait3A_57 = arith.constant 0 : i32
    %dma_wait3A_58 = tpu.memref_slice %arg2[%dma_wait3A_56, %dma_wait3A_57] : memref<20000x128xf32, #tpu.memory_space<hbm>> -> memref<20000x128xf32, #tpu.memory_space<hbm>>
    tpu.wait_indirect_dma semaphore(%arg18 : memref<!tpu.dma_semaphore, #tpu.memory_space<semaphore_mem>>) src(%dma_wait3A_58 : memref<20000x128xf32, #tpu.memory_space<hbm>>) dst(%arg8 : memref<160x128xf32, #tpu.memory_space<vmem>>)
    %scan3A_59 = arith.constant 0 : i32
    %scan3A_60 = arith.constant 160 : i32
    %scan3A_61 = arith.addi %scan3A_59, %scan3A_60 : i32
    %scan3A_62 = arith.constant 1 : i32
    scf.for %scan3A_81 = %scan3A_59 to %scan3A_61 step %scan3A_62  : i32 {
      %mul3A_82 = arith.constant 1 : i32
      %mul3A_83 = arith.muli %scan3A_81, %mul3A_82 : i32
      %add3A_84 = arith.constant 0 : i32
      %add3A_85 = arith.addi %add3A_84, %mul3A_83 : i32
      %get3A = arith.index_cast %add3A_85 : i32 to index
      %get3A_86 = arith.constant 0 : index
      %get3A_87 = tpu.vector_load %arg8[%get3A, %get3A_86] {strides = array<i32>} : memref<160x128xf32, #tpu.memory_space<vmem>>, vector<1x16xf32>,
      %get3A_88 = vector.shape_cast %get3A_87 : vector<1x16xf32> to vector<16xf32>
      %max3A = arith.constant 0.000000e+00 : f32
      %max3A_89 = vector.broadcast %max3A : f32 to vector<16xf32>
      %max3A_90 = arith.maximumf %get3A_88, %max3A_89 : vector<16xf32>
      %swap3A = arith.index_cast %add3A_85 : i32 to index
      %swap3A_91 = arith.constant 0 : index
      %swap3A_92 = tpu.vector_load %arg8[%swap3A, %swap3A_91] {strides = array<i32>} : memref<160x128xf32, #tpu.memory_space<vmem>>, vector<1x16xf32>,
      %swap3A_93 = vector.shape_cast %swap3A_92 : vector<1x16xf32> to vector<16xf32>
      %swap3A_94 = vector.shape_cast %max3A_90 : vector<16xf32> to vector<1x16xf32>
      tpu.vector_store %arg8[%swap3A, %swap3A_91], %swap3A_94 {strides = array<i32>} : memref<160x128xf32, #tpu.memory_space<vmem>>, vector<1x16xf32>,
      %get3A_95 = arith.index_cast %add3A_85 : i32 to index
      %get3A_96 = arith.constant 16 : index
      %get3A_97 = tpu.vector_load %arg8[%get3A_95, %get3A_96] {strides = array<i32>} : memref<160x128xf32, #tpu.memory_space<vmem>>, vector<1x16xf32>,
      %get3A_98 = vector.shape_cast %get3A_97 : vector<1x16xf32> to vector<16xf32>
      %max3A_99 = arith.constant 0.000000e+00 : f32
      %max3A_100 = vector.broadcast %max3A_99 : f32 to vector<16xf32>
      %max3A_101 = arith.maximumf %get3A_98, %max3A_100 : vector<16xf32>
      %swap3A_102 = arith.index_cast %add3A_85 : i32 to index
      %swap3A_103 = arith.constant 16 : index
      %swap3A_104 = tpu.vector_load %arg8[%swap3A_102, %swap3A_103] {strides = array<i32>} : memref<160x128xf32, #tpu.memory_space<vmem>>, vector<1x16xf32>,
      %swap3A_105 = vector.shape_cast %swap3A_104 : vector<1x16xf32> to vector<16xf32>
      %swap3A_106 = vector.shape_cast %max3A_101 : vector<16xf32> to vector<1x16xf32>
      tpu.vector_store %arg8[%swap3A_102, %swap3A_103], %swap3A_106 {strides = array<i32>} : memref<160x128xf32, #tpu.memory_space<vmem>>, vector<1x16xf32>,
      %get3A_107 = arith.index_cast %add3A_85 : i32 to index
      %get3A_108 = arith.constant 32 : index
      %get3A_109 = tpu.vector_load %arg8[%get3A_107, %get3A_108] {strides = array<i32>} : memref<160x128xf32, #tpu.memory_space<vmem>>, vector<1x16xf32>,
      %get3A_110 = vector.shape_cast %get3A_109 : vector<1x16xf32> to vector<16xf32>
      %max3A_111 = arith.constant 0.000000e+00 : f32
      %max3A_112 = vector.broadcast %max3A_111 : f32 to vector<16xf32>
      %max3A_113 = arith.maximumf %get3A_110, %max3A_112 : vector<16xf32>
      %swap3A_114 = arith.index_cast %add3A_85 : i32 to index
      %swap3A_115 = arith.constant 32 : index
      %swap3A_116 = tpu.vector_load %arg8[%swap3A_114, %swap3A_115] {strides = array<i32>} : memref<160x128xf32, #tpu.memory_space<vmem>>, vector<1x16xf32>,
      %swap3A_117 = vector.shape_cast %swap3A_116 : vector<1x16xf32> to vector<16xf32>
      %swap3A_118 = vector.shape_cast %max3A_113 : vector<16xf32> to vector<1x16xf32>
      tpu.vector_store %arg8[%swap3A_114, %swap3A_115], %swap3A_118 {strides = array<i32>} : memref<160x128xf32, #tpu.memory_space<vmem>>, vector<1x16xf32>,
      %get3A_119 = arith.index_cast %add3A_85 : i32 to index
      %get3A_120 = arith.constant 48 : index
      %get3A_121 = tpu.vector_load %arg8[%get3A_119, %get3A_120] {strides = array<i32>} : memref<160x128xf32, #tpu.memory_space<vmem>>, vector<1x16xf32>,
      %get3A_122 = vector.shape_cast %get3A_121 : vector<1x16xf32> to vector<16xf32>
      %max3A_123 = arith.constant 0.000000e+00 : f32
      %max3A_124 = vector.broadcast %max3A_123 : f32 to vector<16xf32>
      %max3A_125 = arith.maximumf %get3A_122, %max3A_124 : vector<16xf32>
      %swap3A_126 = arith.index_cast %add3A_85 : i32 to index
      %swap3A_127 = arith.constant 48 : index
      %swap3A_128 = tpu.vector_load %arg8[%swap3A_126, %swap3A_127] {strides = array<i32>} : memref<160x128xf32, #tpu.memory_space<vmem>>, vector<1x16xf32>,
      %swap3A_129 = vector.shape_cast %swap3A_128 : vector<1x16xf32> to vector<16xf32>
      %swap3A_130 = vector.shape_cast %max3A_125 : vector<16xf32> to vector<1x16xf32>
      tpu.vector_store %arg8[%swap3A_126, %swap3A_127], %swap3A_130 {strides = array<i32>} : memref<160x128xf32, #tpu.memory_space<vmem>>, vector<1x16xf32>,
      %get3A_131 = arith.index_cast %add3A_85 : i32 to index
      %get3A_132 = arith.constant 64 : index
      %get3A_133 = tpu.vector_load %arg8[%get3A_131, %get3A_132] {strides = array<i32>} : memref<160x128xf32, #tpu.memory_space<vmem>>, vector<1x16xf32>,
      %get3A_134 = vector.shape_cast %get3A_133 : vector<1x16xf32> to vector<16xf32>
      %max3A_135 = arith.constant 0.000000e+00 : f32
      %max3A_136 = vector.broadcast %max3A_135 : f32 to vector<16xf32>
      %max3A_137 = arith.maximumf %get3A_134, %max3A_136 : vector<16xf32>
      %swap3A_138 = arith.index_cast %add3A_85 : i32 to index
      %swap3A_139 = arith.constant 64 : index
      %swap3A_140 = tpu.vector_load %arg8[%swap3A_138, %swap3A_139] {strides = array<i32>} : memref<160x128xf32, #tpu.memory_space<vmem>>, vector<1x16xf32>,
      %swap3A_141 = vector.shape_cast %swap3A_140 : vector<1x16xf32> to vector<16xf32>
      %swap3A_142 = vector.shape_cast %max3A_137 : vector<16xf32> to vector<1x16xf32>
      tpu.vector_store %arg8[%swap3A_138, %swap3A_139], %swap3A_142 {strides = array<i32>} : memref<160x128xf32, #tpu.memory_space<vmem>>, vector<1x16xf32>,
      %get3A_143 = arith.index_cast %add3A_85 : i32 to index
      %get3A_144 = arith.constant 80 : index
      %get3A_145 = tpu.vector_load %arg8[%get3A_143, %get3A_144] {strides = array<i32>} : memref<160x128xf32, #tpu.memory_space<vmem>>, vector<1x16xf32>,
      %get3A_146 = vector.shape_cast %get3A_145 : vector<1x16xf32> to vector<16xf32>
      %max3A_147 = arith.constant 0.000000e+00 : f32
      %max3A_148 = vector.broadcast %max3A_147 : f32 to vector<16xf32>
      %max3A_149 = arith.maximumf %get3A_146, %max3A_148 : vector<16xf32>
      %swap3A_150 = arith.index_cast %add3A_85 : i32 to index
      %swap3A_151 = arith.constant 80 : index
      %swap3A_152 = tpu.vector_load %arg8[%swap3A_150, %swap3A_151] {strides = array<i32>} : memref<160x128xf32, #tpu.memory_space<vmem>>, vector<1x16xf32>,
      %swap3A_153 = vector.shape_cast %swap3A_152 : vector<1x16xf32> to vector<16xf32>
      %swap3A_154 = vector.shape_cast %max3A_149 : vector<16xf32> to vector<1x16xf32>
      tpu.vector_store %arg8[%swap3A_150, %swap3A_151], %swap3A_154 {strides = array<i32>} : memref<160x128xf32, #tpu.memory_space<vmem>>, vector<1x16xf32>,
      %get3A_155 = arith.index_cast %add3A_85 : i32 to index
      %get3A_156 = arith.constant 96 : index
      %get3A_157 = tpu.vector_load %arg8[%get3A_155, %get3A_156] {strides = array<i32>} : memref<160x128xf32, #tpu.memory_space<vmem>>, vector<1x16xf32>,
      %get3A_158 = vector.shape_cast %get3A_157 : vector<1x16xf32> to vector<16xf32>
      %max3A_159 = arith.constant 0.000000e+00 : f32
      %max3A_160 = vector.broadcast %max3A_159 : f32 to vector<16xf32>
      %max3A_161 = arith.maximumf %get3A_158, %max3A_160 : vector<16xf32>
      %swap3A_162 = arith.index_cast %add3A_85 : i32 to index
      %swap3A_163 = arith.constant 96 : index
      %swap3A_164 = tpu.vector_load %arg8[%swap3A_162, %swap3A_163] {strides = array<i32>} : memref<160x128xf32, #tpu.memory_space<vmem>>, vector<1x16xf32>,
      %swap3A_165 = vector.shape_cast %swap3A_164 : vector<1x16xf32> to vector<16xf32>
      %swap3A_166 = vector.shape_cast %max3A_161 : vector<16xf32> to vector<1x16xf32>
      tpu.vector_store %arg8[%swap3A_162, %swap3A_163], %swap3A_166 {strides = array<i32>} : memref<160x128xf32, #tpu.memory_space<vmem>>, vector<1x16xf32>,
      %get3A_167 = arith.index_cast %add3A_85 : i32 to index
      %get3A_168 = arith.constant 112 : index
      %get3A_169 = tpu.vector_load %arg8[%get3A_167, %get3A_168] {strides = array<i32>} : memref<160x128xf32, #tpu.memory_space<vmem>>, vector<1x16xf32>,
      %get3A_170 = vector.shape_cast %get3A_169 : vector<1x16xf32> to vector<16xf32>
      %max3A_171 = arith.constant 0.000000e+00 : f32
      %max3A_172 = vector.broadcast %max3A_171 : f32 to vector<16xf32>
      %max3A_173 = arith.maximumf %get3A_170, %max3A_172 : vector<16xf32>
      %swap3A_174 = arith.index_cast %add3A_85 : i32 to index
      %swap3A_175 = arith.constant 112 : index
      %swap3A_176 = tpu.vector_load %arg8[%swap3A_174, %swap3A_175] {strides = array<i32>} : memref<160x128xf32, #tpu.memory_space<vmem>>, vector<1x16xf32>,
      %swap3A_177 = vector.shape_cast %swap3A_176 : vector<1x16xf32> to vector<16xf32>
      %swap3A_178 = vector.shape_cast %max3A_173 : vector<16xf32> to vector<1x16xf32>
      tpu.vector_store %arg8[%swap3A_174, %swap3A_175], %swap3A_178 {strides = array<i32>} : memref<160x128xf32, #tpu.memory_space<vmem>>, vector<1x16xf32>,
    }
    %scan3A_63 = arith.constant 160 : i32
    %dma_start3A_64 = arith.constant 0 : i32
    %dma_start3A_65 = arith.constant 0 : i32
    %dma_start3A_66 = tpu.memref_slice %arg7[%dma_start3A_64, %dma_start3A_65] : memref<10240x128xf32, #tpu.memory_space<vmem_shared>> -> memref<10240x128xf32, #tpu.memory_space<vmem_shared>>
    tpu.enqueue_indirect_dma source(%arg8 : memref<160x128xf32, #tpu.memory_space<vmem>>) target(%dma_start3A_66 : memref<10240x128xf32, #tpu.memory_space<vmem_shared>>) offsets(%arg12 : memref<160xi32, #tpu.memory_space<vmem>>) semaphore(%arg20 : memref<!tpu.dma_semaphore, #tpu.memory_space<semaphore_mem>>) {add = true}
    %dma_wait3A_67 = arith.constant 0 : i32
    %dma_wait3A_68 = arith.constant 0 : i32
    %dma_wait3A_69 = tpu.memref_slice %arg7[%dma_wait3A_67, %dma_wait3A_68] : memref<10240x128xf32, #tpu.memory_space<vmem_shared>> -> memref<10240x128xf32, #tpu.memory_space<vmem_shared>>
    tpu.wait_indirect_dma semaphore(%arg20 : memref<!tpu.dma_semaphore, #tpu.memory_space<semaphore_mem>>) src(%arg8 : memref<160x128xf32, #tpu.memory_space<vmem>>) dst(%dma_wait3A_69 : memref<10240x128xf32, #tpu.memory_space<vmem_shared>>)
    %dma_wait3A_70 = arith.constant 0 : i32
    %dma_wait3A_71 = arith.constant 0 : i32
    %dma_wait3A_72 = tpu.memref_slice %arg7[%dma_wait3A_70, %dma_wait3A_71] : memref<10240x128xf32, #tpu.memory_space<vmem_shared>> -> memref<10240x128xf32, #tpu.memory_space<vmem_shared>>
    tpu.wait_indirect_dma semaphore(%arg21 : memref<!tpu.dma_semaphore, #tpu.memory_space<semaphore_mem>>) src(%arg9 : memref<160x128xf32, #tpu.memory_space<vmem>>) dst(%dma_wait3A_72 : memref<10240x128xf32, #tpu.memory_space<vmem_shared>>)
    %barrier3A_73 = arith.constant 0 : index
    tpu.barrier barrier_id(%barrier3A_73)
    %mul3A_74 = arith.constant 640 : i32
    %mul3A_75 = arith.muli %arg1, %mul3A_74 : i32
    %mul3A_76 = arith.constant 10240 : i32
    %mul3A_77 = arith.muli %arg0, %mul3A_76 : i32
    %mul3A_78 = arith.constant 640 : i32
    %mul3A_79 = arith.muli %arg1, %mul3A_78 : i32
    %add3A_80 = arith.addi %mul3A_77, %mul3A_79 : i32
    "tpu.region"() ({
      %run_scoped3A = tpu.sem_alloc : memref<!tpu.dma_semaphore, #tpu.memory_space<semaphore_mem>>
      %dma_start3A_81 = arith.constant 0 : i32
      %dma_start3A_82 = tpu.memref_slice %arg6[%add3A_80, %dma_start3A_81] : memref<20480x128xf32, #tpu.memory_space<hbm>> -> memref<640x128xf32, #tpu.memory_space<hbm>>
      %dma_start3A_83 = arith.constant 0 : i32
      %dma_start3A_84 = tpu.memref_slice %arg7[%mul3A_75, %dma_start3A_83] : memref<10240x128xf32, #tpu.memory_space<vmem_shared>> -> memref<640x128xf32, #tpu.memory_space<vmem_shared>>
      tpu.enqueue_dma source(%dma_start3A_84 : memref<640x128xf32, #tpu.memory_space<vmem_shared>>) target(%dma_start3A_82 : memref<640x128xf32, #tpu.memory_space<hbm>>) target_semaphore(%run_scoped3A : memref<!tpu.dma_semaphore, #tpu.memory_space<semaphore_mem>>)
      %dma_wait3A_85 = arith.constant 0 : i32
      %dma_wait3A_86 = tpu.memref_slice %arg6[%add3A_80, %dma_wait3A_85] : memref<20480x128xf32, #tpu.memory_space<hbm>> -> memref<640x128xf32, #tpu.memory_space<hbm>>
      %dma_wait3A_87 = arith.constant 0 : i32
      %dma_wait3A_88 = tpu.memref_slice %arg7[%mul3A_75, %dma_wait3A_87] : memref<10240x128xf32, #tpu.memory_space<vmem_shared>> -> memref<640x128xf32, #tpu.memory_space<vmem_shared>>
      tpu.wait_dma2 semaphore(%run_scoped3A : memref<!tpu.dma_semaphore, #tpu.memory_space<semaphore_mem>>) src(%dma_wait3A_88 : memref<640x128xf32, #tpu.memory_space<vmem_shared>>) dst(%dma_wait3A_86 : memref<640x128xf32, #tpu.memory_space<hbm>>)
      tpu.yield
    }) : () -> ()
    return
  }
}

#map = affine_map<(d0, d1) -> (0, 0)>
#map1 = affine_map<(d0, d1) -> (0)>
module attributes {stable_mosaic.version = 14 : i64} {
  func.func @_sc_body(%arg0: i32, %arg1: i32, %arg2: memref<20000x128xf32, #tpu.memory_space<hbm>>, %arg3: memref<640000x128xf32, #tpu.memory_space<hbm>>, %arg4: memref<640000xi32, #tpu.memory_space<hbm>>, %arg5: memref<320000xi32, #tpu.memory_space<hbm>>, %arg6: memref<20480x128xf32, #tpu.memory_space<hbm>>, %arg7: memref<10240x128xf32, #tpu.memory_space<vmem_shared>>, %arg8: memref<160x128xf32, #tpu.memory_space<vmem>>, %arg9: memref<160x128xf32, #tpu.memory_space<vmem>>, %arg10: memref<160xi32, #tpu.memory_space<vmem>>, %arg11: memref<160xi32, #tpu.memory_space<vmem>>, %arg12: memref<160xi32, #tpu.memory_space<vmem>>, %arg13: memref<160xi32, #tpu.memory_space<vmem>>, %arg14: memref<!tpu.dma_semaphore, #tpu.memory_space<semaphore_mem>>, %arg15: memref<!tpu.dma_semaphore, #tpu.memory_space<semaphore_mem>>, %arg16: memref<!tpu.dma_semaphore, #tpu.memory_space<semaphore_mem>>, %arg17: memref<!tpu.dma_semaphore, #tpu.memory_space<semaphore_mem>>, %arg18: memref<!tpu.dma_semaphore, #tpu.memory_space<semaphore_mem>>, %arg19: memref<!tpu.dma_semaphore, #tpu.memory_space<semaphore_mem>>, %arg20: memref<!tpu.dma_semaphore, #tpu.memory_space<semaphore_mem>>, %arg21: memref<!tpu.dma_semaphore, #tpu.memory_space<semaphore_mem>>) attributes {dimension_semantics = [#tpu.dimension_semantics<core_parallel>, #tpu.dimension_semantics<subcore_parallel>], iteration_bounds = array<i64: 2, 16>, scalar_prefetch = 0 : i64, scratch_operands = 15 : i64, tpu.core_type = #tpu.core_type<sc_vector_subcore>, window_params = [{transform_indices = #map}, {transform_indices = #map}, {transform_indices = #map1}, {transform_indices = #map1}, {transform_indices = #map}]} {
    %mul3A = arith.constant 20000 : i32
    %mul3A_0 = arith.muli %arg1, %mul3A : i32
    %add3A = arith.constant 0 : i32
    %add3A_1 = arith.addi %mul3A_0, %add3A : i32
    %mul3A_2 = arith.constant 320000 : i32
    %mul3A_3 = arith.muli %arg0, %mul3A_2 : i32
    %add3A_4 = arith.addi %mul3A_3, %add3A_1 : i32
    %dma_start3A = tpu.memref_slice %arg4[%add3A_4] : memref<640000xi32, #tpu.memory_space<hbm>> -> memref<160xi32, #tpu.memory_space<hbm>>
    %dma_start3A_5 = tpu.memref_slice %arg4[%add3A_4] : memref<640000xi32, #tpu.memory_space<hbm>> -> memref<160xi32, #tpu.memory_space<hbm>>
    tpu.enqueue_dma source(%dma_start3A_5 : memref<160xi32, #tpu.memory_space<hbm>>) target(%arg10 : memref<160xi32, #tpu.memory_space<vmem>>) target_semaphore(%arg14 : memref<!tpu.dma_semaphore, #tpu.memory_space<semaphore_mem>>)
    %dma_start3A_6 = tpu.memref_slice %arg5[%add3A_1] : memref<320000xi32, #tpu.memory_space<hbm>> -> memref<160xi32, #tpu.memory_space<hbm>>
    %dma_start3A_7 = tpu.memref_slice %arg5[%add3A_1] : memref<320000xi32, #tpu.memory_space<hbm>> -> memref<160xi32, #tpu.memory_space<hbm>>
    tpu.enqueue_dma source(%dma_start3A_7 : memref<160xi32, #tpu.memory_space<hbm>>) target(%arg12 : memref<160xi32, #tpu.memory_space<vmem>>) target_semaphore(%arg14 : memref<!tpu.dma_semaphore, #tpu.memory_space<semaphore_mem>>)
    %mul3A_8 = arith.constant 320000 : i32
    %mul3A_9 = arith.muli %arg0, %mul3A_8 : i32
    %add3A_10 = arith.addi %mul3A_9, %add3A_1 : i32
    %dma_start3A_11 = arith.constant 0 : i32
    %dma_start3A_12 = tpu.memref_slice %arg3[%add3A_10, %dma_start3A_11] : memref<640000x128xf32, #tpu.memory_space<hbm>> -> memref<160x128xf32, #tpu.memory_space<hbm>>
    %dma_start3A_13 = arith.constant 0 : i32
    %dma_start3A_14 = tpu.memref_slice %arg3[%add3A_10, %dma_start3A_13] : memref<640000x128xf32, #tpu.memory_space<hbm>> -> memref<160x128xf32, #tpu.memory_space<hbm>>
    tpu.enqueue_dma source(%dma_start3A_14 : memref<160x128xf32, #tpu.memory_space<hbm>>) target(%arg8 : memref<160x128xf32, #tpu.memory_space<vmem>>) target_semaphore(%arg16 : memref<!tpu.dma_semaphore, #tpu.memory_space<semaphore_mem>>)
    %scan3A = arith.constant 0 : i32
    %scan3A_15 = arith.constant 160 : i32
    %scan3A_16 = arith.addi %scan3A, %scan3A_15 : i32
    %scan3A_17 = arith.constant 1 : i32
    scf.for %scan3A_81 = %scan3A to %scan3A_16 step %scan3A_17  : i32 {
      %mul3A_82 = arith.constant 1 : i32
      %mul3A_83 = arith.muli %scan3A_81, %mul3A_82 : i32
      %add3A_84 = arith.constant 0 : i32
      %add3A_85 = arith.addi %add3A_84, %mul3A_83 : i32
      %broadcast_in_dim3A = arith.constant 0.000000e+00 : f32
      %broadcast_in_dim3A_86 = vector.broadcast %broadcast_in_dim3A : f32 to vector<16xf32>
      %swap3A = arith.index_cast %add3A_85 : i32 to index
      %swap3A_87 = arith.constant 0 : index
      %swap3A_88 = tpu.vector_load %arg9[%swap3A, %swap3A_87] {strides = array<i32>} : memref<160x128xf32, #tpu.memory_space<vmem>>, vector<1x16xf32>,
      %swap3A_89 = vector.shape_cast %swap3A_88 : vector<1x16xf32> to vector<16xf32>
      %swap3A_90 = vector.shape_cast %broadcast_in_dim3A_86 : vector<16xf32> to vector<1x16xf32>
      tpu.vector_store %arg9[%swap3A, %swap3A_87], %swap3A_90 {strides = array<i32>} : memref<160x128xf32, #tpu.memory_space<vmem>>, vector<1x16xf32>,
      %broadcast_in_dim3A_91 = arith.constant 0.000000e+00 : f32
      %broadcast_in_dim3A_92 = vector.broadcast %broadcast_in_dim3A_91 : f32 to vector<16xf32>
      %swap3A_93 = arith.index_cast %add3A_85 : i32 to index
      %swap3A_94 = arith.constant 16 : index
      %swap3A_95 = tpu.vector_load %arg9[%swap3A_93, %swap3A_94] {strides = array<i32>} : memref<160x128xf32, #tpu.memory_space<vmem>>, vector<1x16xf32>,
      %swap3A_96 = vector.shape_cast %swap3A_95 : vector<1x16xf32> to vector<16xf32>
      %swap3A_97 = vector.shape_cast %broadcast_in_dim3A_92 : vector<16xf32> to vector<1x16xf32>
      tpu.vector_store %arg9[%swap3A_93, %swap3A_94], %swap3A_97 {strides = array<i32>} : memref<160x128xf32, #tpu.memory_space<vmem>>, vector<1x16xf32>,
      %broadcast_in_dim3A_98 = arith.constant 0.000000e+00 : f32
      %broadcast_in_dim3A_99 = vector.broadcast %broadcast_in_dim3A_98 : f32 to vector<16xf32>
      %swap3A_100 = arith.index_cast %add3A_85 : i32 to index
      %swap3A_101 = arith.constant 32 : index
      %swap3A_102 = tpu.vector_load %arg9[%swap3A_100, %swap3A_101] {strides = array<i32>} : memref<160x128xf32, #tpu.memory_space<vmem>>, vector<1x16xf32>,
      %swap3A_103 = vector.shape_cast %swap3A_102 : vector<1x16xf32> to vector<16xf32>
      %swap3A_104 = vector.shape_cast %broadcast_in_dim3A_99 : vector<16xf32> to vector<1x16xf32>
      tpu.vector_store %arg9[%swap3A_100, %swap3A_101], %swap3A_104 {strides = array<i32>} : memref<160x128xf32, #tpu.memory_space<vmem>>, vector<1x16xf32>,
      %broadcast_in_dim3A_105 = arith.constant 0.000000e+00 : f32
      %broadcast_in_dim3A_106 = vector.broadcast %broadcast_in_dim3A_105 : f32 to vector<16xf32>
      %swap3A_107 = arith.index_cast %add3A_85 : i32 to index
      %swap3A_108 = arith.constant 48 : index
      %swap3A_109 = tpu.vector_load %arg9[%swap3A_107, %swap3A_108] {strides = array<i32>} : memref<160x128xf32, #tpu.memory_space<vmem>>, vector<1x16xf32>,
      %swap3A_110 = vector.shape_cast %swap3A_109 : vector<1x16xf32> to vector<16xf32>
      %swap3A_111 = vector.shape_cast %broadcast_in_dim3A_106 : vector<16xf32> to vector<1x16xf32>
      tpu.vector_store %arg9[%swap3A_107, %swap3A_108], %swap3A_111 {strides = array<i32>} : memref<160x128xf32, #tpu.memory_space<vmem>>, vector<1x16xf32>,
      %broadcast_in_dim3A_112 = arith.constant 0.000000e+00 : f32
      %broadcast_in_dim3A_113 = vector.broadcast %broadcast_in_dim3A_112 : f32 to vector<16xf32>
      %swap3A_114 = arith.index_cast %add3A_85 : i32 to index
      %swap3A_115 = arith.constant 64 : index
      %swap3A_116 = tpu.vector_load %arg9[%swap3A_114, %swap3A_115] {strides = array<i32>} : memref<160x128xf32, #tpu.memory_space<vmem>>, vector<1x16xf32>,
      %swap3A_117 = vector.shape_cast %swap3A_116 : vector<1x16xf32> to vector<16xf32>
      %swap3A_118 = vector.shape_cast %broadcast_in_dim3A_113 : vector<16xf32> to vector<1x16xf32>
      tpu.vector_store %arg9[%swap3A_114, %swap3A_115], %swap3A_118 {strides = array<i32>} : memref<160x128xf32, #tpu.memory_space<vmem>>, vector<1x16xf32>,
      %broadcast_in_dim3A_119 = arith.constant 0.000000e+00 : f32
      %broadcast_in_dim3A_120 = vector.broadcast %broadcast_in_dim3A_119 : f32 to vector<16xf32>
      %swap3A_121 = arith.index_cast %add3A_85 : i32 to index
      %swap3A_122 = arith.constant 80 : index
      %swap3A_123 = tpu.vector_load %arg9[%swap3A_121, %swap3A_122] {strides = array<i32>} : memref<160x128xf32, #tpu.memory_space<vmem>>, vector<1x16xf32>,
      %swap3A_124 = vector.shape_cast %swap3A_123 : vector<1x16xf32> to vector<16xf32>
      %swap3A_125 = vector.shape_cast %broadcast_in_dim3A_120 : vector<16xf32> to vector<1x16xf32>
      tpu.vector_store %arg9[%swap3A_121, %swap3A_122], %swap3A_125 {strides = array<i32>} : memref<160x128xf32, #tpu.memory_space<vmem>>, vector<1x16xf32>,
      %broadcast_in_dim3A_126 = arith.constant 0.000000e+00 : f32
      %broadcast_in_dim3A_127 = vector.broadcast %broadcast_in_dim3A_126 : f32 to vector<16xf32>
      %swap3A_128 = arith.index_cast %add3A_85 : i32 to index
      %swap3A_129 = arith.constant 96 : index
      %swap3A_130 = tpu.vector_load %arg9[%swap3A_128, %swap3A_129] {strides = array<i32>} : memref<160x128xf32, #tpu.memory_space<vmem>>, vector<1x16xf32>,
      %swap3A_131 = vector.shape_cast %swap3A_130 : vector<1x16xf32> to vector<16xf32>
      %swap3A_132 = vector.shape_cast %broadcast_in_dim3A_127 : vector<16xf32> to vector<1x16xf32>
      tpu.vector_store %arg9[%swap3A_128, %swap3A_129], %swap3A_132 {strides = array<i32>} : memref<160x128xf32, #tpu.memory_space<vmem>>, vector<1x16xf32>,
      %broadcast_in_dim3A_133 = arith.constant 0.000000e+00 : f32
      %broadcast_in_dim3A_134 = vector.broadcast %broadcast_in_dim3A_133 : f32 to vector<16xf32>
      %swap3A_135 = arith.index_cast %add3A_85 : i32 to index
      %swap3A_136 = arith.constant 112 : index
      %swap3A_137 = tpu.vector_load %arg9[%swap3A_135, %swap3A_136] {strides = array<i32>} : memref<160x128xf32, #tpu.memory_space<vmem>>, vector<1x16xf32>,
      %swap3A_138 = vector.shape_cast %swap3A_137 : vector<1x16xf32> to vector<16xf32>
      %swap3A_139 = vector.shape_cast %broadcast_in_dim3A_134 : vector<16xf32> to vector<1x16xf32>
      tpu.vector_store %arg9[%swap3A_135, %swap3A_136], %swap3A_139 {strides = array<i32>} : memref<160x128xf32, #tpu.memory_space<vmem>>, vector<1x16xf32>,
    }
    %scan3A_18 = arith.constant 160 : i32
    %mul3A_19 = arith.constant 640 : i32
    %mul3A_20 = arith.muli %arg1, %mul3A_19 : i32
    %add3A_21 = arith.constant 0 : i32
    %add3A_22 = arith.addi %mul3A_20, %add3A_21 : i32
    "tpu.region"() ({
      %run_scoped3A = tpu.sem_alloc : memref<!tpu.dma_semaphore, #tpu.memory_space<semaphore_mem>>
      %dma_start3A_81 = arith.constant 0 : i32
      %dma_start3A_82 = arith.constant 0 : i32
      %dma_start3A_83 = tpu.memref_slice %arg9[%dma_start3A_81, %dma_start3A_82] : memref<160x128xf32, #tpu.memory_space<vmem>> -> memref<160x128xf32, #tpu.memory_space<vmem>>
      %dma_start3A_84 = arith.constant 0 : i32
      %dma_start3A_85 = tpu.memref_slice %arg7[%add3A_22, %dma_start3A_84] : memref<10240x128xf32, #tpu.memory_space<vmem_shared>> -> memref<160x128xf32, #tpu.memory_space<vmem_shared>>
      %dma_start3A_86 = arith.constant 0 : i32
      %dma_start3A_87 = tpu.memref_slice %arg7[%add3A_22, %dma_start3A_86] : memref<10240x128xf32, #tpu.memory_space<vmem_shared>> -> memref<160x128xf32, #tpu.memory_space<vmem_shared>>
      %dma_start3A_88 = arith.constant 0 : i32
      %dma_start3A_89 = arith.constant 0 : i32
      %dma_start3A_90 = tpu.memref_slice %arg9[%dma_start3A_88, %dma_start3A_89] : memref<160x128xf32, #tpu.memory_space<vmem>> -> memref<160x128xf32, #tpu.memory_space<vmem>>
      tpu.enqueue_dma source(%dma_start3A_90 : memref<160x128xf32, #tpu.memory_space<vmem>>) target(%dma_start3A_87 : memref<160x128xf32, #tpu.memory_space<vmem_shared>>) target_semaphore(%run_scoped3A : memref<!tpu.dma_semaphore, #tpu.memory_space<semaphore_mem>>)
      %dma_wait3A_91 = arith.constant 0 : i32
      %dma_wait3A_92 = arith.constant 0 : i32
      %dma_wait3A_93 = tpu.memref_slice %arg9[%dma_wait3A_91, %dma_wait3A_92] : memref<160x128xf32, #tpu.memory_space<vmem>> -> memref<160x128xf32, #tpu.memory_space<vmem>>
      %dma_wait3A_94 = arith.constant 0 : i32
      %dma_wait3A_95 = tpu.memref_slice %arg7[%add3A_22, %dma_wait3A_94] : memref<10240x128xf32, #tpu.memory_space<vmem_shared>> -> memref<160x128xf32, #tpu.memory_space<vmem_shared>>
      %dma_wait3A_96 = arith.constant 0 : i32
      %dma_wait3A_97 = tpu.memref_slice %arg7[%add3A_22, %dma_wait3A_96] : memref<10240x128xf32, #tpu.memory_space<vmem_shared>> -> memref<160x128xf32, #tpu.memory_space<vmem_shared>>
      %dma_wait3A_98 = arith.constant 0 : i32
      %dma_wait3A_99 = arith.constant 0 : i32
      %dma_wait3A_100 = tpu.memref_slice %arg9[%dma_wait3A_98, %dma_wait3A_99] : memref<160x128xf32, #tpu.memory_space<vmem>> -> memref<160x128xf32, #tpu.memory_space<vmem>>
      tpu.wait_dma2 semaphore(%run_scoped3A : memref<!tpu.dma_semaphore, #tpu.memory_space<semaphore_mem>>) src(%dma_wait3A_100 : memref<160x128xf32, #tpu.memory_space<vmem>>) dst(%dma_wait3A_97 : memref<160x128xf32, #tpu.memory_space<vmem_shared>>)
      tpu.yield
    }) : () -> ()
    %mul3A_23 = arith.constant 640 : i32
    %mul3A_24 = arith.muli %arg1, %mul3A_23 : i32
    %add3A_25 = arith.constant 160 : i32
    %add3A_26 = arith.addi %mul3A_24, %add3A_25 : i32
    "tpu.region"() ({
      %run_scoped3A = tpu.sem_alloc : memref<!tpu.dma_semaphore, #tpu.memory_space<semaphore_mem>>
      %dma_start3A_81 = arith.constant 0 : i32
      %dma_start3A_82 = arith.constant 0 : i32
      %dma_start3A_83 = tpu.memref_slice %arg9[%dma_start3A_81, %dma_start3A_82] : memref<160x128xf32, #tpu.memory_space<vmem>> -> memref<160x128xf32, #tpu.memory_space<vmem>>
      %dma_start3A_84 = arith.constant 0 : i32
      %dma_start3A_85 = tpu.memref_slice %arg7[%add3A_26, %dma_start3A_84] : memref<10240x128xf32, #tpu.memory_space<vmem_shared>> -> memref<160x128xf32, #tpu.memory_space<vmem_shared>>
      %dma_start3A_86 = arith.constant 0 : i32
      %dma_start3A_87 = tpu.memref_slice %arg7[%add3A_26, %dma_start3A_86] : memref<10240x128xf32, #tpu.memory_space<vmem_shared>> -> memref<160x128xf32, #tpu.memory_space<vmem_shared>>
      %dma_start3A_88 = arith.constant 0 : i32
      %dma_start3A_89 = arith.constant 0 : i32
      %dma_start3A_90 = tpu.memref_slice %arg9[%dma_start3A_88, %dma_start3A_89] : memref<160x128xf32, #tpu.memory_space<vmem>> -> memref<160x128xf32, #tpu.memory_space<vmem>>
      tpu.enqueue_dma source(%dma_start3A_90 : memref<160x128xf32, #tpu.memory_space<vmem>>) target(%dma_start3A_87 : memref<160x128xf32, #tpu.memory_space<vmem_shared>>) target_semaphore(%run_scoped3A : memref<!tpu.dma_semaphore, #tpu.memory_space<semaphore_mem>>)
      %dma_wait3A_91 = arith.constant 0 : i32
      %dma_wait3A_92 = arith.constant 0 : i32
      %dma_wait3A_93 = tpu.memref_slice %arg9[%dma_wait3A_91, %dma_wait3A_92] : memref<160x128xf32, #tpu.memory_space<vmem>> -> memref<160x128xf32, #tpu.memory_space<vmem>>
      %dma_wait3A_94 = arith.constant 0 : i32
      %dma_wait3A_95 = tpu.memref_slice %arg7[%add3A_26, %dma_wait3A_94] : memref<10240x128xf32, #tpu.memory_space<vmem_shared>> -> memref<160x128xf32, #tpu.memory_space<vmem_shared>>
      %dma_wait3A_96 = arith.constant 0 : i32
      %dma_wait3A_97 = tpu.memref_slice %arg7[%add3A_26, %dma_wait3A_96] : memref<10240x128xf32, #tpu.memory_space<vmem_shared>> -> memref<160x128xf32, #tpu.memory_space<vmem_shared>>
      %dma_wait3A_98 = arith.constant 0 : i32
      %dma_wait3A_99 = arith.constant 0 : i32
      %dma_wait3A_100 = tpu.memref_slice %arg9[%dma_wait3A_98, %dma_wait3A_99] : memref<160x128xf32, #tpu.memory_space<vmem>> -> memref<160x128xf32, #tpu.memory_space<vmem>>
      tpu.wait_dma2 semaphore(%run_scoped3A : memref<!tpu.dma_semaphore, #tpu.memory_space<semaphore_mem>>) src(%dma_wait3A_100 : memref<160x128xf32, #tpu.memory_space<vmem>>) dst(%dma_wait3A_97 : memref<160x128xf32, #tpu.memory_space<vmem_shared>>)
      tpu.yield
    }) : () -> ()
    %mul3A_27 = arith.constant 640 : i32
    %mul3A_28 = arith.muli %arg1, %mul3A_27 : i32
    %add3A_29 = arith.constant 320 : i32
    %add3A_30 = arith.addi %mul3A_28, %add3A_29 : i32
    "tpu.region"() ({
      %run_scoped3A = tpu.sem_alloc : memref<!tpu.dma_semaphore, #tpu.memory_space<semaphore_mem>>
      %dma_start3A_81 = arith.constant 0 : i32
      %dma_start3A_82 = arith.constant 0 : i32
      %dma_start3A_83 = tpu.memref_slice %arg9[%dma_start3A_81, %dma_start3A_82] : memref<160x128xf32, #tpu.memory_space<vmem>> -> memref<160x128xf32, #tpu.memory_space<vmem>>
      %dma_start3A_84 = arith.constant 0 : i32
      %dma_start3A_85 = tpu.memref_slice %arg7[%add3A_30, %dma_start3A_84] : memref<10240x128xf32, #tpu.memory_space<vmem_shared>> -> memref<160x128xf32, #tpu.memory_space<vmem_shared>>
      %dma_start3A_86 = arith.constant 0 : i32
      %dma_start3A_87 = tpu.memref_slice %arg7[%add3A_30, %dma_start3A_86] : memref<10240x128xf32, #tpu.memory_space<vmem_shared>> -> memref<160x128xf32, #tpu.memory_space<vmem_shared>>
      %dma_start3A_88 = arith.constant 0 : i32
      %dma_start3A_89 = arith.constant 0 : i32
      %dma_start3A_90 = tpu.memref_slice %arg9[%dma_start3A_88, %dma_start3A_89] : memref<160x128xf32, #tpu.memory_space<vmem>> -> memref<160x128xf32, #tpu.memory_space<vmem>>
      tpu.enqueue_dma source(%dma_start3A_90 : memref<160x128xf32, #tpu.memory_space<vmem>>) target(%dma_start3A_87 : memref<160x128xf32, #tpu.memory_space<vmem_shared>>) target_semaphore(%run_scoped3A : memref<!tpu.dma_semaphore, #tpu.memory_space<semaphore_mem>>)
      %dma_wait3A_91 = arith.constant 0 : i32
      %dma_wait3A_92 = arith.constant 0 : i32
      %dma_wait3A_93 = tpu.memref_slice %arg9[%dma_wait3A_91, %dma_wait3A_92] : memref<160x128xf32, #tpu.memory_space<vmem>> -> memref<160x128xf32, #tpu.memory_space<vmem>>
      %dma_wait3A_94 = arith.constant 0 : i32
      %dma_wait3A_95 = tpu.memref_slice %arg7[%add3A_30, %dma_wait3A_94] : memref<10240x128xf32, #tpu.memory_space<vmem_shared>> -> memref<160x128xf32, #tpu.memory_space<vmem_shared>>
      %dma_wait3A_96 = arith.constant 0 : i32
      %dma_wait3A_97 = tpu.memref_slice %arg7[%add3A_30, %dma_wait3A_96] : memref<10240x128xf32, #tpu.memory_space<vmem_shared>> -> memref<160x128xf32, #tpu.memory_space<vmem_shared>>
      %dma_wait3A_98 = arith.constant 0 : i32
      %dma_wait3A_99 = arith.constant 0 : i32
      %dma_wait3A_100 = tpu.memref_slice %arg9[%dma_wait3A_98, %dma_wait3A_99] : memref<160x128xf32, #tpu.memory_space<vmem>> -> memref<160x128xf32, #tpu.memory_space<vmem>>
      tpu.wait_dma2 semaphore(%run_scoped3A : memref<!tpu.dma_semaphore, #tpu.memory_space<semaphore_mem>>) src(%dma_wait3A_100 : memref<160x128xf32, #tpu.memory_space<vmem>>) dst(%dma_wait3A_97 : memref<160x128xf32, #tpu.memory_space<vmem_shared>>)
      tpu.yield
    }) : () -> ()
    %mul3A_31 = arith.constant 640 : i32
    %mul3A_32 = arith.muli %arg1, %mul3A_31 : i32
    %add3A_33 = arith.constant 480 : i32
    %add3A_34 = arith.addi %mul3A_32, %add3A_33 : i32
    "tpu.region"() ({
      %run_scoped3A = tpu.sem_alloc : memref<!tpu.dma_semaphore, #tpu.memory_space<semaphore_mem>>
      %dma_start3A_81 = arith.constant 0 : i32
      %dma_start3A_82 = arith.constant 0 : i32
      %dma_start3A_83 = tpu.memref_slice %arg9[%dma_start3A_81, %dma_start3A_82] : memref<160x128xf32, #tpu.memory_space<vmem>> -> memref<160x128xf32, #tpu.memory_space<vmem>>
      %dma_start3A_84 = arith.constant 0 : i32
      %dma_start3A_85 = tpu.memref_slice %arg7[%add3A_34, %dma_start3A_84] : memref<10240x128xf32, #tpu.memory_space<vmem_shared>> -> memref<160x128xf32, #tpu.memory_space<vmem_shared>>
      %dma_start3A_86 = arith.constant 0 : i32
      %dma_start3A_87 = tpu.memref_slice %arg7[%add3A_34, %dma_start3A_86] : memref<10240x128xf32, #tpu.memory_space<vmem_shared>> -> memref<160x128xf32, #tpu.memory_space<vmem_shared>>
      %dma_start3A_88 = arith.constant 0 : i32
      %dma_start3A_89 = arith.constant 0 : i32
      %dma_start3A_90 = tpu.memref_slice %arg9[%dma_start3A_88, %dma_start3A_89] : memref<160x128xf32, #tpu.memory_space<vmem>> -> memref<160x128xf32, #tpu.memory_space<vmem>>
      tpu.enqueue_dma source(%dma_start3A_90 : memref<160x128xf32, #tpu.memory_space<vmem>>) target(%dma_start3A_87 : memref<160x128xf32, #tpu.memory_space<vmem_shared>>) target_semaphore(%run_scoped3A : memref<!tpu.dma_semaphore, #tpu.memory_space<semaphore_mem>>)
      %dma_wait3A_91 = arith.constant 0 : i32
      %dma_wait3A_92 = arith.constant 0 : i32
      %dma_wait3A_93 = tpu.memref_slice %arg9[%dma_wait3A_91, %dma_wait3A_92] : memref<160x128xf32, #tpu.memory_space<vmem>> -> memref<160x128xf32, #tpu.memory_space<vmem>>
      %dma_wait3A_94 = arith.constant 0 : i32
      %dma_wait3A_95 = tpu.memref_slice %arg7[%add3A_34, %dma_wait3A_94] : memref<10240x128xf32, #tpu.memory_space<vmem_shared>> -> memref<160x128xf32, #tpu.memory_space<vmem_shared>>
      %dma_wait3A_96 = arith.constant 0 : i32
      %dma_wait3A_97 = tpu.memref_slice %arg7[%add3A_34, %dma_wait3A_96] : memref<10240x128xf32, #tpu.memory_space<vmem_shared>> -> memref<160x128xf32, #tpu.memory_space<vmem_shared>>
      %dma_wait3A_98 = arith.constant 0 : i32
      %dma_wait3A_99 = arith.constant 0 : i32
      %dma_wait3A_100 = tpu.memref_slice %arg9[%dma_wait3A_98, %dma_wait3A_99] : memref<160x128xf32, #tpu.memory_space<vmem>> -> memref<160x128xf32, #tpu.memory_space<vmem>>
      tpu.wait_dma2 semaphore(%run_scoped3A : memref<!tpu.dma_semaphore, #tpu.memory_space<semaphore_mem>>) src(%dma_wait3A_100 : memref<160x128xf32, #tpu.memory_space<vmem>>) dst(%dma_wait3A_97 : memref<160x128xf32, #tpu.memory_space<vmem_shared>>)
      tpu.yield
    }) : () -> ()
    %barrier3A = arith.constant 0 : index
    tpu.barrier barrier_id(%barrier3A)
    %dma_wait3A = arith.constant 0 : i32
    %dma_wait3A_35 = tpu.memref_slice %arg4[%dma_wait3A] : memref<640000xi32, #tpu.memory_space<hbm>> -> memref<160xi32, #tpu.memory_space<hbm>>
    %dma_wait3A_36 = arith.constant 0 : i32
    %dma_wait3A_37 = tpu.memref_slice %arg4[%dma_wait3A_36] : memref<640000xi32, #tpu.memory_space<hbm>> -> memref<160xi32, #tpu.memory_space<hbm>>
    tpu.wait_dma2 semaphore(%arg14 : memref<!tpu.dma_semaphore, #tpu.memory_space<semaphore_mem>>) src(%dma_wait3A_37 : memref<160xi32, #tpu.memory_space<hbm>>) dst(%arg10 : memref<160xi32, #tpu.memory_space<vmem>>)
    %dma_wait3A_38 = arith.constant 0 : i32
    %dma_wait3A_39 = tpu.memref_slice %arg5[%dma_wait3A_38] : memref<320000xi32, #tpu.memory_space<hbm>> -> memref<160xi32, #tpu.memory_space<hbm>>
    %dma_wait3A_40 = arith.constant 0 : i32
    %dma_wait3A_41 = tpu.memref_slice %arg5[%dma_wait3A_40] : memref<320000xi32, #tpu.memory_space<hbm>> -> memref<160xi32, #tpu.memory_space<hbm>>
    tpu.wait_dma2 semaphore(%arg14 : memref<!tpu.dma_semaphore, #tpu.memory_space<semaphore_mem>>) src(%dma_wait3A_41 : memref<160xi32, #tpu.memory_space<hbm>>) dst(%arg12 : memref<160xi32, #tpu.memory_space<vmem>>)
    %dma_wait3A_42 = arith.constant 0 : i32
    %dma_wait3A_43 = arith.constant 0 : i32
    %dma_wait3A_44 = tpu.memref_slice %arg3[%dma_wait3A_42, %dma_wait3A_43] : memref<640000x128xf32, #tpu.memory_space<hbm>> -> memref<160x128xf32, #tpu.memory_space<hbm>>
    %dma_wait3A_45 = arith.constant 0 : i32
    %dma_wait3A_46 = arith.constant 0 : i32
    %dma_wait3A_47 = tpu.memref_slice %arg3[%dma_wait3A_45, %dma_wait3A_46] : memref<640000x128xf32, #tpu.memory_space<hbm>> -> memref<160x128xf32, #tpu.memory_space<hbm>>
    tpu.wait_dma2 semaphore(%arg16 : memref<!tpu.dma_semaphore, #tpu.memory_space<semaphore_mem>>) src(%dma_wait3A_47 : memref<160x128xf32, #tpu.memory_space<hbm>>) dst(%arg8 : memref<160x128xf32, #tpu.memory_space<vmem>>)
    %dma_start3A_48 = arith.constant 0 : i32
    %dma_start3A_49 = arith.constant 0 : i32
    %dma_start3A_50 = tpu.memref_slice %arg2[%dma_start3A_48, %dma_start3A_49] : memref<20000x128xf32, #tpu.memory_space<hbm>> -> memref<20000x128xf32, #tpu.memory_space<hbm>>
    tpu.enqueue_indirect_dma source(%dma_start3A_50 : memref<20000x128xf32, #tpu.memory_space<hbm>>) target(%arg8 : memref<160x128xf32, #tpu.memory_space<vmem>>) offsets(%arg10 : memref<160xi32, #tpu.memory_space<vmem>>) semaphore(%arg18 : memref<!tpu.dma_semaphore, #tpu.memory_space<semaphore_mem>>) {add = true}
    %scan3A_51 = arith.constant 0 : i32
    %scan3A_52 = arith.constant 62 : i32
    %scan3A_53 = arith.addi %scan3A_51, %scan3A_52 : i32
    %scan3A_54 = arith.constant 1 : i32
    scf.for %scan3A_81 = %scan3A_51 to %scan3A_53 step %scan3A_54  : i32 {
      %mul3A_82 = arith.constant 1 : i32
      %mul3A_83 = arith.muli %scan3A_81, %mul3A_82 : i32
      %add3A_84 = arith.constant 0 : i32
      %add3A_85 = arith.addi %add3A_84, %mul3A_83 : i32
      %mul3A_86 = arith.constant 2 : i32
      %mul3A_87 = arith.muli %mul3A_86, %add3A_85 : i32
      %add3A_88 = arith.constant 1 : i32
      %add3A_89 = arith.addi %mul3A_87, %add3A_88 : i32
      %gt3A = arith.constant 0 : i32
      %gt3A_90 = arith.cmpi sgt, %add3A_85, %gt3A : i32
      %convert_element_type3A = arith.extui %gt3A_90 : i1 to i32
      %cond3A = arith.constant 0 : i32
      %cond3A_91 = arith.cmpi ne, %convert_element_type3A, %cond3A : i32
      scf.if %cond3A_91 {
        %dma_wait3A_187 = arith.constant 0 : i32
        %dma_wait3A_188 = arith.constant 0 : i32
        %dma_wait3A_189 = tpu.memref_slice %arg7[%dma_wait3A_187, %dma_wait3A_188] : memref<10240x128xf32, #tpu.memory_space<vmem_shared>> -> memref<10240x128xf32, #tpu.memory_space<vmem_shared>>
        tpu.wait_indirect_dma semaphore(%arg21 : memref<!tpu.dma_semaphore, #tpu.memory_space<semaphore_mem>>) src(%arg9 : memref<160x128xf32, #tpu.memory_space<vmem>>) dst(%dma_wait3A_189 : memref<10240x128xf32, #tpu.memory_space<vmem_shared>>)
      } else {
      }
      %mul3A_92 = arith.constant 160 : i32
      %mul3A_93 = arith.muli %add3A_89, %mul3A_92 : i32
      %add3A_94 = arith.addi %mul3A_0, %mul3A_93 : i32
      %mul3A_95 = arith.constant 320000 : i32
      %mul3A_96 = arith.muli %arg0, %mul3A_95 : i32
      %add3A_97 = arith.addi %mul3A_96, %add3A_94 : i32
      %dma_start3A_98 = tpu.memref_slice %arg4[%add3A_97] : memref<640000xi32, #tpu.memory_space<hbm>> -> memref<160xi32, #tpu.memory_space<hbm>>
      %dma_start3A_99 = tpu.memref_slice %arg4[%add3A_97] : memref<640000xi32, #tpu.memory_space<hbm>> -> memref<160xi32, #tpu.memory_space<hbm>>
      tpu.enqueue_dma source(%dma_start3A_99 : memref<160xi32, #tpu.memory_space<hbm>>) target(%arg11 : memref<160xi32, #tpu.memory_space<vmem>>) target_semaphore(%arg15 : memref<!tpu.dma_semaphore, #tpu.memory_space<semaphore_mem>>)
      %dma_start3A_100 = tpu.memref_slice %arg5[%add3A_94] : memref<320000xi32, #tpu.memory_space<hbm>> -> memref<160xi32, #tpu.memory_space<hbm>>
      %dma_start3A_101 = tpu.memref_slice %arg5[%add3A_94] : memref<320000xi32, #tpu.memory_space<hbm>> -> memref<160xi32, #tpu.memory_space<hbm>>
      tpu.enqueue_dma source(%dma_start3A_101 : memref<160xi32, #tpu.memory_space<hbm>>) target(%arg13 : memref<160xi32, #tpu.memory_space<vmem>>) target_semaphore(%arg15 : memref<!tpu.dma_semaphore, #tpu.memory_space<semaphore_mem>>)
      %mul3A_102 = arith.constant 320000 : i32
      %mul3A_103 = arith.muli %arg0, %mul3A_102 : i32
      %add3A_104 = arith.addi %mul3A_103, %add3A_94 : i32
      %dma_start3A_105 = arith.constant 0 : i32
      %dma_start3A_106 = tpu.memref_slice %arg3[%add3A_104, %dma_start3A_105] : memref<640000x128xf32, #tpu.memory_space<hbm>> -> memref<160x128xf32, #tpu.memory_space<hbm>>
      %dma_start3A_107 = arith.constant 0 : i32
      %dma_start3A_108 = tpu.memref_slice %arg3[%add3A_104, %dma_start3A_107] : memref<640000x128xf32, #tpu.memory_space<hbm>> -> memref<160x128xf32, #tpu.memory_space<hbm>>
      tpu.enqueue_dma source(%dma_start3A_108 : memref<160x128xf32, #tpu.memory_space<hbm>>) target(%arg9 : memref<160x128xf32, #tpu.memory_space<vmem>>) target_semaphore(%arg17 : memref<!tpu.dma_semaphore, #tpu.memory_space<semaphore_mem>>)
      %dma_wait3A_109 = arith.constant 0 : i32
      %dma_wait3A_110 = arith.constant 0 : i32
      %dma_wait3A_111 = tpu.memref_slice %arg2[%dma_wait3A_109, %dma_wait3A_110] : memref<20000x128xf32, #tpu.memory_space<hbm>> -> memref<20000x128xf32, #tpu.memory_space<hbm>>
      tpu.wait_indirect_dma semaphore(%arg18 : memref<!tpu.dma_semaphore, #tpu.memory_space<semaphore_mem>>) src(%dma_wait3A_111 : memref<20000x128xf32, #tpu.memory_space<hbm>>) dst(%arg8 : memref<160x128xf32, #tpu.memory_space<vmem>>)
      %scan3A_112 = arith.constant 0 : i32
      %scan3A_113 = arith.constant 160 : i32
      %scan3A_114 = arith.addi %scan3A_112, %scan3A_113 : i32
      %scan3A_115 = arith.constant 1 : i32
      scf.for %scan3A_187 = %scan3A_112 to %scan3A_114 step %scan3A_115  : i32 {
        %mul3A_188 = arith.constant 1 : i32
        %mul3A_189 = arith.muli %scan3A_187, %mul3A_188 : i32
        %add3A_190 = arith.constant 0 : i32
        %add3A_191 = arith.addi %add3A_190, %mul3A_189 : i32
        %get3A = arith.index_cast %add3A_191 : i32 to index
        %get3A_192 = arith.constant 0 : index
        %get3A_193 = tpu.vector_load %arg8[%get3A, %get3A_192] {strides = array<i32>} : memref<160x128xf32, #tpu.memory_space<vmem>>, vector<1x16xf32>,
        %get3A_194 = vector.shape_cast %get3A_193 : vector<1x16xf32> to vector<16xf32>
        %max3A = arith.constant 0.000000e+00 : f32
        %max3A_195 = vector.broadcast %max3A : f32 to vector<16xf32>
        %max3A_196 = arith.maximumf %get3A_194, %max3A_195 : vector<16xf32>
        %swap3A = arith.index_cast %add3A_191 : i32 to index
        %swap3A_197 = arith.constant 0 : index
        %swap3A_198 = tpu.vector_load %arg8[%swap3A, %swap3A_197] {strides = array<i32>} : memref<160x128xf32, #tpu.memory_space<vmem>>, vector<1x16xf32>,
        %swap3A_199 = vector.shape_cast %swap3A_198 : vector<1x16xf32> to vector<16xf32>
        %swap3A_200 = vector.shape_cast %max3A_196 : vector<16xf32> to vector<1x16xf32>
        tpu.vector_store %arg8[%swap3A, %swap3A_197], %swap3A_200 {strides = array<i32>} : memref<160x128xf32, #tpu.memory_space<vmem>>, vector<1x16xf32>,
        %get3A_201 = arith.index_cast %add3A_191 : i32 to index
        %get3A_202 = arith.constant 16 : index
        %get3A_203 = tpu.vector_load %arg8[%get3A_201, %get3A_202] {strides = array<i32>} : memref<160x128xf32, #tpu.memory_space<vmem>>, vector<1x16xf32>,
        %get3A_204 = vector.shape_cast %get3A_203 : vector<1x16xf32> to vector<16xf32>
        %max3A_205 = arith.constant 0.000000e+00 : f32
        %max3A_206 = vector.broadcast %max3A_205 : f32 to vector<16xf32>
        %max3A_207 = arith.maximumf %get3A_204, %max3A_206 : vector<16xf32>
        %swap3A_208 = arith.index_cast %add3A_191 : i32 to index
        %swap3A_209 = arith.constant 16 : index
        %swap3A_210 = tpu.vector_load %arg8[%swap3A_208, %swap3A_209] {strides = array<i32>} : memref<160x128xf32, #tpu.memory_space<vmem>>, vector<1x16xf32>,
        %swap3A_211 = vector.shape_cast %swap3A_210 : vector<1x16xf32> to vector<16xf32>
        %swap3A_212 = vector.shape_cast %max3A_207 : vector<16xf32> to vector<1x16xf32>
        tpu.vector_store %arg8[%swap3A_208, %swap3A_209], %swap3A_212 {strides = array<i32>} : memref<160x128xf32, #tpu.memory_space<vmem>>, vector<1x16xf32>,
        %get3A_213 = arith.index_cast %add3A_191 : i32 to index
        %get3A_214 = arith.constant 32 : index
        %get3A_215 = tpu.vector_load %arg8[%get3A_213, %get3A_214] {strides = array<i32>} : memref<160x128xf32, #tpu.memory_space<vmem>>, vector<1x16xf32>,
        %get3A_216 = vector.shape_cast %get3A_215 : vector<1x16xf32> to vector<16xf32>
        %max3A_217 = arith.constant 0.000000e+00 : f32
        %max3A_218 = vector.broadcast %max3A_217 : f32 to vector<16xf32>
        %max3A_219 = arith.maximumf %get3A_216, %max3A_218 : vector<16xf32>
        %swap3A_220 = arith.index_cast %add3A_191 : i32 to index
        %swap3A_221 = arith.constant 32 : index
        %swap3A_222 = tpu.vector_load %arg8[%swap3A_220, %swap3A_221] {strides = array<i32>} : memref<160x128xf32, #tpu.memory_space<vmem>>, vector<1x16xf32>,
        %swap3A_223 = vector.shape_cast %swap3A_222 : vector<1x16xf32> to vector<16xf32>
        %swap3A_224 = vector.shape_cast %max3A_219 : vector<16xf32> to vector<1x16xf32>
        tpu.vector_store %arg8[%swap3A_220, %swap3A_221], %swap3A_224 {strides = array<i32>} : memref<160x128xf32, #tpu.memory_space<vmem>>, vector<1x16xf32>,
        %get3A_225 = arith.index_cast %add3A_191 : i32 to index
        %get3A_226 = arith.constant 48 : index
        %get3A_227 = tpu.vector_load %arg8[%get3A_225, %get3A_226] {strides = array<i32>} : memref<160x128xf32, #tpu.memory_space<vmem>>, vector<1x16xf32>,
        %get3A_228 = vector.shape_cast %get3A_227 : vector<1x16xf32> to vector<16xf32>
        %max3A_229 = arith.constant 0.000000e+00 : f32
        %max3A_230 = vector.broadcast %max3A_229 : f32 to vector<16xf32>
        %max3A_231 = arith.maximumf %get3A_228, %max3A_230 : vector<16xf32>
        %swap3A_232 = arith.index_cast %add3A_191 : i32 to index
        %swap3A_233 = arith.constant 48 : index
        %swap3A_234 = tpu.vector_load %arg8[%swap3A_232, %swap3A_233] {strides = array<i32>} : memref<160x128xf32, #tpu.memory_space<vmem>>, vector<1x16xf32>,
        %swap3A_235 = vector.shape_cast %swap3A_234 : vector<1x16xf32> to vector<16xf32>
        %swap3A_236 = vector.shape_cast %max3A_231 : vector<16xf32> to vector<1x16xf32>
        tpu.vector_store %arg8[%swap3A_232, %swap3A_233], %swap3A_236 {strides = array<i32>} : memref<160x128xf32, #tpu.memory_space<vmem>>, vector<1x16xf32>,
        %get3A_237 = arith.index_cast %add3A_191 : i32 to index
        %get3A_238 = arith.constant 64 : index
        %get3A_239 = tpu.vector_load %arg8[%get3A_237, %get3A_238] {strides = array<i32>} : memref<160x128xf32, #tpu.memory_space<vmem>>, vector<1x16xf32>,
        %get3A_240 = vector.shape_cast %get3A_239 : vector<1x16xf32> to vector<16xf32>
        %max3A_241 = arith.constant 0.000000e+00 : f32
        %max3A_242 = vector.broadcast %max3A_241 : f32 to vector<16xf32>
        %max3A_243 = arith.maximumf %get3A_240, %max3A_242 : vector<16xf32>
        %swap3A_244 = arith.index_cast %add3A_191 : i32 to index
        %swap3A_245 = arith.constant 64 : index
        %swap3A_246 = tpu.vector_load %arg8[%swap3A_244, %swap3A_245] {strides = array<i32>} : memref<160x128xf32, #tpu.memory_space<vmem>>, vector<1x16xf32>,
        %swap3A_247 = vector.shape_cast %swap3A_246 : vector<1x16xf32> to vector<16xf32>
        %swap3A_248 = vector.shape_cast %max3A_243 : vector<16xf32> to vector<1x16xf32>
        tpu.vector_store %arg8[%swap3A_244, %swap3A_245], %swap3A_248 {strides = array<i32>} : memref<160x128xf32, #tpu.memory_space<vmem>>, vector<1x16xf32>,
        %get3A_249 = arith.index_cast %add3A_191 : i32 to index
        %get3A_250 = arith.constant 80 : index
        %get3A_251 = tpu.vector_load %arg8[%get3A_249, %get3A_250] {strides = array<i32>} : memref<160x128xf32, #tpu.memory_space<vmem>>, vector<1x16xf32>,
        %get3A_252 = vector.shape_cast %get3A_251 : vector<1x16xf32> to vector<16xf32>
        %max3A_253 = arith.constant 0.000000e+00 : f32
        %max3A_254 = vector.broadcast %max3A_253 : f32 to vector<16xf32>
        %max3A_255 = arith.maximumf %get3A_252, %max3A_254 : vector<16xf32>
        %swap3A_256 = arith.index_cast %add3A_191 : i32 to index
        %swap3A_257 = arith.constant 80 : index
        %swap3A_258 = tpu.vector_load %arg8[%swap3A_256, %swap3A_257] {strides = array<i32>} : memref<160x128xf32, #tpu.memory_space<vmem>>, vector<1x16xf32>,
        %swap3A_259 = vector.shape_cast %swap3A_258 : vector<1x16xf32> to vector<16xf32>
        %swap3A_260 = vector.shape_cast %max3A_255 : vector<16xf32> to vector<1x16xf32>
        tpu.vector_store %arg8[%swap3A_256, %swap3A_257], %swap3A_260 {strides = array<i32>} : memref<160x128xf32, #tpu.memory_space<vmem>>, vector<1x16xf32>,
        %get3A_261 = arith.index_cast %add3A_191 : i32 to index
        %get3A_262 = arith.constant 96 : index
        %get3A_263 = tpu.vector_load %arg8[%get3A_261, %get3A_262] {strides = array<i32>} : memref<160x128xf32, #tpu.memory_space<vmem>>, vector<1x16xf32>,
        %get3A_264 = vector.shape_cast %get3A_263 : vector<1x16xf32> to vector<16xf32>
        %max3A_265 = arith.constant 0.000000e+00 : f32
        %max3A_266 = vector.broadcast %max3A_265 : f32 to vector<16xf32>
        %max3A_267 = arith.maximumf %get3A_264, %max3A_266 : vector<16xf32>
        %swap3A_268 = arith.index_cast %add3A_191 : i32 to index
        %swap3A_269 = arith.constant 96 : index
        %swap3A_270 = tpu.vector_load %arg8[%swap3A_268, %swap3A_269] {strides = array<i32>} : memref<160x128xf32, #tpu.memory_space<vmem>>, vector<1x16xf32>,
        %swap3A_271 = vector.shape_cast %swap3A_270 : vector<1x16xf32> to vector<16xf32>
        %swap3A_272 = vector.shape_cast %max3A_267 : vector<16xf32> to vector<1x16xf32>
        tpu.vector_store %arg8[%swap3A_268, %swap3A_269], %swap3A_272 {strides = array<i32>} : memref<160x128xf32, #tpu.memory_space<vmem>>, vector<1x16xf32>,
        %get3A_273 = arith.index_cast %add3A_191 : i32 to index
        %get3A_274 = arith.constant 112 : index
        %get3A_275 = tpu.vector_load %arg8[%get3A_273, %get3A_274] {strides = array<i32>} : memref<160x128xf32, #tpu.memory_space<vmem>>, vector<1x16xf32>,
        %get3A_276 = vector.shape_cast %get3A_275 : vector<1x16xf32> to vector<16xf32>
        %max3A_277 = arith.constant 0.000000e+00 : f32
        %max3A_278 = vector.broadcast %max3A_277 : f32 to vector<16xf32>
        %max3A_279 = arith.maximumf %get3A_276, %max3A_278 : vector<16xf32>
        %swap3A_280 = arith.index_cast %add3A_191 : i32 to index
        %swap3A_281 = arith.constant 112 : index
        %swap3A_282 = tpu.vector_load %arg8[%swap3A_280, %swap3A_281] {strides = array<i32>} : memref<160x128xf32, #tpu.memory_space<vmem>>, vector<1x16xf32>,
        %swap3A_283 = vector.shape_cast %swap3A_282 : vector<1x16xf32> to vector<16xf32>
        %swap3A_284 = vector.shape_cast %max3A_279 : vector<16xf32> to vector<1x16xf32>
        tpu.vector_store %arg8[%swap3A_280, %swap3A_281], %swap3A_284 {strides = array<i32>} : memref<160x128xf32, #tpu.memory_space<vmem>>, vector<1x16xf32>,
      }
      %scan3A_116 = arith.constant 160 : i32
      %dma_start3A_117 = arith.constant 0 : i32
      %dma_start3A_118 = arith.constant 0 : i32
      %dma_start3A_119 = tpu.memref_slice %arg7[%dma_start3A_117, %dma_start3A_118] : memref<10240x128xf32, #tpu.memory_space<vmem_shared>> -> memref<10240x128xf32, #tpu.memory_space<vmem_shared>>
      tpu.enqueue_indirect_dma source(%arg8 : memref<160x128xf32, #tpu.memory_space<vmem>>) target(%dma_start3A_119 : memref<10240x128xf32, #tpu.memory_space<vmem_shared>>) offsets(%arg12 : memref<160xi32, #tpu.memory_space<vmem>>) semaphore(%arg20 : memref<!tpu.dma_semaphore, #tpu.memory_space<semaphore_mem>>) {add = true}
      %dma_wait3A_120 = arith.constant 0 : i32
      %dma_wait3A_121 = tpu.memref_slice %arg4[%dma_wait3A_120] : memref<640000xi32, #tpu.memory_space<hbm>> -> memref<160xi32, #tpu.memory_space<hbm>>
      %dma_wait3A_122 = arith.constant 0 : i32
      %dma_wait3A_123 = tpu.memref_slice %arg4[%dma_wait3A_122] : memref<640000xi32, #tpu.memory_space<hbm>> -> memref<160xi32, #tpu.memory_space<hbm>>
      tpu.wait_dma2 semaphore(%arg15 : memref<!tpu.dma_semaphore, #tpu.memory_space<semaphore_mem>>) src(%dma_wait3A_123 : memref<160xi32, #tpu.memory_space<hbm>>) dst(%arg11 : memref<160xi32, #tpu.memory_space<vmem>>)
      %dma_wait3A_124 = arith.constant 0 : i32
      %dma_wait3A_125 = tpu.memref_slice %arg5[%dma_wait3A_124] : memref<320000xi32, #tpu.memory_space<hbm>> -> memref<160xi32, #tpu.memory_space<hbm>>
      %dma_wait3A_126 = arith.constant 0 : i32
      %dma_wait3A_127 = tpu.memref_slice %arg5[%dma_wait3A_126] : memref<320000xi32, #tpu.memory_space<hbm>> -> memref<160xi32, #tpu.memory_space<hbm>>
      tpu.wait_dma2 semaphore(%arg15 : memref<!tpu.dma_semaphore, #tpu.memory_space<semaphore_mem>>) src(%dma_wait3A_127 : memref<160xi32, #tpu.memory_space<hbm>>) dst(%arg13 : memref<160xi32, #tpu.memory_space<vmem>>)
      %dma_wait3A_128 = arith.constant 0 : i32
      %dma_wait3A_129 = arith.constant 0 : i32
      %dma_wait3A_130 = tpu.memref_slice %arg3[%dma_wait3A_128, %dma_wait3A_129] : memref<640000x128xf32, #tpu.memory_space<hbm>> -> memref<160x128xf32, #tpu.memory_space<hbm>>
      %dma_wait3A_131 = arith.constant 0 : i32
      %dma_wait3A_132 = arith.constant 0 : i32
      %dma_wait3A_133 = tpu.memref_slice %arg3[%dma_wait3A_131, %dma_wait3A_132] : memref<640000x128xf32, #tpu.memory_space<hbm>> -> memref<160x128xf32, #tpu.memory_space<hbm>>
      tpu.wait_dma2 semaphore(%arg17 : memref<!tpu.dma_semaphore, #tpu.memory_space<semaphore_mem>>) src(%dma_wait3A_133 : memref<160x128xf32, #tpu.memory_space<hbm>>) dst(%arg9 : memref<160x128xf32, #tpu.memory_space<vmem>>)
      %dma_start3A_134 = arith.constant 0 : i32
      %dma_start3A_135 = arith.constant 0 : i32
      %dma_start3A_136 = tpu.memref_slice %arg2[%dma_start3A_134, %dma_start3A_135] : memref<20000x128xf32, #tpu.memory_space<hbm>> -> memref<20000x128xf32, #tpu.memory_space<hbm>>
      tpu.enqueue_indirect_dma source(%dma_start3A_136 : memref<20000x128xf32, #tpu.memory_space<hbm>>) target(%arg9 : memref<160x128xf32, #tpu.memory_space<vmem>>) offsets(%arg11 : memref<160xi32, #tpu.memory_space<vmem>>) semaphore(%arg19 : memref<!tpu.dma_semaphore, #tpu.memory_space<semaphore_mem>>) {add = true}
      %dma_wait3A_137 = arith.constant 0 : i32
      %dma_wait3A_138 = arith.constant 0 : i32
      %dma_wait3A_139 = tpu.memref_slice %arg7[%dma_wait3A_137, %dma_wait3A_138] : memref<10240x128xf32, #tpu.memory_space<vmem_shared>> -> memref<10240x128xf32, #tpu.memory_space<vmem_shared>>
      tpu.wait_indirect_dma semaphore(%arg20 : memref<!tpu.dma_semaphore, #tpu.memory_space<semaphore_mem>>) src(%arg8 : memref<160x128xf32, #tpu.memory_space<vmem>>) dst(%dma_wait3A_139 : memref<10240x128xf32, #tpu.memory_space<vmem_shared>>)
      %add3A_140 = arith.constant 1 : i32
      %add3A_141 = arith.addi %add3A_89, %add3A_140 : i32
      %mul3A_142 = arith.constant 160 : i32
      %mul3A_143 = arith.muli %add3A_141, %mul3A_142 : i32
      %add3A_144 = arith.addi %mul3A_0, %mul3A_143 : i32
      %mul3A_145 = arith.constant 320000 : i32
      %mul3A_146 = arith.muli %arg0, %mul3A_145 : i32
      %add3A_147 = arith.addi %mul3A_146, %add3A_144 : i32
      %dma_start3A_148 = tpu.memref_slice %arg4[%add3A_147] : memref<640000xi32, #tpu.memory_space<hbm>> -> memref<160xi32, #tpu.memory_space<hbm>>
      %dma_start3A_149 = tpu.memref_slice %arg4[%add3A_147] : memref<640000xi32, #tpu.memory_space<hbm>> -> memref<160xi32, #tpu.memory_space<hbm>>
      tpu.enqueue_dma source(%dma_start3A_149 : memref<160xi32, #tpu.memory_space<hbm>>) target(%arg10 : memref<160xi32, #tpu.memory_space<vmem>>) target_semaphore(%arg14 : memref<!tpu.dma_semaphore, #tpu.memory_space<semaphore_mem>>)
      %dma_start3A_150 = tpu.memref_slice %arg5[%add3A_144] : memref<320000xi32, #tpu.memory_space<hbm>> -> memref<160xi32, #tpu.memory_space<hbm>>
      %dma_start3A_151 = tpu.memref_slice %arg5[%add3A_144] : memref<320000xi32, #tpu.memory_space<hbm>> -> memref<160xi32, #tpu.memory_space<hbm>>
      tpu.enqueue_dma source(%dma_start3A_151 : memref<160xi32, #tpu.memory_space<hbm>>) target(%arg12 : memref<160xi32, #tpu.memory_space<vmem>>) target_semaphore(%arg14 : memref<!tpu.dma_semaphore, #tpu.memory_space<semaphore_mem>>)
      %mul3A_152 = arith.constant 320000 : i32
      %mul3A_153 = arith.muli %arg0, %mul3A_152 : i32
      %add3A_154 = arith.addi %mul3A_153, %add3A_144 : i32
      %dma_start3A_155 = arith.constant 0 : i32
      %dma_start3A_156 = tpu.memref_slice %arg3[%add3A_154, %dma_start3A_155] : memref<640000x128xf32, #tpu.memory_space<hbm>> -> memref<160x128xf32, #tpu.memory_space<hbm>>
      %dma_start3A_157 = arith.constant 0 : i32
      %dma_start3A_158 = tpu.memref_slice %arg3[%add3A_154, %dma_start3A_157] : memref<640000x128xf32, #tpu.memory_space<hbm>> -> memref<160x128xf32, #tpu.memory_space<hbm>>
      tpu.enqueue_dma source(%dma_start3A_158 : memref<160x128xf32, #tpu.memory_space<hbm>>) target(%arg8 : memref<160x128xf32, #tpu.memory_space<vmem>>) target_semaphore(%arg16 : memref<!tpu.dma_semaphore, #tpu.memory_space<semaphore_mem>>)
      %dma_wait3A_159 = arith.constant 0 : i32
      %dma_wait3A_160 = arith.constant 0 : i32
      %dma_wait3A_161 = tpu.memref_slice %arg2[%dma_wait3A_159, %dma_wait3A_160] : memref<20000x128xf32, #tpu.memory_space<hbm>> -> memref<20000x128xf32, #tpu.memory_space<hbm>>
      tpu.wait_indirect_dma semaphore(%arg19 : memref<!tpu.dma_semaphore, #tpu.memory_space<semaphore_mem>>) src(%dma_wait3A_161 : memref<20000x128xf32, #tpu.memory_space<hbm>>) dst(%arg9 : memref<160x128xf32, #tpu.memory_space<vmem>>)
      %scan3A_162 = arith.constant 0 : i32
      %scan3A_163 = arith.constant 160 : i32
      %scan3A_164 = arith.addi %scan3A_162, %scan3A_163 : i32
      %scan3A_165 = arith.constant 1 : i32
      scf.for %scan3A_187 = %scan3A_162 to %scan3A_164 step %scan3A_165  : i32 {
        %mul3A_188 = arith.constant 1 : i32
        %mul3A_189 = arith.muli %scan3A_187, %mul3A_188 : i32
        %add3A_190 = arith.constant 0 : i32
        %add3A_191 = arith.addi %add3A_190, %mul3A_189 : i32
        %get3A = arith.index_cast %add3A_191 : i32 to index
        %get3A_192 = arith.constant 0 : index
        %get3A_193 = tpu.vector_load %arg9[%get3A, %get3A_192] {strides = array<i32>} : memref<160x128xf32, #tpu.memory_space<vmem>>, vector<1x16xf32>,
        %get3A_194 = vector.shape_cast %get3A_193 : vector<1x16xf32> to vector<16xf32>
        %max3A = arith.constant 0.000000e+00 : f32
        %max3A_195 = vector.broadcast %max3A : f32 to vector<16xf32>
        %max3A_196 = arith.maximumf %get3A_194, %max3A_195 : vector<16xf32>
        %swap3A = arith.index_cast %add3A_191 : i32 to index
        %swap3A_197 = arith.constant 0 : index
        %swap3A_198 = tpu.vector_load %arg9[%swap3A, %swap3A_197] {strides = array<i32>} : memref<160x128xf32, #tpu.memory_space<vmem>>, vector<1x16xf32>,
        %swap3A_199 = vector.shape_cast %swap3A_198 : vector<1x16xf32> to vector<16xf32>
        %swap3A_200 = vector.shape_cast %max3A_196 : vector<16xf32> to vector<1x16xf32>
        tpu.vector_store %arg9[%swap3A, %swap3A_197], %swap3A_200 {strides = array<i32>} : memref<160x128xf32, #tpu.memory_space<vmem>>, vector<1x16xf32>,
        %get3A_201 = arith.index_cast %add3A_191 : i32 to index
        %get3A_202 = arith.constant 16 : index
        %get3A_203 = tpu.vector_load %arg9[%get3A_201, %get3A_202] {strides = array<i32>} : memref<160x128xf32, #tpu.memory_space<vmem>>, vector<1x16xf32>,
        %get3A_204 = vector.shape_cast %get3A_203 : vector<1x16xf32> to vector<16xf32>
        %max3A_205 = arith.constant 0.000000e+00 : f32
        %max3A_206 = vector.broadcast %max3A_205 : f32 to vector<16xf32>
        %max3A_207 = arith.maximumf %get3A_204, %max3A_206 : vector<16xf32>
        %swap3A_208 = arith.index_cast %add3A_191 : i32 to index
        %swap3A_209 = arith.constant 16 : index
        %swap3A_210 = tpu.vector_load %arg9[%swap3A_208, %swap3A_209] {strides = array<i32>} : memref<160x128xf32, #tpu.memory_space<vmem>>, vector<1x16xf32>,
        %swap3A_211 = vector.shape_cast %swap3A_210 : vector<1x16xf32> to vector<16xf32>
        %swap3A_212 = vector.shape_cast %max3A_207 : vector<16xf32> to vector<1x16xf32>
        tpu.vector_store %arg9[%swap3A_208, %swap3A_209], %swap3A_212 {strides = array<i32>} : memref<160x128xf32, #tpu.memory_space<vmem>>, vector<1x16xf32>,
        %get3A_213 = arith.index_cast %add3A_191 : i32 to index
        %get3A_214 = arith.constant 32 : index
        %get3A_215 = tpu.vector_load %arg9[%get3A_213, %get3A_214] {strides = array<i32>} : memref<160x128xf32, #tpu.memory_space<vmem>>, vector<1x16xf32>,
        %get3A_216 = vector.shape_cast %get3A_215 : vector<1x16xf32> to vector<16xf32>
        %max3A_217 = arith.constant 0.000000e+00 : f32
        %max3A_218 = vector.broadcast %max3A_217 : f32 to vector<16xf32>
        %max3A_219 = arith.maximumf %get3A_216, %max3A_218 : vector<16xf32>
        %swap3A_220 = arith.index_cast %add3A_191 : i32 to index
        %swap3A_221 = arith.constant 32 : index
        %swap3A_222 = tpu.vector_load %arg9[%swap3A_220, %swap3A_221] {strides = array<i32>} : memref<160x128xf32, #tpu.memory_space<vmem>>, vector<1x16xf32>,
        %swap3A_223 = vector.shape_cast %swap3A_222 : vector<1x16xf32> to vector<16xf32>
        %swap3A_224 = vector.shape_cast %max3A_219 : vector<16xf32> to vector<1x16xf32>
        tpu.vector_store %arg9[%swap3A_220, %swap3A_221], %swap3A_224 {strides = array<i32>} : memref<160x128xf32, #tpu.memory_space<vmem>>, vector<1x16xf32>,
        %get3A_225 = arith.index_cast %add3A_191 : i32 to index
        %get3A_226 = arith.constant 48 : index
        %get3A_227 = tpu.vector_load %arg9[%get3A_225, %get3A_226] {strides = array<i32>} : memref<160x128xf32, #tpu.memory_space<vmem>>, vector<1x16xf32>,
        %get3A_228 = vector.shape_cast %get3A_227 : vector<1x16xf32> to vector<16xf32>
        %max3A_229 = arith.constant 0.000000e+00 : f32
        %max3A_230 = vector.broadcast %max3A_229 : f32 to vector<16xf32>
        %max3A_231 = arith.maximumf %get3A_228, %max3A_230 : vector<16xf32>
        %swap3A_232 = arith.index_cast %add3A_191 : i32 to index
        %swap3A_233 = arith.constant 48 : index
        %swap3A_234 = tpu.vector_load %arg9[%swap3A_232, %swap3A_233] {strides = array<i32>} : memref<160x128xf32, #tpu.memory_space<vmem>>, vector<1x16xf32>,
        %swap3A_235 = vector.shape_cast %swap3A_234 : vector<1x16xf32> to vector<16xf32>
        %swap3A_236 = vector.shape_cast %max3A_231 : vector<16xf32> to vector<1x16xf32>
        tpu.vector_store %arg9[%swap3A_232, %swap3A_233], %swap3A_236 {strides = array<i32>} : memref<160x128xf32, #tpu.memory_space<vmem>>, vector<1x16xf32>,
        %get3A_237 = arith.index_cast %add3A_191 : i32 to index
        %get3A_238 = arith.constant 64 : index
        %get3A_239 = tpu.vector_load %arg9[%get3A_237, %get3A_238] {strides = array<i32>} : memref<160x128xf32, #tpu.memory_space<vmem>>, vector<1x16xf32>,
        %get3A_240 = vector.shape_cast %get3A_239 : vector<1x16xf32> to vector<16xf32>
        %max3A_241 = arith.constant 0.000000e+00 : f32
        %max3A_242 = vector.broadcast %max3A_241 : f32 to vector<16xf32>
        %max3A_243 = arith.maximumf %get3A_240, %max3A_242 : vector<16xf32>
        %swap3A_244 = arith.index_cast %add3A_191 : i32 to index
        %swap3A_245 = arith.constant 64 : index
        %swap3A_246 = tpu.vector_load %arg9[%swap3A_244, %swap3A_245] {strides = array<i32>} : memref<160x128xf32, #tpu.memory_space<vmem>>, vector<1x16xf32>,
        %swap3A_247 = vector.shape_cast %swap3A_246 : vector<1x16xf32> to vector<16xf32>
        %swap3A_248 = vector.shape_cast %max3A_243 : vector<16xf32> to vector<1x16xf32>
        tpu.vector_store %arg9[%swap3A_244, %swap3A_245], %swap3A_248 {strides = array<i32>} : memref<160x128xf32, #tpu.memory_space<vmem>>, vector<1x16xf32>,
        %get3A_249 = arith.index_cast %add3A_191 : i32 to index
        %get3A_250 = arith.constant 80 : index
        %get3A_251 = tpu.vector_load %arg9[%get3A_249, %get3A_250] {strides = array<i32>} : memref<160x128xf32, #tpu.memory_space<vmem>>, vector<1x16xf32>,
        %get3A_252 = vector.shape_cast %get3A_251 : vector<1x16xf32> to vector<16xf32>
        %max3A_253 = arith.constant 0.000000e+00 : f32
        %max3A_254 = vector.broadcast %max3A_253 : f32 to vector<16xf32>
        %max3A_255 = arith.maximumf %get3A_252, %max3A_254 : vector<16xf32>
        %swap3A_256 = arith.index_cast %add3A_191 : i32 to index
        %swap3A_257 = arith.constant 80 : index
        %swap3A_258 = tpu.vector_load %arg9[%swap3A_256, %swap3A_257] {strides = array<i32>} : memref<160x128xf32, #tpu.memory_space<vmem>>, vector<1x16xf32>,
        %swap3A_259 = vector.shape_cast %swap3A_258 : vector<1x16xf32> to vector<16xf32>
        %swap3A_260 = vector.shape_cast %max3A_255 : vector<16xf32> to vector<1x16xf32>
        tpu.vector_store %arg9[%swap3A_256, %swap3A_257], %swap3A_260 {strides = array<i32>} : memref<160x128xf32, #tpu.memory_space<vmem>>, vector<1x16xf32>,
        %get3A_261 = arith.index_cast %add3A_191 : i32 to index
        %get3A_262 = arith.constant 96 : index
        %get3A_263 = tpu.vector_load %arg9[%get3A_261, %get3A_262] {strides = array<i32>} : memref<160x128xf32, #tpu.memory_space<vmem>>, vector<1x16xf32>,
        %get3A_264 = vector.shape_cast %get3A_263 : vector<1x16xf32> to vector<16xf32>
        %max3A_265 = arith.constant 0.000000e+00 : f32
        %max3A_266 = vector.broadcast %max3A_265 : f32 to vector<16xf32>
        %max3A_267 = arith.maximumf %get3A_264, %max3A_266 : vector<16xf32>
        %swap3A_268 = arith.index_cast %add3A_191 : i32 to index
        %swap3A_269 = arith.constant 96 : index
        %swap3A_270 = tpu.vector_load %arg9[%swap3A_268, %swap3A_269] {strides = array<i32>} : memref<160x128xf32, #tpu.memory_space<vmem>>, vector<1x16xf32>,
        %swap3A_271 = vector.shape_cast %swap3A_270 : vector<1x16xf32> to vector<16xf32>
        %swap3A_272 = vector.shape_cast %max3A_267 : vector<16xf32> to vector<1x16xf32>
        tpu.vector_store %arg9[%swap3A_268, %swap3A_269], %swap3A_272 {strides = array<i32>} : memref<160x128xf32, #tpu.memory_space<vmem>>, vector<1x16xf32>,
        %get3A_273 = arith.index_cast %add3A_191 : i32 to index
        %get3A_274 = arith.constant 112 : index
        %get3A_275 = tpu.vector_load %arg9[%get3A_273, %get3A_274] {strides = array<i32>} : memref<160x128xf32, #tpu.memory_space<vmem>>, vector<1x16xf32>,
        %get3A_276 = vector.shape_cast %get3A_275 : vector<1x16xf32> to vector<16xf32>
        %max3A_277 = arith.constant 0.000000e+00 : f32
        %max3A_278 = vector.broadcast %max3A_277 : f32 to vector<16xf32>
        %max3A_279 = arith.maximumf %get3A_276, %max3A_278 : vector<16xf32>
        %swap3A_280 = arith.index_cast %add3A_191 : i32 to index
        %swap3A_281 = arith.constant 112 : index
        %swap3A_282 = tpu.vector_load %arg9[%swap3A_280, %swap3A_281] {strides = array<i32>} : memref<160x128xf32, #tpu.memory_space<vmem>>, vector<1x16xf32>,
        %swap3A_283 = vector.shape_cast %swap3A_282 : vector<1x16xf32> to vector<16xf32>
        %swap3A_284 = vector.shape_cast %max3A_279 : vector<16xf32> to vector<1x16xf32>
        tpu.vector_store %arg9[%swap3A_280, %swap3A_281], %swap3A_284 {strides = array<i32>} : memref<160x128xf32, #tpu.memory_space<vmem>>, vector<1x16xf32>,
      }
      %scan3A_166 = arith.constant 160 : i32
      %dma_start3A_167 = arith.constant 0 : i32
      %dma_start3A_168 = arith.constant 0 : i32
      %dma_start3A_169 = tpu.memref_slice %arg7[%dma_start3A_167, %dma_start3A_168] : memref<10240x128xf32, #tpu.memory_space<vmem_shared>> -> memref<10240x128xf32, #tpu.memory_space<vmem_shared>>
      tpu.enqueue_indirect_dma source(%arg9 : memref<160x128xf32, #tpu.memory_space<vmem>>) target(%dma_start3A_169 : memref<10240x128xf32, #tpu.memory_space<vmem_shared>>) offsets(%arg13 : memref<160xi32, #tpu.memory_space<vmem>>) semaphore(%arg21 : memref<!tpu.dma_semaphore, #tpu.memory_space<semaphore_mem>>) {add = true}
      %dma_wait3A_170 = arith.constant 0 : i32
      %dma_wait3A_171 = tpu.memref_slice %arg4[%dma_wait3A_170] : memref<640000xi32, #tpu.memory_space<hbm>> -> memref<160xi32, #tpu.memory_space<hbm>>
      %dma_wait3A_172 = arith.constant 0 : i32
      %dma_wait3A_173 = tpu.memref_slice %arg4[%dma_wait3A_172] : memref<640000xi32, #tpu.memory_space<hbm>> -> memref<160xi32, #tpu.memory_space<hbm>>
      tpu.wait_dma2 semaphore(%arg14 : memref<!tpu.dma_semaphore, #tpu.memory_space<semaphore_mem>>) src(%dma_wait3A_173 : memref<160xi32, #tpu.memory_space<hbm>>) dst(%arg10 : memref<160xi32, #tpu.memory_space<vmem>>)
      %dma_wait3A_174 = arith.constant 0 : i32
      %dma_wait3A_175 = tpu.memref_slice %arg5[%dma_wait3A_174] : memref<320000xi32, #tpu.memory_space<hbm>> -> memref<160xi32, #tpu.memory_space<hbm>>
      %dma_wait3A_176 = arith.constant 0 : i32
      %dma_wait3A_177 = tpu.memref_slice %arg5[%dma_wait3A_176] : memref<320000xi32, #tpu.memory_space<hbm>> -> memref<160xi32, #tpu.memory_space<hbm>>
      tpu.wait_dma2 semaphore(%arg14 : memref<!tpu.dma_semaphore, #tpu.memory_space<semaphore_mem>>) src(%dma_wait3A_177 : memref<160xi32, #tpu.memory_space<hbm>>) dst(%arg12 : memref<160xi32, #tpu.memory_space<vmem>>)
      %dma_wait3A_178 = arith.constant 0 : i32
      %dma_wait3A_179 = arith.constant 0 : i32
      %dma_wait3A_180 = tpu.memref_slice %arg3[%dma_wait3A_178, %dma_wait3A_179] : memref<640000x128xf32, #tpu.memory_space<hbm>> -> memref<160x128xf32, #tpu.memory_space<hbm>>
      %dma_wait3A_181 = arith.constant 0 : i32
      %dma_wait3A_182 = arith.constant 0 : i32
      %dma_wait3A_183 = tpu.memref_slice %arg3[%dma_wait3A_181, %dma_wait3A_182] : memref<640000x128xf32, #tpu.memory_space<hbm>> -> memref<160x128xf32, #tpu.memory_space<hbm>>
      tpu.wait_dma2 semaphore(%arg16 : memref<!tpu.dma_semaphore, #tpu.memory_space<semaphore_mem>>) src(%dma_wait3A_183 : memref<160x128xf32, #tpu.memory_space<hbm>>) dst(%arg8 : memref<160x128xf32, #tpu.memory_space<vmem>>)
      %dma_start3A_184 = arith.constant 0 : i32
      %dma_start3A_185 = arith.constant 0 : i32
      %dma_start3A_186 = tpu.memref_slice %arg2[%dma_start3A_184, %dma_start3A_185] : memref<20000x128xf32, #tpu.memory_space<hbm>> -> memref<20000x128xf32, #tpu.memory_space<hbm>>
      tpu.enqueue_indirect_dma source(%dma_start3A_186 : memref<20000x128xf32, #tpu.memory_space<hbm>>) target(%arg8 : memref<160x128xf32, #tpu.memory_space<vmem>>) offsets(%arg10 : memref<160xi32, #tpu.memory_space<vmem>>) semaphore(%arg18 : memref<!tpu.dma_semaphore, #tpu.memory_space<semaphore_mem>>) {add = true}
    }
    %scan3A_55 = arith.constant 62 : i32
    %dma_wait3A_56 = arith.constant 0 : i32
    %dma_wait3A_57 = arith.constant 0 : i32
    %dma_wait3A_58 = tpu.memref_slice %arg2[%dma_wait3A_56, %dma_wait3A_57] : memref<20000x128xf32, #tpu.memory_space<hbm>> -> memref<20000x128xf32, #tpu.memory_space<hbm>>
    tpu.wait_indirect_dma semaphore(%arg18 : memref<!tpu.dma_semaphore, #tpu.memory_space<semaphore_mem>>) src(%dma_wait3A_58 : memref<20000x128xf32, #tpu.memory_space<hbm>>) dst(%arg8 : memref<160x128xf32, #tpu.memory_space<vmem>>)
    %scan3A_59 = arith.constant 0 : i32
    %scan3A_60 = arith.constant 160 : i32
    %scan3A_61 = arith.addi %scan3A_59, %scan3A_60 : i32
    %scan3A_62 = arith.constant 1 : i32
    scf.for %scan3A_81 = %scan3A_59 to %scan3A_61 step %scan3A_62  : i32 {
      %mul3A_82 = arith.constant 1 : i32
      %mul3A_83 = arith.muli %scan3A_81, %mul3A_82 : i32
      %add3A_84 = arith.constant 0 : i32
      %add3A_85 = arith.addi %add3A_84, %mul3A_83 : i32
      %get3A = arith.index_cast %add3A_85 : i32 to index
      %get3A_86 = arith.constant 0 : index
      %get3A_87 = tpu.vector_load %arg8[%get3A, %get3A_86] {strides = array<i32>} : memref<160x128xf32, #tpu.memory_space<vmem>>, vector<1x16xf32>,
      %get3A_88 = vector.shape_cast %get3A_87 : vector<1x16xf32> to vector<16xf32>
      %max3A = arith.constant 0.000000e+00 : f32
      %max3A_89 = vector.broadcast %max3A : f32 to vector<16xf32>
      %max3A_90 = arith.maximumf %get3A_88, %max3A_89 : vector<16xf32>
      %swap3A = arith.index_cast %add3A_85 : i32 to index
      %swap3A_91 = arith.constant 0 : index
      %swap3A_92 = tpu.vector_load %arg8[%swap3A, %swap3A_91] {strides = array<i32>} : memref<160x128xf32, #tpu.memory_space<vmem>>, vector<1x16xf32>,
      %swap3A_93 = vector.shape_cast %swap3A_92 : vector<1x16xf32> to vector<16xf32>
      %swap3A_94 = vector.shape_cast %max3A_90 : vector<16xf32> to vector<1x16xf32>
      tpu.vector_store %arg8[%swap3A, %swap3A_91], %swap3A_94 {strides = array<i32>} : memref<160x128xf32, #tpu.memory_space<vmem>>, vector<1x16xf32>,
      %get3A_95 = arith.index_cast %add3A_85 : i32 to index
      %get3A_96 = arith.constant 16 : index
      %get3A_97 = tpu.vector_load %arg8[%get3A_95, %get3A_96] {strides = array<i32>} : memref<160x128xf32, #tpu.memory_space<vmem>>, vector<1x16xf32>,
      %get3A_98 = vector.shape_cast %get3A_97 : vector<1x16xf32> to vector<16xf32>
      %max3A_99 = arith.constant 0.000000e+00 : f32
      %max3A_100 = vector.broadcast %max3A_99 : f32 to vector<16xf32>
      %max3A_101 = arith.maximumf %get3A_98, %max3A_100 : vector<16xf32>
      %swap3A_102 = arith.index_cast %add3A_85 : i32 to index
      %swap3A_103 = arith.constant 16 : index
      %swap3A_104 = tpu.vector_load %arg8[%swap3A_102, %swap3A_103] {strides = array<i32>} : memref<160x128xf32, #tpu.memory_space<vmem>>, vector<1x16xf32>,
      %swap3A_105 = vector.shape_cast %swap3A_104 : vector<1x16xf32> to vector<16xf32>
      %swap3A_106 = vector.shape_cast %max3A_101 : vector<16xf32> to vector<1x16xf32>
      tpu.vector_store %arg8[%swap3A_102, %swap3A_103], %swap3A_106 {strides = array<i32>} : memref<160x128xf32, #tpu.memory_space<vmem>>, vector<1x16xf32>,
      %get3A_107 = arith.index_cast %add3A_85 : i32 to index
      %get3A_108 = arith.constant 32 : index
      %get3A_109 = tpu.vector_load %arg8[%get3A_107, %get3A_108] {strides = array<i32>} : memref<160x128xf32, #tpu.memory_space<vmem>>, vector<1x16xf32>,
      %get3A_110 = vector.shape_cast %get3A_109 : vector<1x16xf32> to vector<16xf32>
      %max3A_111 = arith.constant 0.000000e+00 : f32
      %max3A_112 = vector.broadcast %max3A_111 : f32 to vector<16xf32>
      %max3A_113 = arith.maximumf %get3A_110, %max3A_112 : vector<16xf32>
      %swap3A_114 = arith.index_cast %add3A_85 : i32 to index
      %swap3A_115 = arith.constant 32 : index
      %swap3A_116 = tpu.vector_load %arg8[%swap3A_114, %swap3A_115] {strides = array<i32>} : memref<160x128xf32, #tpu.memory_space<vmem>>, vector<1x16xf32>,
      %swap3A_117 = vector.shape_cast %swap3A_116 : vector<1x16xf32> to vector<16xf32>
      %swap3A_118 = vector.shape_cast %max3A_113 : vector<16xf32> to vector<1x16xf32>
      tpu.vector_store %arg8[%swap3A_114, %swap3A_115], %swap3A_118 {strides = array<i32>} : memref<160x128xf32, #tpu.memory_space<vmem>>, vector<1x16xf32>,
      %get3A_119 = arith.index_cast %add3A_85 : i32 to index
      %get3A_120 = arith.constant 48 : index
      %get3A_121 = tpu.vector_load %arg8[%get3A_119, %get3A_120] {strides = array<i32>} : memref<160x128xf32, #tpu.memory_space<vmem>>, vector<1x16xf32>,
      %get3A_122 = vector.shape_cast %get3A_121 : vector<1x16xf32> to vector<16xf32>
      %max3A_123 = arith.constant 0.000000e+00 : f32
      %max3A_124 = vector.broadcast %max3A_123 : f32 to vector<16xf32>
      %max3A_125 = arith.maximumf %get3A_122, %max3A_124 : vector<16xf32>
      %swap3A_126 = arith.index_cast %add3A_85 : i32 to index
      %swap3A_127 = arith.constant 48 : index
      %swap3A_128 = tpu.vector_load %arg8[%swap3A_126, %swap3A_127] {strides = array<i32>} : memref<160x128xf32, #tpu.memory_space<vmem>>, vector<1x16xf32>,
      %swap3A_129 = vector.shape_cast %swap3A_128 : vector<1x16xf32> to vector<16xf32>
      %swap3A_130 = vector.shape_cast %max3A_125 : vector<16xf32> to vector<1x16xf32>
      tpu.vector_store %arg8[%swap3A_126, %swap3A_127], %swap3A_130 {strides = array<i32>} : memref<160x128xf32, #tpu.memory_space<vmem>>, vector<1x16xf32>,
      %get3A_131 = arith.index_cast %add3A_85 : i32 to index
      %get3A_132 = arith.constant 64 : index
      %get3A_133 = tpu.vector_load %arg8[%get3A_131, %get3A_132] {strides = array<i32>} : memref<160x128xf32, #tpu.memory_space<vmem>>, vector<1x16xf32>,
      %get3A_134 = vector.shape_cast %get3A_133 : vector<1x16xf32> to vector<16xf32>
      %max3A_135 = arith.constant 0.000000e+00 : f32
      %max3A_136 = vector.broadcast %max3A_135 : f32 to vector<16xf32>
      %max3A_137 = arith.maximumf %get3A_134, %max3A_136 : vector<16xf32>
      %swap3A_138 = arith.index_cast %add3A_85 : i32 to index
      %swap3A_139 = arith.constant 64 : index
      %swap3A_140 = tpu.vector_load %arg8[%swap3A_138, %swap3A_139] {strides = array<i32>} : memref<160x128xf32, #tpu.memory_space<vmem>>, vector<1x16xf32>,
      %swap3A_141 = vector.shape_cast %swap3A_140 : vector<1x16xf32> to vector<16xf32>
      %swap3A_142 = vector.shape_cast %max3A_137 : vector<16xf32> to vector<1x16xf32>
      tpu.vector_store %arg8[%swap3A_138, %swap3A_139], %swap3A_142 {strides = array<i32>} : memref<160x128xf32, #tpu.memory_space<vmem>>, vector<1x16xf32>,
      %get3A_143 = arith.index_cast %add3A_85 : i32 to index
      %get3A_144 = arith.constant 80 : index
      %get3A_145 = tpu.vector_load %arg8[%get3A_143, %get3A_144] {strides = array<i32>} : memref<160x128xf32, #tpu.memory_space<vmem>>, vector<1x16xf32>,
      %get3A_146 = vector.shape_cast %get3A_145 : vector<1x16xf32> to vector<16xf32>
      %max3A_147 = arith.constant 0.000000e+00 : f32
      %max3A_148 = vector.broadcast %max3A_147 : f32 to vector<16xf32>
      %max3A_149 = arith.maximumf %get3A_146, %max3A_148 : vector<16xf32>
      %swap3A_150 = arith.index_cast %add3A_85 : i32 to index
      %swap3A_151 = arith.constant 80 : index
      %swap3A_152 = tpu.vector_load %arg8[%swap3A_150, %swap3A_151] {strides = array<i32>} : memref<160x128xf32, #tpu.memory_space<vmem>>, vector<1x16xf32>,
      %swap3A_153 = vector.shape_cast %swap3A_152 : vector<1x16xf32> to vector<16xf32>
      %swap3A_154 = vector.shape_cast %max3A_149 : vector<16xf32> to vector<1x16xf32>
      tpu.vector_store %arg8[%swap3A_150, %swap3A_151], %swap3A_154 {strides = array<i32>} : memref<160x128xf32, #tpu.memory_space<vmem>>, vector<1x16xf32>,
      %get3A_155 = arith.index_cast %add3A_85 : i32 to index
      %get3A_156 = arith.constant 96 : index
      %get3A_157 = tpu.vector_load %arg8[%get3A_155, %get3A_156] {strides = array<i32>} : memref<160x128xf32, #tpu.memory_space<vmem>>, vector<1x16xf32>,
      %get3A_158 = vector.shape_cast %get3A_157 : vector<1x16xf32> to vector<16xf32>
      %max3A_159 = arith.constant 0.000000e+00 : f32
      %max3A_160 = vector.broadcast %max3A_159 : f32 to vector<16xf32>
      %max3A_161 = arith.maximumf %get3A_158, %max3A_160 : vector<16xf32>
      %swap3A_162 = arith.index_cast %add3A_85 : i32 to index
      %swap3A_163 = arith.constant 96 : index
      %swap3A_164 = tpu.vector_load %arg8[%swap3A_162, %swap3A_163] {strides = array<i32>} : memref<160x128xf32, #tpu.memory_space<vmem>>, vector<1x16xf32>,
      %swap3A_165 = vector.shape_cast %swap3A_164 : vector<1x16xf32> to vector<16xf32>
      %swap3A_166 = vector.shape_cast %max3A_161 : vector<16xf32> to vector<1x16xf32>
      tpu.vector_store %arg8[%swap3A_162, %swap3A_163], %swap3A_166 {strides = array<i32>} : memref<160x128xf32, #tpu.memory_space<vmem>>, vector<1x16xf32>,
      %get3A_167 = arith.index_cast %add3A_85 : i32 to index
      %get3A_168 = arith.constant 112 : index
      %get3A_169 = tpu.vector_load %arg8[%get3A_167, %get3A_168] {strides = array<i32>} : memref<160x128xf32, #tpu.memory_space<vmem>>, vector<1x16xf32>,
      %get3A_170 = vector.shape_cast %get3A_169 : vector<1x16xf32> to vector<16xf32>
      %max3A_171 = arith.constant 0.000000e+00 : f32
      %max3A_172 = vector.broadcast %max3A_171 : f32 to vector<16xf32>
      %max3A_173 = arith.maximumf %get3A_170, %max3A_172 : vector<16xf32>
      %swap3A_174 = arith.index_cast %add3A_85 : i32 to index
      %swap3A_175 = arith.constant 112 : index
      %swap3A_176 = tpu.vector_load %arg8[%swap3A_174, %swap3A_175] {strides = array<i32>} : memref<160x128xf32, #tpu.memory_space<vmem>>, vector<1x16xf32>,
      %swap3A_177 = vector.shape_cast %swap3A_176 : vector<1x16xf32> to vector<16xf32>
      %swap3A_178 = vector.shape_cast %max3A_173 : vector<16xf32> to vector<1x16xf32>
      tpu.vector_store %arg8[%swap3A_174, %swap3A_175], %swap3A_178 {strides = array<i32>} : memref<160x128xf32, #tpu.memory_space<vmem>>, vector<1x16xf32>,
    }
    %scan3A_63 = arith.constant 160 : i32
    %dma_start3A_64 = arith.constant 0 : i32
    %dma_start3A_65 = arith.constant 0 : i32
    %dma_start3A_66 = tpu.memref_slice %arg7[%dma_start3A_64, %dma_start3A_65] : memref<10240x128xf32, #tpu.memory_space<vmem_shared>> -> memref<10240x128xf32, #tpu.memory_space<vmem_shared>>
    tpu.enqueue_indirect_dma source(%arg8 : memref<160x128xf32, #tpu.memory_space<vmem>>) target(%dma_start3A_66 : memref<10240x128xf32, #tpu.memory_space<vmem_shared>>) offsets(%arg12 : memref<160xi32, #tpu.memory_space<vmem>>) semaphore(%arg20 : memref<!tpu.dma_semaphore, #tpu.memory_space<semaphore_mem>>) {add = true}
    %dma_wait3A_67 = arith.constant 0 : i32
    %dma_wait3A_68 = arith.constant 0 : i32
    %dma_wait3A_69 = tpu.memref_slice %arg7[%dma_wait3A_67, %dma_wait3A_68] : memref<10240x128xf32, #tpu.memory_space<vmem_shared>> -> memref<10240x128xf32, #tpu.memory_space<vmem_shared>>
    tpu.wait_indirect_dma semaphore(%arg20 : memref<!tpu.dma_semaphore, #tpu.memory_space<semaphore_mem>>) src(%arg8 : memref<160x128xf32, #tpu.memory_space<vmem>>) dst(%dma_wait3A_69 : memref<10240x128xf32, #tpu.memory_space<vmem_shared>>)
    %dma_wait3A_70 = arith.constant 0 : i32
    %dma_wait3A_71 = arith.constant 0 : i32
    %dma_wait3A_72 = tpu.memref_slice %arg7[%dma_wait3A_70, %dma_wait3A_71] : memref<10240x128xf32, #tpu.memory_space<vmem_shared>> -> memref<10240x128xf32, #tpu.memory_space<vmem_shared>>
    tpu.wait_indirect_dma semaphore(%arg21 : memref<!tpu.dma_semaphore, #tpu.memory_space<semaphore_mem>>) src(%arg9 : memref<160x128xf32, #tpu.memory_space<vmem>>) dst(%dma_wait3A_72 : memref<10240x128xf32, #tpu.memory_space<vmem_shared>>)
    %barrier3A_73 = arith.constant 0 : index
    tpu.barrier barrier_id(%barrier3A_73)
    %mul3A_74 = arith.constant 640 : i32
    %mul3A_75 = arith.muli %arg1, %mul3A_74 : i32
    %mul3A_76 = arith.constant 10240 : i32
    %mul3A_77 = arith.muli %arg0, %mul3A_76 : i32
    %mul3A_78 = arith.constant 640 : i32
    %mul3A_79 = arith.muli %arg1, %mul3A_78 : i32
    %add3A_80 = arith.addi %mul3A_77, %mul3A_79 : i32
    "tpu.region"() ({
      %run_scoped3A = tpu.sem_alloc : memref<!tpu.dma_semaphore, #tpu.memory_space<semaphore_mem>>
      %dma_start3A_81 = arith.constant 0 : i32
      %dma_start3A_82 = tpu.memref_slice %arg6[%add3A_80, %dma_start3A_81] : memref<20480x128xf32, #tpu.memory_space<hbm>> -> memref<640x128xf32, #tpu.memory_space<hbm>>
      %dma_start3A_83 = arith.constant 0 : i32
      %dma_start3A_84 = tpu.memref_slice %arg7[%mul3A_75, %dma_start3A_83] : memref<10240x128xf32, #tpu.memory_space<vmem_shared>> -> memref<640x128xf32, #tpu.memory_space<vmem_shared>>
      tpu.enqueue_dma source(%dma_start3A_84 : memref<640x128xf32, #tpu.memory_space<vmem_shared>>) target(%dma_start3A_82 : memref<640x128xf32, #tpu.memory_space<hbm>>) target_semaphore(%run_scoped3A : memref<!tpu.dma_semaphore, #tpu.memory_space<semaphore_mem>>)
      %dma_wait3A_85 = arith.constant 0 : i32
      %dma_wait3A_86 = tpu.memref_slice %arg6[%add3A_80, %dma_wait3A_85] : memref<20480x128xf32, #tpu.memory_space<hbm>> -> memref<640x128xf32, #tpu.memory_space<hbm>>
      %dma_wait3A_87 = arith.constant 0 : i32
      %dma_wait3A_88 = tpu.memref_slice %arg7[%mul3A_75, %dma_wait3A_87] : memref<10240x128xf32, #tpu.memory_space<vmem_shared>> -> memref<640x128xf32, #tpu.memory_space<vmem_shared>>
      tpu.wait_dma2 semaphore(%run_scoped3A : memref<!tpu.dma_semaphore, #tpu.memory_space<semaphore_mem>>) src(%dma_wait3A_88 : memref<640x128xf32, #tpu.memory_space<vmem_shared>>) dst(%dma_wait3A_86 : memref<640x128xf32, #tpu.memory_space<hbm>>)
      tpu.yield
    }) : () -> ()
    return
  }
}

#map = affine_map<(d0, d1) -> (0, 0)>
#map1 = affine_map<(d0, d1) -> (0)>
module attributes {stable_mosaic.version = 14 : i64} {
  func.func @_sc_body(%arg0: i32, %arg1: i32, %arg2: memref<20000x128xf32, #tpu.memory_space<hbm>>, %arg3: memref<640000x128xf32, #tpu.memory_space<hbm>>, %arg4: memref<640000xi32, #tpu.memory_space<hbm>>, %arg5: memref<320000xi32, #tpu.memory_space<hbm>>, %arg6: memref<20480x128xf32, #tpu.memory_space<hbm>>, %arg7: memref<10240x128xf32, #tpu.memory_space<vmem_shared>>, %arg8: memref<160x128xf32, #tpu.memory_space<vmem>>, %arg9: memref<160x128xf32, #tpu.memory_space<vmem>>, %arg10: memref<160xi32, #tpu.memory_space<vmem>>, %arg11: memref<160xi32, #tpu.memory_space<vmem>>, %arg12: memref<160xi32, #tpu.memory_space<vmem>>, %arg13: memref<160xi32, #tpu.memory_space<vmem>>, %arg14: memref<!tpu.dma_semaphore, #tpu.memory_space<semaphore_mem>>, %arg15: memref<!tpu.dma_semaphore, #tpu.memory_space<semaphore_mem>>, %arg16: memref<!tpu.dma_semaphore, #tpu.memory_space<semaphore_mem>>, %arg17: memref<!tpu.dma_semaphore, #tpu.memory_space<semaphore_mem>>, %arg18: memref<!tpu.dma_semaphore, #tpu.memory_space<semaphore_mem>>, %arg19: memref<!tpu.dma_semaphore, #tpu.memory_space<semaphore_mem>>, %arg20: memref<!tpu.dma_semaphore, #tpu.memory_space<semaphore_mem>>, %arg21: memref<!tpu.dma_semaphore, #tpu.memory_space<semaphore_mem>>) attributes {dimension_semantics = [#tpu.dimension_semantics<core_parallel>, #tpu.dimension_semantics<subcore_parallel>], iteration_bounds = array<i64: 2, 16>, scalar_prefetch = 0 : i64, scratch_operands = 15 : i64, tpu.core_type = #tpu.core_type<sc_vector_subcore>, window_params = [{transform_indices = #map}, {transform_indices = #map}, {transform_indices = #map1}, {transform_indices = #map1}, {transform_indices = #map}]} {
    %mul3A = arith.constant 20000 : i32
    %mul3A_0 = arith.muli %arg1, %mul3A : i32
    %add3A = arith.constant 0 : i32
    %add3A_1 = arith.addi %mul3A_0, %add3A : i32
    %mul3A_2 = arith.constant 320000 : i32
    %mul3A_3 = arith.muli %arg0, %mul3A_2 : i32
    %add3A_4 = arith.addi %mul3A_3, %add3A_1 : i32
    %dma_start3A = tpu.memref_slice %arg4[%add3A_4] : memref<640000xi32, #tpu.memory_space<hbm>> -> memref<160xi32, #tpu.memory_space<hbm>>
    %dma_start3A_5 = tpu.memref_slice %arg4[%add3A_4] : memref<640000xi32, #tpu.memory_space<hbm>> -> memref<160xi32, #tpu.memory_space<hbm>>
    tpu.enqueue_dma source(%dma_start3A_5 : memref<160xi32, #tpu.memory_space<hbm>>) target(%arg10 : memref<160xi32, #tpu.memory_space<vmem>>) target_semaphore(%arg14 : memref<!tpu.dma_semaphore, #tpu.memory_space<semaphore_mem>>)
    %dma_start3A_6 = tpu.memref_slice %arg5[%add3A_1] : memref<320000xi32, #tpu.memory_space<hbm>> -> memref<160xi32, #tpu.memory_space<hbm>>
    %dma_start3A_7 = tpu.memref_slice %arg5[%add3A_1] : memref<320000xi32, #tpu.memory_space<hbm>> -> memref<160xi32, #tpu.memory_space<hbm>>
    tpu.enqueue_dma source(%dma_start3A_7 : memref<160xi32, #tpu.memory_space<hbm>>) target(%arg12 : memref<160xi32, #tpu.memory_space<vmem>>) target_semaphore(%arg14 : memref<!tpu.dma_semaphore, #tpu.memory_space<semaphore_mem>>)
    %mul3A_8 = arith.constant 320000 : i32
    %mul3A_9 = arith.muli %arg0, %mul3A_8 : i32
    %add3A_10 = arith.addi %mul3A_9, %add3A_1 : i32
    %dma_start3A_11 = arith.constant 0 : i32
    %dma_start3A_12 = tpu.memref_slice %arg3[%add3A_10, %dma_start3A_11] : memref<640000x128xf32, #tpu.memory_space<hbm>> -> memref<160x128xf32, #tpu.memory_space<hbm>>
    %dma_start3A_13 = arith.constant 0 : i32
    %dma_start3A_14 = tpu.memref_slice %arg3[%add3A_10, %dma_start3A_13] : memref<640000x128xf32, #tpu.memory_space<hbm>> -> memref<160x128xf32, #tpu.memory_space<hbm>>
    tpu.enqueue_dma source(%dma_start3A_14 : memref<160x128xf32, #tpu.memory_space<hbm>>) target(%arg8 : memref<160x128xf32, #tpu.memory_space<vmem>>) target_semaphore(%arg16 : memref<!tpu.dma_semaphore, #tpu.memory_space<semaphore_mem>>)
    %scan3A = arith.constant 0 : i32
    %scan3A_15 = arith.constant 160 : i32
    %scan3A_16 = arith.addi %scan3A, %scan3A_15 : i32
    %scan3A_17 = arith.constant 1 : i32
    scf.for %scan3A_81 = %scan3A to %scan3A_16 step %scan3A_17  : i32 {
      %mul3A_82 = arith.constant 1 : i32
      %mul3A_83 = arith.muli %scan3A_81, %mul3A_82 : i32
      %add3A_84 = arith.constant 0 : i32
      %add3A_85 = arith.addi %add3A_84, %mul3A_83 : i32
      %broadcast_in_dim3A = arith.constant 0.000000e+00 : f32
      %broadcast_in_dim3A_86 = vector.broadcast %broadcast_in_dim3A : f32 to vector<16xf32>
      %swap3A = arith.index_cast %add3A_85 : i32 to index
      %swap3A_87 = arith.constant 0 : index
      %swap3A_88 = tpu.vector_load %arg9[%swap3A, %swap3A_87] {strides = array<i32>} : memref<160x128xf32, #tpu.memory_space<vmem>>, vector<1x16xf32>,
      %swap3A_89 = vector.shape_cast %swap3A_88 : vector<1x16xf32> to vector<16xf32>
      %swap3A_90 = vector.shape_cast %broadcast_in_dim3A_86 : vector<16xf32> to vector<1x16xf32>
      tpu.vector_store %arg9[%swap3A, %swap3A_87], %swap3A_90 {strides = array<i32>} : memref<160x128xf32, #tpu.memory_space<vmem>>, vector<1x16xf32>,
      %broadcast_in_dim3A_91 = arith.constant 0.000000e+00 : f32
      %broadcast_in_dim3A_92 = vector.broadcast %broadcast_in_dim3A_91 : f32 to vector<16xf32>
      %swap3A_93 = arith.index_cast %add3A_85 : i32 to index
      %swap3A_94 = arith.constant 16 : index
      %swap3A_95 = tpu.vector_load %arg9[%swap3A_93, %swap3A_94] {strides = array<i32>} : memref<160x128xf32, #tpu.memory_space<vmem>>, vector<1x16xf32>,
      %swap3A_96 = vector.shape_cast %swap3A_95 : vector<1x16xf32> to vector<16xf32>
      %swap3A_97 = vector.shape_cast %broadcast_in_dim3A_92 : vector<16xf32> to vector<1x16xf32>
      tpu.vector_store %arg9[%swap3A_93, %swap3A_94], %swap3A_97 {strides = array<i32>} : memref<160x128xf32, #tpu.memory_space<vmem>>, vector<1x16xf32>,
      %broadcast_in_dim3A_98 = arith.constant 0.000000e+00 : f32
      %broadcast_in_dim3A_99 = vector.broadcast %broadcast_in_dim3A_98 : f32 to vector<16xf32>
      %swap3A_100 = arith.index_cast %add3A_85 : i32 to index
      %swap3A_101 = arith.constant 32 : index
      %swap3A_102 = tpu.vector_load %arg9[%swap3A_100, %swap3A_101] {strides = array<i32>} : memref<160x128xf32, #tpu.memory_space<vmem>>, vector<1x16xf32>,
      %swap3A_103 = vector.shape_cast %swap3A_102 : vector<1x16xf32> to vector<16xf32>
      %swap3A_104 = vector.shape_cast %broadcast_in_dim3A_99 : vector<16xf32> to vector<1x16xf32>
      tpu.vector_store %arg9[%swap3A_100, %swap3A_101], %swap3A_104 {strides = array<i32>} : memref<160x128xf32, #tpu.memory_space<vmem>>, vector<1x16xf32>,
      %broadcast_in_dim3A_105 = arith.constant 0.000000e+00 : f32
      %broadcast_in_dim3A_106 = vector.broadcast %broadcast_in_dim3A_105 : f32 to vector<16xf32>
      %swap3A_107 = arith.index_cast %add3A_85 : i32 to index
      %swap3A_108 = arith.constant 48 : index
      %swap3A_109 = tpu.vector_load %arg9[%swap3A_107, %swap3A_108] {strides = array<i32>} : memref<160x128xf32, #tpu.memory_space<vmem>>, vector<1x16xf32>,
      %swap3A_110 = vector.shape_cast %swap3A_109 : vector<1x16xf32> to vector<16xf32>
      %swap3A_111 = vector.shape_cast %broadcast_in_dim3A_106 : vector<16xf32> to vector<1x16xf32>
      tpu.vector_store %arg9[%swap3A_107, %swap3A_108], %swap3A_111 {strides = array<i32>} : memref<160x128xf32, #tpu.memory_space<vmem>>, vector<1x16xf32>,
      %broadcast_in_dim3A_112 = arith.constant 0.000000e+00 : f32
      %broadcast_in_dim3A_113 = vector.broadcast %broadcast_in_dim3A_112 : f32 to vector<16xf32>
      %swap3A_114 = arith.index_cast %add3A_85 : i32 to index
      %swap3A_115 = arith.constant 64 : index
      %swap3A_116 = tpu.vector_load %arg9[%swap3A_114, %swap3A_115] {strides = array<i32>} : memref<160x128xf32, #tpu.memory_space<vmem>>, vector<1x16xf32>,
      %swap3A_117 = vector.shape_cast %swap3A_116 : vector<1x16xf32> to vector<16xf32>
      %swap3A_118 = vector.shape_cast %broadcast_in_dim3A_113 : vector<16xf32> to vector<1x16xf32>
      tpu.vector_store %arg9[%swap3A_114, %swap3A_115], %swap3A_118 {strides = array<i32>} : memref<160x128xf32, #tpu.memory_space<vmem>>, vector<1x16xf32>,
      %broadcast_in_dim3A_119 = arith.constant 0.000000e+00 : f32
      %broadcast_in_dim3A_120 = vector.broadcast %broadcast_in_dim3A_119 : f32 to vector<16xf32>
      %swap3A_121 = arith.index_cast %add3A_85 : i32 to index
      %swap3A_122 = arith.constant 80 : index
      %swap3A_123 = tpu.vector_load %arg9[%swap3A_121, %swap3A_122] {strides = array<i32>} : memref<160x128xf32, #tpu.memory_space<vmem>>, vector<1x16xf32>,
      %swap3A_124 = vector.shape_cast %swap3A_123 : vector<1x16xf32> to vector<16xf32>
      %swap3A_125 = vector.shape_cast %broadcast_in_dim3A_120 : vector<16xf32> to vector<1x16xf32>
      tpu.vector_store %arg9[%swap3A_121, %swap3A_122], %swap3A_125 {strides = array<i32>} : memref<160x128xf32, #tpu.memory_space<vmem>>, vector<1x16xf32>,
      %broadcast_in_dim3A_126 = arith.constant 0.000000e+00 : f32
      %broadcast_in_dim3A_127 = vector.broadcast %broadcast_in_dim3A_126 : f32 to vector<16xf32>
      %swap3A_128 = arith.index_cast %add3A_85 : i32 to index
      %swap3A_129 = arith.constant 96 : index
      %swap3A_130 = tpu.vector_load %arg9[%swap3A_128, %swap3A_129] {strides = array<i32>} : memref<160x128xf32, #tpu.memory_space<vmem>>, vector<1x16xf32>,
      %swap3A_131 = vector.shape_cast %swap3A_130 : vector<1x16xf32> to vector<16xf32>
      %swap3A_132 = vector.shape_cast %broadcast_in_dim3A_127 : vector<16xf32> to vector<1x16xf32>
      tpu.vector_store %arg9[%swap3A_128, %swap3A_129], %swap3A_132 {strides = array<i32>} : memref<160x128xf32, #tpu.memory_space<vmem>>, vector<1x16xf32>,
      %broadcast_in_dim3A_133 = arith.constant 0.000000e+00 : f32
      %broadcast_in_dim3A_134 = vector.broadcast %broadcast_in_dim3A_133 : f32 to vector<16xf32>
      %swap3A_135 = arith.index_cast %add3A_85 : i32 to index
      %swap3A_136 = arith.constant 112 : index
      %swap3A_137 = tpu.vector_load %arg9[%swap3A_135, %swap3A_136] {strides = array<i32>} : memref<160x128xf32, #tpu.memory_space<vmem>>, vector<1x16xf32>,
      %swap3A_138 = vector.shape_cast %swap3A_137 : vector<1x16xf32> to vector<16xf32>
      %swap3A_139 = vector.shape_cast %broadcast_in_dim3A_134 : vector<16xf32> to vector<1x16xf32>
      tpu.vector_store %arg9[%swap3A_135, %swap3A_136], %swap3A_139 {strides = array<i32>} : memref<160x128xf32, #tpu.memory_space<vmem>>, vector<1x16xf32>,
    }
    %scan3A_18 = arith.constant 160 : i32
    %mul3A_19 = arith.constant 640 : i32
    %mul3A_20 = arith.muli %arg1, %mul3A_19 : i32
    %add3A_21 = arith.constant 0 : i32
    %add3A_22 = arith.addi %mul3A_20, %add3A_21 : i32
    "tpu.region"() ({
      %run_scoped3A = tpu.sem_alloc : memref<!tpu.dma_semaphore, #tpu.memory_space<semaphore_mem>>
      %dma_start3A_81 = arith.constant 0 : i32
      %dma_start3A_82 = arith.constant 0 : i32
      %dma_start3A_83 = tpu.memref_slice %arg9[%dma_start3A_81, %dma_start3A_82] : memref<160x128xf32, #tpu.memory_space<vmem>> -> memref<160x128xf32, #tpu.memory_space<vmem>>
      %dma_start3A_84 = arith.constant 0 : i32
      %dma_start3A_85 = tpu.memref_slice %arg7[%add3A_22, %dma_start3A_84] : memref<10240x128xf32, #tpu.memory_space<vmem_shared>> -> memref<160x128xf32, #tpu.memory_space<vmem_shared>>
      %dma_start3A_86 = arith.constant 0 : i32
      %dma_start3A_87 = tpu.memref_slice %arg7[%add3A_22, %dma_start3A_86] : memref<10240x128xf32, #tpu.memory_space<vmem_shared>> -> memref<160x128xf32, #tpu.memory_space<vmem_shared>>
      %dma_start3A_88 = arith.constant 0 : i32
      %dma_start3A_89 = arith.constant 0 : i32
      %dma_start3A_90 = tpu.memref_slice %arg9[%dma_start3A_88, %dma_start3A_89] : memref<160x128xf32, #tpu.memory_space<vmem>> -> memref<160x128xf32, #tpu.memory_space<vmem>>
      tpu.enqueue_dma source(%dma_start3A_90 : memref<160x128xf32, #tpu.memory_space<vmem>>) target(%dma_start3A_87 : memref<160x128xf32, #tpu.memory_space<vmem_shared>>) target_semaphore(%run_scoped3A : memref<!tpu.dma_semaphore, #tpu.memory_space<semaphore_mem>>)
      %dma_wait3A_91 = arith.constant 0 : i32
      %dma_wait3A_92 = arith.constant 0 : i32
      %dma_wait3A_93 = tpu.memref_slice %arg9[%dma_wait3A_91, %dma_wait3A_92] : memref<160x128xf32, #tpu.memory_space<vmem>> -> memref<160x128xf32, #tpu.memory_space<vmem>>
      %dma_wait3A_94 = arith.constant 0 : i32
      %dma_wait3A_95 = tpu.memref_slice %arg7[%add3A_22, %dma_wait3A_94] : memref<10240x128xf32, #tpu.memory_space<vmem_shared>> -> memref<160x128xf32, #tpu.memory_space<vmem_shared>>
      %dma_wait3A_96 = arith.constant 0 : i32
      %dma_wait3A_97 = tpu.memref_slice %arg7[%add3A_22, %dma_wait3A_96] : memref<10240x128xf32, #tpu.memory_space<vmem_shared>> -> memref<160x128xf32, #tpu.memory_space<vmem_shared>>
      %dma_wait3A_98 = arith.constant 0 : i32
      %dma_wait3A_99 = arith.constant 0 : i32
      %dma_wait3A_100 = tpu.memref_slice %arg9[%dma_wait3A_98, %dma_wait3A_99] : memref<160x128xf32, #tpu.memory_space<vmem>> -> memref<160x128xf32, #tpu.memory_space<vmem>>
      tpu.wait_dma2 semaphore(%run_scoped3A : memref<!tpu.dma_semaphore, #tpu.memory_space<semaphore_mem>>) src(%dma_wait3A_100 : memref<160x128xf32, #tpu.memory_space<vmem>>) dst(%dma_wait3A_97 : memref<160x128xf32, #tpu.memory_space<vmem_shared>>)
      tpu.yield
    }) : () -> ()
    %mul3A_23 = arith.constant 640 : i32
    %mul3A_24 = arith.muli %arg1, %mul3A_23 : i32
    %add3A_25 = arith.constant 160 : i32
    %add3A_26 = arith.addi %mul3A_24, %add3A_25 : i32
    "tpu.region"() ({
      %run_scoped3A = tpu.sem_alloc : memref<!tpu.dma_semaphore, #tpu.memory_space<semaphore_mem>>
      %dma_start3A_81 = arith.constant 0 : i32
      %dma_start3A_82 = arith.constant 0 : i32
      %dma_start3A_83 = tpu.memref_slice %arg9[%dma_start3A_81, %dma_start3A_82] : memref<160x128xf32, #tpu.memory_space<vmem>> -> memref<160x128xf32, #tpu.memory_space<vmem>>
      %dma_start3A_84 = arith.constant 0 : i32
      %dma_start3A_85 = tpu.memref_slice %arg7[%add3A_26, %dma_start3A_84] : memref<10240x128xf32, #tpu.memory_space<vmem_shared>> -> memref<160x128xf32, #tpu.memory_space<vmem_shared>>
      %dma_start3A_86 = arith.constant 0 : i32
      %dma_start3A_87 = tpu.memref_slice %arg7[%add3A_26, %dma_start3A_86] : memref<10240x128xf32, #tpu.memory_space<vmem_shared>> -> memref<160x128xf32, #tpu.memory_space<vmem_shared>>
      %dma_start3A_88 = arith.constant 0 : i32
      %dma_start3A_89 = arith.constant 0 : i32
      %dma_start3A_90 = tpu.memref_slice %arg9[%dma_start3A_88, %dma_start3A_89] : memref<160x128xf32, #tpu.memory_space<vmem>> -> memref<160x128xf32, #tpu.memory_space<vmem>>
      tpu.enqueue_dma source(%dma_start3A_90 : memref<160x128xf32, #tpu.memory_space<vmem>>) target(%dma_start3A_87 : memref<160x128xf32, #tpu.memory_space<vmem_shared>>) target_semaphore(%run_scoped3A : memref<!tpu.dma_semaphore, #tpu.memory_space<semaphore_mem>>)
      %dma_wait3A_91 = arith.constant 0 : i32
      %dma_wait3A_92 = arith.constant 0 : i32
      %dma_wait3A_93 = tpu.memref_slice %arg9[%dma_wait3A_91, %dma_wait3A_92] : memref<160x128xf32, #tpu.memory_space<vmem>> -> memref<160x128xf32, #tpu.memory_space<vmem>>
      %dma_wait3A_94 = arith.constant 0 : i32
      %dma_wait3A_95 = tpu.memref_slice %arg7[%add3A_26, %dma_wait3A_94] : memref<10240x128xf32, #tpu.memory_space<vmem_shared>> -> memref<160x128xf32, #tpu.memory_space<vmem_shared>>
      %dma_wait3A_96 = arith.constant 0 : i32
      %dma_wait3A_97 = tpu.memref_slice %arg7[%add3A_26, %dma_wait3A_96] : memref<10240x128xf32, #tpu.memory_space<vmem_shared>> -> memref<160x128xf32, #tpu.memory_space<vmem_shared>>
      %dma_wait3A_98 = arith.constant 0 : i32
      %dma_wait3A_99 = arith.constant 0 : i32
      %dma_wait3A_100 = tpu.memref_slice %arg9[%dma_wait3A_98, %dma_wait3A_99] : memref<160x128xf32, #tpu.memory_space<vmem>> -> memref<160x128xf32, #tpu.memory_space<vmem>>
      tpu.wait_dma2 semaphore(%run_scoped3A : memref<!tpu.dma_semaphore, #tpu.memory_space<semaphore_mem>>) src(%dma_wait3A_100 : memref<160x128xf32, #tpu.memory_space<vmem>>) dst(%dma_wait3A_97 : memref<160x128xf32, #tpu.memory_space<vmem_shared>>)
      tpu.yield
    }) : () -> ()
    %mul3A_27 = arith.constant 640 : i32
    %mul3A_28 = arith.muli %arg1, %mul3A_27 : i32
    %add3A_29 = arith.constant 320 : i32
    %add3A_30 = arith.addi %mul3A_28, %add3A_29 : i32
    "tpu.region"() ({
      %run_scoped3A = tpu.sem_alloc : memref<!tpu.dma_semaphore, #tpu.memory_space<semaphore_mem>>
      %dma_start3A_81 = arith.constant 0 : i32
      %dma_start3A_82 = arith.constant 0 : i32
      %dma_start3A_83 = tpu.memref_slice %arg9[%dma_start3A_81, %dma_start3A_82] : memref<160x128xf32, #tpu.memory_space<vmem>> -> memref<160x128xf32, #tpu.memory_space<vmem>>
      %dma_start3A_84 = arith.constant 0 : i32
      %dma_start3A_85 = tpu.memref_slice %arg7[%add3A_30, %dma_start3A_84] : memref<10240x128xf32, #tpu.memory_space<vmem_shared>> -> memref<160x128xf32, #tpu.memory_space<vmem_shared>>
      %dma_start3A_86 = arith.constant 0 : i32
      %dma_start3A_87 = tpu.memref_slice %arg7[%add3A_30, %dma_start3A_86] : memref<10240x128xf32, #tpu.memory_space<vmem_shared>> -> memref<160x128xf32, #tpu.memory_space<vmem_shared>>
      %dma_start3A_88 = arith.constant 0 : i32
      %dma_start3A_89 = arith.constant 0 : i32
      %dma_start3A_90 = tpu.memref_slice %arg9[%dma_start3A_88, %dma_start3A_89] : memref<160x128xf32, #tpu.memory_space<vmem>> -> memref<160x128xf32, #tpu.memory_space<vmem>>
      tpu.enqueue_dma source(%dma_start3A_90 : memref<160x128xf32, #tpu.memory_space<vmem>>) target(%dma_start3A_87 : memref<160x128xf32, #tpu.memory_space<vmem_shared>>) target_semaphore(%run_scoped3A : memref<!tpu.dma_semaphore, #tpu.memory_space<semaphore_mem>>)
      %dma_wait3A_91 = arith.constant 0 : i32
      %dma_wait3A_92 = arith.constant 0 : i32
      %dma_wait3A_93 = tpu.memref_slice %arg9[%dma_wait3A_91, %dma_wait3A_92] : memref<160x128xf32, #tpu.memory_space<vmem>> -> memref<160x128xf32, #tpu.memory_space<vmem>>
      %dma_wait3A_94 = arith.constant 0 : i32
      %dma_wait3A_95 = tpu.memref_slice %arg7[%add3A_30, %dma_wait3A_94] : memref<10240x128xf32, #tpu.memory_space<vmem_shared>> -> memref<160x128xf32, #tpu.memory_space<vmem_shared>>
      %dma_wait3A_96 = arith.constant 0 : i32
      %dma_wait3A_97 = tpu.memref_slice %arg7[%add3A_30, %dma_wait3A_96] : memref<10240x128xf32, #tpu.memory_space<vmem_shared>> -> memref<160x128xf32, #tpu.memory_space<vmem_shared>>
      %dma_wait3A_98 = arith.constant 0 : i32
      %dma_wait3A_99 = arith.constant 0 : i32
      %dma_wait3A_100 = tpu.memref_slice %arg9[%dma_wait3A_98, %dma_wait3A_99] : memref<160x128xf32, #tpu.memory_space<vmem>> -> memref<160x128xf32, #tpu.memory_space<vmem>>
      tpu.wait_dma2 semaphore(%run_scoped3A : memref<!tpu.dma_semaphore, #tpu.memory_space<semaphore_mem>>) src(%dma_wait3A_100 : memref<160x128xf32, #tpu.memory_space<vmem>>) dst(%dma_wait3A_97 : memref<160x128xf32, #tpu.memory_space<vmem_shared>>)
      tpu.yield
    }) : () -> ()
    %mul3A_31 = arith.constant 640 : i32
    %mul3A_32 = arith.muli %arg1, %mul3A_31 : i32
    %add3A_33 = arith.constant 480 : i32
    %add3A_34 = arith.addi %mul3A_32, %add3A_33 : i32
    "tpu.region"() ({
      %run_scoped3A = tpu.sem_alloc : memref<!tpu.dma_semaphore, #tpu.memory_space<semaphore_mem>>
      %dma_start3A_81 = arith.constant 0 : i32
      %dma_start3A_82 = arith.constant 0 : i32
      %dma_start3A_83 = tpu.memref_slice %arg9[%dma_start3A_81, %dma_start3A_82] : memref<160x128xf32, #tpu.memory_space<vmem>> -> memref<160x128xf32, #tpu.memory_space<vmem>>
      %dma_start3A_84 = arith.constant 0 : i32
      %dma_start3A_85 = tpu.memref_slice %arg7[%add3A_34, %dma_start3A_84] : memref<10240x128xf32, #tpu.memory_space<vmem_shared>> -> memref<160x128xf32, #tpu.memory_space<vmem_shared>>
      %dma_start3A_86 = arith.constant 0 : i32
      %dma_start3A_87 = tpu.memref_slice %arg7[%add3A_34, %dma_start3A_86] : memref<10240x128xf32, #tpu.memory_space<vmem_shared>> -> memref<160x128xf32, #tpu.memory_space<vmem_shared>>
      %dma_start3A_88 = arith.constant 0 : i32
      %dma_start3A_89 = arith.constant 0 : i32
      %dma_start3A_90 = tpu.memref_slice %arg9[%dma_start3A_88, %dma_start3A_89] : memref<160x128xf32, #tpu.memory_space<vmem>> -> memref<160x128xf32, #tpu.memory_space<vmem>>
      tpu.enqueue_dma source(%dma_start3A_90 : memref<160x128xf32, #tpu.memory_space<vmem>>) target(%dma_start3A_87 : memref<160x128xf32, #tpu.memory_space<vmem_shared>>) target_semaphore(%run_scoped3A : memref<!tpu.dma_semaphore, #tpu.memory_space<semaphore_mem>>)
      %dma_wait3A_91 = arith.constant 0 : i32
      %dma_wait3A_92 = arith.constant 0 : i32
      %dma_wait3A_93 = tpu.memref_slice %arg9[%dma_wait3A_91, %dma_wait3A_92] : memref<160x128xf32, #tpu.memory_space<vmem>> -> memref<160x128xf32, #tpu.memory_space<vmem>>
      %dma_wait3A_94 = arith.constant 0 : i32
      %dma_wait3A_95 = tpu.memref_slice %arg7[%add3A_34, %dma_wait3A_94] : memref<10240x128xf32, #tpu.memory_space<vmem_shared>> -> memref<160x128xf32, #tpu.memory_space<vmem_shared>>
      %dma_wait3A_96 = arith.constant 0 : i32
      %dma_wait3A_97 = tpu.memref_slice %arg7[%add3A_34, %dma_wait3A_96] : memref<10240x128xf32, #tpu.memory_space<vmem_shared>> -> memref<160x128xf32, #tpu.memory_space<vmem_shared>>
      %dma_wait3A_98 = arith.constant 0 : i32
      %dma_wait3A_99 = arith.constant 0 : i32
      %dma_wait3A_100 = tpu.memref_slice %arg9[%dma_wait3A_98, %dma_wait3A_99] : memref<160x128xf32, #tpu.memory_space<vmem>> -> memref<160x128xf32, #tpu.memory_space<vmem>>
      tpu.wait_dma2 semaphore(%run_scoped3A : memref<!tpu.dma_semaphore, #tpu.memory_space<semaphore_mem>>) src(%dma_wait3A_100 : memref<160x128xf32, #tpu.memory_space<vmem>>) dst(%dma_wait3A_97 : memref<160x128xf32, #tpu.memory_space<vmem_shared>>)
      tpu.yield
    }) : () -> ()
    %barrier3A = arith.constant 0 : index
    tpu.barrier barrier_id(%barrier3A)
    %dma_wait3A = arith.constant 0 : i32
    %dma_wait3A_35 = tpu.memref_slice %arg4[%dma_wait3A] : memref<640000xi32, #tpu.memory_space<hbm>> -> memref<160xi32, #tpu.memory_space<hbm>>
    %dma_wait3A_36 = arith.constant 0 : i32
    %dma_wait3A_37 = tpu.memref_slice %arg4[%dma_wait3A_36] : memref<640000xi32, #tpu.memory_space<hbm>> -> memref<160xi32, #tpu.memory_space<hbm>>
    tpu.wait_dma2 semaphore(%arg14 : memref<!tpu.dma_semaphore, #tpu.memory_space<semaphore_mem>>) src(%dma_wait3A_37 : memref<160xi32, #tpu.memory_space<hbm>>) dst(%arg10 : memref<160xi32, #tpu.memory_space<vmem>>)
    %dma_wait3A_38 = arith.constant 0 : i32
    %dma_wait3A_39 = tpu.memref_slice %arg5[%dma_wait3A_38] : memref<320000xi32, #tpu.memory_space<hbm>> -> memref<160xi32, #tpu.memory_space<hbm>>
    %dma_wait3A_40 = arith.constant 0 : i32
    %dma_wait3A_41 = tpu.memref_slice %arg5[%dma_wait3A_40] : memref<320000xi32, #tpu.memory_space<hbm>> -> memref<160xi32, #tpu.memory_space<hbm>>
    tpu.wait_dma2 semaphore(%arg14 : memref<!tpu.dma_semaphore, #tpu.memory_space<semaphore_mem>>) src(%dma_wait3A_41 : memref<160xi32, #tpu.memory_space<hbm>>) dst(%arg12 : memref<160xi32, #tpu.memory_space<vmem>>)
    %dma_wait3A_42 = arith.constant 0 : i32
    %dma_wait3A_43 = arith.constant 0 : i32
    %dma_wait3A_44 = tpu.memref_slice %arg3[%dma_wait3A_42, %dma_wait3A_43] : memref<640000x128xf32, #tpu.memory_space<hbm>> -> memref<160x128xf32, #tpu.memory_space<hbm>>
    %dma_wait3A_45 = arith.constant 0 : i32
    %dma_wait3A_46 = arith.constant 0 : i32
    %dma_wait3A_47 = tpu.memref_slice %arg3[%dma_wait3A_45, %dma_wait3A_46] : memref<640000x128xf32, #tpu.memory_space<hbm>> -> memref<160x128xf32, #tpu.memory_space<hbm>>
    tpu.wait_dma2 semaphore(%arg16 : memref<!tpu.dma_semaphore, #tpu.memory_space<semaphore_mem>>) src(%dma_wait3A_47 : memref<160x128xf32, #tpu.memory_space<hbm>>) dst(%arg8 : memref<160x128xf32, #tpu.memory_space<vmem>>)
    %dma_start3A_48 = arith.constant 0 : i32
    %dma_start3A_49 = arith.constant 0 : i32
    %dma_start3A_50 = tpu.memref_slice %arg2[%dma_start3A_48, %dma_start3A_49] : memref<20000x128xf32, #tpu.memory_space<hbm>> -> memref<20000x128xf32, #tpu.memory_space<hbm>>
    tpu.enqueue_indirect_dma source(%dma_start3A_50 : memref<20000x128xf32, #tpu.memory_space<hbm>>) target(%arg8 : memref<160x128xf32, #tpu.memory_space<vmem>>) offsets(%arg10 : memref<160xi32, #tpu.memory_space<vmem>>) semaphore(%arg18 : memref<!tpu.dma_semaphore, #tpu.memory_space<semaphore_mem>>) {add = true}
    %scan3A_51 = arith.constant 0 : i32
    %scan3A_52 = arith.constant 62 : i32
    %scan3A_53 = arith.addi %scan3A_51, %scan3A_52 : i32
    %scan3A_54 = arith.constant 1 : i32
    scf.for %scan3A_81 = %scan3A_51 to %scan3A_53 step %scan3A_54  : i32 {
      %mul3A_82 = arith.constant 1 : i32
      %mul3A_83 = arith.muli %scan3A_81, %mul3A_82 : i32
      %add3A_84 = arith.constant 0 : i32
      %add3A_85 = arith.addi %add3A_84, %mul3A_83 : i32
      %mul3A_86 = arith.constant 2 : i32
      %mul3A_87 = arith.muli %mul3A_86, %add3A_85 : i32
      %add3A_88 = arith.constant 1 : i32
      %add3A_89 = arith.addi %mul3A_87, %add3A_88 : i32
      %gt3A = arith.constant 0 : i32
      %gt3A_90 = arith.cmpi sgt, %add3A_85, %gt3A : i32
      %convert_element_type3A = arith.extui %gt3A_90 : i1 to i32
      %cond3A = arith.constant 0 : i32
      %cond3A_91 = arith.cmpi ne, %convert_element_type3A, %cond3A : i32
      scf.if %cond3A_91 {
        %dma_wait3A_187 = arith.constant 0 : i32
        %dma_wait3A_188 = arith.constant 0 : i32
        %dma_wait3A_189 = tpu.memref_slice %arg7[%dma_wait3A_187, %dma_wait3A_188] : memref<10240x128xf32, #tpu.memory_space<vmem_shared>> -> memref<10240x128xf32, #tpu.memory_space<vmem_shared>>
        tpu.wait_indirect_dma semaphore(%arg21 : memref<!tpu.dma_semaphore, #tpu.memory_space<semaphore_mem>>) src(%arg9 : memref<160x128xf32, #tpu.memory_space<vmem>>) dst(%dma_wait3A_189 : memref<10240x128xf32, #tpu.memory_space<vmem_shared>>)
      } else {
      }
      %mul3A_92 = arith.constant 160 : i32
      %mul3A_93 = arith.muli %add3A_89, %mul3A_92 : i32
      %add3A_94 = arith.addi %mul3A_0, %mul3A_93 : i32
      %mul3A_95 = arith.constant 320000 : i32
      %mul3A_96 = arith.muli %arg0, %mul3A_95 : i32
      %add3A_97 = arith.addi %mul3A_96, %add3A_94 : i32
      %dma_start3A_98 = tpu.memref_slice %arg4[%add3A_97] : memref<640000xi32, #tpu.memory_space<hbm>> -> memref<160xi32, #tpu.memory_space<hbm>>
      %dma_start3A_99 = tpu.memref_slice %arg4[%add3A_97] : memref<640000xi32, #tpu.memory_space<hbm>> -> memref<160xi32, #tpu.memory_space<hbm>>
      tpu.enqueue_dma source(%dma_start3A_99 : memref<160xi32, #tpu.memory_space<hbm>>) target(%arg11 : memref<160xi32, #tpu.memory_space<vmem>>) target_semaphore(%arg15 : memref<!tpu.dma_semaphore, #tpu.memory_space<semaphore_mem>>)
      %dma_start3A_100 = tpu.memref_slice %arg5[%add3A_94] : memref<320000xi32, #tpu.memory_space<hbm>> -> memref<160xi32, #tpu.memory_space<hbm>>
      %dma_start3A_101 = tpu.memref_slice %arg5[%add3A_94] : memref<320000xi32, #tpu.memory_space<hbm>> -> memref<160xi32, #tpu.memory_space<hbm>>
      tpu.enqueue_dma source(%dma_start3A_101 : memref<160xi32, #tpu.memory_space<hbm>>) target(%arg13 : memref<160xi32, #tpu.memory_space<vmem>>) target_semaphore(%arg15 : memref<!tpu.dma_semaphore, #tpu.memory_space<semaphore_mem>>)
      %mul3A_102 = arith.constant 320000 : i32
      %mul3A_103 = arith.muli %arg0, %mul3A_102 : i32
      %add3A_104 = arith.addi %mul3A_103, %add3A_94 : i32
      %dma_start3A_105 = arith.constant 0 : i32
      %dma_start3A_106 = tpu.memref_slice %arg3[%add3A_104, %dma_start3A_105] : memref<640000x128xf32, #tpu.memory_space<hbm>> -> memref<160x128xf32, #tpu.memory_space<hbm>>
      %dma_start3A_107 = arith.constant 0 : i32
      %dma_start3A_108 = tpu.memref_slice %arg3[%add3A_104, %dma_start3A_107] : memref<640000x128xf32, #tpu.memory_space<hbm>> -> memref<160x128xf32, #tpu.memory_space<hbm>>
      tpu.enqueue_dma source(%dma_start3A_108 : memref<160x128xf32, #tpu.memory_space<hbm>>) target(%arg9 : memref<160x128xf32, #tpu.memory_space<vmem>>) target_semaphore(%arg17 : memref<!tpu.dma_semaphore, #tpu.memory_space<semaphore_mem>>)
      %dma_wait3A_109 = arith.constant 0 : i32
      %dma_wait3A_110 = arith.constant 0 : i32
      %dma_wait3A_111 = tpu.memref_slice %arg2[%dma_wait3A_109, %dma_wait3A_110] : memref<20000x128xf32, #tpu.memory_space<hbm>> -> memref<20000x128xf32, #tpu.memory_space<hbm>>
      tpu.wait_indirect_dma semaphore(%arg18 : memref<!tpu.dma_semaphore, #tpu.memory_space<semaphore_mem>>) src(%dma_wait3A_111 : memref<20000x128xf32, #tpu.memory_space<hbm>>) dst(%arg8 : memref<160x128xf32, #tpu.memory_space<vmem>>)
      %scan3A_112 = arith.constant 0 : i32
      %scan3A_113 = arith.constant 160 : i32
      %scan3A_114 = arith.addi %scan3A_112, %scan3A_113 : i32
      %scan3A_115 = arith.constant 1 : i32
      scf.for %scan3A_187 = %scan3A_112 to %scan3A_114 step %scan3A_115  : i32 {
        %mul3A_188 = arith.constant 1 : i32
        %mul3A_189 = arith.muli %scan3A_187, %mul3A_188 : i32
        %add3A_190 = arith.constant 0 : i32
        %add3A_191 = arith.addi %add3A_190, %mul3A_189 : i32
        %get3A = arith.index_cast %add3A_191 : i32 to index
        %get3A_192 = arith.constant 0 : index
        %get3A_193 = tpu.vector_load %arg8[%get3A, %get3A_192] {strides = array<i32>} : memref<160x128xf32, #tpu.memory_space<vmem>>, vector<1x16xf32>,
        %get3A_194 = vector.shape_cast %get3A_193 : vector<1x16xf32> to vector<16xf32>
        %max3A = arith.constant 0.000000e+00 : f32
        %max3A_195 = vector.broadcast %max3A : f32 to vector<16xf32>
        %max3A_196 = arith.maximumf %get3A_194, %max3A_195 : vector<16xf32>
        %swap3A = arith.index_cast %add3A_191 : i32 to index
        %swap3A_197 = arith.constant 0 : index
        %swap3A_198 = tpu.vector_load %arg8[%swap3A, %swap3A_197] {strides = array<i32>} : memref<160x128xf32, #tpu.memory_space<vmem>>, vector<1x16xf32>,
        %swap3A_199 = vector.shape_cast %swap3A_198 : vector<1x16xf32> to vector<16xf32>
        %swap3A_200 = vector.shape_cast %max3A_196 : vector<16xf32> to vector<1x16xf32>
        tpu.vector_store %arg8[%swap3A, %swap3A_197], %swap3A_200 {strides = array<i32>} : memref<160x128xf32, #tpu.memory_space<vmem>>, vector<1x16xf32>,
        %get3A_201 = arith.index_cast %add3A_191 : i32 to index
        %get3A_202 = arith.constant 16 : index
        %get3A_203 = tpu.vector_load %arg8[%get3A_201, %get3A_202] {strides = array<i32>} : memref<160x128xf32, #tpu.memory_space<vmem>>, vector<1x16xf32>,
        %get3A_204 = vector.shape_cast %get3A_203 : vector<1x16xf32> to vector<16xf32>
        %max3A_205 = arith.constant 0.000000e+00 : f32
        %max3A_206 = vector.broadcast %max3A_205 : f32 to vector<16xf32>
        %max3A_207 = arith.maximumf %get3A_204, %max3A_206 : vector<16xf32>
        %swap3A_208 = arith.index_cast %add3A_191 : i32 to index
        %swap3A_209 = arith.constant 16 : index
        %swap3A_210 = tpu.vector_load %arg8[%swap3A_208, %swap3A_209] {strides = array<i32>} : memref<160x128xf32, #tpu.memory_space<vmem>>, vector<1x16xf32>,
        %swap3A_211 = vector.shape_cast %swap3A_210 : vector<1x16xf32> to vector<16xf32>
        %swap3A_212 = vector.shape_cast %max3A_207 : vector<16xf32> to vector<1x16xf32>
        tpu.vector_store %arg8[%swap3A_208, %swap3A_209], %swap3A_212 {strides = array<i32>} : memref<160x128xf32, #tpu.memory_space<vmem>>, vector<1x16xf32>,
        %get3A_213 = arith.index_cast %add3A_191 : i32 to index
        %get3A_214 = arith.constant 32 : index
        %get3A_215 = tpu.vector_load %arg8[%get3A_213, %get3A_214] {strides = array<i32>} : memref<160x128xf32, #tpu.memory_space<vmem>>, vector<1x16xf32>,
        %get3A_216 = vector.shape_cast %get3A_215 : vector<1x16xf32> to vector<16xf32>
        %max3A_217 = arith.constant 0.000000e+00 : f32
        %max3A_218 = vector.broadcast %max3A_217 : f32 to vector<16xf32>
        %max3A_219 = arith.maximumf %get3A_216, %max3A_218 : vector<16xf32>
        %swap3A_220 = arith.index_cast %add3A_191 : i32 to index
        %swap3A_221 = arith.constant 32 : index
        %swap3A_222 = tpu.vector_load %arg8[%swap3A_220, %swap3A_221] {strides = array<i32>} : memref<160x128xf32, #tpu.memory_space<vmem>>, vector<1x16xf32>,
        %swap3A_223 = vector.shape_cast %swap3A_222 : vector<1x16xf32> to vector<16xf32>
        %swap3A_224 = vector.shape_cast %max3A_219 : vector<16xf32> to vector<1x16xf32>
        tpu.vector_store %arg8[%swap3A_220, %swap3A_221], %swap3A_224 {strides = array<i32>} : memref<160x128xf32, #tpu.memory_space<vmem>>, vector<1x16xf32>,
        %get3A_225 = arith.index_cast %add3A_191 : i32 to index
        %get3A_226 = arith.constant 48 : index
        %get3A_227 = tpu.vector_load %arg8[%get3A_225, %get3A_226] {strides = array<i32>} : memref<160x128xf32, #tpu.memory_space<vmem>>, vector<1x16xf32>,
        %get3A_228 = vector.shape_cast %get3A_227 : vector<1x16xf32> to vector<16xf32>
        %max3A_229 = arith.constant 0.000000e+00 : f32
        %max3A_230 = vector.broadcast %max3A_229 : f32 to vector<16xf32>
        %max3A_231 = arith.maximumf %get3A_228, %max3A_230 : vector<16xf32>
        %swap3A_232 = arith.index_cast %add3A_191 : i32 to index
        %swap3A_233 = arith.constant 48 : index
        %swap3A_234 = tpu.vector_load %arg8[%swap3A_232, %swap3A_233] {strides = array<i32>} : memref<160x128xf32, #tpu.memory_space<vmem>>, vector<1x16xf32>,
        %swap3A_235 = vector.shape_cast %swap3A_234 : vector<1x16xf32> to vector<16xf32>
        %swap3A_236 = vector.shape_cast %max3A_231 : vector<16xf32> to vector<1x16xf32>
        tpu.vector_store %arg8[%swap3A_232, %swap3A_233], %swap3A_236 {strides = array<i32>} : memref<160x128xf32, #tpu.memory_space<vmem>>, vector<1x16xf32>,
        %get3A_237 = arith.index_cast %add3A_191 : i32 to index
        %get3A_238 = arith.constant 64 : index
        %get3A_239 = tpu.vector_load %arg8[%get3A_237, %get3A_238] {strides = array<i32>} : memref<160x128xf32, #tpu.memory_space<vmem>>, vector<1x16xf32>,
        %get3A_240 = vector.shape_cast %get3A_239 : vector<1x16xf32> to vector<16xf32>
        %max3A_241 = arith.constant 0.000000e+00 : f32
        %max3A_242 = vector.broadcast %max3A_241 : f32 to vector<16xf32>
        %max3A_243 = arith.maximumf %get3A_240, %max3A_242 : vector<16xf32>
        %swap3A_244 = arith.index_cast %add3A_191 : i32 to index
        %swap3A_245 = arith.constant 64 : index
        %swap3A_246 = tpu.vector_load %arg8[%swap3A_244, %swap3A_245] {strides = array<i32>} : memref<160x128xf32, #tpu.memory_space<vmem>>, vector<1x16xf32>,
        %swap3A_247 = vector.shape_cast %swap3A_246 : vector<1x16xf32> to vector<16xf32>
        %swap3A_248 = vector.shape_cast %max3A_243 : vector<16xf32> to vector<1x16xf32>
        tpu.vector_store %arg8[%swap3A_244, %swap3A_245], %swap3A_248 {strides = array<i32>} : memref<160x128xf32, #tpu.memory_space<vmem>>, vector<1x16xf32>,
        %get3A_249 = arith.index_cast %add3A_191 : i32 to index
        %get3A_250 = arith.constant 80 : index
        %get3A_251 = tpu.vector_load %arg8[%get3A_249, %get3A_250] {strides = array<i32>} : memref<160x128xf32, #tpu.memory_space<vmem>>, vector<1x16xf32>,
        %get3A_252 = vector.shape_cast %get3A_251 : vector<1x16xf32> to vector<16xf32>
        %max3A_253 = arith.constant 0.000000e+00 : f32
        %max3A_254 = vector.broadcast %max3A_253 : f32 to vector<16xf32>
        %max3A_255 = arith.maximumf %get3A_252, %max3A_254 : vector<16xf32>
        %swap3A_256 = arith.index_cast %add3A_191 : i32 to index
        %swap3A_257 = arith.constant 80 : index
        %swap3A_258 = tpu.vector_load %arg8[%swap3A_256, %swap3A_257] {strides = array<i32>} : memref<160x128xf32, #tpu.memory_space<vmem>>, vector<1x16xf32>,
        %swap3A_259 = vector.shape_cast %swap3A_258 : vector<1x16xf32> to vector<16xf32>
        %swap3A_260 = vector.shape_cast %max3A_255 : vector<16xf32> to vector<1x16xf32>
        tpu.vector_store %arg8[%swap3A_256, %swap3A_257], %swap3A_260 {strides = array<i32>} : memref<160x128xf32, #tpu.memory_space<vmem>>, vector<1x16xf32>,
        %get3A_261 = arith.index_cast %add3A_191 : i32 to index
        %get3A_262 = arith.constant 96 : index
        %get3A_263 = tpu.vector_load %arg8[%get3A_261, %get3A_262] {strides = array<i32>} : memref<160x128xf32, #tpu.memory_space<vmem>>, vector<1x16xf32>,
        %get3A_264 = vector.shape_cast %get3A_263 : vector<1x16xf32> to vector<16xf32>
        %max3A_265 = arith.constant 0.000000e+00 : f32
        %max3A_266 = vector.broadcast %max3A_265 : f32 to vector<16xf32>
        %max3A_267 = arith.maximumf %get3A_264, %max3A_266 : vector<16xf32>
        %swap3A_268 = arith.index_cast %add3A_191 : i32 to index
        %swap3A_269 = arith.constant 96 : index
        %swap3A_270 = tpu.vector_load %arg8[%swap3A_268, %swap3A_269] {strides = array<i32>} : memref<160x128xf32, #tpu.memory_space<vmem>>, vector<1x16xf32>,
        %swap3A_271 = vector.shape_cast %swap3A_270 : vector<1x16xf32> to vector<16xf32>
        %swap3A_272 = vector.shape_cast %max3A_267 : vector<16xf32> to vector<1x16xf32>
        tpu.vector_store %arg8[%swap3A_268, %swap3A_269], %swap3A_272 {strides = array<i32>} : memref<160x128xf32, #tpu.memory_space<vmem>>, vector<1x16xf32>,
        %get3A_273 = arith.index_cast %add3A_191 : i32 to index
        %get3A_274 = arith.constant 112 : index
        %get3A_275 = tpu.vector_load %arg8[%get3A_273, %get3A_274] {strides = array<i32>} : memref<160x128xf32, #tpu.memory_space<vmem>>, vector<1x16xf32>,
        %get3A_276 = vector.shape_cast %get3A_275 : vector<1x16xf32> to vector<16xf32>
        %max3A_277 = arith.constant 0.000000e+00 : f32
        %max3A_278 = vector.broadcast %max3A_277 : f32 to vector<16xf32>
        %max3A_279 = arith.maximumf %get3A_276, %max3A_278 : vector<16xf32>
        %swap3A_280 = arith.index_cast %add3A_191 : i32 to index
        %swap3A_281 = arith.constant 112 : index
        %swap3A_282 = tpu.vector_load %arg8[%swap3A_280, %swap3A_281] {strides = array<i32>} : memref<160x128xf32, #tpu.memory_space<vmem>>, vector<1x16xf32>,
        %swap3A_283 = vector.shape_cast %swap3A_282 : vector<1x16xf32> to vector<16xf32>
        %swap3A_284 = vector.shape_cast %max3A_279 : vector<16xf32> to vector<1x16xf32>
        tpu.vector_store %arg8[%swap3A_280, %swap3A_281], %swap3A_284 {strides = array<i32>} : memref<160x128xf32, #tpu.memory_space<vmem>>, vector<1x16xf32>,
      }
      %scan3A_116 = arith.constant 160 : i32
      %dma_start3A_117 = arith.constant 0 : i32
      %dma_start3A_118 = arith.constant 0 : i32
      %dma_start3A_119 = tpu.memref_slice %arg7[%dma_start3A_117, %dma_start3A_118] : memref<10240x128xf32, #tpu.memory_space<vmem_shared>> -> memref<10240x128xf32, #tpu.memory_space<vmem_shared>>
      tpu.enqueue_indirect_dma source(%arg8 : memref<160x128xf32, #tpu.memory_space<vmem>>) target(%dma_start3A_119 : memref<10240x128xf32, #tpu.memory_space<vmem_shared>>) offsets(%arg12 : memref<160xi32, #tpu.memory_space<vmem>>) semaphore(%arg20 : memref<!tpu.dma_semaphore, #tpu.memory_space<semaphore_mem>>) {add = true}
      %dma_wait3A_120 = arith.constant 0 : i32
      %dma_wait3A_121 = tpu.memref_slice %arg4[%dma_wait3A_120] : memref<640000xi32, #tpu.memory_space<hbm>> -> memref<160xi32, #tpu.memory_space<hbm>>
      %dma_wait3A_122 = arith.constant 0 : i32
      %dma_wait3A_123 = tpu.memref_slice %arg4[%dma_wait3A_122] : memref<640000xi32, #tpu.memory_space<hbm>> -> memref<160xi32, #tpu.memory_space<hbm>>
      tpu.wait_dma2 semaphore(%arg15 : memref<!tpu.dma_semaphore, #tpu.memory_space<semaphore_mem>>) src(%dma_wait3A_123 : memref<160xi32, #tpu.memory_space<hbm>>) dst(%arg11 : memref<160xi32, #tpu.memory_space<vmem>>)
      %dma_wait3A_124 = arith.constant 0 : i32
      %dma_wait3A_125 = tpu.memref_slice %arg5[%dma_wait3A_124] : memref<320000xi32, #tpu.memory_space<hbm>> -> memref<160xi32, #tpu.memory_space<hbm>>
      %dma_wait3A_126 = arith.constant 0 : i32
      %dma_wait3A_127 = tpu.memref_slice %arg5[%dma_wait3A_126] : memref<320000xi32, #tpu.memory_space<hbm>> -> memref<160xi32, #tpu.memory_space<hbm>>
      tpu.wait_dma2 semaphore(%arg15 : memref<!tpu.dma_semaphore, #tpu.memory_space<semaphore_mem>>) src(%dma_wait3A_127 : memref<160xi32, #tpu.memory_space<hbm>>) dst(%arg13 : memref<160xi32, #tpu.memory_space<vmem>>)
      %dma_wait3A_128 = arith.constant 0 : i32
      %dma_wait3A_129 = arith.constant 0 : i32
      %dma_wait3A_130 = tpu.memref_slice %arg3[%dma_wait3A_128, %dma_wait3A_129] : memref<640000x128xf32, #tpu.memory_space<hbm>> -> memref<160x128xf32, #tpu.memory_space<hbm>>
      %dma_wait3A_131 = arith.constant 0 : i32
      %dma_wait3A_132 = arith.constant 0 : i32
      %dma_wait3A_133 = tpu.memref_slice %arg3[%dma_wait3A_131, %dma_wait3A_132] : memref<640000x128xf32, #tpu.memory_space<hbm>> -> memref<160x128xf32, #tpu.memory_space<hbm>>
      tpu.wait_dma2 semaphore(%arg17 : memref<!tpu.dma_semaphore, #tpu.memory_space<semaphore_mem>>) src(%dma_wait3A_133 : memref<160x128xf32, #tpu.memory_space<hbm>>) dst(%arg9 : memref<160x128xf32, #tpu.memory_space<vmem>>)
      %dma_start3A_134 = arith.constant 0 : i32
      %dma_start3A_135 = arith.constant 0 : i32
      %dma_start3A_136 = tpu.memref_slice %arg2[%dma_start3A_134, %dma_start3A_135] : memref<20000x128xf32, #tpu.memory_space<hbm>> -> memref<20000x128xf32, #tpu.memory_space<hbm>>
      tpu.enqueue_indirect_dma source(%dma_start3A_136 : memref<20000x128xf32, #tpu.memory_space<hbm>>) target(%arg9 : memref<160x128xf32, #tpu.memory_space<vmem>>) offsets(%arg11 : memref<160xi32, #tpu.memory_space<vmem>>) semaphore(%arg19 : memref<!tpu.dma_semaphore, #tpu.memory_space<semaphore_mem>>) {add = true}
      %dma_wait3A_137 = arith.constant 0 : i32
      %dma_wait3A_138 = arith.constant 0 : i32
      %dma_wait3A_139 = tpu.memref_slice %arg7[%dma_wait3A_137, %dma_wait3A_138] : memref<10240x128xf32, #tpu.memory_space<vmem_shared>> -> memref<10240x128xf32, #tpu.memory_space<vmem_shared>>
      tpu.wait_indirect_dma semaphore(%arg20 : memref<!tpu.dma_semaphore, #tpu.memory_space<semaphore_mem>>) src(%arg8 : memref<160x128xf32, #tpu.memory_space<vmem>>) dst(%dma_wait3A_139 : memref<10240x128xf32, #tpu.memory_space<vmem_shared>>)
      %add3A_140 = arith.constant 1 : i32
      %add3A_141 = arith.addi %add3A_89, %add3A_140 : i32
      %mul3A_142 = arith.constant 160 : i32
      %mul3A_143 = arith.muli %add3A_141, %mul3A_142 : i32
      %add3A_144 = arith.addi %mul3A_0, %mul3A_143 : i32
      %mul3A_145 = arith.constant 320000 : i32
      %mul3A_146 = arith.muli %arg0, %mul3A_145 : i32
      %add3A_147 = arith.addi %mul3A_146, %add3A_144 : i32
      %dma_start3A_148 = tpu.memref_slice %arg4[%add3A_147] : memref<640000xi32, #tpu.memory_space<hbm>> -> memref<160xi32, #tpu.memory_space<hbm>>
      %dma_start3A_149 = tpu.memref_slice %arg4[%add3A_147] : memref<640000xi32, #tpu.memory_space<hbm>> -> memref<160xi32, #tpu.memory_space<hbm>>
      tpu.enqueue_dma source(%dma_start3A_149 : memref<160xi32, #tpu.memory_space<hbm>>) target(%arg10 : memref<160xi32, #tpu.memory_space<vmem>>) target_semaphore(%arg14 : memref<!tpu.dma_semaphore, #tpu.memory_space<semaphore_mem>>)
      %dma_start3A_150 = tpu.memref_slice %arg5[%add3A_144] : memref<320000xi32, #tpu.memory_space<hbm>> -> memref<160xi32, #tpu.memory_space<hbm>>
      %dma_start3A_151 = tpu.memref_slice %arg5[%add3A_144] : memref<320000xi32, #tpu.memory_space<hbm>> -> memref<160xi32, #tpu.memory_space<hbm>>
      tpu.enqueue_dma source(%dma_start3A_151 : memref<160xi32, #tpu.memory_space<hbm>>) target(%arg12 : memref<160xi32, #tpu.memory_space<vmem>>) target_semaphore(%arg14 : memref<!tpu.dma_semaphore, #tpu.memory_space<semaphore_mem>>)
      %mul3A_152 = arith.constant 320000 : i32
      %mul3A_153 = arith.muli %arg0, %mul3A_152 : i32
      %add3A_154 = arith.addi %mul3A_153, %add3A_144 : i32
      %dma_start3A_155 = arith.constant 0 : i32
      %dma_start3A_156 = tpu.memref_slice %arg3[%add3A_154, %dma_start3A_155] : memref<640000x128xf32, #tpu.memory_space<hbm>> -> memref<160x128xf32, #tpu.memory_space<hbm>>
      %dma_start3A_157 = arith.constant 0 : i32
      %dma_start3A_158 = tpu.memref_slice %arg3[%add3A_154, %dma_start3A_157] : memref<640000x128xf32, #tpu.memory_space<hbm>> -> memref<160x128xf32, #tpu.memory_space<hbm>>
      tpu.enqueue_dma source(%dma_start3A_158 : memref<160x128xf32, #tpu.memory_space<hbm>>) target(%arg8 : memref<160x128xf32, #tpu.memory_space<vmem>>) target_semaphore(%arg16 : memref<!tpu.dma_semaphore, #tpu.memory_space<semaphore_mem>>)
      %dma_wait3A_159 = arith.constant 0 : i32
      %dma_wait3A_160 = arith.constant 0 : i32
      %dma_wait3A_161 = tpu.memref_slice %arg2[%dma_wait3A_159, %dma_wait3A_160] : memref<20000x128xf32, #tpu.memory_space<hbm>> -> memref<20000x128xf32, #tpu.memory_space<hbm>>
      tpu.wait_indirect_dma semaphore(%arg19 : memref<!tpu.dma_semaphore, #tpu.memory_space<semaphore_mem>>) src(%dma_wait3A_161 : memref<20000x128xf32, #tpu.memory_space<hbm>>) dst(%arg9 : memref<160x128xf32, #tpu.memory_space<vmem>>)
      %scan3A_162 = arith.constant 0 : i32
      %scan3A_163 = arith.constant 160 : i32
      %scan3A_164 = arith.addi %scan3A_162, %scan3A_163 : i32
      %scan3A_165 = arith.constant 1 : i32
      scf.for %scan3A_187 = %scan3A_162 to %scan3A_164 step %scan3A_165  : i32 {
        %mul3A_188 = arith.constant 1 : i32
        %mul3A_189 = arith.muli %scan3A_187, %mul3A_188 : i32
        %add3A_190 = arith.constant 0 : i32
        %add3A_191 = arith.addi %add3A_190, %mul3A_189 : i32
        %get3A = arith.index_cast %add3A_191 : i32 to index
        %get3A_192 = arith.constant 0 : index
        %get3A_193 = tpu.vector_load %arg9[%get3A, %get3A_192] {strides = array<i32>} : memref<160x128xf32, #tpu.memory_space<vmem>>, vector<1x16xf32>,
        %get3A_194 = vector.shape_cast %get3A_193 : vector<1x16xf32> to vector<16xf32>
        %max3A = arith.constant 0.000000e+00 : f32
        %max3A_195 = vector.broadcast %max3A : f32 to vector<16xf32>
        %max3A_196 = arith.maximumf %get3A_194, %max3A_195 : vector<16xf32>
        %swap3A = arith.index_cast %add3A_191 : i32 to index
        %swap3A_197 = arith.constant 0 : index
        %swap3A_198 = tpu.vector_load %arg9[%swap3A, %swap3A_197] {strides = array<i32>} : memref<160x128xf32, #tpu.memory_space<vmem>>, vector<1x16xf32>,
        %swap3A_199 = vector.shape_cast %swap3A_198 : vector<1x16xf32> to vector<16xf32>
        %swap3A_200 = vector.shape_cast %max3A_196 : vector<16xf32> to vector<1x16xf32>
        tpu.vector_store %arg9[%swap3A, %swap3A_197], %swap3A_200 {strides = array<i32>} : memref<160x128xf32, #tpu.memory_space<vmem>>, vector<1x16xf32>,
        %get3A_201 = arith.index_cast %add3A_191 : i32 to index
        %get3A_202 = arith.constant 16 : index
        %get3A_203 = tpu.vector_load %arg9[%get3A_201, %get3A_202] {strides = array<i32>} : memref<160x128xf32, #tpu.memory_space<vmem>>, vector<1x16xf32>,
        %get3A_204 = vector.shape_cast %get3A_203 : vector<1x16xf32> to vector<16xf32>
        %max3A_205 = arith.constant 0.000000e+00 : f32
        %max3A_206 = vector.broadcast %max3A_205 : f32 to vector<16xf32>
        %max3A_207 = arith.maximumf %get3A_204, %max3A_206 : vector<16xf32>
        %swap3A_208 = arith.index_cast %add3A_191 : i32 to index
        %swap3A_209 = arith.constant 16 : index
        %swap3A_210 = tpu.vector_load %arg9[%swap3A_208, %swap3A_209] {strides = array<i32>} : memref<160x128xf32, #tpu.memory_space<vmem>>, vector<1x16xf32>,
        %swap3A_211 = vector.shape_cast %swap3A_210 : vector<1x16xf32> to vector<16xf32>
        %swap3A_212 = vector.shape_cast %max3A_207 : vector<16xf32> to vector<1x16xf32>
        tpu.vector_store %arg9[%swap3A_208, %swap3A_209], %swap3A_212 {strides = array<i32>} : memref<160x128xf32, #tpu.memory_space<vmem>>, vector<1x16xf32>,
        %get3A_213 = arith.index_cast %add3A_191 : i32 to index
        %get3A_214 = arith.constant 32 : index
        %get3A_215 = tpu.vector_load %arg9[%get3A_213, %get3A_214] {strides = array<i32>} : memref<160x128xf32, #tpu.memory_space<vmem>>, vector<1x16xf32>,
        %get3A_216 = vector.shape_cast %get3A_215 : vector<1x16xf32> to vector<16xf32>
        %max3A_217 = arith.constant 0.000000e+00 : f32
        %max3A_218 = vector.broadcast %max3A_217 : f32 to vector<16xf32>
        %max3A_219 = arith.maximumf %get3A_216, %max3A_218 : vector<16xf32>
        %swap3A_220 = arith.index_cast %add3A_191 : i32 to index
        %swap3A_221 = arith.constant 32 : index
        %swap3A_222 = tpu.vector_load %arg9[%swap3A_220, %swap3A_221] {strides = array<i32>} : memref<160x128xf32, #tpu.memory_space<vmem>>, vector<1x16xf32>,
        %swap3A_223 = vector.shape_cast %swap3A_222 : vector<1x16xf32> to vector<16xf32>
        %swap3A_224 = vector.shape_cast %max3A_219 : vector<16xf32> to vector<1x16xf32>
        tpu.vector_store %arg9[%swap3A_220, %swap3A_221], %swap3A_224 {strides = array<i32>} : memref<160x128xf32, #tpu.memory_space<vmem>>, vector<1x16xf32>,
        %get3A_225 = arith.index_cast %add3A_191 : i32 to index
        %get3A_226 = arith.constant 48 : index
        %get3A_227 = tpu.vector_load %arg9[%get3A_225, %get3A_226] {strides = array<i32>} : memref<160x128xf32, #tpu.memory_space<vmem>>, vector<1x16xf32>,
        %get3A_228 = vector.shape_cast %get3A_227 : vector<1x16xf32> to vector<16xf32>
        %max3A_229 = arith.constant 0.000000e+00 : f32
        %max3A_230 = vector.broadcast %max3A_229 : f32 to vector<16xf32>
        %max3A_231 = arith.maximumf %get3A_228, %max3A_230 : vector<16xf32>
        %swap3A_232 = arith.index_cast %add3A_191 : i32 to index
        %swap3A_233 = arith.constant 48 : index
        %swap3A_234 = tpu.vector_load %arg9[%swap3A_232, %swap3A_233] {strides = array<i32>} : memref<160x128xf32, #tpu.memory_space<vmem>>, vector<1x16xf32>,
        %swap3A_235 = vector.shape_cast %swap3A_234 : vector<1x16xf32> to vector<16xf32>
        %swap3A_236 = vector.shape_cast %max3A_231 : vector<16xf32> to vector<1x16xf32>
        tpu.vector_store %arg9[%swap3A_232, %swap3A_233], %swap3A_236 {strides = array<i32>} : memref<160x128xf32, #tpu.memory_space<vmem>>, vector<1x16xf32>,
        %get3A_237 = arith.index_cast %add3A_191 : i32 to index
        %get3A_238 = arith.constant 64 : index
        %get3A_239 = tpu.vector_load %arg9[%get3A_237, %get3A_238] {strides = array<i32>} : memref<160x128xf32, #tpu.memory_space<vmem>>, vector<1x16xf32>,
        %get3A_240 = vector.shape_cast %get3A_239 : vector<1x16xf32> to vector<16xf32>
        %max3A_241 = arith.constant 0.000000e+00 : f32
        %max3A_242 = vector.broadcast %max3A_241 : f32 to vector<16xf32>
        %max3A_243 = arith.maximumf %get3A_240, %max3A_242 : vector<16xf32>
        %swap3A_244 = arith.index_cast %add3A_191 : i32 to index
        %swap3A_245 = arith.constant 64 : index
        %swap3A_246 = tpu.vector_load %arg9[%swap3A_244, %swap3A_245] {strides = array<i32>} : memref<160x128xf32, #tpu.memory_space<vmem>>, vector<1x16xf32>,
        %swap3A_247 = vector.shape_cast %swap3A_246 : vector<1x16xf32> to vector<16xf32>
        %swap3A_248 = vector.shape_cast %max3A_243 : vector<16xf32> to vector<1x16xf32>
        tpu.vector_store %arg9[%swap3A_244, %swap3A_245], %swap3A_248 {strides = array<i32>} : memref<160x128xf32, #tpu.memory_space<vmem>>, vector<1x16xf32>,
        %get3A_249 = arith.index_cast %add3A_191 : i32 to index
        %get3A_250 = arith.constant 80 : index
        %get3A_251 = tpu.vector_load %arg9[%get3A_249, %get3A_250] {strides = array<i32>} : memref<160x128xf32, #tpu.memory_space<vmem>>, vector<1x16xf32>,
        %get3A_252 = vector.shape_cast %get3A_251 : vector<1x16xf32> to vector<16xf32>
        %max3A_253 = arith.constant 0.000000e+00 : f32
        %max3A_254 = vector.broadcast %max3A_253 : f32 to vector<16xf32>
        %max3A_255 = arith.maximumf %get3A_252, %max3A_254 : vector<16xf32>
        %swap3A_256 = arith.index_cast %add3A_191 : i32 to index
        %swap3A_257 = arith.constant 80 : index
        %swap3A_258 = tpu.vector_load %arg9[%swap3A_256, %swap3A_257] {strides = array<i32>} : memref<160x128xf32, #tpu.memory_space<vmem>>, vector<1x16xf32>,
        %swap3A_259 = vector.shape_cast %swap3A_258 : vector<1x16xf32> to vector<16xf32>
        %swap3A_260 = vector.shape_cast %max3A_255 : vector<16xf32> to vector<1x16xf32>
        tpu.vector_store %arg9[%swap3A_256, %swap3A_257], %swap3A_260 {strides = array<i32>} : memref<160x128xf32, #tpu.memory_space<vmem>>, vector<1x16xf32>,
        %get3A_261 = arith.index_cast %add3A_191 : i32 to index
        %get3A_262 = arith.constant 96 : index
        %get3A_263 = tpu.vector_load %arg9[%get3A_261, %get3A_262] {strides = array<i32>} : memref<160x128xf32, #tpu.memory_space<vmem>>, vector<1x16xf32>,
        %get3A_264 = vector.shape_cast %get3A_263 : vector<1x16xf32> to vector<16xf32>
        %max3A_265 = arith.constant 0.000000e+00 : f32
        %max3A_266 = vector.broadcast %max3A_265 : f32 to vector<16xf32>
        %max3A_267 = arith.maximumf %get3A_264, %max3A_266 : vector<16xf32>
        %swap3A_268 = arith.index_cast %add3A_191 : i32 to index
        %swap3A_269 = arith.constant 96 : index
        %swap3A_270 = tpu.vector_load %arg9[%swap3A_268, %swap3A_269] {strides = array<i32>} : memref<160x128xf32, #tpu.memory_space<vmem>>, vector<1x16xf32>,
        %swap3A_271 = vector.shape_cast %swap3A_270 : vector<1x16xf32> to vector<16xf32>
        %swap3A_272 = vector.shape_cast %max3A_267 : vector<16xf32> to vector<1x16xf32>
        tpu.vector_store %arg9[%swap3A_268, %swap3A_269], %swap3A_272 {strides = array<i32>} : memref<160x128xf32, #tpu.memory_space<vmem>>, vector<1x16xf32>,
        %get3A_273 = arith.index_cast %add3A_191 : i32 to index
        %get3A_274 = arith.constant 112 : index
        %get3A_275 = tpu.vector_load %arg9[%get3A_273, %get3A_274] {strides = array<i32>} : memref<160x128xf32, #tpu.memory_space<vmem>>, vector<1x16xf32>,
        %get3A_276 = vector.shape_cast %get3A_275 : vector<1x16xf32> to vector<16xf32>
        %max3A_277 = arith.constant 0.000000e+00 : f32
        %max3A_278 = vector.broadcast %max3A_277 : f32 to vector<16xf32>
        %max3A_279 = arith.maximumf %get3A_276, %max3A_278 : vector<16xf32>
        %swap3A_280 = arith.index_cast %add3A_191 : i32 to index
        %swap3A_281 = arith.constant 112 : index
        %swap3A_282 = tpu.vector_load %arg9[%swap3A_280, %swap3A_281] {strides = array<i32>} : memref<160x128xf32, #tpu.memory_space<vmem>>, vector<1x16xf32>,
        %swap3A_283 = vector.shape_cast %swap3A_282 : vector<1x16xf32> to vector<16xf32>
        %swap3A_284 = vector.shape_cast %max3A_279 : vector<16xf32> to vector<1x16xf32>
        tpu.vector_store %arg9[%swap3A_280, %swap3A_281], %swap3A_284 {strides = array<i32>} : memref<160x128xf32, #tpu.memory_space<vmem>>, vector<1x16xf32>,
      }
      %scan3A_166 = arith.constant 160 : i32
      %dma_start3A_167 = arith.constant 0 : i32
      %dma_start3A_168 = arith.constant 0 : i32
      %dma_start3A_169 = tpu.memref_slice %arg7[%dma_start3A_167, %dma_start3A_168] : memref<10240x128xf32, #tpu.memory_space<vmem_shared>> -> memref<10240x128xf32, #tpu.memory_space<vmem_shared>>
      tpu.enqueue_indirect_dma source(%arg9 : memref<160x128xf32, #tpu.memory_space<vmem>>) target(%dma_start3A_169 : memref<10240x128xf32, #tpu.memory_space<vmem_shared>>) offsets(%arg13 : memref<160xi32, #tpu.memory_space<vmem>>) semaphore(%arg21 : memref<!tpu.dma_semaphore, #tpu.memory_space<semaphore_mem>>) {add = true}
      %dma_wait3A_170 = arith.constant 0 : i32
      %dma_wait3A_171 = tpu.memref_slice %arg4[%dma_wait3A_170] : memref<640000xi32, #tpu.memory_space<hbm>> -> memref<160xi32, #tpu.memory_space<hbm>>
      %dma_wait3A_172 = arith.constant 0 : i32
      %dma_wait3A_173 = tpu.memref_slice %arg4[%dma_wait3A_172] : memref<640000xi32, #tpu.memory_space<hbm>> -> memref<160xi32, #tpu.memory_space<hbm>>
      tpu.wait_dma2 semaphore(%arg14 : memref<!tpu.dma_semaphore, #tpu.memory_space<semaphore_mem>>) src(%dma_wait3A_173 : memref<160xi32, #tpu.memory_space<hbm>>) dst(%arg10 : memref<160xi32, #tpu.memory_space<vmem>>)
      %dma_wait3A_174 = arith.constant 0 : i32
      %dma_wait3A_175 = tpu.memref_slice %arg5[%dma_wait3A_174] : memref<320000xi32, #tpu.memory_space<hbm>> -> memref<160xi32, #tpu.memory_space<hbm>>
      %dma_wait3A_176 = arith.constant 0 : i32
      %dma_wait3A_177 = tpu.memref_slice %arg5[%dma_wait3A_176] : memref<320000xi32, #tpu.memory_space<hbm>> -> memref<160xi32, #tpu.memory_space<hbm>>
      tpu.wait_dma2 semaphore(%arg14 : memref<!tpu.dma_semaphore, #tpu.memory_space<semaphore_mem>>) src(%dma_wait3A_177 : memref<160xi32, #tpu.memory_space<hbm>>) dst(%arg12 : memref<160xi32, #tpu.memory_space<vmem>>)
      %dma_wait3A_178 = arith.constant 0 : i32
      %dma_wait3A_179 = arith.constant 0 : i32
      %dma_wait3A_180 = tpu.memref_slice %arg3[%dma_wait3A_178, %dma_wait3A_179] : memref<640000x128xf32, #tpu.memory_space<hbm>> -> memref<160x128xf32, #tpu.memory_space<hbm>>
      %dma_wait3A_181 = arith.constant 0 : i32
      %dma_wait3A_182 = arith.constant 0 : i32
      %dma_wait3A_183 = tpu.memref_slice %arg3[%dma_wait3A_181, %dma_wait3A_182] : memref<640000x128xf32, #tpu.memory_space<hbm>> -> memref<160x128xf32, #tpu.memory_space<hbm>>
      tpu.wait_dma2 semaphore(%arg16 : memref<!tpu.dma_semaphore, #tpu.memory_space<semaphore_mem>>) src(%dma_wait3A_183 : memref<160x128xf32, #tpu.memory_space<hbm>>) dst(%arg8 : memref<160x128xf32, #tpu.memory_space<vmem>>)
      %dma_start3A_184 = arith.constant 0 : i32
      %dma_start3A_185 = arith.constant 0 : i32
      %dma_start3A_186 = tpu.memref_slice %arg2[%dma_start3A_184, %dma_start3A_185] : memref<20000x128xf32, #tpu.memory_space<hbm>> -> memref<20000x128xf32, #tpu.memory_space<hbm>>
      tpu.enqueue_indirect_dma source(%dma_start3A_186 : memref<20000x128xf32, #tpu.memory_space<hbm>>) target(%arg8 : memref<160x128xf32, #tpu.memory_space<vmem>>) offsets(%arg10 : memref<160xi32, #tpu.memory_space<vmem>>) semaphore(%arg18 : memref<!tpu.dma_semaphore, #tpu.memory_space<semaphore_mem>>) {add = true}
    }
    %scan3A_55 = arith.constant 62 : i32
    %dma_wait3A_56 = arith.constant 0 : i32
    %dma_wait3A_57 = arith.constant 0 : i32
    %dma_wait3A_58 = tpu.memref_slice %arg2[%dma_wait3A_56, %dma_wait3A_57] : memref<20000x128xf32, #tpu.memory_space<hbm>> -> memref<20000x128xf32, #tpu.memory_space<hbm>>
    tpu.wait_indirect_dma semaphore(%arg18 : memref<!tpu.dma_semaphore, #tpu.memory_space<semaphore_mem>>) src(%dma_wait3A_58 : memref<20000x128xf32, #tpu.memory_space<hbm>>) dst(%arg8 : memref<160x128xf32, #tpu.memory_space<vmem>>)
    %scan3A_59 = arith.constant 0 : i32
    %scan3A_60 = arith.constant 160 : i32
    %scan3A_61 = arith.addi %scan3A_59, %scan3A_60 : i32
    %scan3A_62 = arith.constant 1 : i32
    scf.for %scan3A_81 = %scan3A_59 to %scan3A_61 step %scan3A_62  : i32 {
      %mul3A_82 = arith.constant 1 : i32
      %mul3A_83 = arith.muli %scan3A_81, %mul3A_82 : i32
      %add3A_84 = arith.constant 0 : i32
      %add3A_85 = arith.addi %add3A_84, %mul3A_83 : i32
      %get3A = arith.index_cast %add3A_85 : i32 to index
      %get3A_86 = arith.constant 0 : index
      %get3A_87 = tpu.vector_load %arg8[%get3A, %get3A_86] {strides = array<i32>} : memref<160x128xf32, #tpu.memory_space<vmem>>, vector<1x16xf32>,
      %get3A_88 = vector.shape_cast %get3A_87 : vector<1x16xf32> to vector<16xf32>
      %max3A = arith.constant 0.000000e+00 : f32
      %max3A_89 = vector.broadcast %max3A : f32 to vector<16xf32>
      %max3A_90 = arith.maximumf %get3A_88, %max3A_89 : vector<16xf32>
      %swap3A = arith.index_cast %add3A_85 : i32 to index
      %swap3A_91 = arith.constant 0 : index
      %swap3A_92 = tpu.vector_load %arg8[%swap3A, %swap3A_91] {strides = array<i32>} : memref<160x128xf32, #tpu.memory_space<vmem>>, vector<1x16xf32>,
      %swap3A_93 = vector.shape_cast %swap3A_92 : vector<1x16xf32> to vector<16xf32>
      %swap3A_94 = vector.shape_cast %max3A_90 : vector<16xf32> to vector<1x16xf32>
      tpu.vector_store %arg8[%swap3A, %swap3A_91], %swap3A_94 {strides = array<i32>} : memref<160x128xf32, #tpu.memory_space<vmem>>, vector<1x16xf32>,
      %get3A_95 = arith.index_cast %add3A_85 : i32 to index
      %get3A_96 = arith.constant 16 : index
      %get3A_97 = tpu.vector_load %arg8[%get3A_95, %get3A_96] {strides = array<i32>} : memref<160x128xf32, #tpu.memory_space<vmem>>, vector<1x16xf32>,
      %get3A_98 = vector.shape_cast %get3A_97 : vector<1x16xf32> to vector<16xf32>
      %max3A_99 = arith.constant 0.000000e+00 : f32
      %max3A_100 = vector.broadcast %max3A_99 : f32 to vector<16xf32>
      %max3A_101 = arith.maximumf %get3A_98, %max3A_100 : vector<16xf32>
      %swap3A_102 = arith.index_cast %add3A_85 : i32 to index
      %swap3A_103 = arith.constant 16 : index
      %swap3A_104 = tpu.vector_load %arg8[%swap3A_102, %swap3A_103] {strides = array<i32>} : memref<160x128xf32, #tpu.memory_space<vmem>>, vector<1x16xf32>,
      %swap3A_105 = vector.shape_cast %swap3A_104 : vector<1x16xf32> to vector<16xf32>
      %swap3A_106 = vector.shape_cast %max3A_101 : vector<16xf32> to vector<1x16xf32>
      tpu.vector_store %arg8[%swap3A_102, %swap3A_103], %swap3A_106 {strides = array<i32>} : memref<160x128xf32, #tpu.memory_space<vmem>>, vector<1x16xf32>,
      %get3A_107 = arith.index_cast %add3A_85 : i32 to index
      %get3A_108 = arith.constant 32 : index
      %get3A_109 = tpu.vector_load %arg8[%get3A_107, %get3A_108] {strides = array<i32>} : memref<160x128xf32, #tpu.memory_space<vmem>>, vector<1x16xf32>,
      %get3A_110 = vector.shape_cast %get3A_109 : vector<1x16xf32> to vector<16xf32>
      %max3A_111 = arith.constant 0.000000e+00 : f32
      %max3A_112 = vector.broadcast %max3A_111 : f32 to vector<16xf32>
      %max3A_113 = arith.maximumf %get3A_110, %max3A_112 : vector<16xf32>
      %swap3A_114 = arith.index_cast %add3A_85 : i32 to index
      %swap3A_115 = arith.constant 32 : index
      %swap3A_116 = tpu.vector_load %arg8[%swap3A_114, %swap3A_115] {strides = array<i32>} : memref<160x128xf32, #tpu.memory_space<vmem>>, vector<1x16xf32>,
      %swap3A_117 = vector.shape_cast %swap3A_116 : vector<1x16xf32> to vector<16xf32>
      %swap3A_118 = vector.shape_cast %max3A_113 : vector<16xf32> to vector<1x16xf32>
      tpu.vector_store %arg8[%swap3A_114, %swap3A_115], %swap3A_118 {strides = array<i32>} : memref<160x128xf32, #tpu.memory_space<vmem>>, vector<1x16xf32>,
      %get3A_119 = arith.index_cast %add3A_85 : i32 to index
      %get3A_120 = arith.constant 48 : index
      %get3A_121 = tpu.vector_load %arg8[%get3A_119, %get3A_120] {strides = array<i32>} : memref<160x128xf32, #tpu.memory_space<vmem>>, vector<1x16xf32>,
      %get3A_122 = vector.shape_cast %get3A_121 : vector<1x16xf32> to vector<16xf32>
      %max3A_123 = arith.constant 0.000000e+00 : f32
      %max3A_124 = vector.broadcast %max3A_123 : f32 to vector<16xf32>
      %max3A_125 = arith.maximumf %get3A_122, %max3A_124 : vector<16xf32>
      %swap3A_126 = arith.index_cast %add3A_85 : i32 to index
      %swap3A_127 = arith.constant 48 : index
      %swap3A_128 = tpu.vector_load %arg8[%swap3A_126, %swap3A_127] {strides = array<i32>} : memref<160x128xf32, #tpu.memory_space<vmem>>, vector<1x16xf32>,
      %swap3A_129 = vector.shape_cast %swap3A_128 : vector<1x16xf32> to vector<16xf32>
      %swap3A_130 = vector.shape_cast %max3A_125 : vector<16xf32> to vector<1x16xf32>
      tpu.vector_store %arg8[%swap3A_126, %swap3A_127], %swap3A_130 {strides = array<i32>} : memref<160x128xf32, #tpu.memory_space<vmem>>, vector<1x16xf32>,
      %get3A_131 = arith.index_cast %add3A_85 : i32 to index
      %get3A_132 = arith.constant 64 : index
      %get3A_133 = tpu.vector_load %arg8[%get3A_131, %get3A_132] {strides = array<i32>} : memref<160x128xf32, #tpu.memory_space<vmem>>, vector<1x16xf32>,
      %get3A_134 = vector.shape_cast %get3A_133 : vector<1x16xf32> to vector<16xf32>
      %max3A_135 = arith.constant 0.000000e+00 : f32
      %max3A_136 = vector.broadcast %max3A_135 : f32 to vector<16xf32>
      %max3A_137 = arith.maximumf %get3A_134, %max3A_136 : vector<16xf32>
      %swap3A_138 = arith.index_cast %add3A_85 : i32 to index
      %swap3A_139 = arith.constant 64 : index
      %swap3A_140 = tpu.vector_load %arg8[%swap3A_138, %swap3A_139] {strides = array<i32>} : memref<160x128xf32, #tpu.memory_space<vmem>>, vector<1x16xf32>,
      %swap3A_141 = vector.shape_cast %swap3A_140 : vector<1x16xf32> to vector<16xf32>
      %swap3A_142 = vector.shape_cast %max3A_137 : vector<16xf32> to vector<1x16xf32>
      tpu.vector_store %arg8[%swap3A_138, %swap3A_139], %swap3A_142 {strides = array<i32>} : memref<160x128xf32, #tpu.memory_space<vmem>>, vector<1x16xf32>,
      %get3A_143 = arith.index_cast %add3A_85 : i32 to index
      %get3A_144 = arith.constant 80 : index
      %get3A_145 = tpu.vector_load %arg8[%get3A_143, %get3A_144] {strides = array<i32>} : memref<160x128xf32, #tpu.memory_space<vmem>>, vector<1x16xf32>,
      %get3A_146 = vector.shape_cast %get3A_145 : vector<1x16xf32> to vector<16xf32>
      %max3A_147 = arith.constant 0.000000e+00 : f32
      %max3A_148 = vector.broadcast %max3A_147 : f32 to vector<16xf32>
      %max3A_149 = arith.maximumf %get3A_146, %max3A_148 : vector<16xf32>
      %swap3A_150 = arith.index_cast %add3A_85 : i32 to index
      %swap3A_151 = arith.constant 80 : index
      %swap3A_152 = tpu.vector_load %arg8[%swap3A_150, %swap3A_151] {strides = array<i32>} : memref<160x128xf32, #tpu.memory_space<vmem>>, vector<1x16xf32>,
      %swap3A_153 = vector.shape_cast %swap3A_152 : vector<1x16xf32> to vector<16xf32>
      %swap3A_154 = vector.shape_cast %max3A_149 : vector<16xf32> to vector<1x16xf32>
      tpu.vector_store %arg8[%swap3A_150, %swap3A_151], %swap3A_154 {strides = array<i32>} : memref<160x128xf32, #tpu.memory_space<vmem>>, vector<1x16xf32>,
      %get3A_155 = arith.index_cast %add3A_85 : i32 to index
      %get3A_156 = arith.constant 96 : index
      %get3A_157 = tpu.vector_load %arg8[%get3A_155, %get3A_156] {strides = array<i32>} : memref<160x128xf32, #tpu.memory_space<vmem>>, vector<1x16xf32>,
      %get3A_158 = vector.shape_cast %get3A_157 : vector<1x16xf32> to vector<16xf32>
      %max3A_159 = arith.constant 0.000000e+00 : f32
      %max3A_160 = vector.broadcast %max3A_159 : f32 to vector<16xf32>
      %max3A_161 = arith.maximumf %get3A_158, %max3A_160 : vector<16xf32>
      %swap3A_162 = arith.index_cast %add3A_85 : i32 to index
      %swap3A_163 = arith.constant 96 : index
      %swap3A_164 = tpu.vector_load %arg8[%swap3A_162, %swap3A_163] {strides = array<i32>} : memref<160x128xf32, #tpu.memory_space<vmem>>, vector<1x16xf32>,
      %swap3A_165 = vector.shape_cast %swap3A_164 : vector<1x16xf32> to vector<16xf32>
      %swap3A_166 = vector.shape_cast %max3A_161 : vector<16xf32> to vector<1x16xf32>
      tpu.vector_store %arg8[%swap3A_162, %swap3A_163], %swap3A_166 {strides = array<i32>} : memref<160x128xf32, #tpu.memory_space<vmem>>, vector<1x16xf32>,
      %get3A_167 = arith.index_cast %add3A_85 : i32 to index
      %get3A_168 = arith.constant 112 : index
      %get3A_169 = tpu.vector_load %arg8[%get3A_167, %get3A_168] {strides = array<i32>} : memref<160x128xf32, #tpu.memory_space<vmem>>, vector<1x16xf32>,
      %get3A_170 = vector.shape_cast %get3A_169 : vector<1x16xf32> to vector<16xf32>
      %max3A_171 = arith.constant 0.000000e+00 : f32
      %max3A_172 = vector.broadcast %max3A_171 : f32 to vector<16xf32>
      %max3A_173 = arith.maximumf %get3A_170, %max3A_172 : vector<16xf32>
      %swap3A_174 = arith.index_cast %add3A_85 : i32 to index
      %swap3A_175 = arith.constant 112 : index
      %swap3A_176 = tpu.vector_load %arg8[%swap3A_174, %swap3A_175] {strides = array<i32>} : memref<160x128xf32, #tpu.memory_space<vmem>>, vector<1x16xf32>,
      %swap3A_177 = vector.shape_cast %swap3A_176 : vector<1x16xf32> to vector<16xf32>
      %swap3A_178 = vector.shape_cast %max3A_173 : vector<16xf32> to vector<1x16xf32>
      tpu.vector_store %arg8[%swap3A_174, %swap3A_175], %swap3A_178 {strides = array<i32>} : memref<160x128xf32, #tpu.memory_space<vmem>>, vector<1x16xf32>,
    }
    %scan3A_63 = arith.constant 160 : i32
    %dma_start3A_64 = arith.constant 0 : i32
    %dma_start3A_65 = arith.constant 0 : i32
    %dma_start3A_66 = tpu.memref_slice %arg7[%dma_start3A_64, %dma_start3A_65] : memref<10240x128xf32, #tpu.memory_space<vmem_shared>> -> memref<10240x128xf32, #tpu.memory_space<vmem_shared>>
    tpu.enqueue_indirect_dma source(%arg8 : memref<160x128xf32, #tpu.memory_space<vmem>>) target(%dma_start3A_66 : memref<10240x128xf32, #tpu.memory_space<vmem_shared>>) offsets(%arg12 : memref<160xi32, #tpu.memory_space<vmem>>) semaphore(%arg20 : memref<!tpu.dma_semaphore, #tpu.memory_space<semaphore_mem>>) {add = true}
    %dma_wait3A_67 = arith.constant 0 : i32
    %dma_wait3A_68 = arith.constant 0 : i32
    %dma_wait3A_69 = tpu.memref_slice %arg7[%dma_wait3A_67, %dma_wait3A_68] : memref<10240x128xf32, #tpu.memory_space<vmem_shared>> -> memref<10240x128xf32, #tpu.memory_space<vmem_shared>>
    tpu.wait_indirect_dma semaphore(%arg20 : memref<!tpu.dma_semaphore, #tpu.memory_space<semaphore_mem>>) src(%arg8 : memref<160x128xf32, #tpu.memory_space<vmem>>) dst(%dma_wait3A_69 : memref<10240x128xf32, #tpu.memory_space<vmem_shared>>)
    %dma_wait3A_70 = arith.constant 0 : i32
    %dma_wait3A_71 = arith.constant 0 : i32
    %dma_wait3A_72 = tpu.memref_slice %arg7[%dma_wait3A_70, %dma_wait3A_71] : memref<10240x128xf32, #tpu.memory_space<vmem_shared>> -> memref<10240x128xf32, #tpu.memory_space<vmem_shared>>
    tpu.wait_indirect_dma semaphore(%arg21 : memref<!tpu.dma_semaphore, #tpu.memory_space<semaphore_mem>>) src(%arg9 : memref<160x128xf32, #tpu.memory_space<vmem>>) dst(%dma_wait3A_72 : memref<10240x128xf32, #tpu.memory_space<vmem_shared>>)
    %barrier3A_73 = arith.constant 0 : index
    tpu.barrier barrier_id(%barrier3A_73)
    %mul3A_74 = arith.constant 640 : i32
    %mul3A_75 = arith.muli %arg1, %mul3A_74 : i32
    %mul3A_76 = arith.constant 10240 : i32
    %mul3A_77 = arith.muli %arg0, %mul3A_76 : i32
    %mul3A_78 = arith.constant 640 : i32
    %mul3A_79 = arith.muli %arg1, %mul3A_78 : i32
    %add3A_80 = arith.addi %mul3A_77, %mul3A_79 : i32
    "tpu.region"() ({
      %run_scoped3A = tpu.sem_alloc : memref<!tpu.dma_semaphore, #tpu.memory_space<semaphore_mem>>
      %dma_start3A_81 = arith.constant 0 : i32
      %dma_start3A_82 = tpu.memref_slice %arg6[%add3A_80, %dma_start3A_81] : memref<20480x128xf32, #tpu.memory_space<hbm>> -> memref<640x128xf32, #tpu.memory_space<hbm>>
      %dma_start3A_83 = arith.constant 0 : i32
      %dma_start3A_84 = tpu.memref_slice %arg7[%mul3A_75, %dma_start3A_83] : memref<10240x128xf32, #tpu.memory_space<vmem_shared>> -> memref<640x128xf32, #tpu.memory_space<vmem_shared>>
      tpu.enqueue_dma source(%dma_start3A_84 : memref<640x128xf32, #tpu.memory_space<vmem_shared>>) target(%dma_start3A_82 : memref<640x128xf32, #tpu.memory_space<hbm>>) target_semaphore(%run_scoped3A : memref<!tpu.dma_semaphore, #tpu.memory_space<semaphore_mem>>)
      %dma_wait3A_85 = arith.constant 0 : i32
      %dma_wait3A_86 = tpu.memref_slice %arg6[%add3A_80, %dma_wait3A_85] : memref<20480x128xf32, #tpu.memory_space<hbm>> -> memref<640x128xf32, #tpu.memory_space<hbm>>
      %dma_wait3A_87 = arith.constant 0 : i32
      %dma_wait3A_88 = tpu.memref_slice %arg7[%mul3A_75, %dma_wait3A_87] : memref<10240x128xf32, #tpu.memory_space<vmem_shared>> -> memref<640x128xf32, #tpu.memory_space<vmem_shared>>
      tpu.wait_dma2 semaphore(%run_scoped3A : memref<!tpu.dma_semaphore, #tpu.memory_space<semaphore_mem>>) src(%dma_wait3A_88 : memref<640x128xf32, #tpu.memory_space<vmem_shared>>) dst(%dma_wait3A_86 : memref<640x128xf32, #tpu.memory_space<hbm>>)
      tpu.yield
    }) : () -> ()
    return
  }
}

module attributes {stable_mosaic.version = 14 : i64} {
  func.func @_h0_body(%arg0: memref<10000x128xf32, #tpu.memory_space<vmem>>, %arg1: memref<128x256xf32, #tpu.memory_space<vmem>>, %arg2: memref<1x256xf32, #tpu.memory_space<vmem>>, %arg3: memref<2x10000x128xf32, #tpu.memory_space<vmem>>) attributes {dimension_semantics = [], scalar_prefetch = 0 : i64, scratch_operands = 0 : i64, tpu.core_type = #tpu.core_type<tc>} {
    %get3A = arith.constant 0 : index
    %get3A_0 = arith.constant 0 : index
    %get3A_1 = vector.load %arg0[%get3A, %get3A_0] : memref<10000x128xf32, #tpu.memory_space<vmem>>, vector<10000x128xf32>
    %get3A_2 = arith.constant 0 : index
    %get3A_3 = arith.constant 0 : index
    %get3A_4 = vector.load %arg1[%get3A_2, %get3A_3] : memref<128x256xf32, #tpu.memory_space<vmem>>, vector<128x256xf32>
    %dot_general3A = arith.constant dense<0.000000e+00> : vector<10000x256xf32>
    %dot_general3A_5 = tpu.matmul %get3A_1, %get3A_4, %dot_general3A {dimension_numbers = #tpu.dot_dimension_numbers<[1], [0], [0], [1], [0, 0, 1, 1], [], []>, transpose_lhs_hint = false} : vector<10000x128xf32>, vector<128x256xf32>, vector<10000x256xf32> -> vector<10000x256xf32>
    %get3A_6 = arith.constant 0 : index
    %get3A_7 = arith.constant 0 : index
    %get3A_8 = vector.load %arg2[%get3A_6, %get3A_7] : memref<1x256xf32, #tpu.memory_space<vmem>>, vector<1x256xf32>
    %add3A = vector.broadcast %get3A_8 : vector<1x256xf32> to vector<10000x256xf32>
    %add3A_9 = arith.addf %dot_general3A_5, %add3A : vector<10000x256xf32>
    %max3A = arith.constant 0.000000e+00 : f32
    %max3A_10 = vector.broadcast %max3A : f32 to vector<10000x256xf32>
    %max3A_11 = arith.maximumf %add3A_9, %max3A_10 : vector<10000x256xf32>
    %slice3A = vector.extract_strided_slice %max3A_11 {offsets = [0, 0], sizes = [10000, 128], strides = [1, 1]} : vector<10000x256xf32> to vector<10000x128xf32>
    %swap3A = arith.constant 0 : index
    %swap3A_12 = arith.constant 0 : index
    %swap3A_13 = arith.constant 0 : index
    %swap3A_14 = vector.load %arg3[%swap3A, %swap3A_12, %swap3A_13] : memref<2x10000x128xf32, #tpu.memory_space<vmem>>, vector<1x10000x128xf32>
    %swap3A_15 = vector.shape_cast %swap3A_14 : vector<1x10000x128xf32> to vector<10000x128xf32>
    %swap3A_16 = vector.shape_cast %slice3A : vector<10000x128xf32> to vector<1x10000x128xf32>
    tpu.vector_store %arg3[%swap3A, %swap3A_12, %swap3A_13], %swap3A_16 {strides = array<i32>} : memref<2x10000x128xf32, #tpu.memory_space<vmem>>, vector<1x10000x128xf32>,
    %slice3A_17 = vector.extract_strided_slice %max3A_11 {offsets = [0, 128], sizes = [10000, 128], strides = [1, 1]} : vector<10000x256xf32> to vector<10000x128xf32>
    %swap3A_18 = arith.constant 1 : index
    %swap3A_19 = arith.constant 0 : index
    %swap3A_20 = arith.constant 0 : index
    %swap3A_21 = vector.load %arg3[%swap3A_18, %swap3A_19, %swap3A_20] : memref<2x10000x128xf32, #tpu.memory_space<vmem>>, vector<1x10000x128xf32>
    %swap3A_22 = vector.shape_cast %swap3A_21 : vector<1x10000x128xf32> to vector<10000x128xf32>
    %swap3A_23 = vector.shape_cast %slice3A_17 : vector<10000x128xf32> to vector<1x10000x128xf32>
    tpu.vector_store %arg3[%swap3A_18, %swap3A_19, %swap3A_20], %swap3A_23 {strides = array<i32>} : memref<2x10000x128xf32, #tpu.memory_space<vmem>>, vector<1x10000x128xf32>,
    return
  }
}

module attributes {stable_mosaic.version = 14 : i64} {
  func.func @_lea_body(%arg0: i32, %arg1: memref<2560x16xf32, #tpu.memory_space<vmem>>, %arg2: memref<16x256xf32, #tpu.memory_space<vmem>>, %arg3: memref<1x256xf32, #tpu.memory_space<vmem>>, %arg4: memref<256x256xbf16, #tpu.memory_space<vmem>>, %arg5: memref<1x256xf32, #tpu.memory_space<vmem>>, %arg6: memref<2x2560x128xf32, #tpu.memory_space<vmem>>) attributes {dimension_semantics = [#tpu.dimension_semantics<arbitrary>], iteration_bounds = array<i64: 125>, scalar_prefetch = 0 : i64, scratch_operands = 0 : i64, tpu.core_type = #tpu.core_type<tc>, window_params = [{transform_indices = @transform_0, window_bounds = array<i64: 2560, 16>}, {pipeline_mode = #tpu.pipeline_mode<synchronous>, transform_indices = @transform_1, window_bounds = array<i64: 16, 256>}, {pipeline_mode = #tpu.pipeline_mode<synchronous>, transform_indices = @transform_2, window_bounds = array<i64: 1, 256>}, {pipeline_mode = #tpu.pipeline_mode<synchronous>, transform_indices = @transform_3, window_bounds = array<i64: 256, 256>}, {pipeline_mode = #tpu.pipeline_mode<synchronous>, transform_indices = @transform_4, window_bounds = array<i64: 1, 256>}, {transform_indices = @transform_5, window_bounds = array<i64: 2, 2560, 128>}]} {
    %get3A = arith.constant 0 : index
    %get3A_0 = arith.constant 0 : index
    %get3A_1 = vector.load %arg1[%get3A, %get3A_0] : memref<2560x16xf32, #tpu.memory_space<vmem>>, vector<2560x16xf32>
    %get3A_2 = arith.constant 0 : index
    %get3A_3 = arith.constant 0 : index
    %get3A_4 = vector.load %arg2[%get3A_2, %get3A_3] : memref<16x256xf32, #tpu.memory_space<vmem>>, vector<16x256xf32>
    %dot_general3A = arith.constant dense<0.000000e+00> : vector<2560x256xf32>
    %dot_general3A_5 = tpu.matmul %get3A_1, %get3A_4, %dot_general3A {dimension_numbers = #tpu.dot_dimension_numbers<[1], [0], [0], [1], [0, 0, 1, 1], [], []>, transpose_lhs_hint = false} : vector<2560x16xf32>, vector<16x256xf32>, vector<2560x256xf32> -> vector<2560x256xf32>
    %get3A_6 = arith.constant 0 : index
    %get3A_7 = arith.constant 0 : index
    %get3A_8 = vector.load %arg3[%get3A_6, %get3A_7] : memref<1x256xf32, #tpu.memory_space<vmem>>, vector<1x256xf32>
    %add3A = vector.broadcast %get3A_8 : vector<1x256xf32> to vector<2560x256xf32>
    %add3A_9 = arith.addf %dot_general3A_5, %add3A : vector<2560x256xf32>
    %max3A = arith.constant 0.000000e+00 : f32
    %max3A_10 = vector.broadcast %max3A : f32 to vector<2560x256xf32>
    %max3A_11 = arith.maximumf %add3A_9, %max3A_10 : vector<2560x256xf32>
    %convert_element_type3A = arith.truncf %max3A_11 : vector<2560x256xf32> to vector<2560x256xbf16>
    %get3A_12 = arith.constant 0 : index
    %get3A_13 = arith.constant 0 : index
    %get3A_14 = vector.load %arg4[%get3A_12, %get3A_13] : memref<256x256xbf16, #tpu.memory_space<vmem>>, vector<256x256xbf16>
    %dot_general3A_15 = arith.constant dense<0.000000e+00> : vector<2560x256xf32>
    %dot_general3A_16 = tpu.matmul %convert_element_type3A, %get3A_14, %dot_general3A_15 {dimension_numbers = #tpu.dot_dimension_numbers<[1], [0], [0], [1], [0, 0, 1, 1], [], []>, transpose_lhs_hint = false} : vector<2560x256xbf16>, vector<256x256xbf16>, vector<2560x256xf32> -> vector<2560x256xf32>
    %get3A_17 = arith.constant 0 : index
    %get3A_18 = arith.constant 0 : index
    %get3A_19 = vector.load %arg5[%get3A_17, %get3A_18] : memref<1x256xf32, #tpu.memory_space<vmem>>, vector<1x256xf32>
    %add3A_20 = vector.broadcast %get3A_19 : vector<1x256xf32> to vector<2560x256xf32>
    %add3A_21 = arith.addf %dot_general3A_16, %add3A_20 : vector<2560x256xf32>
    %slice3A = vector.extract_strided_slice %add3A_21 {offsets = [0, 0], sizes = [2560, 128], strides = [1, 1]} : vector<2560x256xf32> to vector<2560x128xf32>
    %swap3A = arith.constant 0 : index
    %swap3A_22 = arith.constant 0 : index
    %swap3A_23 = arith.constant 0 : index
    %swap3A_24 = vector.load %arg6[%swap3A, %swap3A_22, %swap3A_23] : memref<2x2560x128xf32, #tpu.memory_space<vmem>>, vector<1x2560x128xf32>
    %swap3A_25 = vector.shape_cast %swap3A_24 : vector<1x2560x128xf32> to vector<2560x128xf32>
    %swap3A_26 = vector.shape_cast %slice3A : vector<2560x128xf32> to vector<1x2560x128xf32>
    tpu.vector_store %arg6[%swap3A, %swap3A_22, %swap3A_23], %swap3A_26 {strides = array<i32>} : memref<2x2560x128xf32, #tpu.memory_space<vmem>>, vector<1x2560x128xf32>,
    %slice3A_27 = vector.extract_strided_slice %add3A_21 {offsets = [0, 128], sizes = [2560, 128], strides = [1, 1]} : vector<2560x256xf32> to vector<2560x128xf32>
    %swap3A_28 = arith.constant 1 : index
    %swap3A_29 = arith.constant 0 : index
    %swap3A_30 = arith.constant 0 : index
    %swap3A_31 = vector.load %arg6[%swap3A_28, %swap3A_29, %swap3A_30] : memref<2x2560x128xf32, #tpu.memory_space<vmem>>, vector<1x2560x128xf32>
    %swap3A_32 = vector.shape_cast %swap3A_31 : vector<1x2560x128xf32> to vector<2560x128xf32>
    %swap3A_33 = vector.shape_cast %slice3A_27 : vector<2560x128xf32> to vector<1x2560x128xf32>
    tpu.vector_store %arg6[%swap3A_28, %swap3A_29, %swap3A_30], %swap3A_33 {strides = array<i32>} : memref<2x2560x128xf32, #tpu.memory_space<vmem>>, vector<1x2560x128xf32>,
    return
  }
  func.func @transform_0(%arg0: i32) -> (i32, i32) {
    %c0_i32 = arith.constant 0 : i32
    %c0_i32_0 = arith.constant 0 : i32
    return %arg0, %c0_i32 : i32, i32
  }
  func.func @transform_1(%arg0: i32) -> (i32, i32) {
    %c0_i32 = arith.constant 0 : i32
    %c0_i32_0 = arith.constant 0 : i32
    %c0_i32_1 = arith.constant 0 : i32
    return %c0_i32, %c0_i32_0 : i32, i32
  }
  func.func @transform_2(%arg0: i32) -> (i32, i32) {
    %c0_i32 = arith.constant 0 : i32
    %c0_i32_0 = arith.constant 0 : i32
    %c0_i32_1 = arith.constant 0 : i32
    return %c0_i32, %c0_i32_0 : i32, i32
  }
  func.func @transform_3(%arg0: i32) -> (i32, i32) {
    %c0_i32 = arith.constant 0 : i32
    %c0_i32_0 = arith.constant 0 : i32
    %c0_i32_1 = arith.constant 0 : i32
    return %c0_i32, %c0_i32_0 : i32, i32
  }
  func.func @transform_4(%arg0: i32) -> (i32, i32) {
    %c0_i32 = arith.constant 0 : i32
    %c0_i32_0 = arith.constant 0 : i32
    %c0_i32_1 = arith.constant 0 : i32
    return %c0_i32, %c0_i32_0 : i32, i32
  }
  func.func @transform_5(%arg0: i32) -> (i32, i32, i32) {
    %c0_i32 = arith.constant 0 : i32
    %c0_i32_0 = arith.constant 0 : i32
    %c0_i32_1 = arith.constant 0 : i32
    return %c0_i32, %arg0, %c0_i32_0 : i32, i32, i32
  }
}

module attributes {stable_mosaic.version = 14 : i64} {
  func.func @_node_a_body(%arg0: i32, %arg1: memref<2x2000x128xf32, #tpu.memory_space<vmem>>, %arg2: memref<2x2000x128xf32, #tpu.memory_space<vmem>>, %arg3: memref<256x256xf32, #tpu.memory_space<vmem>>, %arg4: memref<1x256xf32, #tpu.memory_space<vmem>>, %arg5: memref<256x256xf32, #tpu.memory_space<vmem>>, %arg6: memref<1x256xf32, #tpu.memory_space<vmem>>, %arg7: memref<2000x256xf32, #tpu.memory_space<vmem>>, %arg8: memref<2x256xf32, #tpu.memory_space<vmem>>) attributes {dimension_semantics = [#tpu.dimension_semantics<arbitrary>], iteration_bounds = array<i64: 5>, scalar_prefetch = 0 : i64, scratch_operands = 0 : i64, tpu.core_type = #tpu.core_type<tc>, window_params = [{transform_indices = @transform_0, window_bounds = array<i64: 2, 2000, 128>}, {transform_indices = @transform_1, window_bounds = array<i64: 2, 2000, 128>}, {pipeline_mode = #tpu.pipeline_mode<synchronous>, transform_indices = @transform_2, window_bounds = array<i64: 256, 256>}, {pipeline_mode = #tpu.pipeline_mode<synchronous>, transform_indices = @transform_3, window_bounds = array<i64: 1, 256>}, {pipeline_mode = #tpu.pipeline_mode<synchronous>, transform_indices = @transform_4, window_bounds = array<i64: 256, 256>}, {pipeline_mode = #tpu.pipeline_mode<synchronous>, transform_indices = @transform_5, window_bounds = array<i64: 1, 256>}, {transform_indices = @transform_6, window_bounds = array<i64: 2000, 256>}, {pipeline_mode = #tpu.pipeline_mode<synchronous>, transform_indices = @transform_7, window_bounds = array<i64: 2, 256>}]} {
    %get3A = arith.constant 0 : index
    %get3A_0 = arith.constant 0 : index
    %get3A_1 = vector.load %arg3[%get3A, %get3A_0] : memref<256x256xf32, #tpu.memory_space<vmem>>, vector<256x256xf32>
    %get3A_2 = arith.constant 0 : index
    %get3A_3 = arith.constant 0 : index
    %get3A_4 = arith.constant 0 : index
    %get3A_5 = vector.load %arg1[%get3A_2, %get3A_3, %get3A_4] : memref<2x2000x128xf32, #tpu.memory_space<vmem>>, vector<1x2000x128xf32>
    %get3A_6 = vector.shape_cast %get3A_5 : vector<1x2000x128xf32> to vector<2000x128xf32>
    %get3A_7 = arith.constant 0 : index
    %get3A_8 = arith.constant 0 : index
    %get3A_9 = arith.constant 0 : index
    %get3A_10 = vector.load %arg2[%get3A_7, %get3A_8, %get3A_9] : memref<2x2000x128xf32, #tpu.memory_space<vmem>>, vector<1x2000x128xf32>
    %get3A_11 = vector.shape_cast %get3A_10 : vector<1x2000x128xf32> to vector<2000x128xf32>
    %add3A = arith.addf %get3A_6, %get3A_11 : vector<2000x128xf32>
    %get3A_12 = arith.constant 1 : index
    %get3A_13 = arith.constant 0 : index
    %get3A_14 = arith.constant 0 : index
    %get3A_15 = vector.load %arg1[%get3A_12, %get3A_13, %get3A_14] : memref<2x2000x128xf32, #tpu.memory_space<vmem>>, vector<1x2000x128xf32>
    %get3A_16 = vector.shape_cast %get3A_15 : vector<1x2000x128xf32> to vector<2000x128xf32>
    %get3A_17 = arith.constant 1 : index
    %get3A_18 = arith.constant 0 : index
    %get3A_19 = arith.constant 0 : index
    %get3A_20 = vector.load %arg2[%get3A_17, %get3A_18, %get3A_19] : memref<2x2000x128xf32, #tpu.memory_space<vmem>>, vector<1x2000x128xf32>
    %get3A_21 = vector.shape_cast %get3A_20 : vector<1x2000x128xf32> to vector<2000x128xf32>
    %add3A_22 = arith.addf %get3A_16, %get3A_21 : vector<2000x128xf32>
    %slice3A = vector.extract_strided_slice %get3A_1 {offsets = [0, 0], sizes = [128, 256], strides = [1, 1]} : vector<256x256xf32> to vector<128x256xf32>
    %dot_general3A = arith.constant dense<0.000000e+00> : vector<2000x256xf32>
    %dot_general3A_23 = tpu.matmul %add3A, %slice3A, %dot_general3A {dimension_numbers = #tpu.dot_dimension_numbers<[1], [0], [0], [1], [0, 0, 1, 1], [], []>, transpose_lhs_hint = false} : vector<2000x128xf32>, vector<128x256xf32>, vector<2000x256xf32> -> vector<2000x256xf32>
    %slice3A_24 = vector.extract_strided_slice %get3A_1 {offsets = [128, 0], sizes = [128, 256], strides = [1, 1]} : vector<256x256xf32> to vector<128x256xf32>
    %dot_general3A_25 = arith.constant dense<0.000000e+00> : vector<2000x256xf32>
    %dot_general3A_26 = tpu.matmul %add3A_22, %slice3A_24, %dot_general3A_25 {dimension_numbers = #tpu.dot_dimension_numbers<[1], [0], [0], [1], [0, 0, 1, 1], [], []>, transpose_lhs_hint = false} : vector<2000x128xf32>, vector<128x256xf32>, vector<2000x256xf32> -> vector<2000x256xf32>
    %add3A_27 = arith.addf %dot_general3A_23, %dot_general3A_26 : vector<2000x256xf32>
    %get3A_28 = arith.constant 0 : index
    %get3A_29 = arith.constant 0 : index
    %get3A_30 = vector.load %arg4[%get3A_28, %get3A_29] : memref<1x256xf32, #tpu.memory_space<vmem>>, vector<1x256xf32>
    %add3A_31 = vector.broadcast %get3A_30 : vector<1x256xf32> to vector<2000x256xf32>
    %add3A_32 = arith.addf %add3A_27, %add3A_31 : vector<2000x256xf32>
    %max3A = arith.constant 0.000000e+00 : f32
    %max3A_33 = vector.broadcast %max3A : f32 to vector<2000x256xf32>
    %max3A_34 = arith.maximumf %add3A_32, %max3A_33 : vector<2000x256xf32>
    %get3A_35 = arith.constant 0 : index
    %get3A_36 = arith.constant 0 : index
    %get3A_37 = vector.load %arg5[%get3A_35, %get3A_36] : memref<256x256xf32, #tpu.memory_space<vmem>>, vector<256x256xf32>
    %dot_general3A_38 = arith.constant dense<0.000000e+00> : vector<2000x256xf32>
    %dot_general3A_39 = tpu.matmul %max3A_34, %get3A_37, %dot_general3A_38 {dimension_numbers = #tpu.dot_dimension_numbers<[1], [0], [0], [1], [0, 0, 1, 1], [], []>, transpose_lhs_hint = false} : vector<2000x256xf32>, vector<256x256xf32>, vector<2000x256xf32> -> vector<2000x256xf32>
    %get3A_40 = arith.constant 0 : index
    %get3A_41 = arith.constant 0 : index
    %get3A_42 = vector.load %arg6[%get3A_40, %get3A_41] : memref<1x256xf32, #tpu.memory_space<vmem>>, vector<1x256xf32>
    %add3A_43 = vector.broadcast %get3A_42 : vector<1x256xf32> to vector<2000x256xf32>
    %add3A_44 = arith.addf %dot_general3A_39, %add3A_43 : vector<2000x256xf32>
    %swap3A = arith.constant 0 : index
    %swap3A_45 = arith.constant 0 : index
    %swap3A_46 = vector.load %arg7[%swap3A, %swap3A_45] : memref<2000x256xf32, #tpu.memory_space<vmem>>, vector<2000x256xf32>
    tpu.vector_store %arg7[%swap3A, %swap3A_45], %add3A_44 {strides = array<i32>} : memref<2000x256xf32, #tpu.memory_space<vmem>>, vector<2000x256xf32>,
    %reduce_sum3A = arith.constant dense<0.000000e+00> : vector<256xf32>
    %reduce_sum3A_47 = vector.multi_reduction <add>, %add3A_44, %reduce_sum3A [0] : vector<2000x256xf32> to vector<256xf32>
    %broadcast_in_dim3A = vector.shape_cast %reduce_sum3A_47 : vector<256xf32> to vector<1x256xf32>
    %mul3A = arith.mulf %add3A_44, %add3A_44 : vector<2000x256xf32>
    %reduce_sum3A_48 = arith.constant dense<0.000000e+00> : vector<256xf32>
    %reduce_sum3A_49 = vector.multi_reduction <add>, %mul3A, %reduce_sum3A_48 [0] : vector<2000x256xf32> to vector<256xf32>
    %broadcast_in_dim3A_50 = vector.shape_cast %reduce_sum3A_49 : vector<256xf32> to vector<1x256xf32>
    %concatenate3A = tpu.concatenate %broadcast_in_dim3A, %broadcast_in_dim3A_50 in 0 : vector<1x256xf32>, vector<1x256xf32> -> vector<2x256xf32>
    %eq3A = arith.constant 0 : i32
    %eq3A_51 = arith.cmpi eq, %arg0, %eq3A : i32
    %convert_element_type3A = arith.extui %eq3A_51 : i1 to i32
    %cond3A = arith.constant 0 : i32
    %cond3A_52 = arith.cmpi ne, %convert_element_type3A, %cond3A : i32
    scf.if %cond3A_52 {
      %swap3A_57 = arith.constant 0 : index
      %swap3A_58 = arith.constant 0 : index
      %swap3A_59 = vector.load %arg8[%swap3A_57, %swap3A_58] : memref<2x256xf32, #tpu.memory_space<vmem>>, vector<2x256xf32>
      tpu.vector_store %arg8[%swap3A_57, %swap3A_58], %concatenate3A {strides = array<i32>} : memref<2x256xf32, #tpu.memory_space<vmem>>, vector<2x256xf32>,
    } else {
    }
    %gt3A = arith.constant 0 : i32
    %gt3A_53 = arith.cmpi sgt, %arg0, %gt3A : i32
    %convert_element_type3A_54 = arith.extui %gt3A_53 : i1 to i32
    %cond3A_55 = arith.constant 0 : i32
    %cond3A_56 = arith.cmpi ne, %convert_element_type3A_54, %cond3A_55 : i32
    scf.if %cond3A_56 {
      %get3A_57 = arith.constant 0 : index
      %get3A_58 = arith.constant 0 : index
      %get3A_59 = vector.load %arg8[%get3A_57, %get3A_58] : memref<2x256xf32, #tpu.memory_space<vmem>>, vector<2x256xf32>
      %add3A_60 = arith.addf %get3A_59, %concatenate3A : vector<2x256xf32>
      %swap3A_61 = arith.constant 0 : index
      %swap3A_62 = arith.constant 0 : index
      %swap3A_63 = vector.load %arg8[%swap3A_61, %swap3A_62] : memref<2x256xf32, #tpu.memory_space<vmem>>, vector<2x256xf32>
      tpu.vector_store %arg8[%swap3A_61, %swap3A_62], %add3A_60 {strides = array<i32>} : memref<2x256xf32, #tpu.memory_space<vmem>>, vector<2x256xf32>,
    } else {
    }
    return
  }
  func.func @transform_0(%arg0: i32) -> (i32, i32, i32) {
    %c0_i32 = arith.constant 0 : i32
    %c0_i32_0 = arith.constant 0 : i32
    %c0_i32_1 = arith.constant 0 : i32
    return %c0_i32, %arg0, %c0_i32_0 : i32, i32, i32
  }
  func.func @transform_1(%arg0: i32) -> (i32, i32, i32) {
    %c0_i32 = arith.constant 0 : i32
    %c0_i32_0 = arith.constant 0 : i32
    %c0_i32_1 = arith.constant 0 : i32
    return %c0_i32, %arg0, %c0_i32_0 : i32, i32, i32
  }
  func.func @transform_2(%arg0: i32) -> (i32, i32) {
    %c0_i32 = arith.constant 0 : i32
    %c0_i32_0 = arith.constant 0 : i32
    %c0_i32_1 = arith.constant 0 : i32
    return %c0_i32, %c0_i32_0 : i32, i32
  }
  func.func @transform_3(%arg0: i32) -> (i32, i32) {
    %c0_i32 = arith.constant 0 : i32
    %c0_i32_0 = arith.constant 0 : i32
    %c0_i32_1 = arith.constant 0 : i32
    return %c0_i32, %c0_i32_0 : i32, i32
  }
  func.func @transform_4(%arg0: i32) -> (i32, i32) {
    %c0_i32 = arith.constant 0 : i32
    %c0_i32_0 = arith.constant 0 : i32
    %c0_i32_1 = arith.constant 0 : i32
    return %c0_i32, %c0_i32_0 : i32, i32
  }
  func.func @transform_5(%arg0: i32) -> (i32, i32) {
    %c0_i32 = arith.constant 0 : i32
    %c0_i32_0 = arith.constant 0 : i32
    %c0_i32_1 = arith.constant 0 : i32
    return %c0_i32, %c0_i32_0 : i32, i32
  }
  func.func @transform_6(%arg0: i32) -> (i32, i32) {
    %c0_i32 = arith.constant 0 : i32
    %c0_i32_0 = arith.constant 0 : i32
    return %arg0, %c0_i32 : i32, i32
  }
  func.func @transform_7(%arg0: i32) -> (i32, i32) {
    %c0_i32 = arith.constant 0 : i32
    %c0_i32_0 = arith.constant 0 : i32
    %c0_i32_1 = arith.constant 0 : i32
    return %c0_i32, %c0_i32_0 : i32, i32
  }
}

module attributes {stable_mosaic.version = 14 : i64} {
  func.func @_node_b_body(%arg0: i32, %arg1: memref<2000x256xf32, #tpu.memory_space<vmem>>, %arg2: memref<2x2000x128xf32, #tpu.memory_space<vmem>>, %arg3: memref<2x256xf32, #tpu.memory_space<vmem>>, %arg4: memref<1x256xf32, #tpu.memory_space<vmem>>, %arg5: memref<1x256xf32, #tpu.memory_space<vmem>>, %arg6: memref<1x256xf32, #tpu.memory_space<vmem>>, %arg7: memref<2x2000x128xf32, #tpu.memory_space<vmem>>) attributes {dimension_semantics = [#tpu.dimension_semantics<arbitrary>], iteration_bounds = array<i64: 5>, scalar_prefetch = 0 : i64, scratch_operands = 0 : i64, tpu.core_type = #tpu.core_type<tc>, window_params = [{transform_indices = @transform_0, window_bounds = array<i64: 2000, 256>}, {transform_indices = @transform_1, window_bounds = array<i64: 2, 2000, 128>}, {pipeline_mode = #tpu.pipeline_mode<synchronous>, transform_indices = @transform_2, window_bounds = array<i64: 2, 256>}, {pipeline_mode = #tpu.pipeline_mode<synchronous>, transform_indices = @transform_3, window_bounds = array<i64: 1, 256>}, {pipeline_mode = #tpu.pipeline_mode<synchronous>, transform_indices = @transform_4, window_bounds = array<i64: 1, 256>}, {pipeline_mode = #tpu.pipeline_mode<synchronous>, transform_indices = @transform_5, window_bounds = array<i64: 1, 256>}, {transform_indices = @transform_6, window_bounds = array<i64: 2, 2000, 128>}]} {
    %get3A = arith.constant 0 : index
    %get3A_0 = arith.constant 0 : index
    %get3A_1 = vector.load %arg3[%get3A, %get3A_0] : memref<2x256xf32, #tpu.memory_space<vmem>>, vector<1x256xf32>
    %mul3A = arith.constant 9.99999974E-5 : f32
    %mul3A_2 = vector.broadcast %mul3A : f32 to vector<1x256xf32>
    %mul3A_3 = arith.mulf %get3A_1, %mul3A_2 : vector<1x256xf32>
    %get3A_4 = arith.constant 1 : index
    %get3A_5 = arith.constant 0 : index
    %get3A_6 = vector.load %arg3[%get3A_4, %get3A_5] : memref<2x256xf32, #tpu.memory_space<vmem>>, vector<1x256xf32>
    %mul3A_7 = arith.constant 9.99999974E-5 : f32
    %mul3A_8 = vector.broadcast %mul3A_7 : f32 to vector<1x256xf32>
    %mul3A_9 = arith.mulf %get3A_6, %mul3A_8 : vector<1x256xf32>
    %get3A_10 = arith.constant 0 : index
    %get3A_11 = arith.constant 0 : index
    %get3A_12 = vector.load %arg6[%get3A_10, %get3A_11] : memref<1x256xf32, #tpu.memory_space<vmem>>, vector<1x256xf32>
    %mul3A_13 = arith.mulf %mul3A_3, %mul3A_3 : vector<1x256xf32>
    %mul3A_14 = arith.mulf %mul3A_13, %get3A_12 : vector<1x256xf32>
    %sub3A = arith.constant 2.000000e+00 : f32
    %sub3A_15 = vector.broadcast %sub3A : f32 to vector<1x256xf32>
    %sub3A_16 = arith.subf %sub3A_15, %get3A_12 : vector<1x256xf32>
    %mul3A_17 = arith.mulf %mul3A_14, %sub3A_16 : vector<1x256xf32>
    %sub3A_18 = arith.subf %mul3A_9, %mul3A_17 : vector<1x256xf32>
    %get3A_19 = arith.constant 0 : index
    %get3A_20 = arith.constant 0 : index
    %get3A_21 = vector.load %arg1[%get3A_19, %get3A_20] : memref<2000x256xf32, #tpu.memory_space<vmem>>, vector<2000x256xf32>
    %mul3A_22 = arith.mulf %mul3A_3, %get3A_12 : vector<1x256xf32>
    %sub3A_23 = vector.broadcast %mul3A_22 : vector<1x256xf32> to vector<2000x256xf32>
    %sub3A_24 = arith.subf %get3A_21, %sub3A_23 : vector<2000x256xf32>
    %get3A_25 = arith.constant 0 : index
    %get3A_26 = arith.constant 0 : index
    %get3A_27 = vector.load %arg4[%get3A_25, %get3A_26] : memref<1x256xf32, #tpu.memory_space<vmem>>, vector<1x256xf32>
    %mul3A_28 = vector.broadcast %get3A_27 : vector<1x256xf32> to vector<2000x256xf32>
    %mul3A_29 = arith.mulf %mul3A_28, %sub3A_24 : vector<2000x256xf32>
    %add3A = arith.constant 9.99999974E-6 : f32
    %add3A_30 = vector.broadcast %add3A : f32 to vector<1x256xf32>
    %add3A_31 = arith.addf %sub3A_18, %add3A_30 : vector<1x256xf32>
    %rsqrt3A = math.rsqrt %add3A_31 : vector<1x256xf32>
    %mul3A_32 = vector.broadcast %rsqrt3A : vector<1x256xf32> to vector<2000x256xf32>
    %mul3A_33 = arith.mulf %mul3A_29, %mul3A_32 : vector<2000x256xf32>
    %get3A_34 = arith.constant 0 : index
    %get3A_35 = arith.constant 0 : index
    %get3A_36 = vector.load %arg5[%get3A_34, %get3A_35] : memref<1x256xf32, #tpu.memory_space<vmem>>, vector<1x256xf32>
    %add3A_37 = vector.broadcast %get3A_36 : vector<1x256xf32> to vector<2000x256xf32>
    %add3A_38 = arith.addf %mul3A_33, %add3A_37 : vector<2000x256xf32>
    %max3A = arith.constant 0.000000e+00 : f32
    %max3A_39 = vector.broadcast %max3A : f32 to vector<2000x256xf32>
    %max3A_40 = arith.maximumf %add3A_38, %max3A_39 : vector<2000x256xf32>
    %get3A_41 = arith.constant 0 : index
    %get3A_42 = arith.constant 0 : index
    %get3A_43 = arith.constant 0 : index
    %get3A_44 = vector.load %arg2[%get3A_41, %get3A_42, %get3A_43] : memref<2x2000x128xf32, #tpu.memory_space<vmem>>, vector<1x2000x128xf32>
    %get3A_45 = vector.shape_cast %get3A_44 : vector<1x2000x128xf32> to vector<2000x128xf32>
    %slice3A = vector.extract_strided_slice %max3A_40 {offsets = [0, 0], sizes = [2000, 128], strides = [1, 1]} : vector<2000x256xf32> to vector<2000x128xf32>
    %add3A_46 = arith.addf %get3A_45, %slice3A : vector<2000x128xf32>
    %swap3A = arith.constant 0 : index
    %swap3A_47 = arith.constant 0 : index
    %swap3A_48 = arith.constant 0 : index
    %swap3A_49 = vector.load %arg7[%swap3A, %swap3A_47, %swap3A_48] : memref<2x2000x128xf32, #tpu.memory_space<vmem>>, vector<1x2000x128xf32>
    %swap3A_50 = vector.shape_cast %swap3A_49 : vector<1x2000x128xf32> to vector<2000x128xf32>
    %swap3A_51 = vector.shape_cast %add3A_46 : vector<2000x128xf32> to vector<1x2000x128xf32>
    tpu.vector_store %arg7[%swap3A, %swap3A_47, %swap3A_48], %swap3A_51 {strides = array<i32>} : memref<2x2000x128xf32, #tpu.memory_space<vmem>>, vector<1x2000x128xf32>,
    %get3A_52 = arith.constant 1 : index
    %get3A_53 = arith.constant 0 : index
    %get3A_54 = arith.constant 0 : index
    %get3A_55 = vector.load %arg2[%get3A_52, %get3A_53, %get3A_54] : memref<2x2000x128xf32, #tpu.memory_space<vmem>>, vector<1x2000x128xf32>
    %get3A_56 = vector.shape_cast %get3A_55 : vector<1x2000x128xf32> to vector<2000x128xf32>
    %slice3A_57 = vector.extract_strided_slice %max3A_40 {offsets = [0, 128], sizes = [2000, 128], strides = [1, 1]} : vector<2000x256xf32> to vector<2000x128xf32>
    %add3A_58 = arith.addf %get3A_56, %slice3A_57 : vector<2000x128xf32>
    %swap3A_59 = arith.constant 1 : index
    %swap3A_60 = arith.constant 0 : index
    %swap3A_61 = arith.constant 0 : index
    %swap3A_62 = vector.load %arg7[%swap3A_59, %swap3A_60, %swap3A_61] : memref<2x2000x128xf32, #tpu.memory_space<vmem>>, vector<1x2000x128xf32>
    %swap3A_63 = vector.shape_cast %swap3A_62 : vector<1x2000x128xf32> to vector<2000x128xf32>
    %swap3A_64 = vector.shape_cast %add3A_58 : vector<2000x128xf32> to vector<1x2000x128xf32>
    tpu.vector_store %arg7[%swap3A_59, %swap3A_60, %swap3A_61], %swap3A_64 {strides = array<i32>} : memref<2x2000x128xf32, #tpu.memory_space<vmem>>, vector<1x2000x128xf32>,
    return
  }
  func.func @transform_0(%arg0: i32) -> (i32, i32) {
    %c0_i32 = arith.constant 0 : i32
    %c0_i32_0 = arith.constant 0 : i32
    return %arg0, %c0_i32 : i32, i32
  }
  func.func @transform_1(%arg0: i32) -> (i32, i32, i32) {
    %c0_i32 = arith.constant 0 : i32
    %c0_i32_0 = arith.constant 0 : i32
    %c0_i32_1 = arith.constant 0 : i32
    return %c0_i32, %arg0, %c0_i32_0 : i32, i32, i32
  }
  func.func @transform_2(%arg0: i32) -> (i32, i32) {
    %c0_i32 = arith.constant 0 : i32
    %c0_i32_0 = arith.constant 0 : i32
    %c0_i32_1 = arith.constant 0 : i32
    return %c0_i32, %c0_i32_0 : i32, i32
  }
  func.func @transform_3(%arg0: i32) -> (i32, i32) {
    %c0_i32 = arith.constant 0 : i32
    %c0_i32_0 = arith.constant 0 : i32
    %c0_i32_1 = arith.constant 0 : i32
    return %c0_i32, %c0_i32_0 : i32, i32
  }
  func.func @transform_4(%arg0: i32) -> (i32, i32) {
    %c0_i32 = arith.constant 0 : i32
    %c0_i32_0 = arith.constant 0 : i32
    %c0_i32_1 = arith.constant 0 : i32
    return %c0_i32, %c0_i32_0 : i32, i32
  }
  func.func @transform_5(%arg0: i32) -> (i32, i32) {
    %c0_i32 = arith.constant 0 : i32
    %c0_i32_0 = arith.constant 0 : i32
    %c0_i32_1 = arith.constant 0 : i32
    return %c0_i32, %c0_i32_0 : i32, i32
  }
  func.func @transform_6(%arg0: i32) -> (i32, i32, i32) {
    %c0_i32 = arith.constant 0 : i32
    %c0_i32_0 = arith.constant 0 : i32
    %c0_i32_1 = arith.constant 0 : i32
    return %c0_i32, %arg0, %c0_i32_0 : i32, i32, i32
  }
}

module attributes {stable_mosaic.version = 14 : i64} {
  func.func @_final_body(%arg0: memref<2x10000x128xf32, #tpu.memory_space<vmem>>, %arg1: memref<10000x1xi32, #tpu.memory_space<vmem>>, %arg2: memref<1x10000xi32, #tpu.memory_space<vmem>>, %arg3: memref<16x64xf32, #tpu.memory_space<vmem>>, %arg4: memref<256x128xf32, #tpu.memory_space<vmem>>, %arg5: memref<1x128xf32, #tpu.memory_space<vmem>>, %arg6: memref<128x1xf32, #tpu.memory_space<vmem>>, %arg7: memref<1x1xf32, #tpu.memory_space<vmem>>, %arg8: memref<64x256xf32, #tpu.memory_space<vmem>>, %arg9: memref<1x256xf32, #tpu.memory_space<vmem>>, %arg10: memref<1x768xf32, #tpu.memory_space<vmem>>, %arg11: memref<1x768xf32, #tpu.memory_space<vmem>>, %arg12: memref<768x256xf32, #tpu.memory_space<vmem>>, %arg13: memref<1x256xf32, #tpu.memory_space<vmem>>, %arg14: memref<256x64xf32, #tpu.memory_space<vmem>>, %arg15: memref<1x64xf32, #tpu.memory_space<vmem>>, %arg16: memref<16x64xf32, #tpu.memory_space<vmem>>) attributes {dimension_semantics = [], scalar_prefetch = 0 : i64, scratch_operands = 0 : i64, tpu.core_type = #tpu.core_type<tc>} {
    %get3A = arith.constant 0 : index
    %get3A_0 = arith.constant 0 : index
    %get3A_1 = arith.constant 0 : index
    %get3A_2 = vector.load %arg0[%get3A, %get3A_0, %get3A_1] : memref<2x10000x128xf32, #tpu.memory_space<vmem>>, vector<1x10000x128xf32>
    %get3A_3 = vector.shape_cast %get3A_2 : vector<1x10000x128xf32> to vector<10000x128xf32>
    %get3A_4 = arith.constant 1 : index
    %get3A_5 = arith.constant 0 : index
    %get3A_6 = arith.constant 0 : index
    %get3A_7 = vector.load %arg0[%get3A_4, %get3A_5, %get3A_6] : memref<2x10000x128xf32, #tpu.memory_space<vmem>>, vector<1x10000x128xf32>
    %get3A_8 = vector.shape_cast %get3A_7 : vector<1x10000x128xf32> to vector<10000x128xf32>
    %concatenate3A = tpu.concatenate %get3A_3, %get3A_8 in 1 : vector<10000x128xf32>, vector<10000x128xf32> -> vector<10000x256xf32>
    %get3A_9 = arith.constant 0 : index
    %get3A_10 = arith.constant 0 : index
    %get3A_11 = vector.load %arg1[%get3A_9, %get3A_10] : memref<10000x1xi32, #tpu.memory_space<vmem>>, vector<10000x1xi32>
    %iota3A = tpu.iota {dimensions = array<i32: 1>} : vector<10000x16xi32>
    %eq3A = vector.broadcast %get3A_11 : vector<10000x1xi32> to vector<10000x16xi32>
    %eq3A_12 = arith.cmpi eq, %eq3A, %iota3A : vector<10000x16xi32>
    %get3A_13 = arith.constant 0 : index
    %get3A_14 = arith.constant 0 : index
    %get3A_15 = vector.load %arg2[%get3A_13, %get3A_14] : memref<1x10000xi32, #tpu.memory_space<vmem>>, vector<1x10000xi32>
    %iota3A_16 = tpu.iota {dimensions = array<i32: 0>} : vector<16x10000xi32>
    %eq3A_17 = vector.broadcast %get3A_15 : vector<1x10000xi32> to vector<16x10000xi32>
    %eq3A_18 = arith.cmpi eq, %eq3A_17, %iota3A_16 : vector<16x10000xi32>
    %convert_element_type3A = arith.extui %eq3A_12 : vector<10000x16xi1> to vector<10000x16xi32>
    %convert_element_type3A_19 = arith.sitofp %convert_element_type3A : vector<10000x16xi32> to vector<10000x16xf32>
    %convert_element_type3A_20 = arith.extui %eq3A_18 : vector<16x10000xi1> to vector<16x10000xi32>
    %convert_element_type3A_21 = arith.sitofp %convert_element_type3A_20 : vector<16x10000xi32> to vector<16x10000xf32>
    %broadcast_in_dim3A = arith.constant 1.000000e+00 : f32
    %broadcast_in_dim3A_22 = vector.broadcast %broadcast_in_dim3A : f32 to vector<10000x1xf32>
    %dot_general3A = arith.constant dense<0.000000e+00> : vector<16x1xf32>
    %dot_general3A_23 = tpu.matmul %convert_element_type3A_21, %broadcast_in_dim3A_22, %dot_general3A {dimension_numbers = #tpu.dot_dimension_numbers<[1], [0], [0], [1], [0, 0, 1, 1], [], []>, transpose_lhs_hint = false} : vector<16x10000xf32>, vector<10000x1xf32>, vector<16x1xf32> -> vector<16x1xf32>
    %dot_general3A_24 = arith.constant dense<0.000000e+00> : vector<16x256xf32>
    %dot_general3A_25 = tpu.matmul %convert_element_type3A_21, %concatenate3A, %dot_general3A_24 {dimension_numbers = #tpu.dot_dimension_numbers<[1], [0], [0], [1], [0, 0, 1, 1], [], []>, transpose_lhs_hint = false} : vector<16x10000xf32>, vector<10000x256xf32>, vector<16x256xf32> -> vector<16x256xf32>
    %max3A = arith.constant 1.000000e+00 : f32
    %max3A_26 = vector.broadcast %max3A : f32 to vector<16x1xf32>
    %max3A_27 = arith.maximumf %dot_general3A_23, %max3A_26 : vector<16x1xf32>
    %div3A = vector.broadcast %max3A_27 : vector<16x1xf32> to vector<16x256xf32>
    %div3A_28 = arith.divf %dot_general3A_25, %div3A : vector<16x256xf32>
    %get3A_29 = arith.constant 0 : index
    %get3A_30 = arith.constant 0 : index
    %get3A_31 = vector.load %arg4[%get3A_29, %get3A_30] : memref<256x128xf32, #tpu.memory_space<vmem>>, vector<256x128xf32>
    %get3A_32 = arith.constant 0 : index
    %get3A_33 = arith.constant 0 : index
    %get3A_34 = arith.constant 0 : index
    %get3A_35 = vector.load %arg0[%get3A_32, %get3A_33, %get3A_34] : memref<2x10000x128xf32, #tpu.memory_space<vmem>>, vector<1x10000x128xf32>
    %get3A_36 = vector.shape_cast %get3A_35 : vector<1x10000x128xf32> to vector<10000x128xf32>
    %slice3A = vector.extract_strided_slice %get3A_31 {offsets = [0, 0], sizes = [128, 128], strides = [1, 1]} : vector<256x128xf32> to vector<128x128xf32>
    %dot_general3A_37 = arith.constant dense<0.000000e+00> : vector<10000x128xf32>
    %dot_general3A_38 = tpu.matmul %get3A_36, %slice3A, %dot_general3A_37 {dimension_numbers = #tpu.dot_dimension_numbers<[1], [0], [0], [1], [0, 0, 1, 1], [], []>, transpose_lhs_hint = false} : vector<10000x128xf32>, vector<128x128xf32>, vector<10000x128xf32> -> vector<10000x128xf32>
    %get3A_39 = arith.constant 1 : index
    %get3A_40 = arith.constant 0 : index
    %get3A_41 = arith.constant 0 : index
    %get3A_42 = vector.load %arg0[%get3A_39, %get3A_40, %get3A_41] : memref<2x10000x128xf32, #tpu.memory_space<vmem>>, vector<1x10000x128xf32>
    %get3A_43 = vector.shape_cast %get3A_42 : vector<1x10000x128xf32> to vector<10000x128xf32>
    %slice3A_44 = vector.extract_strided_slice %get3A_31 {offsets = [128, 0], sizes = [128, 128], strides = [1, 1]} : vector<256x128xf32> to vector<128x128xf32>
    %dot_general3A_45 = arith.constant dense<0.000000e+00> : vector<10000x128xf32>
    %dot_general3A_46 = tpu.matmul %get3A_43, %slice3A_44, %dot_general3A_45 {dimension_numbers = #tpu.dot_dimension_numbers<[1], [0], [0], [1], [0, 0, 1, 1], [], []>, transpose_lhs_hint = false} : vector<10000x128xf32>, vector<128x128xf32>, vector<10000x128xf32> -> vector<10000x128xf32>
    %add3A = arith.addf %dot_general3A_38, %dot_general3A_46 : vector<10000x128xf32>
    %get3A_47 = arith.constant 0 : index
    %get3A_48 = arith.constant 0 : index
    %get3A_49 = vector.load %arg5[%get3A_47, %get3A_48] : memref<1x128xf32, #tpu.memory_space<vmem>>, vector<1x128xf32>
    %add3A_50 = vector.broadcast %get3A_49 : vector<1x128xf32> to vector<10000x128xf32>
    %add3A_51 = arith.addf %add3A, %add3A_50 : vector<10000x128xf32>
    %max3A_52 = arith.constant 0.000000e+00 : f32
    %max3A_53 = vector.broadcast %max3A_52 : f32 to vector<10000x128xf32>
    %max3A_54 = arith.maximumf %add3A_51, %max3A_53 : vector<10000x128xf32>
    %get3A_55 = arith.constant 0 : index
    %get3A_56 = arith.constant 0 : index
    %get3A_57 = vector.load %arg6[%get3A_55, %get3A_56] : memref<128x1xf32, #tpu.memory_space<vmem>>, vector<128x1xf32>
    %dot_general3A_58 = arith.constant dense<0.000000e+00> : vector<10000x1xf32>
    %dot_general3A_59 = tpu.matmul %max3A_54, %get3A_57, %dot_general3A_58 {dimension_numbers = #tpu.dot_dimension_numbers<[1], [0], [0], [1], [0, 0, 1, 1], [], []>, transpose_lhs_hint = false} : vector<10000x128xf32>, vector<128x1xf32>, vector<10000x1xf32> -> vector<10000x1xf32>
    %get3A_60 = arith.constant 0 : index
    %get3A_61 = arith.constant 0 : index
    %get3A_62 = vector.load %arg7[%get3A_60, %get3A_61] : memref<1x1xf32, #tpu.memory_space<vmem>>, vector<1x1xf32>
    %add3A_63 = vector.broadcast %get3A_62 : vector<1x1xf32> to vector<10000x1xf32>
    %add3A_64 = arith.addf %dot_general3A_59, %add3A_63 : vector<10000x1xf32>
    %jit3A = arith.constant 0xFF800000 : f32
    %broadcast_in_dim3A_65 = vector.shape_cast %add3A_64 : vector<10000x1xf32> to vector<10000x1xf32>
    %broadcast_in_dim3A_66 = vector.broadcast %broadcast_in_dim3A_65 : vector<10000x1xf32> to vector<10000x16xf32>
    %broadcast_in_dim3A_67 = vector.broadcast %jit3A : f32 to vector<10000x16xf32>
    %select_n3A = arith.select %eq3A_12, %broadcast_in_dim3A_66, %broadcast_in_dim3A_67 : vector<10000x16xi1>, vector<10000x16xf32>
    %reduce_max3A = arith.constant dense<0xFF800000> : vector<16xf32>
    %reduce_max3A_68 = vector.multi_reduction <maximumf>, %select_n3A, %reduce_max3A [0] : vector<10000x16xf32> to vector<16xf32>
    %broadcast_in_dim3A_69 = vector.shape_cast %reduce_max3A_68 : vector<16xf32> to vector<1x16xf32>
    %is_finite3A = tpu.weird %broadcast_in_dim3A_69 : vector<1x16xf32> -> vector<1x16xi1>
    %is_finite3A_70 = arith.constant dense<true> : vector<1x16xi1>
    %is_finite3A_71 = arith.xori %is_finite3A, %is_finite3A_70 : vector<1x16xi1>
    %jit3A_72 = arith.constant 0.000000e+00 : f32
    %broadcast_in_dim3A_73 = vector.broadcast %jit3A_72 : f32 to vector<1x16xf32>
    %select_n3A_74 = arith.select %is_finite3A_71, %broadcast_in_dim3A_69, %broadcast_in_dim3A_73 : vector<1x16xi1>, vector<1x16xf32>
    %mul3A = vector.broadcast %select_n3A_74 : vector<1x16xf32> to vector<10000x16xf32>
    %mul3A_75 = arith.mulf %convert_element_type3A_19, %mul3A : vector<10000x16xf32>
    %reduce_sum3A = arith.constant dense<0.000000e+00> : vector<10000xf32>
    %reduce_sum3A_76 = vector.multi_reduction <add>, %mul3A_75, %reduce_sum3A [1] : vector<10000x16xf32> to vector<10000xf32>
    %broadcast_in_dim3A_77 = vector.shape_cast %reduce_sum3A_76 : vector<10000xf32> to vector<10000x1xf32>
    %sub3A = arith.subf %add3A_64, %broadcast_in_dim3A_77 : vector<10000x1xf32>
    %exp3A = math.exp %sub3A : vector<10000x1xf32>
    %dot_general3A_78 = arith.constant dense<0.000000e+00> : vector<16x1xf32>
    %dot_general3A_79 = tpu.matmul %convert_element_type3A_21, %exp3A, %dot_general3A_78 {dimension_numbers = #tpu.dot_dimension_numbers<[1], [0], [0], [1], [0, 0, 1, 1], [], []>, transpose_lhs_hint = false} : vector<16x10000xf32>, vector<10000x1xf32>, vector<16x1xf32> -> vector<16x1xf32>
    %dot_general3A_80 = arith.constant dense<0.000000e+00> : vector<10000x1xf32>
    %dot_general3A_81 = tpu.matmul %convert_element_type3A_19, %dot_general3A_79, %dot_general3A_80 {dimension_numbers = #tpu.dot_dimension_numbers<[1], [0], [0], [1], [0, 0, 1, 1], [], []>, transpose_lhs_hint = false} : vector<10000x16xf32>, vector<16x1xf32>, vector<10000x1xf32> -> vector<10000x1xf32>
    %add3A_82 = arith.constant 1.000000e-16 : f32
    %add3A_83 = vector.broadcast %add3A_82 : f32 to vector<10000x1xf32>
    %add3A_84 = arith.addf %dot_general3A_81, %add3A_83 : vector<10000x1xf32>
    %div3A_85 = arith.divf %exp3A, %add3A_84 : vector<10000x1xf32>
    %mul3A_86 = vector.broadcast %div3A_85 : vector<10000x1xf32> to vector<10000x256xf32>
    %mul3A_87 = arith.mulf %mul3A_86, %concatenate3A : vector<10000x256xf32>
    %dot_general3A_88 = arith.constant dense<0.000000e+00> : vector<16x256xf32>
    %dot_general3A_89 = tpu.matmul %convert_element_type3A_21, %mul3A_87, %dot_general3A_88 {dimension_numbers = #tpu.dot_dimension_numbers<[1], [0], [0], [1], [0, 0, 1, 1], [], []>, transpose_lhs_hint = false} : vector<16x10000xf32>, vector<10000x256xf32>, vector<16x256xf32> -> vector<16x256xf32>
    %get3A_90 = arith.constant 0 : index
    %get3A_91 = arith.constant 0 : index
    %get3A_92 = vector.load %arg3[%get3A_90, %get3A_91] : memref<16x64xf32, #tpu.memory_space<vmem>>, vector<16x64xf32>
    %get3A_93 = arith.constant 0 : index
    %get3A_94 = arith.constant 0 : index
    %get3A_95 = vector.load %arg8[%get3A_93, %get3A_94] : memref<64x256xf32, #tpu.memory_space<vmem>>, vector<64x256xf32>
    %dot_general3A_96 = arith.constant dense<0.000000e+00> : vector<16x256xf32>
    %dot_general3A_97 = tpu.matmul %get3A_92, %get3A_95, %dot_general3A_96 {dimension_numbers = #tpu.dot_dimension_numbers<[1], [0], [0], [1], [0, 0, 1, 1], [], []>, transpose_lhs_hint = false} : vector<16x64xf32>, vector<64x256xf32>, vector<16x256xf32> -> vector<16x256xf32>
    %get3A_98 = arith.constant 0 : index
    %get3A_99 = arith.constant 0 : index
    %get3A_100 = vector.load %arg9[%get3A_98, %get3A_99] : memref<1x256xf32, #tpu.memory_space<vmem>>, vector<1x256xf32>
    %add3A_101 = vector.broadcast %get3A_100 : vector<1x256xf32> to vector<16x256xf32>
    %add3A_102 = arith.addf %dot_general3A_97, %add3A_101 : vector<16x256xf32>
    %max3A_103 = arith.constant 0.000000e+00 : f32
    %max3A_104 = vector.broadcast %max3A_103 : f32 to vector<16x256xf32>
    %max3A_105 = arith.maximumf %add3A_102, %max3A_104 : vector<16x256xf32>
    %concatenate3A_106 = tpu.concatenate %div3A_28, %dot_general3A_89, %max3A_105 in 1 : vector<16x256xf32>, vector<16x256xf32>, vector<16x256xf32> -> vector<16x768xf32>
    %reduce_sum3A_107 = arith.constant dense<0.000000e+00> : vector<16xf32>
    %reduce_sum3A_108 = vector.multi_reduction <add>, %concatenate3A_106, %reduce_sum3A_107 [1] : vector<16x768xf32> to vector<16xf32>
    %broadcast_in_dim3A_109 = vector.shape_cast %reduce_sum3A_108 : vector<16xf32> to vector<16x1xf32>
    %div3A_110 = arith.constant 7.680000e+02 : f32
    %div3A_111 = vector.broadcast %div3A_110 : f32 to vector<16x1xf32>
    %div3A_112 = arith.divf %broadcast_in_dim3A_109, %div3A_111 : vector<16x1xf32>
    %sub3A_113 = vector.broadcast %div3A_112 : vector<16x1xf32> to vector<16x768xf32>
    %sub3A_114 = arith.subf %concatenate3A_106, %sub3A_113 : vector<16x768xf32>
    %integer_pow3A = arith.mulf %sub3A_114, %sub3A_114 : vector<16x768xf32>
    %reduce_sum3A_115 = arith.constant dense<0.000000e+00> : vector<16xf32>
    %reduce_sum3A_116 = vector.multi_reduction <add>, %integer_pow3A, %reduce_sum3A_115 [1] : vector<16x768xf32> to vector<16xf32>
    %broadcast_in_dim3A_117 = vector.shape_cast %reduce_sum3A_116 : vector<16xf32> to vector<16x1xf32>
    %div3A_118 = arith.constant 7.680000e+02 : f32
    %div3A_119 = vector.broadcast %div3A_118 : f32 to vector<16x1xf32>
    %div3A_120 = arith.divf %broadcast_in_dim3A_117, %div3A_119 : vector<16x1xf32>
    %get3A_121 = arith.constant 0 : index
    %get3A_122 = arith.constant 0 : index
    %get3A_123 = vector.load %arg10[%get3A_121, %get3A_122] : memref<1x768xf32, #tpu.memory_space<vmem>>, vector<1x768xf32>
    %sub3A_124 = vector.broadcast %div3A_112 : vector<16x1xf32> to vector<16x768xf32>
    %sub3A_125 = arith.subf %concatenate3A_106, %sub3A_124 : vector<16x768xf32>
    %mul3A_126 = vector.broadcast %get3A_123 : vector<1x768xf32> to vector<16x768xf32>
    %mul3A_127 = arith.mulf %mul3A_126, %sub3A_125 : vector<16x768xf32>
    %add3A_128 = arith.constant 9.99999974E-6 : f32
    %add3A_129 = vector.broadcast %add3A_128 : f32 to vector<16x1xf32>
    %add3A_130 = arith.addf %div3A_120, %add3A_129 : vector<16x1xf32>
    %sqrt3A = math.sqrt %add3A_130 : vector<16x1xf32>
    %div3A_131 = vector.broadcast %sqrt3A : vector<16x1xf32> to vector<16x768xf32>
    %div3A_132 = arith.divf %mul3A_127, %div3A_131 : vector<16x768xf32>
    %get3A_133 = arith.constant 0 : index
    %get3A_134 = arith.constant 0 : index
    %get3A_135 = vector.load %arg11[%get3A_133, %get3A_134] : memref<1x768xf32, #tpu.memory_space<vmem>>, vector<1x768xf32>
    %add3A_136 = vector.broadcast %get3A_135 : vector<1x768xf32> to vector<16x768xf32>
    %add3A_137 = arith.addf %div3A_132, %add3A_136 : vector<16x768xf32>
    %get3A_138 = arith.constant 0 : index
    %get3A_139 = arith.constant 0 : index
    %get3A_140 = vector.load %arg12[%get3A_138, %get3A_139] : memref<768x256xf32, #tpu.memory_space<vmem>>, vector<768x256xf32>
    %dot_general3A_141 = arith.constant dense<0.000000e+00> : vector<16x256xf32>
    %dot_general3A_142 = tpu.matmul %add3A_137, %get3A_140, %dot_general3A_141 {dimension_numbers = #tpu.dot_dimension_numbers<[1], [0], [0], [1], [0, 0, 1, 1], [], []>, transpose_lhs_hint = false} : vector<16x768xf32>, vector<768x256xf32>, vector<16x256xf32> -> vector<16x256xf32>
    %get3A_143 = arith.constant 0 : index
    %get3A_144 = arith.constant 0 : index
    %get3A_145 = vector.load %arg13[%get3A_143, %get3A_144] : memref<1x256xf32, #tpu.memory_space<vmem>>, vector<1x256xf32>
    %add3A_146 = vector.broadcast %get3A_145 : vector<1x256xf32> to vector<16x256xf32>
    %add3A_147 = arith.addf %dot_general3A_142, %add3A_146 : vector<16x256xf32>
    %max3A_148 = arith.constant 0.000000e+00 : f32
    %max3A_149 = vector.broadcast %max3A_148 : f32 to vector<16x256xf32>
    %max3A_150 = arith.maximumf %add3A_147, %max3A_149 : vector<16x256xf32>
    %get3A_151 = arith.constant 0 : index
    %get3A_152 = arith.constant 0 : index
    %get3A_153 = vector.load %arg14[%get3A_151, %get3A_152] : memref<256x64xf32, #tpu.memory_space<vmem>>, vector<256x64xf32>
    %dot_general3A_154 = arith.constant dense<0.000000e+00> : vector<16x64xf32>
    %dot_general3A_155 = tpu.matmul %max3A_150, %get3A_153, %dot_general3A_154 {dimension_numbers = #tpu.dot_dimension_numbers<[1], [0], [0], [1], [0, 0, 1, 1], [], []>, transpose_lhs_hint = false} : vector<16x256xf32>, vector<256x64xf32>, vector<16x64xf32> -> vector<16x64xf32>
    %get3A_156 = arith.constant 0 : index
    %get3A_157 = arith.constant 0 : index
    %get3A_158 = vector.load %arg15[%get3A_156, %get3A_157] : memref<1x64xf32, #tpu.memory_space<vmem>>, vector<1x64xf32>
    %add3A_159 = vector.broadcast %get3A_158 : vector<1x64xf32> to vector<16x64xf32>
    %add3A_160 = arith.addf %dot_general3A_155, %add3A_159 : vector<16x64xf32>
    %swap3A = arith.constant 0 : index
    %swap3A_161 = arith.constant 0 : index
    %swap3A_162 = vector.load %arg16[%swap3A, %swap3A_161] : memref<16x64xf32, #tpu.memory_space<vmem>>, vector<16x64xf32>
    tpu.vector_store %arg16[%swap3A, %swap3A_161], %add3A_160 {strides = array<i32>} : memref<16x64xf32, #tpu.memory_space<vmem>>, vector<16x64xf32>,
    return
  }
}

</mosaic_0001>

<sc_bundles>
// kernel: kernel.20.cloned.1.call-start
scs
__scs_entry_jumppad:
0x0: {  	(pc) =	sbr.rel $0x88, $3  }
0x1: {  	(tag) =	ssettag $0x0;
	lr =	simm.s32 $0x1  }
0x2: {  	[smem:$0x3F83] =	sst lr;
	_ =	strace $0xD0000000  }
0x3: {  	_ = 	snop  }
0x4: {  	_ = 	snop  }
0x5: {  	_ = 	snop  }
0x6: {  	_ = 	snop  }
0x7: {  	_ = 	snop  }
__scs_overlays_trampoline_lowered:
0x8: {  	[smem:$0x3F92] =	sst s0  }
0x9: {  	[smem:$0x3F93] =	sst s1  }
0xa: {  	[smem:$0x3F94] =	sst s2  }
0xb: {  	[smem:$0x3F95] =	sst s3  }
0xc: {  	[smem:$0x3F96] =	sst s4  }
0xd: {  	[smem:$0x3F97] =	sst s5  }
0xe: {  	[smem:$0x3F98] =	sst s6  }
0xf: {  	[smem:$0x3F99] =	sst s7  }
0x10: {  	[smem:$0x3F9A] =	sst s8  }
0x11: {  	[smem:$0x3F9B] =	sst s9;
	s0 =	simm.s32 @!p0 $0x0  }
0x12: {  	s1 =	sld [smem:$0x3F81];
	s0 =	simm.s32 @p0 $0x1  }
0x13: {  	[smem:$0x3F9C] =	sst s0;
	s0 =	simm.s32 @!p1 $0x0  }
0x14: {  	s2 =	sld [smem:$0x3F80];
	s0 =	simm.s32 @p1 $0x1  }
0x15: {  	[smem:$0x3F9D] =	sst s0;
	s0 =	simm.s32 @!p2 $0x0  }
0x16: {  	s3 =	sld [smem:$0x3FDB];
	s0 =	simm.s32 @p2 $0x1  }
0x17: {  	s4 =	simm.s32 $0x1BF5;
	[smem:$0x3F9F] =	sst s0  }
0x18: {  	s0 =	sld [smem:$0x3F82];
	_ =	swait.ge [sflag:s4], $0x0  }
0x19: {  	s7 =	sld [smem:$0x3F83]  }
0x1a: {  	s8 =	sadd.s32 $0xFFFFE003, lr  }
0x1b: {  	s9 =	sadd.s32 $0xFFFFFEF7, lr;
	s5 =	simm.s32 $0xFFFFFFFF;
	p2 =	slt.u32 s8, $0xFFFFF086  }
0x1c: {  	p1 =	slt.u32 s9, $0xF7A;
	s5 =	simm.s32 @!p2 $0x0  }
0x1d: {  	s5 =	simm.s32 @p1 $0x1;
	p0 =	seq.s32 s7, s2  }
0x1e: {  	s7 =	smul.u32 @!p0 $0xF7A, s2;
	p2 =	seq.s32 @!p0 s5, $0x0  }
0x1f: {  	s9 =	smul.u32 $0xF7A, s1;
	s8 =	simm.s32 @!p0 $0x1BF5;
	p2 =	por !p2, p0  }
0x20: {  	[sflag:s8] =	ssyncset.s32 @!p0 $0xFFFFF086;
	s6 =	sadd.s32 @!p0 s3, s7;
	s7 =	simm.s32 @!p0 $0x108  }
0x21: {  	s3 =	sadd.s32 s3, s9;
	s6 =	sadd.s32 @!p0 $0x88, s6;
	s7 =	simm.s32 @p2 $0x1082  }
0x22: {  	[simem:s7], [sflag:s8] =	dma.local @!p0 [hbm:s6], $0xF7A  }
0x23: {  	s9 =	sor.u32 $0xD0000000, s2;
	s6 =	simm.s32 $0x108;
	_ =	swait.ge @!p0 [sflag:s8], $0x0  }
0x24: {  	s3 =	sadd.s32 $0x88, s3;
	s6 =	simm.s32 @!p1 $0x1082;
	[sflag:s4] =	ssyncset.s32 $0xFFFFF086  }
0x25: {  	[simem:s6], [sflag:s4] =	dma.local [hbm:s3], $0xF7A  }
0x26: {  	[smem:$0x3F83] =	sst s1;
	(tag) =	ssettag s2;
	_ =	strace s9  }
0x27: {  	s1 =	sld [smem:$0x3F93]  }
0x28: {  	s2 =	sld [smem:$0x3F94]  }
0x29: {  	s4 =	sld [smem:$0x3F96]  }
0x2a: {  	p0 =	seq.s32 s5, $0x0;
	s5 =	sld [smem:$0x3F97]  }
0x2b: {  	s6 =	sld [smem:$0x3F98]  }
0x2c: {  	s7 =	sld [smem:$0x3F99]  }
0x2d: {  	s3 =	simm.s32 $0x108;
	s8 =	sld [smem:$0x3F9A]  }
0x2e: {  	s3 =	simm.s32 @!p0 $0x1082;
	s9 =	sld [smem:$0x3F9B]  }
0x2f: {  	lr =	sadd.s32 s0, s3;
	s0 =	sld [smem:$0x3F92]  }
0x30: {  	s3 =	sld [smem:$0x3F95]  }
0x31: {  	[smem:$0x3F9E] =	sst s10  }
0x32: {  	s10 =	sld [smem:$0x3F9C];
	_ =	sdelay $0x3  }
0x33: {  	p0 =	seq.s32 s10, $0x1;
	s10 =	sld [smem:$0x3F9E];
	_ =	sdelay $0x3  }
0x34: {  	[smem:$0x3F9E] =	sst s10  }
0x35: {  	s10 =	sld [smem:$0x3F9D];
	_ =	sdelay $0x3  }
0x36: {  	p1 =	seq.s32 s10, $0x1;
	s10 =	sld [smem:$0x3F9E];
	_ =	sdelay $0x3  }
0x37: {  	[smem:$0x3F9E] =	sst s10  }
0x38: {  	s10 =	sld [smem:$0x3F9F]  }
0x39: {  	_ = 	snop;
	(pc) =	sbr.ind lr, $3  }
0x3a: {  	_ = 	snop  }
0x3b: {  	_ = 	snop  }
0x3c: {  	p2 =	seq.s32 s10, $0x1;
	s10 =	sld [smem:$0x3F9E]  }
0x3d: {  	_ =	shalt  }
0x3e: {  	_ =	shalt  }
0x3f: {  	_ =	shalt  }
0x40: {  	_ =	shalt  }
0x41: {  	_ =	shalt  }
0x42: {  	_ =	shalt  }
0x43: {  	_ =	shalt  }
0x44: {  	_ =	shalt  }
0x45: {  	_ =	shalt  }
0x46: {  	_ =	shalt  }
0x47: {  	_ =	shalt  }
0x48: {  	_ =	shalt  }
0x49: {  	_ =	shalt  }
0x4a: {  	_ =	shalt  }
0x4b: {  	_ =	shalt  }
0x4c: {  	_ =	shalt  }
0x4d: {  	_ =	shalt  }
0x4e: {  	_ =	shalt  }
0x4f: {  	_ =	shalt  }
0x50: {  	_ =	shalt  }
0x51: {  	_ =	shalt  }
0x52: {  	_ =	shalt  }
0x53: {  	_ =	shalt  }
0x54: {  	_ =	shalt  }
0x55: {  	_ =	shalt  }
0x56: {  	_ =	shalt  }
0x57: {  	_ =	shalt  }
0x58: {  	_ =	shalt  }
0x59: {  	_ =	shalt  }
0x5a: {  	_ =	shalt  }
0x5b: {  	_ =	shalt  }
0x5c: {  	_ =	shalt  }
0x5d: {  	_ =	shalt  }
0x5e: {  	_ =	shalt  }
0x5f: {  	_ =	shalt  }
0x60: {  	_ =	shalt  }
0x61: {  	_ =	shalt  }
0x62: {  	_ =	shalt  }
0x63: {  	_ =	shalt  }
0x64: {  	_ =	shalt  }
0x65: {  	_ =	shalt  }
0x66: {  	_ =	shalt  }
0x67: {  	_ =	shalt  }
0x68: {  	_ =	shalt  }
0x69: {  	_ =	shalt  }
0x6a: {  	_ =	shalt  }
0x6b: {  	_ =	shalt  }
0x6c: {  	_ =	shalt  }
0x6d: {  	_ =	shalt  }
0x6e: {  	_ =	shalt  }
0x6f: {  	_ =	shalt  }
0x70: {  	_ =	shalt  }
0x71: {  	_ =	shalt  }
0x72: {  	_ =	shalt  }
0x73: {  	_ =	shalt  }
0x74: {  	_ =	shalt  }
0x75: {  	_ =	shalt  }
0x76: {  	_ =	shalt  }
0x77: {  	_ =	shalt  }
0x78: {  	_ =	shalt  }
0x79: {  	_ =	shalt  }
0x7a: {  	_ =	shalt  }
0x7b: {  	_ =	shalt  }
0x7c: {  	_ =	shalt  }
0x7d: {  	_ =	shalt  }
0x7e: {  	_ =	shalt  }
0x7f: {  	_ =	shalt  }
0x80: {  	_ =	shalt  }
0x81: {  	_ =	shalt  }
0x82: {  	_ =	shalt  }
0x83: {  	_ =	shalt  }
0x84: {  	_ =	shalt  }
0x85: {  	_ =	shalt  }
0x86: {  	_ =	shalt  }
0x87: {  	_ =	shalt  }
.Lfunc_end0:
.L_simem_size_0:
called_computation_lowered:
.L_overlay_start_0:
0x88: {  	s2 =	sld [smem:$0x3FD9]  }
0x89: {  	s3 =	sld [smem:$0x3FFE];
	_ =	sdelay $0x1  }
0x8a: {  	s1 =	srdreg.scid  }
0x8b: {  	s0 =	sand.u32 $0x1, s1  }
0x8c: {  	s16 =	sshll.u32 s0, $0xA;
	s2 =	sadd.s32 s3, s2  }
0x8d: {  	s2 =	sadd.s32 s2, s16  }
0x8e: {  	[smem:$0x3FAA] =	sst s2  }
0x8f: {  	_ = 	snop  }
0x90: {  	(tm) =	ssettm $0x1  }
0x91: {  	s17 =	sld [smem:$0x3FFB];
	_ =	sdelay $0x3  }
0x92: {  	_ =	strace s17  }
0x93: {  	s2 =	sld [smem:$0x3FFC];
	_ =	sdelay $0x3  }
0x94: {  	_ =	strace s2  }
0x95: {  	s2 =	sld [smem:$0x3FFD];
	_ =	sdelay $0x3  }
0x96: {  	_ =	strace s2  }
0x97: {  	_ =	strace $0x8FFFFFFF  }
0x98: {  	s18 =	sld [smem:$0x3FDB];
	_ =	sdelay $0x1  }
0x99: {  	s19 =	simm.s32 $_scs_section_size  }
0x9a: {  	s4 =	simm.s32 $_size__tile_overlayer_lowered;
	s5 =	simm.s32 $_tile_overlayer_lowered  }
0x9b: {  	s22 =	simm.s32 $0x1BFF;
	s21 =	sshll.u32 s5, $0x1;
	s2 =	sadd.s32 s19, s18  }
0x9c: {  	s6 =	simm.s32 $0x0;
	s20 =	sshll.u32 s4, $0x1;
	s4 =	sadd.s32 s21, s2  }
0x9d: {  	[timem:s6], [sflag:s22] =	dma.local [hbm:s4], s20  }
0x9e: {  	_ =	swait.ge [sflag:s22], s20  }
0x9f: {  	s3 =	ssub.s32 $0x0, s20;
	[sflag:s22] =	ssyncset.done $0x0  }
0xa0: {  	[sflag:s22] =	ssyncadd.s32 s3;
	_ =	sdelay $0x1  }
0xa1: {  	s23 =	simm.s32 $0x1B8B  }
0xa2: {  	_ =	swait.ge [sflag:s23], $0x1  }
0xa3: {  	[sflag:s23] =	ssyncset.done $0x0  }
0xa4: {  	s25 =	simm.s32 $0x1B8E;
	s24 =	sld [smem:$0x3FFE];
	[sflag:s23] =	ssyncadd.s32 $0xFFFFFFFF  }
0xa5: {  	s26 =	simm.s32 $execute0_lowered;
	[smem:$0x3FD2] =	sst s25  }
0xa6: {  	s4 =	sshll.u32 s26, $0x1;
	_ =	strace $0x80000046;
	[dreg:$0x1] =	wrdreg $0xFFFFFFFF  }
0xa7: {  	s28 =	simm.s32 $_size_execute0_lowered;
	s2 =	sadd.s32 s2, s4;
	[dreg:$0x0] =	wrdreg $0x0  }
0xa8: {  	s4 =	sshll.u32 s28, $0x1;
	[dreg:$0x2] =	wrdreg s2  }
0xa9: {  	[dreg:$0x3] =	wrdreg s4  }
0xaa: {  	[dreg:$0x4] =	wrdreg $0xC0  }
0xab: {  	_ =	task [dreg:s6], $0x5FFFF  }
0xac: {  	[dreg:$0x1] =	wrdreg $0xFFFFFFFF  }
0xad: {  	[dreg:$0x0] =	wrdreg $0x60  }
0xae: {  	[dreg:$0x2] =	wrdreg s24  }
0xaf: {  	[dreg:$0x3] =	wrdreg $0x0  }
0xb0: {  	[dreg:$0x4] =	wrdreg $0x9  }
0xb1: {  	_ =	task.clear_ibuf [dreg:s6], $0x5FFFF;
	_ =	strace $0x90000046  }
0xb2: {  	s29 =	simm.s32 $0x9;
	_ =	strace $0x80000048  }
0xb3: {  	_ =	swait.ge [sflag:s29], $0x1  }
0xb4: {  	[sflag:s29] =	ssyncadd.s32 $0xFFFFFFFF  }
0xb5: {  	_ =	strace $0x90000048  }
0xb6: {  	_ =	sfence  }
0xb7: {  	s30 =	sld [smem:$0x0];
	_ =	sdelay $0x2  }
0xb8: {  	s31 =	sshll.u32 s1, $0xD;
	s1 =	sshrl.u32 s1, $0x2  }
0xb9: {  	s3 =	sand.u32 $0x4000, s31;
	s1 =	sadd.s32 s1, s30  }
0xba: {  	s0 =	sor.u32 s3, s0;
	s1 =	sshll.u32 s1, $0x11  }
0xbb: {  	s0 =	sor.u32 s1, s0  }
0xbc: {  	s0 =	sadd.s32 $0x8F2B, s0  }
0xbd: {  	[sflag:s0] =	ssyncadd.remote.s32 $0x1  }
0xbe: {  	_ =	sfence.sel $0xFFFF  }
0xbf: {  	[dreg:$0x0] =	wrdreg $0xFFFFFFFF;
	(pc) =	sbr.abs _section_cstart, $3  }
0xc0: {  	[dreg:$0x1] =	wrdreg $0xFFFFFFFF  }
0xc1: {  	_ =	task.clear_ibuf [dreg:s6], $0x2FFFF;
	_ =	strace $0x9FFFFFFF  }
0xc2: {  	(tm) =	ssettm $0x7FFFFFFF  }
0xc3: {  	_ =	shalt  }
tec
execute0_lowered:
.L_overlay_start_1:
0x0: {  	(tag) =	ssettag $0x1  }
0x1: {  	s0 =	rddreg [dreg:$0x0]  }
0x2: {  	s2 =	rddreg [dreg:$0x1];
	s3 =	simm.s32 $0x0  }
0x3: {  	s1 =	srdreg.scid;
	s13 =	stileid.u32;
	s28 =	simm.s32 $0xA0  }
0x4: {  	s29 =	simm.s32 $0x1E100;
	s30 =	simm.s32 $0x1E300;
	s17 =	smul.u32 $0x2800, s13  }
0x5: {  	s31 =	simm.s32 $0x5;
	s4 =	sadd.s32 $0x50D400, s0;
	s10 =	smul.u32 $0x4E20, s13  }
0x6: {  	s1 =	sand.u32 $0x1, s1;
	s5 =	sadd.s32 $0x55B600, s0;
	s13 =	smul.u32 $0x50000, s13  }
0x7: {  	[smem:$0x7FF] =	sst s3;
	s7 =	sadd.s32 $0x4F9A00, s0;
	s9 =	smul.u32 $0x28000, s1  }
0x8: {  	s8 =	sadd.s32 $0x4EFC00, s0;
	s6 =	smul.u32 $0x4E200, s1;
	s1 =	ssub.s32 $0x2, s1  }
0x9: {  	_ =	strace $0x80000047;
	s11 =	sshrl.u32 s1, $0x1;
	s20 =	sshrl.u32 s10, $0x3  }
0xa: {  	s21 =	sshrl.u32 s13, $0x2;
	s16 =	sadd.s32 $0xA0, s10;
	s13 =	simm.s32 $0x0  }
0xb: {  	s3 =	sadd.s32 s17, s9;
	s18 =	sadd.s32 s10, s6;
	s1 =	ssub.s32 s1, s11  }
0xc: {  	s17 =	sadd.s32 $0x140, s10;
	s0 =	sadd.s32 s3, s0;
	s3 =	sadd.s32 s8, s20  }
0xd: {  	s12 =	sshrl.u32 s18, $0x3;
	s26 =	smax.u32 s1, $0x1;
	[dreg:$0x4] =	wrdreg s3  }
0xe: {  	s9 =	sshll.u32 s18, $0x4;
	s19 =	sadd.s32 s7, s12;
	[dreg:$0xb] =	wrdreg s26  }
0xf: {  	s10 =	simm.s32 $0x6;
	s22 =	sadd.s32 s5, s9;
	[dreg:$0x3] =	wrdreg s19  }
0x10: {  	s20 =	simm.s32 $0x1E000;
	s0 =	sadd.s32 $0xF1F600, s0;
	[dreg:$0x5] =	wrdreg s22  }
0x11: {  	s1 =	simm.s32 $0x4;
	s12 =	sadd.s32 s21, s2;
	[dreg:$0xa] =	wrdreg s0  }
0x12: {  	s21 =	simm.s32 $0x1E200;
	s23 =	sadd.s32 $0x5000, s12;
	[dreg:$0x6] =	wrdreg s12  }
0x13: {  	s26 =	simm.s32 $0x3;
	s24 =	sadd.s32 $0xA000, s12;
	[dreg:$0x7] =	wrdreg s23  }
0x14: {  	s9 =	simm.s32 $0x7;
	s25 =	sadd.s32 $0xF000, s12;
	[dreg:$0x8] =	wrdreg s24  }
0x15: {  	s22 =	simm.s32 $0x14000;
	s0 =	simm.s32 $0x2;
	[dreg:$0x9] =	wrdreg s25  }
0x16: {  	v0 =	vimm.f32 $0.0e+00;
	s23 =	simm.s32 $0x19000;
	s24 =	simm.s32 $0x9;
	s25 =	simm.s32 $0x1  }
.LBB2_1:
0x17: {  	s3 =	simm.s32 $0x0;
	s11 =	rddreg [dreg:$0x3]  }
0x18: {  	[tilespmem:s20], [sflag:$0x1] =	stream.linear.gather [hbm4b:s11+s3], $0xA0, $0x38;
	[tilespmem:$0x1E400] =	vst v63  }
0x19: {  	s18 =	rddreg [dreg:$0x4]  }
0x1a: {  	[tilespmem:s21], [sflag:$0x1] =	stream.linear.gather [hbm4b:s18+s3], $0xA0, $0x38;
	[tilespmem:$0x1E400] =	vst v63  }
0x1b: {  	s19 =	rddreg [dreg:$0x5]  }
0x1c: {  	[tilespmem:s22], [sflag:$0x3] =	stream.linear.gather [hbm4b:s19+s3], $0x5000, $0x38;
	[tilespmem:$0x1E400] =	vst v63  }
0x1d: {  	s14 =	simm.s32 $0x200;
	s3 =	simm.s32 $0x0  }
.LBB2_2:
0x1e: {  	p0 =	sne.s32 s14, $0x13E00;
	[tilespmem:s3+$0x19070] =	vst v0  }
0x1f: {  	[tilespmem:s3+$0x19000] =	vst v0  }
0x20: {  	[tilespmem:s3+$0x19010] =	vst v0  }
.Ltmp0:
0x21: {  	[tilespmem:s3+$0x19020] =	vst v0;
	(pc) =	sbr.rel @p0 .LBB2_2-.Ltmp0, $4  }
0x22: {  	[tilespmem:s3+$0x19030] =	vst v0  }
0x23: {  	[tilespmem:s3+$0x19040] =	vst v0  }
0x24: {  	[tilespmem:s3+$0x19050] =	vst v0  }
0x25: {  	[tilespmem:s3+$0x19060] =	vst v0;
	s3 =	sshra.s32 s14, $0x2;
	s14 =	sadd.s32 $0x200, s14  }
0x26: {  	[tilespmem:s3+$0x19070] =	vst v0  }
0x27: {  	[tilespmem:s3+$0x19000] =	vst v0  }
0x28: {  	[tilespmem:s3+$0x19010] =	vst v0  }
0x29: {  	[tilespmem:s3+$0x19020] =	vst v0  }
0x2a: {  	[tilespmem:s3+$0x19030] =	vst v0  }
0x2b: {  	[tilespmem:s3+$0x19040] =	vst v0  }
0x2c: {  	[tilespmem:s3+$0x19050] =	vst v0  }
0x2d: {  	[tilespmem:s3+$0x19060] =	vst v0  }
0x2e: {  	[spmem:s12] =	stream.linear.scatter [tilespmem:s23], [sflag:$0x9], $0x5000, $0x38;
	[tilespmem:$0x1E400] =	vst v63  }
0x2f: {  	_ =	swait.ge [sflag:s24], $0x5000  }
0x30: {  	[sflag:s24] =	ssyncset.done $0x0  }
0x31: {  	s15 =	rddreg [dreg:$0x7];
	[sflag:s24] =	ssyncadd.s32 $0xFFFFB000  }
0x32: {  	[spmem:s15] =	stream.linear.scatter [tilespmem:s23], [sflag:$0x9], $0x5000, $0x38;
	[tilespmem:$0x1E400] =	vst v63  }
0x33: {  	_ =	swait.ge [sflag:s24], $0x5000  }
0x34: {  	[sflag:s24] =	ssyncset.done $0x0  }
0x35: {  	s18 =	rddreg [dreg:$0x8];
	[sflag:s24] =	ssyncadd.s32 $0xFFFFB000  }
0x36: {  	[spmem:s18] =	stream.linear.scatter [tilespmem:s23], [sflag:$0x9], $0x5000, $0x38;
	[tilespmem:$0x1E400] =	vst v63  }
0x37: {  	_ =	swait.ge [sflag:s24], $0x5000  }
0x38: {  	[sflag:s24] =	ssyncset.done $0x0  }
0x39: {  	s19 =	rddreg [dreg:$0x9];
	[sflag:s24] =	ssyncadd.s32 $0xFFFFB000  }
0x3a: {  	[spmem:s19] =	stream.linear.scatter [tilespmem:s23], [sflag:$0x9], $0x5000, $0x38;
	[tilespmem:$0x1E400] =	vst v63  }
0x3b: {  	_ =	swait.ge [sflag:s24], $0x5000  }
0x3c: {  	[sflag:s24] =	ssyncset.done $0x0  }
0x3d: {  	[sflag:s24] =	ssyncadd.s32 $0xFFFFB000  }
0x3e: {  	[bflag:$0x0] =	sbarrier.arrive $0xFFFF  }
0x3f: {  	_ =	swait.ge [sflag:s25], $0xA0  }
0x40: {  	[sflag:s25] =	ssyncset.done $0x0  }
0x41: {  	[sflag:s25] =	ssyncadd.s32 $0xFFFFFF60  }
0x42: {  	_ =	swait.ge [sflag:s25], $0xA0  }
0x43: {  	[sflag:s25] =	ssyncset.done $0x0  }
0x44: {  	[sflag:s25] =	ssyncadd.s32 $0xFFFFFF60  }
0x45: {  	_ =	swait.ge [sflag:s26], $0x5000  }
0x46: {  	[sflag:s26] =	ssyncset.done $0x0  }
0x47: {  	s14 =	simm.s32 $0x0;
	s15 =	simm.s32 $0x0;
	[sflag:s26] =	ssyncadd.s32 $0xFFFFB000  }
0x48: {  	[tilespmem:s22], [sflag:$0x5] =	stream.indirect.gather.add.f32 [hbm:s4], $0x80, s20, s28, $0xb8;
	[tilespmem:$0x1E400] =	vst v63  }
.LBB2_4:
0x49: {  	s18 =	smul.u32 $0x140, s15  }
0x4a: {  	p0 =	seq.s32 s15, $0x0  }
0x4b: {  	s3 =	simm.s32 @!p0 $0x8;
	s19 =	sadd.s32 s18, s16  }
0x4c: {  	_ =	swait.ge @!p0 [sflag:s3], $0x5000;
	s11 =	sadd.s32 s6, s19  }
0x4d: {  	[sflag:s3] =	ssyncset.done @!p0 $0x0;
	s12 =	sshrl.u32 s11, $0x3  }
0x4e: {  	[sflag:s3] =	ssyncadd.s32 @!p0 $0xFFFFB000;
	s12 =	sadd.s32 s7, s12  }
0x4f: {  	[tilespmem:s29], [sflag:$0x2] =	stream.linear.gather [hbm4b:s12+s14], $0xA0, $0x38;
	[tilespmem:$0x1E400] =	vst v63  }
0x50: {  	s12 =	sshrl.u32 s19, $0x3  }
0x51: {  	s19 =	sshll.u32 s11, $0x4;
	s3 =	sadd.s32 s8, s12  }
0x52: {  	[tilespmem:s30], [sflag:$0x2] =	stream.linear.gather [hbm4b:s3+s14], $0xA0, $0x38;
	[tilespmem:$0x1E400] =	vst v63  }
0x53: {  	s3 =	sadd.s32 s5, s19  }
0x54: {  	[tilespmem:s23], [sflag:$0x4] =	stream.linear.gather [hbm4b:s3+s14], $0x5000, $0x38;
	[tilespmem:$0x1E400] =	vst v63  }
0x55: {  	_ =	swait.ge [sflag:s31], $0x5000  }
0x56: {  	[sflag:s31] =	ssyncset.done $0x0  }
0x57: {  	s19 =	simm.s32 $0x0;
	[sflag:s31] =	ssyncadd.s32 $0xFFFFB000  }
0x58: {  	v3 =	vld [tilespmem:s19+$0x14000]  }
0x59: {  	v5 =	vld [tilespmem:s19+$0x14010]  }
0x5a: {  	v4 =	vld [tilespmem:s19+$0x14020]  }
0x5b: {  	v2 =	vld [tilespmem:s19+$0x14030]  }
0x5c: {  	v1 =	vld [tilespmem:s19+$0x14040]  }
0x5d: {  	v6 =	vmax.f32 v3, $0.0e+00;
	v3 =	vld [tilespmem:s19+$0x14050]  }
0x5e: {  	s3 =	simm.s32 $0x200;
	[tilespmem:s19+$0x14000] =	vst v6;
	v6 =	vmax.f32 v5, $0.0e+00;
	v5 =	vld [tilespmem:s19+$0x14060]  }
.LBB2_5:
0x5f: {  	s11 =	sshra.s32 s3, $0x2;
	p0 =	sne.s32 s3, $0x13E00;
	[tilespmem:s19+$0x14010] =	vst v6;
	v4 =	vmax.f32 v4, $0.0e+00;
	v6 =	vld [tilespmem:s19+$0x14070]  }
0x60: {  	v7 =	vld [tilespmem:s11+$0x14000];
	[tilespmem:s19+$0x14020] =	vst v4;
	v2 =	vmax.f32 v2, $0.0e+00  }
0x61: {  	v8 =	vld [tilespmem:s11+$0x14010];
	[tilespmem:s19+$0x14030] =	vst v2;
	v1 =	vmax.f32 v1, $0.0e+00  }
.Ltmp1:
0x62: {  	v4 =	vld [tilespmem:s11+$0x14020];
	[tilespmem:s19+$0x14040] =	vst v1;
	v1 =	vmax.f32 v3, $0.0e+00;
	(pc) =	sbr.rel @p0 .LBB2_5-.Ltmp1, $4  }
0x63: {  	v2 =	vld [tilespmem:s11+$0x14030];
	[tilespmem:s19+$0x14050] =	vst v1;
	v3 =	vmax.f32 v5, $0.0e+00  }
0x64: {  	v1 =	vld [tilespmem:s11+$0x14040];
	[tilespmem:s19+$0x14060] =	vst v3;
	v5 =	vmax.f32 v6, $0.0e+00  }
0x65: {  	v6 =	vmax.f32 v7, $0.0e+00;
	v3 =	vld [tilespmem:s11+$0x14050];
	[tilespmem:s19+$0x14070] =	vst v5;
	s19 =	smov.u32 s11  }
0x66: {  	s3 =	sadd.s32 $0x200, s3;
	[tilespmem:s19+$0x14000] =	vst v6;
	v6 =	vmax.f32 v8, $0.0e+00;
	v5 =	vld [tilespmem:s19+$0x14060]  }
0x67: {  	[tilespmem:s19+$0x14010] =	vst v6;
	v4 =	vmax.f32 v4, $0.0e+00;
	v6 =	vld [tilespmem:s19+$0x14070]  }
0x68: {  	[tilespmem:s19+$0x14020] =	vst v4;
	v2 =	vmax.f32 v2, $0.0e+00  }
0x69: {  	[tilespmem:s19+$0x14030] =	vst v2;
	v1 =	vmax.f32 v1, $0.0e+00  }
0x6a: {  	[tilespmem:s19+$0x14040] =	vst v1;
	v1 =	vmax.f32 v3, $0.0e+00  }
0x6b: {  	[tilespmem:s19+$0x14050] =	vst v1;
	v1 =	vmax.f32 v5, $0.0e+00  }
0x6c: {  	[tilespmem:s19+$0x14060] =	vst v1;
	v1 =	vmax.f32 v6, $0.0e+00  }
0x6d: {  	[tilespmem:s19+$0x14070] =	vst v1  }
0x6e: {  	[spmem:s2] =	stream.indirect.scatter.add.f32 [tilespmem:s22], [sflag:$0x7], $0x80, s21, s28, $0xb8;
	[tilespmem:$0x1E400] =	vst v63  }
0x6f: {  	_ =	swait.ge [sflag:s0], $0xA0  }
0x70: {  	[sflag:s0] =	ssyncset.done $0x0  }
0x71: {  	[sflag:s0] =	ssyncadd.s32 $0xFFFFFF60  }
0x72: {  	_ =	swait.ge [sflag:s0], $0xA0  }
0x73: {  	[sflag:s0] =	ssyncset.done $0x0  }
0x74: {  	[sflag:s0] =	ssyncadd.s32 $0xFFFFFF60  }
0x75: {  	_ =	swait.ge [sflag:s1], $0x5000  }
0x76: {  	[sflag:s1] =	ssyncset.done $0x0  }
0x77: {  	s3 =	sadd.s32 s18, s17;
	[sflag:s1] =	ssyncadd.s32 $0xFFFFB000  }
0x78: {  	[tilespmem:s23], [sflag:$0x6] =	stream.indirect.gather.add.f32 [hbm:s4], $0x80, s29, s28, $0xb8;
	[tilespmem:$0x1E400] =	vst v63  }
0x79: {  	s11 =	sadd.s32 s6, s3;
	_ =	swait.ge [sflag:s9], $0x5000  }
0x7a: {  	s18 =	simm.s32 $0x0;
	s12 =	sshrl.u32 s11, $0x3;
	[sflag:s9] =	ssyncset.done $0x0  }
0x7b: {  	s3 =	sshrl.u32 s3, $0x3;
	s12 =	sadd.s32 s7, s12;
	[sflag:s9] =	ssyncadd.s32 $0xFFFFB000  }
0x7c: {  	[tilespmem:s20], [sflag:$0x1] =	stream.linear.gather [hbm4b:s12+s18], $0xA0, $0x38;
	[tilespmem:$0x1E400] =	vst v63  }
0x7d: {  	s3 =	sadd.s32 s8, s3;
	s19 =	sshll.u32 s11, $0x4  }
0x7e: {  	[tilespmem:s21], [sflag:$0x1] =	stream.linear.gather [hbm4b:s3+s18], $0xA0, $0x38;
	[tilespmem:$0x1E400] =	vst v63  }
0x7f: {  	s3 =	sadd.s32 s5, s19  }
0x80: {  	[tilespmem:s22], [sflag:$0x3] =	stream.linear.gather [hbm4b:s3+s18], $0x5000, $0x38;
	[tilespmem:$0x1E400] =	vst v63  }
0x81: {  	_ =	swait.ge [sflag:s10], $0x5000  }
0x82: {  	[sflag:s10] =	ssyncset.done $0x0  }
0x83: {  	s18 =	simm.s32 $0x0;
	[sflag:s10] =	ssyncadd.s32 $0xFFFFB000  }
0x84: {  	v3 =	vld [tilespmem:s18+$0x19000]  }
0x85: {  	v5 =	vld [tilespmem:s18+$0x19010]  }
0x86: {  	v4 =	vld [tilespmem:s18+$0x19020]  }
0x87: {  	v2 =	vld [tilespmem:s18+$0x19030]  }
0x88: {  	v1 =	vld [tilespmem:s18+$0x19040]  }
0x89: {  	v6 =	vmax.f32 v3, $0.0e+00;
	v3 =	vld [tilespmem:s18+$0x19050]  }
0x8a: {  	s3 =	simm.s32 $0x200;
	[tilespmem:s18+$0x19000] =	vst v6;
	v6 =	vmax.f32 v5, $0.0e+00;
	v5 =	vld [tilespmem:s18+$0x19060]  }
.LBB2_7:
0x8b: {  	s11 =	sshra.s32 s3, $0x2;
	p0 =	sne.s32 s3, $0x13E00;
	[tilespmem:s18+$0x19010] =	vst v6;
	v4 =	vmax.f32 v4, $0.0e+00;
	v6 =	vld [tilespmem:s18+$0x19070]  }
0x8c: {  	v7 =	vld [tilespmem:s11+$0x19000];
	[tilespmem:s18+$0x19020] =	vst v4;
	v2 =	vmax.f32 v2, $0.0e+00  }
0x8d: {  	v8 =	vld [tilespmem:s11+$0x19010];
	[tilespmem:s18+$0x19030] =	vst v2;
	v1 =	vmax.f32 v1, $0.0e+00  }
.Ltmp2:
0x8e: {  	v4 =	vld [tilespmem:s11+$0x19020];
	[tilespmem:s18+$0x19040] =	vst v1;
	v1 =	vmax.f32 v3, $0.0e+00;
	(pc) =	sbr.rel @p0 .LBB2_7-.Ltmp2, $4  }
0x8f: {  	v2 =	vld [tilespmem:s11+$0x19030];
	[tilespmem:s18+$0x19050] =	vst v1;
	v3 =	vmax.f32 v5, $0.0e+00  }
0x90: {  	v1 =	vld [tilespmem:s11+$0x19040];
	[tilespmem:s18+$0x19060] =	vst v3;
	v5 =	vmax.f32 v6, $0.0e+00  }
0x91: {  	v6 =	vmax.f32 v7, $0.0e+00;
	v3 =	vld [tilespmem:s11+$0x19050];
	[tilespmem:s18+$0x19070] =	vst v5;
	s18 =	smov.u32 s11  }
0x92: {  	s3 =	sadd.s32 $0x200, s3;
	[tilespmem:s18+$0x19000] =	vst v6;
	v6 =	vmax.f32 v8, $0.0e+00;
	v5 =	vld [tilespmem:s18+$0x19060]  }
0x93: {  	[tilespmem:s18+$0x19010] =	vst v6;
	v4 =	vmax.f32 v4, $0.0e+00;
	v63 =	vld [tilespmem:s18+$0x19070]  }
0x94: {  	[tilespmem:s18+$0x19020] =	vst v4;
	v2 =	vmax.f32 v2, $0.0e+00  }
0x95: {  	[tilespmem:s18+$0x19030] =	vst v2;
	v1 =	vmax.f32 v1, $0.0e+00  }
0x96: {  	[tilespmem:s18+$0x19040] =	vst v1;
	v1 =	vmax.f32 v3, $0.0e+00  }
0x97: {  	[tilespmem:s18+$0x19050] =	vst v1;
	v1 =	vmax.f32 v5, $0.0e+00  }
0x98: {  	[tilespmem:s18+$0x19060] =	vst v1;
	v1 =	vmax.f32 v63, $0.0e+00  }
0x99: {  	[tilespmem:s18+$0x19070] =	vst v1  }
0x9a: {  	[spmem:s2] =	stream.indirect.scatter.add.f32 [tilespmem:s23], [sflag:$0x8], $0x80, s30, s28, $0xb8;
	[tilespmem:$0x1E400] =	vst v63  }
0x9b: {  	_ =	swait.ge [sflag:s25], $0xA0  }
0x9c: {  	[sflag:s25] =	ssyncset.done $0x0  }
0x9d: {  	[sflag:s25] =	ssyncadd.s32 $0xFFFFFF60  }
0x9e: {  	s15 =	sadd.s32 $0x1, s15;
	_ =	swait.ge [sflag:s25], $0xA0  }
0x9f: {  	p0 =	sne.s32 s15, $0x3E;
	[sflag:s25] =	ssyncset.done $0x0  }
.Ltmp3:
0xa0: {  	[sflag:s25] =	ssyncadd.s32 $0xFFFFFF60;
	(pc) =	sbr.rel @p0 .LBB2_4-.Ltmp3, $4  }
0xa1: {  	_ =	swait.ge [sflag:s26], $0x5000  }
0xa2: {  	[sflag:s26] =	ssyncset.done $0x0  }
0xa3: {  	[sflag:s26] =	ssyncadd.s32 $0xFFFFB000  }
0xa4: {  	[tilespmem:s22], [sflag:$0x5] =	stream.indirect.gather.add.f32 [hbm:s4], $0x80, s20, s28, $0xb8;
	[tilespmem:$0x1E400] =	vst v63  }
0xa5: {  	_ =	swait.ge [sflag:s31], $0x5000  }
0xa6: {  	[sflag:s31] =	ssyncset.done $0x0  }
0xa7: {  	s14 =	simm.s32 $0x0;
	[sflag:s31] =	ssyncadd.s32 $0xFFFFB000  }
0xa8: {  	v3 =	vld [tilespmem:s14+$0x14000]  }
0xa9: {  	v5 =	vld [tilespmem:s14+$0x14010]  }
0xaa: {  	v4 =	vld [tilespmem:s14+$0x14020]  }
0xab: {  	v2 =	vld [tilespmem:s14+$0x14030]  }
0xac: {  	v1 =	vld [tilespmem:s14+$0x14040]  }
0xad: {  	v6 =	vmax.f32 v3, $0.0e+00;
	v3 =	vld [tilespmem:s14+$0x14050]  }
0xae: {  	s3 =	simm.s32 $0x200;
	[tilespmem:s14+$0x14000] =	vst v6;
	v6 =	vmax.f32 v5, $0.0e+00;
	v5 =	vld [tilespmem:s14+$0x14060]  }
.LBB2_10:
0xaf: {  	s11 =	sshra.s32 s3, $0x2;
	p0 =	sne.s32 s3, $0x13E00;
	[tilespmem:s14+$0x14010] =	vst v6;
	v4 =	vmax.f32 v4, $0.0e+00;
	v6 =	vld [tilespmem:s14+$0x14070]  }
0xb0: {  	v7 =	vld [tilespmem:s11+$0x14000];
	[tilespmem:s14+$0x14020] =	vst v4;
	v2 =	vmax.f32 v2, $0.0e+00  }
0xb1: {  	v8 =	vld [tilespmem:s11+$0x14010];
	[tilespmem:s14+$0x14030] =	vst v2;
	v1 =	vmax.f32 v1, $0.0e+00  }
.Ltmp4:
0xb2: {  	v4 =	vld [tilespmem:s11+$0x14020];
	[tilespmem:s14+$0x14040] =	vst v1;
	v1 =	vmax.f32 v3, $0.0e+00;
	(pc) =	sbr.rel @p0 .LBB2_10-.Ltmp4, $4  }
0xb3: {  	v2 =	vld [tilespmem:s11+$0x14030];
	[tilespmem:s14+$0x14050] =	vst v1;
	v3 =	vmax.f32 v5, $0.0e+00  }
0xb4: {  	v1 =	vld [tilespmem:s11+$0x14040];
	[tilespmem:s14+$0x14060] =	vst v3;
	v5 =	vmax.f32 v6, $0.0e+00  }
0xb5: {  	v6 =	vmax.f32 v7, $0.0e+00;
	v3 =	vld [tilespmem:s11+$0x14050];
	[tilespmem:s14+$0x14070] =	vst v5;
	s14 =	smov.u32 s11  }
0xb6: {  	s3 =	sadd.s32 $0x200, s3;
	[tilespmem:s14+$0x14000] =	vst v6;
	v6 =	vmax.f32 v8, $0.0e+00;
	v5 =	vld [tilespmem:s14+$0x14060]  }
0xb7: {  	[tilespmem:s14+$0x14010] =	vst v6;
	v4 =	vmax.f32 v4, $0.0e+00;
	v63 =	vld [tilespmem:s14+$0x14070]  }
0xb8: {  	[tilespmem:s14+$0x14020] =	vst v4;
	v2 =	vmax.f32 v2, $0.0e+00  }
0xb9: {  	[tilespmem:s14+$0x14030] =	vst v2;
	v1 =	vmax.f32 v1, $0.0e+00  }
0xba: {  	[tilespmem:s14+$0x14040] =	vst v1;
	v1 =	vmax.f32 v3, $0.0e+00  }
0xbb: {  	[tilespmem:s14+$0x14050] =	vst v1;
	v1 =	vmax.f32 v5, $0.0e+00  }
0xbc: {  	[tilespmem:s14+$0x14060] =	vst v1;
	v1 =	vmax.f32 v63, $0.0e+00  }
0xbd: {  	[tilespmem:s14+$0x14070] =	vst v1  }
0xbe: {  	[spmem:s2] =	stream.indirect.scatter.add.f32 [tilespmem:s22], [sflag:$0x7], $0x80, s21, s28, $0xb8;
	[tilespmem:$0x1E400] =	vst v63  }
0xbf: {  	_ =	swait.ge [sflag:s9], $0x5000  }
0xc0: {  	[sflag:s9] =	ssyncset.done $0x0  }
0xc1: {  	s3 =	simm.s32 $0x8;
	[sflag:s9] =	ssyncadd.s32 $0xFFFFB000  }
0xc2: {  	_ =	swait.ge [sflag:s3], $0x5000  }
0xc3: {  	[sflag:s3] =	ssyncset.done $0x0  }
0xc4: {  	[sflag:s3] =	ssyncadd.s32 $0xFFFFB000  }
0xc5: {  	s15 =	stileid.u32;
	[bflag:$0x0] =	sbarrier.arrive $0xFFFF  }
0xc6: {  	s3 =	sshll.u32 s15, $0x6;
	s12 =	rddreg [dreg:$0x6]  }
0xc7: {  	s3 =	sor.u32 $0x1C09, s3;
	s18 =	rddreg [dreg:$0xa];
	s11 =	sshrl.u32 s12, $0x3  }
0xc8: {  	[hbm:s18], [sflag:s3] =	dma.local [spmem:s11], $0x2800  }
0xc9: {  	_ =	swait.ge [sflag:s24], $0x2800  }
0xca: {  	s13 =	sadd.s32 $0x1, s13;
	s19 =	rddreg [dreg:$0xb]  }
0xcb: {  	p0 =	sne.s32 s13, s19  }
.Ltmp5:
0xcc: {  	_ = 	snop;
	(pc) =	sbr.rel @p0 .LBB2_1-.Ltmp5, $3  }
0xcd: {  	_ =	sdelay $0x1  }
0xce: {  	[sflag:s24] =	ssyncset.done $0x0  }
0xcf: {  	[sflag:s24] =	ssyncadd.s32 $0xFFFFD800  }
0xd0: {  	_ =	sfence.sel $0x180000  }
0xd1: {  	[bflag:$0x0] =	sbarrier.arrive $0xFFFF  }
0xd2: {  	_ =	strace $0x90000047  }
0xd3: {  	s0 =	stileid.u32;
	[bflag:$0x2] =	sbarrier.arrive $0xFFFF  }
0xd4: {  	p0 =	sne.s32 s0, $0x0;
	s0 =	rddreg [dreg:$0x2]  }
0xd5: {  	s0 =	sadd.s32 @!p0 $0x100000, s0  }
0xd6: {  	[sflag:s0] =	ssyncadd.tile.s32 @!p0 $0x1;
	_ =	shalt  }
.Lfunc_end2:
_tile_overlayer_lowered:
.L_overlay_start_2:
0xd7: {  	(tag) =	ssettag $0x2  }
0xd8: {  	s0 =	rddreg [dreg:$0x0];
	s2 =	stileid.u32  }
0xd9: {  	s1 =	rddreg [dreg:$0x1];
	p0 =	sne.s32 s2, $0x0  }
0xda: {  	s3 =	rddreg [dreg:$0x2];
	[bflag:$0x3] =	sbarrier.arrive $0xFFFF;
	s2 =	simm.s32 @!p0 $0x1C09  }
0xdb: {  	[timem:s3], [sflag:s2] =	dma.local @!p0 [hbm:s0], s1  }
0xdc: {  	s0 =	simm.s32 @!p0 $0x9  }
0xdd: {  	_ =	swait.ge @!p0 [sflag:s0], s1  }
0xde: {  	s1 =	ssub.s32 @!p0 $0x0, s1;
	[sflag:s0] =	ssyncset.done @!p0 $0x0  }
0xdf: {  	[sflag:s0] =	ssyncadd.s32 @!p0 s1  }
0xe0: {  	[bflag:$0x3] =	sbarrier.arrive $0xFFFF  }
0xe1: {  	_ =	shalt  }

// kernel: kernel.23.cloned.1.call-start
scs
__scs_entry_jumppad:
0x0: {  	(pc) =	sbr.rel $0x88, $3  }
0x1: {  	(tag) =	ssettag $0x0;
	lr =	simm.s32 $0x1  }
0x2: {  	[smem:$0x3F83] =	sst lr;
	_ =	strace $0xD0000000  }
0x3: {  	_ = 	snop  }
0x4: {  	_ = 	snop  }
0x5: {  	_ = 	snop  }
0x6: {  	_ = 	snop  }
0x7: {  	_ = 	snop  }
__scs_overlays_trampoline_lowered:
0x8: {  	[smem:$0x3F92] =	sst s0  }
0x9: {  	[smem:$0x3F93] =	sst s1  }
0xa: {  	[smem:$0x3F94] =	sst s2  }
0xb: {  	[smem:$0x3F95] =	sst s3  }
0xc: {  	[smem:$0x3F96] =	sst s4  }
0xd: {  	[smem:$0x3F97] =	sst s5  }
0xe: {  	[smem:$0x3F98] =	sst s6  }
0xf: {  	[smem:$0x3F99] =	sst s7  }
0x10: {  	[smem:$0x3F9A] =	sst s8  }
0x11: {  	[smem:$0x3F9B] =	sst s9;
	s0 =	simm.s32 @!p0 $0x0  }
0x12: {  	s1 =	sld [smem:$0x3F81];
	s0 =	simm.s32 @p0 $0x1  }
0x13: {  	[smem:$0x3F9C] =	sst s0;
	s0 =	simm.s32 @!p1 $0x0  }
0x14: {  	s2 =	sld [smem:$0x3F80];
	s0 =	simm.s32 @p1 $0x1  }
0x15: {  	[smem:$0x3F9D] =	sst s0;
	s0 =	simm.s32 @!p2 $0x0  }
0x16: {  	s3 =	sld [smem:$0x3FDB];
	s0 =	simm.s32 @p2 $0x1  }
0x17: {  	s4 =	simm.s32 $0x1BF5;
	[smem:$0x3F9F] =	sst s0  }
0x18: {  	s0 =	sld [smem:$0x3F82];
	_ =	swait.ge [sflag:s4], $0x0  }
0x19: {  	s7 =	sld [smem:$0x3F83]  }
0x1a: {  	s8 =	sadd.s32 $0xFFFFE003, lr  }
0x1b: {  	s9 =	sadd.s32 $0xFFFFFEF7, lr;
	s5 =	simm.s32 $0xFFFFFFFF;
	p2 =	slt.u32 s8, $0xFFFFF086  }
0x1c: {  	p1 =	slt.u32 s9, $0xF7A;
	s5 =	simm.s32 @!p2 $0x0  }
0x1d: {  	s5 =	simm.s32 @p1 $0x1;
	p0 =	seq.s32 s7, s2  }
0x1e: {  	s7 =	smul.u32 @!p0 $0xF7A, s2;
	p2 =	seq.s32 @!p0 s5, $0x0  }
0x1f: {  	s9 =	smul.u32 $0xF7A, s1;
	s8 =	simm.s32 @!p0 $0x1BF5;
	p2 =	por !p2, p0  }
0x20: {  	[sflag:s8] =	ssyncset.s32 @!p0 $0xFFFFF086;
	s6 =	sadd.s32 @!p0 s3, s7;
	s7 =	simm.s32 @!p0 $0x108  }
0x21: {  	s3 =	sadd.s32 s3, s9;
	s6 =	sadd.s32 @!p0 $0x88, s6;
	s7 =	simm.s32 @p2 $0x1082  }
0x22: {  	[simem:s7], [sflag:s8] =	dma.local @!p0 [hbm:s6], $0xF7A  }
0x23: {  	s9 =	sor.u32 $0xD0000000, s2;
	s6 =	simm.s32 $0x108;
	_ =	swait.ge @!p0 [sflag:s8], $0x0  }
0x24: {  	s3 =	sadd.s32 $0x88, s3;
	s6 =	simm.s32 @!p1 $0x1082;
	[sflag:s4] =	ssyncset.s32 $0xFFFFF086  }
0x25: {  	[simem:s6], [sflag:s4] =	dma.local [hbm:s3], $0xF7A  }
0x26: {  	[smem:$0x3F83] =	sst s1;
	(tag) =	ssettag s2;
	_ =	strace s9  }
0x27: {  	s1 =	sld [smem:$0x3F93]  }
0x28: {  	s2 =	sld [smem:$0x3F94]  }
0x29: {  	s4 =	sld [smem:$0x3F96]  }
0x2a: {  	p0 =	seq.s32 s5, $0x0;
	s5 =	sld [smem:$0x3F97]  }
0x2b: {  	s6 =	sld [smem:$0x3F98]  }
0x2c: {  	s7 =	sld [smem:$0x3F99]  }
0x2d: {  	s3 =	simm.s32 $0x108;
	s8 =	sld [smem:$0x3F9A]  }
0x2e: {  	s3 =	simm.s32 @!p0 $0x1082;
	s9 =	sld [smem:$0x3F9B]  }
0x2f: {  	lr =	sadd.s32 s0, s3;
	s0 =	sld [smem:$0x3F92]  }
0x30: {  	s3 =	sld [smem:$0x3F95]  }
0x31: {  	[smem:$0x3F9E] =	sst s10  }
0x32: {  	s10 =	sld [smem:$0x3F9C];
	_ =	sdelay $0x3  }
0x33: {  	p0 =	seq.s32 s10, $0x1;
	s10 =	sld [smem:$0x3F9E];
	_ =	sdelay $0x3  }
0x34: {  	[smem:$0x3F9E] =	sst s10  }
0x35: {  	s10 =	sld [smem:$0x3F9D];
	_ =	sdelay $0x3  }
0x36: {  	p1 =	seq.s32 s10, $0x1;
	s10 =	sld [smem:$0x3F9E];
	_ =	sdelay $0x3  }
0x37: {  	[smem:$0x3F9E] =	sst s10  }
0x38: {  	s10 =	sld [smem:$0x3F9F]  }
0x39: {  	_ = 	snop;
	(pc) =	sbr.ind lr, $3  }
0x3a: {  	_ = 	snop  }
0x3b: {  	_ = 	snop  }
0x3c: {  	p2 =	seq.s32 s10, $0x1;
	s10 =	sld [smem:$0x3F9E]  }
0x3d: {  	_ =	shalt  }
0x3e: {  	_ =	shalt  }
0x3f: {  	_ =	shalt  }
0x40: {  	_ =	shalt  }
0x41: {  	_ =	shalt  }
0x42: {  	_ =	shalt  }
0x43: {  	_ =	shalt  }
0x44: {  	_ =	shalt  }
0x45: {  	_ =	shalt  }
0x46: {  	_ =	shalt  }
0x47: {  	_ =	shalt  }
0x48: {  	_ =	shalt  }
0x49: {  	_ =	shalt  }
0x4a: {  	_ =	shalt  }
0x4b: {  	_ =	shalt  }
0x4c: {  	_ =	shalt  }
0x4d: {  	_ =	shalt  }
0x4e: {  	_ =	shalt  }
0x4f: {  	_ =	shalt  }
0x50: {  	_ =	shalt  }
0x51: {  	_ =	shalt  }
0x52: {  	_ =	shalt  }
0x53: {  	_ =	shalt  }
0x54: {  	_ =	shalt  }
0x55: {  	_ =	shalt  }
0x56: {  	_ =	shalt  }
0x57: {  	_ =	shalt  }
0x58: {  	_ =	shalt  }
0x59: {  	_ =	shalt  }
0x5a: {  	_ =	shalt  }
0x5b: {  	_ =	shalt  }
0x5c: {  	_ =	shalt  }
0x5d: {  	_ =	shalt  }
0x5e: {  	_ =	shalt  }
0x5f: {  	_ =	shalt  }
0x60: {  	_ =	shalt  }
0x61: {  	_ =	shalt  }
0x62: {  	_ =	shalt  }
0x63: {  	_ =	shalt  }
0x64: {  	_ =	shalt  }
0x65: {  	_ =	shalt  }
0x66: {  	_ =	shalt  }
0x67: {  	_ =	shalt  }
0x68: {  	_ =	shalt  }
0x69: {  	_ =	shalt  }
0x6a: {  	_ =	shalt  }
0x6b: {  	_ =	shalt  }
0x6c: {  	_ =	shalt  }
0x6d: {  	_ =	shalt  }
0x6e: {  	_ =	shalt  }
0x6f: {  	_ =	shalt  }
0x70: {  	_ =	shalt  }
0x71: {  	_ =	shalt  }
0x72: {  	_ =	shalt  }
0x73: {  	_ =	shalt  }
0x74: {  	_ =	shalt  }
0x75: {  	_ =	shalt  }
0x76: {  	_ =	shalt  }
0x77: {  	_ =	shalt  }
0x78: {  	_ =	shalt  }
0x79: {  	_ =	shalt  }
0x7a: {  	_ =	shalt  }
0x7b: {  	_ =	shalt  }
0x7c: {  	_ =	shalt  }
0x7d: {  	_ =	shalt  }
0x7e: {  	_ =	shalt  }
0x7f: {  	_ =	shalt  }
0x80: {  	_ =	shalt  }
0x81: {  	_ =	shalt  }
0x82: {  	_ =	shalt  }
0x83: {  	_ =	shalt  }
0x84: {  	_ =	shalt  }
0x85: {  	_ =	shalt  }
0x86: {  	_ =	shalt  }
0x87: {  	_ =	shalt  }
.Lfunc_end0:
.L_simem_size_0:
called_computation.1_lowered:
.L_overlay_start_0:
0x88: {  	s2 =	sld [smem:$0x3FD9]  }
0x89: {  	s3 =	sld [smem:$0x3FFE];
	_ =	sdelay $0x1  }
0x8a: {  	s1 =	srdreg.scid  }
0x8b: {  	s0 =	sand.u32 $0x1, s1  }
0x8c: {  	s16 =	sshll.u32 s0, $0xA;
	s2 =	sadd.s32 s3, s2  }
0x8d: {  	s2 =	sadd.s32 s2, s16  }
0x8e: {  	[smem:$0x3FAA] =	sst s2  }
0x8f: {  	_ = 	snop  }
0x90: {  	(tm) =	ssettm $0x1  }
0x91: {  	s17 =	sld [smem:$0x3FFB];
	_ =	sdelay $0x3  }
0x92: {  	_ =	strace s17  }
0x93: {  	s2 =	sld [smem:$0x3FFC];
	_ =	sdelay $0x3  }
0x94: {  	_ =	strace s2  }
0x95: {  	s2 =	sld [smem:$0x3FFD];
	_ =	sdelay $0x3  }
0x96: {  	_ =	strace s2  }
0x97: {  	_ =	strace $0x8FFFFFFF  }
0x98: {  	s18 =	sld [smem:$0x3FDB];
	_ =	sdelay $0x1  }
0x99: {  	s19 =	simm.s32 $_scs_section_size  }
0x9a: {  	s4 =	simm.s32 $_size__tile_overlayer_lowered;
	s5 =	simm.s32 $_tile_overlayer_lowered  }
0x9b: {  	s22 =	simm.s32 $0x1BFF;
	s21 =	sshll.u32 s5, $0x1;
	s2 =	sadd.s32 s19, s18  }
0x9c: {  	s6 =	simm.s32 $0x0;
	s20 =	sshll.u32 s4, $0x1;
	s4 =	sadd.s32 s21, s2  }
0x9d: {  	[timem:s6], [sflag:s22] =	dma.local [hbm:s4], s20  }
0x9e: {  	_ =	swait.ge [sflag:s22], s20  }
0x9f: {  	s3 =	ssub.s32 $0x0, s20;
	[sflag:s22] =	ssyncset.done $0x0  }
0xa0: {  	[sflag:s22] =	ssyncadd.s32 s3;
	_ =	sdelay $0x1  }
0xa1: {  	s23 =	simm.s32 $0x1B8B  }
0xa2: {  	_ =	swait.ge [sflag:s23], $0x1  }
0xa3: {  	[sflag:s23] =	ssyncset.done $0x0  }
0xa4: {  	s25 =	simm.s32 $0x1B8E;
	s24 =	sld [smem:$0x3FFE];
	[sflag:s23] =	ssyncadd.s32 $0xFFFFFFFF  }
0xa5: {  	s26 =	simm.s32 $execute0_lowered;
	[smem:$0x3FD2] =	sst s25  }
0xa6: {  	s4 =	sshll.u32 s26, $0x1;
	_ =	strace $0x80000049;
	[dreg:$0x1] =	wrdreg $0xFFFFFFFF  }
0xa7: {  	s28 =	simm.s32 $_size_execute0_lowered;
	s2 =	sadd.s32 s2, s4;
	[dreg:$0x0] =	wrdreg $0x0  }
0xa8: {  	s4 =	sshll.u32 s28, $0x1;
	[dreg:$0x2] =	wrdreg s2  }
0xa9: {  	[dreg:$0x3] =	wrdreg s4  }
0xaa: {  	[dreg:$0x4] =	wrdreg $0xC0  }
0xab: {  	_ =	task [dreg:s6], $0x5FFFF  }
0xac: {  	[dreg:$0x1] =	wrdreg $0xFFFFFFFF  }
0xad: {  	[dreg:$0x0] =	wrdreg $0x60  }
0xae: {  	[dreg:$0x2] =	wrdreg s24  }
0xaf: {  	[dreg:$0x3] =	wrdreg $0x0  }
0xb0: {  	[dreg:$0x4] =	wrdreg $0x9  }
0xb1: {  	_ =	task.clear_ibuf [dreg:s6], $0x5FFFF;
	_ =	strace $0x90000049  }
0xb2: {  	s29 =	simm.s32 $0x9;
	_ =	strace $0x8000004B  }
0xb3: {  	_ =	swait.ge [sflag:s29], $0x1  }
0xb4: {  	[sflag:s29] =	ssyncadd.s32 $0xFFFFFFFF  }
0xb5: {  	_ =	strace $0x9000004B  }
0xb6: {  	_ =	sfence  }
0xb7: {  	s30 =	sld [smem:$0x0];
	_ =	sdelay $0x2  }
0xb8: {  	s31 =	sshll.u32 s1, $0xD;
	s1 =	sshrl.u32 s1, $0x2  }
0xb9: {  	s3 =	sand.u32 $0x4000, s31;
	s1 =	sadd.s32 s1, s30  }
0xba: {  	s0 =	sor.u32 s3, s0;
	s1 =	sshll.u32 s1, $0x11  }
0xbb: {  	s0 =	sor.u32 s1, s0  }
0xbc: {  	s0 =	sadd.s32 $0x8F2B, s0  }
0xbd: {  	[sflag:s0] =	ssyncadd.remote.s32 $0x1  }
0xbe: {  	_ =	sfence.sel $0xFFFF  }
0xbf: {  	[dreg:$0x0] =	wrdreg $0xFFFFFFFF;
	(pc) =	sbr.abs _section_cstart, $3  }
0xc0: {  	[dreg:$0x1] =	wrdreg $0xFFFFFFFF  }
0xc1: {  	_ =	task.clear_ibuf [dreg:s6], $0x2FFFF;
	_ =	strace $0x9FFFFFFF  }
0xc2: {  	(tm) =	ssettm $0x7FFFFFFF  }
0xc3: {  	_ =	shalt  }
tec
execute0_lowered:
.L_overlay_start_1:
0x0: {  	(tag) =	ssettag $0x1  }
0x1: {  	s0 =	rddreg [dreg:$0x0]  }
0x2: {  	s2 =	rddreg [dreg:$0x1];
	s3 =	simm.s32 $0x0  }
0x3: {  	s1 =	srdreg.scid;
	s13 =	stileid.u32;
	s28 =	simm.s32 $0xA0  }
0x4: {  	s29 =	simm.s32 $0x1E100;
	s30 =	simm.s32 $0x1E300;
	s17 =	smul.u32 $0x2800, s13  }
0x5: {  	s31 =	simm.s32 $0x5;
	s4 =	sadd.s32 $0x50D400, s0;
	s10 =	smul.u32 $0x4E20, s13  }
0x6: {  	s1 =	sand.u32 $0x1, s1;
	s5 =	sadd.s32 $0xF6F600, s0;
	s13 =	smul.u32 $0x50000, s13  }
0x7: {  	[smem:$0x7FF] =	sst s3;
	s7 =	sadd.s32 $0x4F9A00, s0;
	s9 =	smul.u32 $0x28000, s1  }
0x8: {  	s8 =	sadd.s32 $0x4EFC00, s0;
	s6 =	smul.u32 $0x4E200, s1;
	s1 =	ssub.s32 $0x2, s1  }
0x9: {  	_ =	strace $0x8000004A;
	s11 =	sshrl.u32 s1, $0x1;
	s20 =	sshrl.u32 s10, $0x3  }
0xa: {  	s21 =	sshrl.u32 s13, $0x2;
	s16 =	sadd.s32 $0xA0, s10;
	s13 =	simm.s32 $0x0  }
0xb: {  	s3 =	sadd.s32 s17, s9;
	s18 =	sadd.s32 s10, s6;
	s1 =	ssub.s32 s1, s11  }
0xc: {  	s17 =	sadd.s32 $0x140, s10;
	s0 =	sadd.s32 s3, s0;
	s3 =	sadd.s32 s8, s20  }
0xd: {  	s12 =	sshrl.u32 s18, $0x3;
	s26 =	smax.u32 s1, $0x1;
	[dreg:$0x4] =	wrdreg s3  }
0xe: {  	s9 =	sshll.u32 s18, $0x4;
	s19 =	sadd.s32 s7, s12;
	[dreg:$0xb] =	wrdreg s26  }
0xf: {  	s10 =	simm.s32 $0x6;
	s22 =	sadd.s32 s5, s9;
	[dreg:$0x3] =	wrdreg s19  }
0x10: {  	s20 =	simm.s32 $0x1E000;
	s0 =	sadd.s32 $0x55B600, s0;
	[dreg:$0x5] =	wrdreg s22  }
0x11: {  	s1 =	simm.s32 $0x4;
	s12 =	sadd.s32 s21, s2;
	[dreg:$0xa] =	wrdreg s0  }
0x12: {  	s21 =	simm.s32 $0x1E200;
	s23 =	sadd.s32 $0x5000, s12;
	[dreg:$0x6] =	wrdreg s12  }
0x13: {  	s26 =	simm.s32 $0x3;
	s24 =	sadd.s32 $0xA000, s12;
	[dreg:$0x7] =	wrdreg s23  }
0x14: {  	s9 =	simm.s32 $0x7;
	s25 =	sadd.s32 $0xF000, s12;
	[dreg:$0x8] =	wrdreg s24  }
0x15: {  	s22 =	simm.s32 $0x14000;
	s0 =	simm.s32 $0x2;
	[dreg:$0x9] =	wrdreg s25  }
0x16: {  	v0 =	vimm.f32 $0.0e+00;
	s23 =	simm.s32 $0x19000;
	s24 =	simm.s32 $0x9;
	s25 =	simm.s32 $0x1  }
.LBB2_1:
0x17: {  	s3 =	simm.s32 $0x0;
	s11 =	rddreg [dreg:$0x3]  }
0x18: {  	[tilespmem:s20], [sflag:$0x1] =	stream.linear.gather [hbm4b:s11+s3], $0xA0, $0x38;
	[tilespmem:$0x1E400] =	vst v63  }
0x19: {  	s18 =	rddreg [dreg:$0x4]  }
0x1a: {  	[tilespmem:s21], [sflag:$0x1] =	stream.linear.gather [hbm4b:s18+s3], $0xA0, $0x38;
	[tilespmem:$0x1E400] =	vst v63  }
0x1b: {  	s19 =	rddreg [dreg:$0x5]  }
0x1c: {  	[tilespmem:s22], [sflag:$0x3] =	stream.linear.gather [hbm4b:s19+s3], $0x5000, $0x38;
	[tilespmem:$0x1E400] =	vst v63  }
0x1d: {  	s14 =	simm.s32 $0x200;
	s3 =	simm.s32 $0x0  }
.LBB2_2:
0x1e: {  	p0 =	sne.s32 s14, $0x13E00;
	[tilespmem:s3+$0x19070] =	vst v0  }
0x1f: {  	[tilespmem:s3+$0x19000] =	vst v0  }
0x20: {  	[tilespmem:s3+$0x19010] =	vst v0  }
.Ltmp0:
0x21: {  	[tilespmem:s3+$0x19020] =	vst v0;
	(pc) =	sbr.rel @p0 .LBB2_2-.Ltmp0, $4  }
0x22: {  	[tilespmem:s3+$0x19030] =	vst v0  }
0x23: {  	[tilespmem:s3+$0x19040] =	vst v0  }
0x24: {  	[tilespmem:s3+$0x19050] =	vst v0  }
0x25: {  	[tilespmem:s3+$0x19060] =	vst v0;
	s3 =	sshra.s32 s14, $0x2;
	s14 =	sadd.s32 $0x200, s14  }
0x26: {  	[tilespmem:s3+$0x19070] =	vst v0  }
0x27: {  	[tilespmem:s3+$0x19000] =	vst v0  }
0x28: {  	[tilespmem:s3+$0x19010] =	vst v0  }
0x29: {  	[tilespmem:s3+$0x19020] =	vst v0  }
0x2a: {  	[tilespmem:s3+$0x19030] =	vst v0  }
0x2b: {  	[tilespmem:s3+$0x19040] =	vst v0  }
0x2c: {  	[tilespmem:s3+$0x19050] =	vst v0  }
0x2d: {  	[tilespmem:s3+$0x19060] =	vst v0  }
0x2e: {  	[spmem:s12] =	stream.linear.scatter [tilespmem:s23], [sflag:$0x9], $0x5000, $0x38;
	[tilespmem:$0x1E400] =	vst v63  }
0x2f: {  	_ =	swait.ge [sflag:s24], $0x5000  }
0x30: {  	[sflag:s24] =	ssyncset.done $0x0  }
0x31: {  	s15 =	rddreg [dreg:$0x7];
	[sflag:s24] =	ssyncadd.s32 $0xFFFFB000  }
0x32: {  	[spmem:s15] =	stream.linear.scatter [tilespmem:s23], [sflag:$0x9], $0x5000, $0x38;
	[tilespmem:$0x1E400] =	vst v63  }
0x33: {  	_ =	swait.ge [sflag:s24], $0x5000  }
0x34: {  	[sflag:s24] =	ssyncset.done $0x0  }
0x35: {  	s18 =	rddreg [dreg:$0x8];
	[sflag:s24] =	ssyncadd.s32 $0xFFFFB000  }
0x36: {  	[spmem:s18] =	stream.linear.scatter [tilespmem:s23], [sflag:$0x9], $0x5000, $0x38;
	[tilespmem:$0x1E400] =	vst v63  }
0x37: {  	_ =	swait.ge [sflag:s24], $0x5000  }
0x38: {  	[sflag:s24] =	ssyncset.done $0x0  }
0x39: {  	s19 =	rddreg [dreg:$0x9];
	[sflag:s24] =	ssyncadd.s32 $0xFFFFB000  }
0x3a: {  	[spmem:s19] =	stream.linear.scatter [tilespmem:s23], [sflag:$0x9], $0x5000, $0x38;
	[tilespmem:$0x1E400] =	vst v63  }
0x3b: {  	_ =	swait.ge [sflag:s24], $0x5000  }
0x3c: {  	[sflag:s24] =	ssyncset.done $0x0  }
0x3d: {  	[sflag:s24] =	ssyncadd.s32 $0xFFFFB000  }
0x3e: {  	[bflag:$0x0] =	sbarrier.arrive $0xFFFF  }
0x3f: {  	_ =	swait.ge [sflag:s25], $0xA0  }
0x40: {  	[sflag:s25] =	ssyncset.done $0x0  }
0x41: {  	[sflag:s25] =	ssyncadd.s32 $0xFFFFFF60  }
0x42: {  	_ =	swait.ge [sflag:s25], $0xA0  }
0x43: {  	[sflag:s25] =	ssyncset.done $0x0  }
0x44: {  	[sflag:s25] =	ssyncadd.s32 $0xFFFFFF60  }
0x45: {  	_ =	swait.ge [sflag:s26], $0x5000  }
0x46: {  	[sflag:s26] =	ssyncset.done $0x0  }
0x47: {  	s14 =	simm.s32 $0x0;
	s15 =	simm.s32 $0x0;
	[sflag:s26] =	ssyncadd.s32 $0xFFFFB000  }
0x48: {  	[tilespmem:s22], [sflag:$0x5] =	stream.indirect.gather.add.f32 [hbm:s4], $0x80, s20, s28, $0xb8;
	[tilespmem:$0x1E400] =	vst v63  }
.LBB2_4:
0x49: {  	s18 =	smul.u32 $0x140, s15  }
0x4a: {  	p0 =	seq.s32 s15, $0x0  }
0x4b: {  	s3 =	simm.s32 @!p0 $0x8;
	s19 =	sadd.s32 s18, s16  }
0x4c: {  	_ =	swait.ge @!p0 [sflag:s3], $0x5000;
	s11 =	sadd.s32 s6, s19  }
0x4d: {  	[sflag:s3] =	ssyncset.done @!p0 $0x0;
	s12 =	sshrl.u32 s11, $0x3  }
0x4e: {  	[sflag:s3] =	ssyncadd.s32 @!p0 $0xFFFFB000;
	s12 =	sadd.s32 s7, s12  }
0x4f: {  	[tilespmem:s29], [sflag:$0x2] =	stream.linear.gather [hbm4b:s12+s14], $0xA0, $0x38;
	[tilespmem:$0x1E400] =	vst v63  }
0x50: {  	s12 =	sshrl.u32 s19, $0x3  }
0x51: {  	s19 =	sshll.u32 s11, $0x4;
	s3 =	sadd.s32 s8, s12  }
0x52: {  	[tilespmem:s30], [sflag:$0x2] =	stream.linear.gather [hbm4b:s3+s14], $0xA0, $0x38;
	[tilespmem:$0x1E400] =	vst v63  }
0x53: {  	s3 =	sadd.s32 s5, s19  }
0x54: {  	[tilespmem:s23], [sflag:$0x4] =	stream.linear.gather [hbm4b:s3+s14], $0x5000, $0x38;
	[tilespmem:$0x1E400] =	vst v63  }
0x55: {  	_ =	swait.ge [sflag:s31], $0x5000  }
0x56: {  	[sflag:s31] =	ssyncset.done $0x0  }
0x57: {  	s19 =	simm.s32 $0x0;
	[sflag:s31] =	ssyncadd.s32 $0xFFFFB000  }
0x58: {  	v3 =	vld [tilespmem:s19+$0x14000]  }
0x59: {  	v5 =	vld [tilespmem:s19+$0x14010]  }
0x5a: {  	v4 =	vld [tilespmem:s19+$0x14020]  }
0x5b: {  	v2 =	vld [tilespmem:s19+$0x14030]  }
0x5c: {  	v1 =	vld [tilespmem:s19+$0x14040]  }
0x5d: {  	v6 =	vmax.f32 v3, $0.0e+00;
	v3 =	vld [tilespmem:s19+$0x14050]  }
0x5e: {  	s3 =	simm.s32 $0x200;
	[tilespmem:s19+$0x14000] =	vst v6;
	v6 =	vmax.f32 v5, $0.0e+00;
	v5 =	vld [tilespmem:s19+$0x14060]  }
.LBB2_5:
0x5f: {  	s11 =	sshra.s32 s3, $0x2;
	p0 =	sne.s32 s3, $0x13E00;
	[tilespmem:s19+$0x14010] =	vst v6;
	v4 =	vmax.f32 v4, $0.0e+00;
	v6 =	vld [tilespmem:s19+$0x14070]  }
0x60: {  	v7 =	vld [tilespmem:s11+$0x14000];
	[tilespmem:s19+$0x14020] =	vst v4;
	v2 =	vmax.f32 v2, $0.0e+00  }
0x61: {  	v8 =	vld [tilespmem:s11+$0x14010];
	[tilespmem:s19+$0x14030] =	vst v2;
	v1 =	vmax.f32 v1, $0.0e+00  }
.Ltmp1:
0x62: {  	v4 =	vld [tilespmem:s11+$0x14020];
	[tilespmem:s19+$0x14040] =	vst v1;
	v1 =	vmax.f32 v3, $0.0e+00;
	(pc) =	sbr.rel @p0 .LBB2_5-.Ltmp1, $4  }
0x63: {  	v2 =	vld [tilespmem:s11+$0x14030];
	[tilespmem:s19+$0x14050] =	vst v1;
	v3 =	vmax.f32 v5, $0.0e+00  }
0x64: {  	v1 =	vld [tilespmem:s11+$0x14040];
	[tilespmem:s19+$0x14060] =	vst v3;
	v5 =	vmax.f32 v6, $0.0e+00  }
0x65: {  	v6 =	vmax.f32 v7, $0.0e+00;
	v3 =	vld [tilespmem:s11+$0x14050];
	[tilespmem:s19+$0x14070] =	vst v5;
	s19 =	smov.u32 s11  }
0x66: {  	s3 =	sadd.s32 $0x200, s3;
	[tilespmem:s19+$0x14000] =	vst v6;
	v6 =	vmax.f32 v8, $0.0e+00;
	v5 =	vld [tilespmem:s19+$0x14060]  }
0x67: {  	[tilespmem:s19+$0x14010] =	vst v6;
	v4 =	vmax.f32 v4, $0.0e+00;
	v6 =	vld [tilespmem:s19+$0x14070]  }
0x68: {  	[tilespmem:s19+$0x14020] =	vst v4;
	v2 =	vmax.f32 v2, $0.0e+00  }
0x69: {  	[tilespmem:s19+$0x14030] =	vst v2;
	v1 =	vmax.f32 v1, $0.0e+00  }
0x6a: {  	[tilespmem:s19+$0x14040] =	vst v1;
	v1 =	vmax.f32 v3, $0.0e+00  }
0x6b: {  	[tilespmem:s19+$0x14050] =	vst v1;
	v1 =	vmax.f32 v5, $0.0e+00  }
0x6c: {  	[tilespmem:s19+$0x14060] =	vst v1;
	v1 =	vmax.f32 v6, $0.0e+00  }
0x6d: {  	[tilespmem:s19+$0x14070] =	vst v1  }
0x6e: {  	[spmem:s2] =	stream.indirect.scatter.add.f32 [tilespmem:s22], [sflag:$0x7], $0x80, s21, s28, $0xb8;
	[tilespmem:$0x1E400] =	vst v63  }
0x6f: {  	_ =	swait.ge [sflag:s0], $0xA0  }
0x70: {  	[sflag:s0] =	ssyncset.done $0x0  }
0x71: {  	[sflag:s0] =	ssyncadd.s32 $0xFFFFFF60  }
0x72: {  	_ =	swait.ge [sflag:s0], $0xA0  }
0x73: {  	[sflag:s0] =	ssyncset.done $0x0  }
0x74: {  	[sflag:s0] =	ssyncadd.s32 $0xFFFFFF60  }
0x75: {  	_ =	swait.ge [sflag:s1], $0x5000  }
0x76: {  	[sflag:s1] =	ssyncset.done $0x0  }
0x77: {  	s3 =	sadd.s32 s18, s17;
	[sflag:s1] =	ssyncadd.s32 $0xFFFFB000  }
0x78: {  	[tilespmem:s23], [sflag:$0x6] =	stream.indirect.gather.add.f32 [hbm:s4], $0x80, s29, s28, $0xb8;
	[tilespmem:$0x1E400] =	vst v63  }
0x79: {  	s11 =	sadd.s32 s6, s3;
	_ =	swait.ge [sflag:s9], $0x5000  }
0x7a: {  	s18 =	simm.s32 $0x0;
	s12 =	sshrl.u32 s11, $0x3;
	[sflag:s9] =	ssyncset.done $0x0  }
0x7b: {  	s3 =	sshrl.u32 s3, $0x3;
	s12 =	sadd.s32 s7, s12;
	[sflag:s9] =	ssyncadd.s32 $0xFFFFB000  }
0x7c: {  	[tilespmem:s20], [sflag:$0x1] =	stream.linear.gather [hbm4b:s12+s18], $0xA0, $0x38;
	[tilespmem:$0x1E400] =	vst v63  }
0x7d: {  	s3 =	sadd.s32 s8, s3;
	s19 =	sshll.u32 s11, $0x4  }
0x7e: {  	[tilespmem:s21], [sflag:$0x1] =	stream.linear.gather [hbm4b:s3+s18], $0xA0, $0x38;
	[tilespmem:$0x1E400] =	vst v63  }
0x7f: {  	s3 =	sadd.s32 s5, s19  }
0x80: {  	[tilespmem:s22], [sflag:$0x3] =	stream.linear.gather [hbm4b:s3+s18], $0x5000, $0x38;
	[tilespmem:$0x1E400] =	vst v63  }
0x81: {  	_ =	swait.ge [sflag:s10], $0x5000  }
0x82: {  	[sflag:s10] =	ssyncset.done $0x0  }
0x83: {  	s18 =	simm.s32 $0x0;
	[sflag:s10] =	ssyncadd.s32 $0xFFFFB000  }
0x84: {  	v3 =	vld [tilespmem:s18+$0x19000]  }
0x85: {  	v5 =	vld [tilespmem:s18+$0x19010]  }
0x86: {  	v4 =	vld [tilespmem:s18+$0x19020]  }
0x87: {  	v2 =	vld [tilespmem:s18+$0x19030]  }
0x88: {  	v1 =	vld [tilespmem:s18+$0x19040]  }
0x89: {  	v6 =	vmax.f32 v3, $0.0e+00;
	v3 =	vld [tilespmem:s18+$0x19050]  }
0x8a: {  	s3 =	simm.s32 $0x200;
	[tilespmem:s18+$0x19000] =	vst v6;
	v6 =	vmax.f32 v5, $0.0e+00;
	v5 =	vld [tilespmem:s18+$0x19060]  }
.LBB2_7:
0x8b: {  	s11 =	sshra.s32 s3, $0x2;
	p0 =	sne.s32 s3, $0x13E00;
	[tilespmem:s18+$0x19010] =	vst v6;
	v4 =	vmax.f32 v4, $0.0e+00;
	v6 =	vld [tilespmem:s18+$0x19070]  }
0x8c: {  	v7 =	vld [tilespmem:s11+$0x19000];
	[tilespmem:s18+$0x19020] =	vst v4;
	v2 =	vmax.f32 v2, $0.0e+00  }
0x8d: {  	v8 =	vld [tilespmem:s11+$0x19010];
	[tilespmem:s18+$0x19030] =	vst v2;
	v1 =	vmax.f32 v1, $0.0e+00  }
.Ltmp2:
0x8e: {  	v4 =	vld [tilespmem:s11+$0x19020];
	[tilespmem:s18+$0x19040] =	vst v1;
	v1 =	vmax.f32 v3, $0.0e+00;
	(pc) =	sbr.rel @p0 .LBB2_7-.Ltmp2, $4  }
0x8f: {  	v2 =	vld [tilespmem:s11+$0x19030];
	[tilespmem:s18+$0x19050] =	vst v1;
	v3 =	vmax.f32 v5, $0.0e+00  }
0x90: {  	v1 =	vld [tilespmem:s11+$0x19040];
	[tilespmem:s18+$0x19060] =	vst v3;
	v5 =	vmax.f32 v6, $0.0e+00  }
0x91: {  	v6 =	vmax.f32 v7, $0.0e+00;
	v3 =	vld [tilespmem:s11+$0x19050];
	[tilespmem:s18+$0x19070] =	vst v5;
	s18 =	smov.u32 s11  }
0x92: {  	s3 =	sadd.s32 $0x200, s3;
	[tilespmem:s18+$0x19000] =	vst v6;
	v6 =	vmax.f32 v8, $0.0e+00;
	v5 =	vld [tilespmem:s18+$0x19060]  }
0x93: {  	[tilespmem:s18+$0x19010] =	vst v6;
	v4 =	vmax.f32 v4, $0.0e+00;
	v63 =	vld [tilespmem:s18+$0x19070]  }
0x94: {  	[tilespmem:s18+$0x19020] =	vst v4;
	v2 =	vmax.f32 v2, $0.0e+00  }
0x95: {  	[tilespmem:s18+$0x19030] =	vst v2;
	v1 =	vmax.f32 v1, $0.0e+00  }
0x96: {  	[tilespmem:s18+$0x19040] =	vst v1;
	v1 =	vmax.f32 v3, $0.0e+00  }
0x97: {  	[tilespmem:s18+$0x19050] =	vst v1;
	v1 =	vmax.f32 v5, $0.0e+00  }
0x98: {  	[tilespmem:s18+$0x19060] =	vst v1;
	v1 =	vmax.f32 v63, $0.0e+00  }
0x99: {  	[tilespmem:s18+$0x19070] =	vst v1  }
0x9a: {  	[spmem:s2] =	stream.indirect.scatter.add.f32 [tilespmem:s23], [sflag:$0x8], $0x80, s30, s28, $0xb8;
	[tilespmem:$0x1E400] =	vst v63  }
0x9b: {  	_ =	swait.ge [sflag:s25], $0xA0  }
0x9c: {  	[sflag:s25] =	ssyncset.done $0x0  }
0x9d: {  	[sflag:s25] =	ssyncadd.s32 $0xFFFFFF60  }
0x9e: {  	s15 =	sadd.s32 $0x1, s15;
	_ =	swait.ge [sflag:s25], $0xA0  }
0x9f: {  	p0 =	sne.s32 s15, $0x3E;
	[sflag:s25] =	ssyncset.done $0x0  }
.Ltmp3:
0xa0: {  	[sflag:s25] =	ssyncadd.s32 $0xFFFFFF60;
	(pc) =	sbr.rel @p0 .LBB2_4-.Ltmp3, $4  }
0xa1: {  	_ =	swait.ge [sflag:s26], $0x5000  }
0xa2: {  	[sflag:s26] =	ssyncset.done $0x0  }
0xa3: {  	[sflag:s26] =	ssyncadd.s32 $0xFFFFB000  }
0xa4: {  	[tilespmem:s22], [sflag:$0x5] =	stream.indirect.gather.add.f32 [hbm:s4], $0x80, s20, s28, $0xb8;
	[tilespmem:$0x1E400] =	vst v63  }
0xa5: {  	_ =	swait.ge [sflag:s31], $0x5000  }
0xa6: {  	[sflag:s31] =	ssyncset.done $0x0  }
0xa7: {  	s14 =	simm.s32 $0x0;
	[sflag:s31] =	ssyncadd.s32 $0xFFFFB000  }
0xa8: {  	v3 =	vld [tilespmem:s14+$0x14000]  }
0xa9: {  	v5 =	vld [tilespmem:s14+$0x14010]  }
0xaa: {  	v4 =	vld [tilespmem:s14+$0x14020]  }
0xab: {  	v2 =	vld [tilespmem:s14+$0x14030]  }
0xac: {  	v1 =	vld [tilespmem:s14+$0x14040]  }
0xad: {  	v6 =	vmax.f32 v3, $0.0e+00;
	v3 =	vld [tilespmem:s14+$0x14050]  }
0xae: {  	s3 =	simm.s32 $0x200;
	[tilespmem:s14+$0x14000] =	vst v6;
	v6 =	vmax.f32 v5, $0.0e+00;
	v5 =	vld [tilespmem:s14+$0x14060]  }
.LBB2_10:
0xaf: {  	s11 =	sshra.s32 s3, $0x2;
	p0 =	sne.s32 s3, $0x13E00;
	[tilespmem:s14+$0x14010] =	vst v6;
	v4 =	vmax.f32 v4, $0.0e+00;
	v6 =	vld [tilespmem:s14+$0x14070]  }
0xb0: {  	v7 =	vld [tilespmem:s11+$0x14000];
	[tilespmem:s14+$0x14020] =	vst v4;
	v2 =	vmax.f32 v2, $0.0e+00  }
0xb1: {  	v8 =	vld [tilespmem:s11+$0x14010];
	[tilespmem:s14+$0x14030] =	vst v2;
	v1 =	vmax.f32 v1, $0.0e+00  }
.Ltmp4:
0xb2: {  	v4 =	vld [tilespmem:s11+$0x14020];
	[tilespmem:s14+$0x14040] =	vst v1;
	v1 =	vmax.f32 v3, $0.0e+00;
	(pc) =	sbr.rel @p0 .LBB2_10-.Ltmp4, $4  }
0xb3: {  	v2 =	vld [tilespmem:s11+$0x14030];
	[tilespmem:s14+$0x14050] =	vst v1;
	v3 =	vmax.f32 v5, $0.0e+00  }
0xb4: {  	v1 =	vld [tilespmem:s11+$0x14040];
	[tilespmem:s14+$0x14060] =	vst v3;
	v5 =	vmax.f32 v6, $0.0e+00  }
0xb5: {  	v6 =	vmax.f32 v7, $0.0e+00;
	v3 =	vld [tilespmem:s11+$0x14050];
	[tilespmem:s14+$0x14070] =	vst v5;
	s14 =	smov.u32 s11  }
0xb6: {  	s3 =	sadd.s32 $0x200, s3;
	[tilespmem:s14+$0x14000] =	vst v6;
	v6 =	vmax.f32 v8, $0.0e+00;
	v5 =	vld [tilespmem:s14+$0x14060]  }
0xb7: {  	[tilespmem:s14+$0x14010] =	vst v6;
	v4 =	vmax.f32 v4, $0.0e+00;
	v63 =	vld [tilespmem:s14+$0x14070]  }
0xb8: {  	[tilespmem:s14+$0x14020] =	vst v4;
	v2 =	vmax.f32 v2, $0.0e+00  }
0xb9: {  	[tilespmem:s14+$0x14030] =	vst v2;
	v1 =	vmax.f32 v1, $0.0e+00  }
0xba: {  	[tilespmem:s14+$0x14040] =	vst v1;
	v1 =	vmax.f32 v3, $0.0e+00  }
0xbb: {  	[tilespmem:s14+$0x14050] =	vst v1;
	v1 =	vmax.f32 v5, $0.0e+00  }
0xbc: {  	[tilespmem:s14+$0x14060] =	vst v1;
	v1 =	vmax.f32 v63, $0.0e+00  }
0xbd: {  	[tilespmem:s14+$0x14070] =	vst v1  }
0xbe: {  	[spmem:s2] =	stream.indirect.scatter.add.f32 [tilespmem:s22], [sflag:$0x7], $0x80, s21, s28, $0xb8;
	[tilespmem:$0x1E400] =	vst v63  }
0xbf: {  	_ =	swait.ge [sflag:s9], $0x5000  }
0xc0: {  	[sflag:s9] =	ssyncset.done $0x0  }
0xc1: {  	s3 =	simm.s32 $0x8;
	[sflag:s9] =	ssyncadd.s32 $0xFFFFB000  }
0xc2: {  	_ =	swait.ge [sflag:s3], $0x5000  }
0xc3: {  	[sflag:s3] =	ssyncset.done $0x0  }
0xc4: {  	[sflag:s3] =	ssyncadd.s32 $0xFFFFB000  }
0xc5: {  	s15 =	stileid.u32;
	[bflag:$0x0] =	sbarrier.arrive $0xFFFF  }
0xc6: {  	s3 =	sshll.u32 s15, $0x6;
	s12 =	rddreg [dreg:$0x6]  }
0xc7: {  	s3 =	sor.u32 $0x1C09, s3;
	s18 =	rddreg [dreg:$0xa];
	s11 =	sshrl.u32 s12, $0x3  }
0xc8: {  	[hbm:s18], [sflag:s3] =	dma.local [spmem:s11], $0x2800  }
0xc9: {  	_ =	swait.ge [sflag:s24], $0x2800  }
0xca: {  	s13 =	sadd.s32 $0x1, s13;
	s19 =	rddreg [dreg:$0xb]  }
0xcb: {  	p0 =	sne.s32 s13, s19  }
.Ltmp5:
0xcc: {  	_ = 	snop;
	(pc) =	sbr.rel @p0 .LBB2_1-.Ltmp5, $3  }
0xcd: {  	_ =	sdelay $0x1  }
0xce: {  	[sflag:s24] =	ssyncset.done $0x0  }
0xcf: {  	[sflag:s24] =	ssyncadd.s32 $0xFFFFD800  }
0xd0: {  	_ =	sfence.sel $0x180000  }
0xd1: {  	[bflag:$0x0] =	sbarrier.arrive $0xFFFF  }
0xd2: {  	_ =	strace $0x9000004A  }
0xd3: {  	s0 =	stileid.u32;
	[bflag:$0x2] =	sbarrier.arrive $0xFFFF  }
0xd4: {  	p0 =	sne.s32 s0, $0x0;
	s0 =	rddreg [dreg:$0x2]  }
0xd5: {  	s0 =	sadd.s32 @!p0 $0x100000, s0  }
0xd6: {  	[sflag:s0] =	ssyncadd.tile.s32 @!p0 $0x1;
	_ =	shalt  }
.Lfunc_end2:
_tile_overlayer_lowered:
.L_overlay_start_2:
0xd7: {  	(tag) =	ssettag $0x2  }
0xd8: {  	s0 =	rddreg [dreg:$0x0];
	s2 =	stileid.u32  }
0xd9: {  	s1 =	rddreg [dreg:$0x1];
	p0 =	sne.s32 s2, $0x0  }
0xda: {  	s3 =	rddreg [dreg:$0x2];
	[bflag:$0x3] =	sbarrier.arrive $0xFFFF;
	s2 =	simm.s32 @!p0 $0x1C09  }
0xdb: {  	[timem:s3], [sflag:s2] =	dma.local @!p0 [hbm:s0], s1  }
0xdc: {  	s0 =	simm.s32 @!p0 $0x9  }
0xdd: {  	_ =	swait.ge @!p0 [sflag:s0], s1  }
0xde: {  	s1 =	ssub.s32 @!p0 $0x0, s1;
	[sflag:s0] =	ssyncset.done @!p0 $0x0  }
0xdf: {  	[sflag:s0] =	ssyncadd.s32 @!p0 s1  }
0xe0: {  	[bflag:$0x3] =	sbarrier.arrive $0xFFFF  }
0xe1: {  	_ =	shalt  }

// kernel: kernel.26.cloned.1.call-start
scs
__scs_entry_jumppad:
0x0: {  	(pc) =	sbr.rel $0x88, $3  }
0x1: {  	(tag) =	ssettag $0x0;
	lr =	simm.s32 $0x1  }
0x2: {  	[smem:$0x3F83] =	sst lr;
	_ =	strace $0xD0000000  }
0x3: {  	_ = 	snop  }
0x4: {  	_ = 	snop  }
0x5: {  	_ = 	snop  }
0x6: {  	_ = 	snop  }
0x7: {  	_ = 	snop  }
__scs_overlays_trampoline_lowered:
0x8: {  	[smem:$0x3F92] =	sst s0  }
0x9: {  	[smem:$0x3F93] =	sst s1  }
0xa: {  	[smem:$0x3F94] =	sst s2  }
0xb: {  	[smem:$0x3F95] =	sst s3  }
0xc: {  	[smem:$0x3F96] =	sst s4  }
0xd: {  	[smem:$0x3F97] =	sst s5  }
0xe: {  	[smem:$0x3F98] =	sst s6  }
0xf: {  	[smem:$0x3F99] =	sst s7  }
0x10: {  	[smem:$0x3F9A] =	sst s8  }
0x11: {  	[smem:$0x3F9B] =	sst s9;
	s0 =	simm.s32 @!p0 $0x0  }
0x12: {  	s1 =	sld [smem:$0x3F81];
	s0 =	simm.s32 @p0 $0x1  }
0x13: {  	[smem:$0x3F9C] =	sst s0;
	s0 =	simm.s32 @!p1 $0x0  }
0x14: {  	s2 =	sld [smem:$0x3F80];
	s0 =	simm.s32 @p1 $0x1  }
0x15: {  	[smem:$0x3F9D] =	sst s0;
	s0 =	simm.s32 @!p2 $0x0  }
0x16: {  	s3 =	sld [smem:$0x3FDB];
	s0 =	simm.s32 @p2 $0x1  }
0x17: {  	s4 =	simm.s32 $0x1BF5;
	[smem:$0x3F9F] =	sst s0  }
0x18: {  	s0 =	sld [smem:$0x3F82];
	_ =	swait.ge [sflag:s4], $0x0  }
0x19: {  	s7 =	sld [smem:$0x3F83]  }
0x1a: {  	s8 =	sadd.s32 $0xFFFFE003, lr  }
0x1b: {  	s9 =	sadd.s32 $0xFFFFFEF7, lr;
	s5 =	simm.s32 $0xFFFFFFFF;
	p2 =	slt.u32 s8, $0xFFFFF086  }
0x1c: {  	p1 =	slt.u32 s9, $0xF7A;
	s5 =	simm.s32 @!p2 $0x0  }
0x1d: {  	s5 =	simm.s32 @p1 $0x1;
	p0 =	seq.s32 s7, s2  }
0x1e: {  	s7 =	smul.u32 @!p0 $0xF7A, s2;
	p2 =	seq.s32 @!p0 s5, $0x0  }
0x1f: {  	s9 =	smul.u32 $0xF7A, s1;
	s8 =	simm.s32 @!p0 $0x1BF5;
	p2 =	por !p2, p0  }
0x20: {  	[sflag:s8] =	ssyncset.s32 @!p0 $0xFFFFF086;
	s6 =	sadd.s32 @!p0 s3, s7;
	s7 =	simm.s32 @!p0 $0x108  }
0x21: {  	s3 =	sadd.s32 s3, s9;
	s6 =	sadd.s32 @!p0 $0x88, s6;
	s7 =	simm.s32 @p2 $0x1082  }
0x22: {  	[simem:s7], [sflag:s8] =	dma.local @!p0 [hbm:s6], $0xF7A  }
0x23: {  	s9 =	sor.u32 $0xD0000000, s2;
	s6 =	simm.s32 $0x108;
	_ =	swait.ge @!p0 [sflag:s8], $0x0  }
0x24: {  	s3 =	sadd.s32 $0x88, s3;
	s6 =	simm.s32 @!p1 $0x1082;
	[sflag:s4] =	ssyncset.s32 $0xFFFFF086  }
0x25: {  	[simem:s6], [sflag:s4] =	dma.local [hbm:s3], $0xF7A  }
0x26: {  	[smem:$0x3F83] =	sst s1;
	(tag) =	ssettag s2;
	_ =	strace s9  }
0x27: {  	s1 =	sld [smem:$0x3F93]  }
0x28: {  	s2 =	sld [smem:$0x3F94]  }
0x29: {  	s4 =	sld [smem:$0x3F96]  }
0x2a: {  	p0 =	seq.s32 s5, $0x0;
	s5 =	sld [smem:$0x3F97]  }
0x2b: {  	s6 =	sld [smem:$0x3F98]  }
0x2c: {  	s7 =	sld [smem:$0x3F99]  }
0x2d: {  	s3 =	simm.s32 $0x108;
	s8 =	sld [smem:$0x3F9A]  }
0x2e: {  	s3 =	simm.s32 @!p0 $0x1082;
	s9 =	sld [smem:$0x3F9B]  }
0x2f: {  	lr =	sadd.s32 s0, s3;
	s0 =	sld [smem:$0x3F92]  }
0x30: {  	s3 =	sld [smem:$0x3F95]  }
0x31: {  	[smem:$0x3F9E] =	sst s10  }
0x32: {  	s10 =	sld [smem:$0x3F9C];
	_ =	sdelay $0x3  }
0x33: {  	p0 =	seq.s32 s10, $0x1;
	s10 =	sld [smem:$0x3F9E];
	_ =	sdelay $0x3  }
0x34: {  	[smem:$0x3F9E] =	sst s10  }
0x35: {  	s10 =	sld [smem:$0x3F9D];
	_ =	sdelay $0x3  }
0x36: {  	p1 =	seq.s32 s10, $0x1;
	s10 =	sld [smem:$0x3F9E];
	_ =	sdelay $0x3  }
0x37: {  	[smem:$0x3F9E] =	sst s10  }
0x38: {  	s10 =	sld [smem:$0x3F9F]  }
0x39: {  	_ = 	snop;
	(pc) =	sbr.ind lr, $3  }
0x3a: {  	_ = 	snop  }
0x3b: {  	_ = 	snop  }
0x3c: {  	p2 =	seq.s32 s10, $0x1;
	s10 =	sld [smem:$0x3F9E]  }
0x3d: {  	_ =	shalt  }
0x3e: {  	_ =	shalt  }
0x3f: {  	_ =	shalt  }
0x40: {  	_ =	shalt  }
0x41: {  	_ =	shalt  }
0x42: {  	_ =	shalt  }
0x43: {  	_ =	shalt  }
0x44: {  	_ =	shalt  }
0x45: {  	_ =	shalt  }
0x46: {  	_ =	shalt  }
0x47: {  	_ =	shalt  }
0x48: {  	_ =	shalt  }
0x49: {  	_ =	shalt  }
0x4a: {  	_ =	shalt  }
0x4b: {  	_ =	shalt  }
0x4c: {  	_ =	shalt  }
0x4d: {  	_ =	shalt  }
0x4e: {  	_ =	shalt  }
0x4f: {  	_ =	shalt  }
0x50: {  	_ =	shalt  }
0x51: {  	_ =	shalt  }
0x52: {  	_ =	shalt  }
0x53: {  	_ =	shalt  }
0x54: {  	_ =	shalt  }
0x55: {  	_ =	shalt  }
0x56: {  	_ =	shalt  }
0x57: {  	_ =	shalt  }
0x58: {  	_ =	shalt  }
0x59: {  	_ =	shalt  }
0x5a: {  	_ =	shalt  }
0x5b: {  	_ =	shalt  }
0x5c: {  	_ =	shalt  }
0x5d: {  	_ =	shalt  }
0x5e: {  	_ =	shalt  }
0x5f: {  	_ =	shalt  }
0x60: {  	_ =	shalt  }
0x61: {  	_ =	shalt  }
0x62: {  	_ =	shalt  }
0x63: {  	_ =	shalt  }
0x64: {  	_ =	shalt  }
0x65: {  	_ =	shalt  }
0x66: {  	_ =	shalt  }
0x67: {  	_ =	shalt  }
0x68: {  	_ =	shalt  }
0x69: {  	_ =	shalt  }
0x6a: {  	_ =	shalt  }
0x6b: {  	_ =	shalt  }
0x6c: {  	_ =	shalt  }
0x6d: {  	_ =	shalt  }
0x6e: {  	_ =	shalt  }
0x6f: {  	_ =	shalt  }
0x70: {  	_ =	shalt  }
0x71: {  	_ =	shalt  }
0x72: {  	_ =	shalt  }
0x73: {  	_ =	shalt  }
0x74: {  	_ =	shalt  }
0x75: {  	_ =	shalt  }
0x76: {  	_ =	shalt  }
0x77: {  	_ =	shalt  }
0x78: {  	_ =	shalt  }
0x79: {  	_ =	shalt  }
0x7a: {  	_ =	shalt  }
0x7b: {  	_ =	shalt  }
0x7c: {  	_ =	shalt  }
0x7d: {  	_ =	shalt  }
0x7e: {  	_ =	shalt  }
0x7f: {  	_ =	shalt  }
0x80: {  	_ =	shalt  }
0x81: {  	_ =	shalt  }
0x82: {  	_ =	shalt  }
0x83: {  	_ =	shalt  }
0x84: {  	_ =	shalt  }
0x85: {  	_ =	shalt  }
0x86: {  	_ =	shalt  }
0x87: {  	_ =	shalt  }
.Lfunc_end0:
.L_simem_size_0:
called_computation.2_lowered:
.L_overlay_start_0:
0x88: {  	s2 =	sld [smem:$0x3FD9]  }
0x89: {  	s3 =	sld [smem:$0x3FFE];
	_ =	sdelay $0x1  }
0x8a: {  	s1 =	srdreg.scid  }
0x8b: {  	s0 =	sand.u32 $0x1, s1  }
0x8c: {  	s16 =	sshll.u32 s0, $0xA;
	s2 =	sadd.s32 s3, s2  }
0x8d: {  	s2 =	sadd.s32 s2, s16  }
0x8e: {  	[smem:$0x3FAA] =	sst s2  }
0x8f: {  	_ = 	snop  }
0x90: {  	(tm) =	ssettm $0x1  }
0x91: {  	s17 =	sld [smem:$0x3FFB];
	_ =	sdelay $0x3  }
0x92: {  	_ =	strace s17  }
0x93: {  	s2 =	sld [smem:$0x3FFC];
	_ =	sdelay $0x3  }
0x94: {  	_ =	strace s2  }
0x95: {  	s2 =	sld [smem:$0x3FFD];
	_ =	sdelay $0x3  }
0x96: {  	_ =	strace s2  }
0x97: {  	_ =	strace $0x8FFFFFFF  }
0x98: {  	s18 =	sld [smem:$0x3FDB];
	_ =	sdelay $0x1  }
0x99: {  	s19 =	simm.s32 $_scs_section_size  }
0x9a: {  	s4 =	simm.s32 $_size__tile_overlayer_lowered;
	s5 =	simm.s32 $_tile_overlayer_lowered  }
0x9b: {  	s22 =	simm.s32 $0x1BFF;
	s21 =	sshll.u32 s5, $0x1;
	s2 =	sadd.s32 s19, s18  }
0x9c: {  	s6 =	simm.s32 $0x0;
	s20 =	sshll.u32 s4, $0x1;
	s4 =	sadd.s32 s21, s2  }
0x9d: {  	[timem:s6], [sflag:s22] =	dma.local [hbm:s4], s20  }
0x9e: {  	_ =	swait.ge [sflag:s22], s20  }
0x9f: {  	s3 =	ssub.s32 $0x0, s20;
	[sflag:s22] =	ssyncset.done $0x0  }
0xa0: {  	[sflag:s22] =	ssyncadd.s32 s3;
	_ =	sdelay $0x1  }
0xa1: {  	s23 =	simm.s32 $0x1B8B  }
0xa2: {  	_ =	swait.ge [sflag:s23], $0x1  }
0xa3: {  	[sflag:s23] =	ssyncset.done $0x0  }
0xa4: {  	s25 =	simm.s32 $0x1B8E;
	s24 =	sld [smem:$0x3FFE];
	[sflag:s23] =	ssyncadd.s32 $0xFFFFFFFF  }
0xa5: {  	s26 =	simm.s32 $execute0_lowered;
	[smem:$0x3FD2] =	sst s25  }
0xa6: {  	s4 =	sshll.u32 s26, $0x1;
	_ =	strace $0x8000004C;
	[dreg:$0x1] =	wrdreg $0xFFFFFFFF  }
0xa7: {  	s28 =	simm.s32 $_size_execute0_lowered;
	s2 =	sadd.s32 s2, s4;
	[dreg:$0x0] =	wrdreg $0x0  }
0xa8: {  	s4 =	sshll.u32 s28, $0x1;
	[dreg:$0x2] =	wrdreg s2  }
0xa9: {  	[dreg:$0x3] =	wrdreg s4  }
0xaa: {  	[dreg:$0x4] =	wrdreg $0xC0  }
0xab: {  	_ =	task [dreg:s6], $0x5FFFF  }
0xac: {  	[dreg:$0x1] =	wrdreg $0xFFFFFFFF  }
0xad: {  	[dreg:$0x0] =	wrdreg $0x60  }
0xae: {  	[dreg:$0x2] =	wrdreg s24  }
0xaf: {  	[dreg:$0x3] =	wrdreg $0x0  }
0xb0: {  	[dreg:$0x4] =	wrdreg $0x9  }
0xb1: {  	_ =	task.clear_ibuf [dreg:s6], $0x5FFFF;
	_ =	strace $0x9000004C  }
0xb2: {  	s29 =	simm.s32 $0x9;
	_ =	strace $0x8000004E  }
0xb3: {  	_ =	swait.ge [sflag:s29], $0x1  }
0xb4: {  	[sflag:s29] =	ssyncadd.s32 $0xFFFFFFFF  }
0xb5: {  	_ =	strace $0x9000004E  }
0xb6: {  	_ =	sfence  }
0xb7: {  	s30 =	sld [smem:$0x0];
	_ =	sdelay $0x2  }
0xb8: {  	s31 =	sshll.u32 s1, $0xD;
	s1 =	sshrl.u32 s1, $0x2  }
0xb9: {  	s3 =	sand.u32 $0x4000, s31;
	s1 =	sadd.s32 s1, s30  }
0xba: {  	s0 =	sor.u32 s3, s0;
	s1 =	sshll.u32 s1, $0x11  }
0xbb: {  	s0 =	sor.u32 s1, s0  }
0xbc: {  	s0 =	sadd.s32 $0x8F2B, s0  }
0xbd: {  	[sflag:s0] =	ssyncadd.remote.s32 $0x1  }
0xbe: {  	_ =	sfence.sel $0xFFFF  }
0xbf: {  	[dreg:$0x0] =	wrdreg $0xFFFFFFFF;
	(pc) =	sbr.abs _section_cstart, $3  }
0xc0: {  	[dreg:$0x1] =	wrdreg $0xFFFFFFFF  }
0xc1: {  	_ =	task.clear_ibuf [dreg:s6], $0x2FFFF;
	_ =	strace $0x9FFFFFFF  }
0xc2: {  	(tm) =	ssettm $0x7FFFFFFF  }
0xc3: {  	_ =	shalt  }
tec
execute0_lowered:
.L_overlay_start_1:
0x0: {  	(tag) =	ssettag $0x1  }
0x1: {  	s0 =	rddreg [dreg:$0x0]  }
0x2: {  	s2 =	rddreg [dreg:$0x1];
	s3 =	simm.s32 $0x0  }
0x3: {  	s1 =	srdreg.scid;
	s13 =	stileid.u32;
	s28 =	simm.s32 $0xA0  }
0x4: {  	s29 =	simm.s32 $0x1E100;
	s30 =	simm.s32 $0x1E300;
	s17 =	smul.u32 $0x2800, s13  }
0x5: {  	s31 =	simm.s32 $0x5;
	s4 =	sadd.s32 $0x50D400, s0;
	s10 =	smul.u32 $0x4E20, s13  }
0x6: {  	s1 =	sand.u32 $0x1, s1;
	s5 =	sadd.s32 $0x5AB600, s0;
	s13 =	smul.u32 $0x50000, s13  }
0x7: {  	[smem:$0x7FF] =	sst s3;
	s7 =	sadd.s32 $0x4F9A00, s0;
	s9 =	smul.u32 $0x28000, s1  }
0x8: {  	s8 =	sadd.s32 $0x4EFC00, s0;
	s6 =	smul.u32 $0x4E200, s1;
	s1 =	ssub.s32 $0x2, s1  }
0x9: {  	_ =	strace $0x8000004D;
	s11 =	sshrl.u32 s1, $0x1;
	s20 =	sshrl.u32 s10, $0x3  }
0xa: {  	s21 =	sshrl.u32 s13, $0x2;
	s16 =	sadd.s32 $0xA0, s10;
	s13 =	simm.s32 $0x0  }
0xb: {  	s3 =	sadd.s32 s17, s9;
	s18 =	sadd.s32 s10, s6;
	s1 =	ssub.s32 s1, s11  }
0xc: {  	s17 =	sadd.s32 $0x140, s10;
	s0 =	sadd.s32 s3, s0;
	s3 =	sadd.s32 s8, s20  }
0xd: {  	s12 =	sshrl.u32 s18, $0x3;
	s26 =	smax.u32 s1, $0x1;
	[dreg:$0x4] =	wrdreg s3  }
0xe: {  	s9 =	sshll.u32 s18, $0x4;
	s19 =	sadd.s32 s7, s12;
	[dreg:$0xb] =	wrdreg s26  }
0xf: {  	s10 =	simm.s32 $0x6;
	s22 =	sadd.s32 s5, s9;
	[dreg:$0x3] =	wrdreg s19  }
0x10: {  	s20 =	simm.s32 $0x1E000;
	s0 =	sadd.s32 $0x55B600, s0;
	[dreg:$0x5] =	wrdreg s22  }
0x11: {  	s1 =	simm.s32 $0x4;
	s12 =	sadd.s32 s21, s2;
	[dreg:$0xa] =	wrdreg s0  }
0x12: {  	s21 =	simm.s32 $0x1E200;
	s23 =	sadd.s32 $0x5000, s12;
	[dreg:$0x6] =	wrdreg s12  }
0x13: {  	s26 =	simm.s32 $0x3;
	s24 =	sadd.s32 $0xA000, s12;
	[dreg:$0x7] =	wrdreg s23  }
0x14: {  	s9 =	simm.s32 $0x7;
	s25 =	sadd.s32 $0xF000, s12;
	[dreg:$0x8] =	wrdreg s24  }
0x15: {  	s22 =	simm.s32 $0x14000;
	s0 =	simm.s32 $0x2;
	[dreg:$0x9] =	wrdreg s25  }
0x16: {  	v0 =	vimm.f32 $0.0e+00;
	s23 =	simm.s32 $0x19000;
	s24 =	simm.s32 $0x9;
	s25 =	simm.s32 $0x1  }
.LBB2_1:
0x17: {  	s3 =	simm.s32 $0x0;
	s11 =	rddreg [dreg:$0x3]  }
0x18: {  	[tilespmem:s20], [sflag:$0x1] =	stream.linear.gather [hbm4b:s11+s3], $0xA0, $0x38;
	[tilespmem:$0x1E400] =	vst v63  }
0x19: {  	s18 =	rddreg [dreg:$0x4]  }
0x1a: {  	[tilespmem:s21], [sflag:$0x1] =	stream.linear.gather [hbm4b:s18+s3], $0xA0, $0x38;
	[tilespmem:$0x1E400] =	vst v63  }
0x1b: {  	s19 =	rddreg [dreg:$0x5]  }
0x1c: {  	[tilespmem:s22], [sflag:$0x3] =	stream.linear.gather [hbm4b:s19+s3], $0x5000, $0x38;
	[tilespmem:$0x1E400] =	vst v63  }
0x1d: {  	s14 =	simm.s32 $0x200;
	s3 =	simm.s32 $0x0  }
.LBB2_2:
0x1e: {  	p0 =	sne.s32 s14, $0x13E00;
	[tilespmem:s3+$0x19070] =	vst v0  }
0x1f: {  	[tilespmem:s3+$0x19000] =	vst v0  }
0x20: {  	[tilespmem:s3+$0x19010] =	vst v0  }
.Ltmp0:
0x21: {  	[tilespmem:s3+$0x19020] =	vst v0;
	(pc) =	sbr.rel @p0 .LBB2_2-.Ltmp0, $4  }
0x22: {  	[tilespmem:s3+$0x19030] =	vst v0  }
0x23: {  	[tilespmem:s3+$0x19040] =	vst v0  }
0x24: {  	[tilespmem:s3+$0x19050] =	vst v0  }
0x25: {  	[tilespmem:s3+$0x19060] =	vst v0;
	s3 =	sshra.s32 s14, $0x2;
	s14 =	sadd.s32 $0x200, s14  }
0x26: {  	[tilespmem:s3+$0x19070] =	vst v0  }
0x27: {  	[tilespmem:s3+$0x19000] =	vst v0  }
0x28: {  	[tilespmem:s3+$0x19010] =	vst v0  }
0x29: {  	[tilespmem:s3+$0x19020] =	vst v0  }
0x2a: {  	[tilespmem:s3+$0x19030] =	vst v0  }
0x2b: {  	[tilespmem:s3+$0x19040] =	vst v0  }
0x2c: {  	[tilespmem:s3+$0x19050] =	vst v0  }
0x2d: {  	[tilespmem:s3+$0x19060] =	vst v0  }
0x2e: {  	[spmem:s12] =	stream.linear.scatter [tilespmem:s23], [sflag:$0x9], $0x5000, $0x38;
	[tilespmem:$0x1E400] =	vst v63  }
0x2f: {  	_ =	swait.ge [sflag:s24], $0x5000  }
0x30: {  	[sflag:s24] =	ssyncset.done $0x0  }
0x31: {  	s15 =	rddreg [dreg:$0x7];
	[sflag:s24] =	ssyncadd.s32 $0xFFFFB000  }
0x32: {  	[spmem:s15] =	stream.linear.scatter [tilespmem:s23], [sflag:$0x9], $0x5000, $0x38;
	[tilespmem:$0x1E400] =	vst v63  }
0x33: {  	_ =	swait.ge [sflag:s24], $0x5000  }
0x34: {  	[sflag:s24] =	ssyncset.done $0x0  }
0x35: {  	s18 =	rddreg [dreg:$0x8];
	[sflag:s24] =	ssyncadd.s32 $0xFFFFB000  }
0x36: {  	[spmem:s18] =	stream.linear.scatter [tilespmem:s23], [sflag:$0x9], $0x5000, $0x38;
	[tilespmem:$0x1E400] =	vst v63  }
0x37: {  	_ =	swait.ge [sflag:s24], $0x5000  }
0x38: {  	[sflag:s24] =	ssyncset.done $0x0  }
0x39: {  	s19 =	rddreg [dreg:$0x9];
	[sflag:s24] =	ssyncadd.s32 $0xFFFFB000  }
0x3a: {  	[spmem:s19] =	stream.linear.scatter [tilespmem:s23], [sflag:$0x9], $0x5000, $0x38;
	[tilespmem:$0x1E400] =	vst v63  }
0x3b: {  	_ =	swait.ge [sflag:s24], $0x5000  }
0x3c: {  	[sflag:s24] =	ssyncset.done $0x0  }
0x3d: {  	[sflag:s24] =	ssyncadd.s32 $0xFFFFB000  }
0x3e: {  	[bflag:$0x0] =	sbarrier.arrive $0xFFFF  }
0x3f: {  	_ =	swait.ge [sflag:s25], $0xA0  }
0x40: {  	[sflag:s25] =	ssyncset.done $0x0  }
0x41: {  	[sflag:s25] =	ssyncadd.s32 $0xFFFFFF60  }
0x42: {  	_ =	swait.ge [sflag:s25], $0xA0  }
0x43: {  	[sflag:s25] =	ssyncset.done $0x0  }
0x44: {  	[sflag:s25] =	ssyncadd.s32 $0xFFFFFF60  }
0x45: {  	_ =	swait.ge [sflag:s26], $0x5000  }
0x46: {  	[sflag:s26] =	ssyncset.done $0x0  }
0x47: {  	s14 =	simm.s32 $0x0;
	s15 =	simm.s32 $0x0;
	[sflag:s26] =	ssyncadd.s32 $0xFFFFB000  }
0x48: {  	[tilespmem:s22], [sflag:$0x5] =	stream.indirect.gather.add.f32 [hbm:s4], $0x80, s20, s28, $0xb8;
	[tilespmem:$0x1E400] =	vst v63  }
.LBB2_4:
0x49: {  	s18 =	smul.u32 $0x140, s15  }
0x4a: {  	p0 =	seq.s32 s15, $0x0  }
0x4b: {  	s3 =	simm.s32 @!p0 $0x8;
	s19 =	sadd.s32 s18, s16  }
0x4c: {  	_ =	swait.ge @!p0 [sflag:s3], $0x5000;
	s11 =	sadd.s32 s6, s19  }
0x4d: {  	[sflag:s3] =	ssyncset.done @!p0 $0x0;
	s12 =	sshrl.u32 s11, $0x3  }
0x4e: {  	[sflag:s3] =	ssyncadd.s32 @!p0 $0xFFFFB000;
	s12 =	sadd.s32 s7, s12  }
0x4f: {  	[tilespmem:s29], [sflag:$0x2] =	stream.linear.gather [hbm4b:s12+s14], $0xA0, $0x38;
	[tilespmem:$0x1E400] =	vst v63  }
0x50: {  	s12 =	sshrl.u32 s19, $0x3  }
0x51: {  	s19 =	sshll.u32 s11, $0x4;
	s3 =	sadd.s32 s8, s12  }
0x52: {  	[tilespmem:s30], [sflag:$0x2] =	stream.linear.gather [hbm4b:s3+s14], $0xA0, $0x38;
	[tilespmem:$0x1E400] =	vst v63  }
0x53: {  	s3 =	sadd.s32 s5, s19  }
0x54: {  	[tilespmem:s23], [sflag:$0x4] =	stream.linear.gather [hbm4b:s3+s14], $0x5000, $0x38;
	[tilespmem:$0x1E400] =	vst v63  }
0x55: {  	_ =	swait.ge [sflag:s31], $0x5000  }
0x56: {  	[sflag:s31] =	ssyncset.done $0x0  }
0x57: {  	s19 =	simm.s32 $0x0;
	[sflag:s31] =	ssyncadd.s32 $0xFFFFB000  }
0x58: {  	v3 =	vld [tilespmem:s19+$0x14000]  }
0x59: {  	v5 =	vld [tilespmem:s19+$0x14010]  }
0x5a: {  	v4 =	vld [tilespmem:s19+$0x14020]  }
0x5b: {  	v2 =	vld [tilespmem:s19+$0x14030]  }
0x5c: {  	v1 =	vld [tilespmem:s19+$0x14040]  }
0x5d: {  	v6 =	vmax.f32 v3, $0.0e+00;
	v3 =	vld [tilespmem:s19+$0x14050]  }
0x5e: {  	s3 =	simm.s32 $0x200;
	[tilespmem:s19+$0x14000] =	vst v6;
	v6 =	vmax.f32 v5, $0.0e+00;
	v5 =	vld [tilespmem:s19+$0x14060]  }
.LBB2_5:
0x5f: {  	s11 =	sshra.s32 s3, $0x2;
	p0 =	sne.s32 s3, $0x13E00;
	[tilespmem:s19+$0x14010] =	vst v6;
	v4 =	vmax.f32 v4, $0.0e+00;
	v6 =	vld [tilespmem:s19+$0x14070]  }
0x60: {  	v7 =	vld [tilespmem:s11+$0x14000];
	[tilespmem:s19+$0x14020] =	vst v4;
	v2 =	vmax.f32 v2, $0.0e+00  }
0x61: {  	v8 =	vld [tilespmem:s11+$0x14010];
	[tilespmem:s19+$0x14030] =	vst v2;
	v1 =	vmax.f32 v1, $0.0e+00  }
.Ltmp1:
0x62: {  	v4 =	vld [tilespmem:s11+$0x14020];
	[tilespmem:s19+$0x14040] =	vst v1;
	v1 =	vmax.f32 v3, $0.0e+00;
	(pc) =	sbr.rel @p0 .LBB2_5-.Ltmp1, $4  }
0x63: {  	v2 =	vld [tilespmem:s11+$0x14030];
	[tilespmem:s19+$0x14050] =	vst v1;
	v3 =	vmax.f32 v5, $0.0e+00  }
0x64: {  	v1 =	vld [tilespmem:s11+$0x14040];
	[tilespmem:s19+$0x14060] =	vst v3;
	v5 =	vmax.f32 v6, $0.0e+00  }
0x65: {  	v6 =	vmax.f32 v7, $0.0e+00;
	v3 =	vld [tilespmem:s11+$0x14050];
	[tilespmem:s19+$0x14070] =	vst v5;
	s19 =	smov.u32 s11  }
0x66: {  	s3 =	sadd.s32 $0x200, s3;
	[tilespmem:s19+$0x14000] =	vst v6;
	v6 =	vmax.f32 v8, $0.0e+00;
	v5 =	vld [tilespmem:s19+$0x14060]  }
0x67: {  	[tilespmem:s19+$0x14010] =	vst v6;
	v4 =	vmax.f32 v4, $0.0e+00;
	v6 =	vld [tilespmem:s19+$0x14070]  }
0x68: {  	[tilespmem:s19+$0x14020] =	vst v4;
	v2 =	vmax.f32 v2, $0.0e+00  }
0x69: {  	[tilespmem:s19+$0x14030] =	vst v2;
	v1 =	vmax.f32 v1, $0.0e+00  }
0x6a: {  	[tilespmem:s19+$0x14040] =	vst v1;
	v1 =	vmax.f32 v3, $0.0e+00  }
0x6b: {  	[tilespmem:s19+$0x14050] =	vst v1;
	v1 =	vmax.f32 v5, $0.0e+00  }
0x6c: {  	[tilespmem:s19+$0x14060] =	vst v1;
	v1 =	vmax.f32 v6, $0.0e+00  }
0x6d: {  	[tilespmem:s19+$0x14070] =	vst v1  }
0x6e: {  	[spmem:s2] =	stream.indirect.scatter.add.f32 [tilespmem:s22], [sflag:$0x7], $0x80, s21, s28, $0xb8;
	[tilespmem:$0x1E400] =	vst v63  }
0x6f: {  	_ =	swait.ge [sflag:s0], $0xA0  }
0x70: {  	[sflag:s0] =	ssyncset.done $0x0  }
0x71: {  	[sflag:s0] =	ssyncadd.s32 $0xFFFFFF60  }
0x72: {  	_ =	swait.ge [sflag:s0], $0xA0  }
0x73: {  	[sflag:s0] =	ssyncset.done $0x0  }
0x74: {  	[sflag:s0] =	ssyncadd.s32 $0xFFFFFF60  }
0x75: {  	_ =	swait.ge [sflag:s1], $0x5000  }
0x76: {  	[sflag:s1] =	ssyncset.done $0x0  }
0x77: {  	s3 =	sadd.s32 s18, s17;
	[sflag:s1] =	ssyncadd.s32 $0xFFFFB000  }
0x78: {  	[tilespmem:s23], [sflag:$0x6] =	stream.indirect.gather.add.f32 [hbm:s4], $0x80, s29, s28, $0xb8;
	[tilespmem:$0x1E400] =	vst v63  }
0x79: {  	s11 =	sadd.s32 s6, s3;
	_ =	swait.ge [sflag:s9], $0x5000  }
0x7a: {  	s18 =	simm.s32 $0x0;
	s12 =	sshrl.u32 s11, $0x3;
	[sflag:s9] =	ssyncset.done $0x0  }
0x7b: {  	s3 =	sshrl.u32 s3, $0x3;
	s12 =	sadd.s32 s7, s12;
	[sflag:s9] =	ssyncadd.s32 $0xFFFFB000  }
0x7c: {  	[tilespmem:s20], [sflag:$0x1] =	stream.linear.gather [hbm4b:s12+s18], $0xA0, $0x38;
	[tilespmem:$0x1E400] =	vst v63  }
0x7d: {  	s3 =	sadd.s32 s8, s3;
	s19 =	sshll.u32 s11, $0x4  }
0x7e: {  	[tilespmem:s21], [sflag:$0x1] =	stream.linear.gather [hbm4b:s3+s18], $0xA0, $0x38;
	[tilespmem:$0x1E400] =	vst v63  }
0x7f: {  	s3 =	sadd.s32 s5, s19  }
0x80: {  	[tilespmem:s22], [sflag:$0x3] =	stream.linear.gather [hbm4b:s3+s18], $0x5000, $0x38;
	[tilespmem:$0x1E400] =	vst v63  }
0x81: {  	_ =	swait.ge [sflag:s10], $0x5000  }
0x82: {  	[sflag:s10] =	ssyncset.done $0x0  }
0x83: {  	s18 =	simm.s32 $0x0;
	[sflag:s10] =	ssyncadd.s32 $0xFFFFB000  }
0x84: {  	v3 =	vld [tilespmem:s18+$0x19000]  }
0x85: {  	v5 =	vld [tilespmem:s18+$0x19010]  }
0x86: {  	v4 =	vld [tilespmem:s18+$0x19020]  }
0x87: {  	v2 =	vld [tilespmem:s18+$0x19030]  }
0x88: {  	v1 =	vld [tilespmem:s18+$0x19040]  }
0x89: {  	v6 =	vmax.f32 v3, $0.0e+00;
	v3 =	vld [tilespmem:s18+$0x19050]  }
0x8a: {  	s3 =	simm.s32 $0x200;
	[tilespmem:s18+$0x19000] =	vst v6;
	v6 =	vmax.f32 v5, $0.0e+00;
	v5 =	vld [tilespmem:s18+$0x19060]  }
.LBB2_7:
0x8b: {  	s11 =	sshra.s32 s3, $0x2;
	p0 =	sne.s32 s3, $0x13E00;
	[tilespmem:s18+$0x19010] =	vst v6;
	v4 =	vmax.f32 v4, $0.0e+00;
	v6 =	vld [tilespmem:s18+$0x19070]  }
0x8c: {  	v7 =	vld [tilespmem:s11+$0x19000];
	[tilespmem:s18+$0x19020] =	vst v4;
	v2 =	vmax.f32 v2, $0.0e+00  }
0x8d: {  	v8 =	vld [tilespmem:s11+$0x19010];
	[tilespmem:s18+$0x19030] =	vst v2;
	v1 =	vmax.f32 v1, $0.0e+00  }
.Ltmp2:
0x8e: {  	v4 =	vld [tilespmem:s11+$0x19020];
	[tilespmem:s18+$0x19040] =	vst v1;
	v1 =	vmax.f32 v3, $0.0e+00;
	(pc) =	sbr.rel @p0 .LBB2_7-.Ltmp2, $4  }
0x8f: {  	v2 =	vld [tilespmem:s11+$0x19030];
	[tilespmem:s18+$0x19050] =	vst v1;
	v3 =	vmax.f32 v5, $0.0e+00  }
0x90: {  	v1 =	vld [tilespmem:s11+$0x19040];
	[tilespmem:s18+$0x19060] =	vst v3;
	v5 =	vmax.f32 v6, $0.0e+00  }
0x91: {  	v6 =	vmax.f32 v7, $0.0e+00;
	v3 =	vld [tilespmem:s11+$0x19050];
	[tilespmem:s18+$0x19070] =	vst v5;
	s18 =	smov.u32 s11  }
0x92: {  	s3 =	sadd.s32 $0x200, s3;
	[tilespmem:s18+$0x19000] =	vst v6;
	v6 =	vmax.f32 v8, $0.0e+00;
	v5 =	vld [tilespmem:s18+$0x19060]  }
0x93: {  	[tilespmem:s18+$0x19010] =	vst v6;
	v4 =	vmax.f32 v4, $0.0e+00;
	v63 =	vld [tilespmem:s18+$0x19070]  }
0x94: {  	[tilespmem:s18+$0x19020] =	vst v4;
	v2 =	vmax.f32 v2, $0.0e+00  }
0x95: {  	[tilespmem:s18+$0x19030] =	vst v2;
	v1 =	vmax.f32 v1, $0.0e+00  }
0x96: {  	[tilespmem:s18+$0x19040] =	vst v1;
	v1 =	vmax.f32 v3, $0.0e+00  }
0x97: {  	[tilespmem:s18+$0x19050] =	vst v1;
	v1 =	vmax.f32 v5, $0.0e+00  }
0x98: {  	[tilespmem:s18+$0x19060] =	vst v1;
	v1 =	vmax.f32 v63, $0.0e+00  }
0x99: {  	[tilespmem:s18+$0x19070] =	vst v1  }
0x9a: {  	[spmem:s2] =	stream.indirect.scatter.add.f32 [tilespmem:s23], [sflag:$0x8], $0x80, s30, s28, $0xb8;
	[tilespmem:$0x1E400] =	vst v63  }
0x9b: {  	_ =	swait.ge [sflag:s25], $0xA0  }
0x9c: {  	[sflag:s25] =	ssyncset.done $0x0  }
0x9d: {  	[sflag:s25] =	ssyncadd.s32 $0xFFFFFF60  }
0x9e: {  	s15 =	sadd.s32 $0x1, s15;
	_ =	swait.ge [sflag:s25], $0xA0  }
0x9f: {  	p0 =	sne.s32 s15, $0x3E;
	[sflag:s25] =	ssyncset.done $0x0  }
.Ltmp3:
0xa0: {  	[sflag:s25] =	ssyncadd.s32 $0xFFFFFF60;
	(pc) =	sbr.rel @p0 .LBB2_4-.Ltmp3, $4  }
0xa1: {  	_ =	swait.ge [sflag:s26], $0x5000  }
0xa2: {  	[sflag:s26] =	ssyncset.done $0x0  }
0xa3: {  	[sflag:s26] =	ssyncadd.s32 $0xFFFFB000  }
0xa4: {  	[tilespmem:s22], [sflag:$0x5] =	stream.indirect.gather.add.f32 [hbm:s4], $0x80, s20, s28, $0xb8;
	[tilespmem:$0x1E400] =	vst v63  }
0xa5: {  	_ =	swait.ge [sflag:s31], $0x5000  }
0xa6: {  	[sflag:s31] =	ssyncset.done $0x0  }
0xa7: {  	s14 =	simm.s32 $0x0;
	[sflag:s31] =	ssyncadd.s32 $0xFFFFB000  }
0xa8: {  	v3 =	vld [tilespmem:s14+$0x14000]  }
0xa9: {  	v5 =	vld [tilespmem:s14+$0x14010]  }
0xaa: {  	v4 =	vld [tilespmem:s14+$0x14020]  }
0xab: {  	v2 =	vld [tilespmem:s14+$0x14030]  }
0xac: {  	v1 =	vld [tilespmem:s14+$0x14040]  }
0xad: {  	v6 =	vmax.f32 v3, $0.0e+00;
	v3 =	vld [tilespmem:s14+$0x14050]  }
0xae: {  	s3 =	simm.s32 $0x200;
	[tilespmem:s14+$0x14000] =	vst v6;
	v6 =	vmax.f32 v5, $0.0e+00;
	v5 =	vld [tilespmem:s14+$0x14060]  }
.LBB2_10:
0xaf: {  	s11 =	sshra.s32 s3, $0x2;
	p0 =	sne.s32 s3, $0x13E00;
	[tilespmem:s14+$0x14010] =	vst v6;
	v4 =	vmax.f32 v4, $0.0e+00;
	v6 =	vld [tilespmem:s14+$0x14070]  }
0xb0: {  	v7 =	vld [tilespmem:s11+$0x14000];
	[tilespmem:s14+$0x14020] =	vst v4;
	v2 =	vmax.f32 v2, $0.0e+00  }
0xb1: {  	v8 =	vld [tilespmem:s11+$0x14010];
	[tilespmem:s14+$0x14030] =	vst v2;
	v1 =	vmax.f32 v1, $0.0e+00  }
.Ltmp4:
0xb2: {  	v4 =	vld [tilespmem:s11+$0x14020];
	[tilespmem:s14+$0x14040] =	vst v1;
	v1 =	vmax.f32 v3, $0.0e+00;
	(pc) =	sbr.rel @p0 .LBB2_10-.Ltmp4, $4  }
0xb3: {  	v2 =	vld [tilespmem:s11+$0x14030];
	[tilespmem:s14+$0x14050] =	vst v1;
	v3 =	vmax.f32 v5, $0.0e+00  }
0xb4: {  	v1 =	vld [tilespmem:s11+$0x14040];
	[tilespmem:s14+$0x14060] =	vst v3;
	v5 =	vmax.f32 v6, $0.0e+00  }
0xb5: {  	v6 =	vmax.f32 v7, $0.0e+00;
	v3 =	vld [tilespmem:s11+$0x14050];
	[tilespmem:s14+$0x14070] =	vst v5;
	s14 =	smov.u32 s11  }
0xb6: {  	s3 =	sadd.s32 $0x200, s3;
	[tilespmem:s14+$0x14000] =	vst v6;
	v6 =	vmax.f32 v8, $0.0e+00;
	v5 =	vld [tilespmem:s14+$0x14060]  }
0xb7: {  	[tilespmem:s14+$0x14010] =	vst v6;
	v4 =	vmax.f32 v4, $0.0e+00;
	v63 =	vld [tilespmem:s14+$0x14070]  }
0xb8: {  	[tilespmem:s14+$0x14020] =	vst v4;
	v2 =	vmax.f32 v2, $0.0e+00  }
0xb9: {  	[tilespmem:s14+$0x14030] =	vst v2;
	v1 =	vmax.f32 v1, $0.0e+00  }
0xba: {  	[tilespmem:s14+$0x14040] =	vst v1;
	v1 =	vmax.f32 v3, $0.0e+00  }
0xbb: {  	[tilespmem:s14+$0x14050] =	vst v1;
	v1 =	vmax.f32 v5, $0.0e+00  }
0xbc: {  	[tilespmem:s14+$0x14060] =	vst v1;
	v1 =	vmax.f32 v63, $0.0e+00  }
0xbd: {  	[tilespmem:s14+$0x14070] =	vst v1  }
0xbe: {  	[spmem:s2] =	stream.indirect.scatter.add.f32 [tilespmem:s22], [sflag:$0x7], $0x80, s21, s28, $0xb8;
	[tilespmem:$0x1E400] =	vst v63  }
0xbf: {  	_ =	swait.ge [sflag:s9], $0x5000  }
0xc0: {  	[sflag:s9] =	ssyncset.done $0x0  }
0xc1: {  	s3 =	simm.s32 $0x8;
	[sflag:s9] =	ssyncadd.s32 $0xFFFFB000  }
0xc2: {  	_ =	swait.ge [sflag:s3], $0x5000  }
0xc3: {  	[sflag:s3] =	ssyncset.done $0x0  }
0xc4: {  	[sflag:s3] =	ssyncadd.s32 $0xFFFFB000  }
0xc5: {  	s15 =	stileid.u32;
	[bflag:$0x0] =	sbarrier.arrive $0xFFFF  }
0xc6: {  	s3 =	sshll.u32 s15, $0x6;
	s12 =	rddreg [dreg:$0x6]  }
0xc7: {  	s3 =	sor.u32 $0x1C09, s3;
	s18 =	rddreg [dreg:$0xa];
	s11 =	sshrl.u32 s12, $0x3  }
0xc8: {  	[hbm:s18], [sflag:s3] =	dma.local [spmem:s11], $0x2800  }
0xc9: {  	_ =	swait.ge [sflag:s24], $0x2800  }
0xca: {  	s13 =	sadd.s32 $0x1, s13;
	s19 =	rddreg [dreg:$0xb]  }
0xcb: {  	p0 =	sne.s32 s13, s19  }
.Ltmp5:
0xcc: {  	_ = 	snop;
	(pc) =	sbr.rel @p0 .LBB2_1-.Ltmp5, $3  }
0xcd: {  	_ =	sdelay $0x1  }
0xce: {  	[sflag:s24] =	ssyncset.done $0x0  }
0xcf: {  	[sflag:s24] =	ssyncadd.s32 $0xFFFFD800  }
0xd0: {  	_ =	sfence.sel $0x180000  }
0xd1: {  	[bflag:$0x0] =	sbarrier.arrive $0xFFFF  }
0xd2: {  	_ =	strace $0x9000004D  }
0xd3: {  	s0 =	stileid.u32;
	[bflag:$0x2] =	sbarrier.arrive $0xFFFF  }
0xd4: {  	p0 =	sne.s32 s0, $0x0;
	s0 =	rddreg [dreg:$0x2]  }
0xd5: {  	s0 =	sadd.s32 @!p0 $0x100000, s0  }
0xd6: {  	[sflag:s0] =	ssyncadd.tile.s32 @!p0 $0x1;
	_ =	shalt  }
.Lfunc_end2:
_tile_overlayer_lowered:
.L_overlay_start_2:
0xd7: {  	(tag) =	ssettag $0x2  }
0xd8: {  	s0 =	rddreg [dreg:$0x0];
	s2 =	stileid.u32  }
0xd9: {  	s1 =	rddreg [dreg:$0x1];
	p0 =	sne.s32 s2, $0x0  }
0xda: {  	s3 =	rddreg [dreg:$0x2];
	[bflag:$0x3] =	sbarrier.arrive $0xFFFF;
	s2 =	simm.s32 @!p0 $0x1C09  }
0xdb: {  	[timem:s3], [sflag:s2] =	dma.local @!p0 [hbm:s0], s1  }
0xdc: {  	s0 =	simm.s32 @!p0 $0x9  }
0xdd: {  	_ =	swait.ge @!p0 [sflag:s0], s1  }
0xde: {  	s1 =	ssub.s32 @!p0 $0x0, s1;
	[sflag:s0] =	ssyncset.done @!p0 $0x0  }
0xdf: {  	[sflag:s0] =	ssyncadd.s32 @!p0 s1  }
0xe0: {  	[bflag:$0x3] =	sbarrier.arrive $0xFFFF  }
0xe1: {  	_ =	shalt  }

// kernel: kernel.29.cloned.1.call-start
scs
__scs_entry_jumppad:
0x0: {  	(pc) =	sbr.rel $0x88, $3  }
0x1: {  	(tag) =	ssettag $0x0;
	lr =	simm.s32 $0x1  }
0x2: {  	[smem:$0x3F83] =	sst lr;
	_ =	strace $0xD0000000  }
0x3: {  	_ = 	snop  }
0x4: {  	_ = 	snop  }
0x5: {  	_ = 	snop  }
0x6: {  	_ = 	snop  }
0x7: {  	_ = 	snop  }
__scs_overlays_trampoline_lowered:
0x8: {  	[smem:$0x3F92] =	sst s0  }
0x9: {  	[smem:$0x3F93] =	sst s1  }
0xa: {  	[smem:$0x3F94] =	sst s2  }
0xb: {  	[smem:$0x3F95] =	sst s3  }
0xc: {  	[smem:$0x3F96] =	sst s4  }
0xd: {  	[smem:$0x3F97] =	sst s5  }
0xe: {  	[smem:$0x3F98] =	sst s6  }
0xf: {  	[smem:$0x3F99] =	sst s7  }
0x10: {  	[smem:$0x3F9A] =	sst s8  }
0x11: {  	[smem:$0x3F9B] =	sst s9;
	s0 =	simm.s32 @!p0 $0x0  }
0x12: {  	s1 =	sld [smem:$0x3F81];
	s0 =	simm.s32 @p0 $0x1  }
0x13: {  	[smem:$0x3F9C] =	sst s0;
	s0 =	simm.s32 @!p1 $0x0  }
0x14: {  	s2 =	sld [smem:$0x3F80];
	s0 =	simm.s32 @p1 $0x1  }
0x15: {  	[smem:$0x3F9D] =	sst s0;
	s0 =	simm.s32 @!p2 $0x0  }
0x16: {  	s3 =	sld [smem:$0x3FDB];
	s0 =	simm.s32 @p2 $0x1  }
0x17: {  	s4 =	simm.s32 $0x1BF5;
	[smem:$0x3F9F] =	sst s0  }
0x18: {  	s0 =	sld [smem:$0x3F82];
	_ =	swait.ge [sflag:s4], $0x0  }
0x19: {  	s7 =	sld [smem:$0x3F83]  }
0x1a: {  	s8 =	sadd.s32 $0xFFFFE003, lr  }
0x1b: {  	s9 =	sadd.s32 $0xFFFFFEF7, lr;
	s5 =	simm.s32 $0xFFFFFFFF;
	p2 =	slt.u32 s8, $0xFFFFF086  }
0x1c: {  	p1 =	slt.u32 s9, $0xF7A;
	s5 =	simm.s32 @!p2 $0x0  }
0x1d: {  	s5 =	simm.s32 @p1 $0x1;
	p0 =	seq.s32 s7, s2  }
0x1e: {  	s7 =	smul.u32 @!p0 $0xF7A, s2;
	p2 =	seq.s32 @!p0 s5, $0x0  }
0x1f: {  	s9 =	smul.u32 $0xF7A, s1;
	s8 =	simm.s32 @!p0 $0x1BF5;
	p2 =	por !p2, p0  }
0x20: {  	[sflag:s8] =	ssyncset.s32 @!p0 $0xFFFFF086;
	s6 =	sadd.s32 @!p0 s3, s7;
	s7 =	simm.s32 @!p0 $0x108  }
0x21: {  	s3 =	sadd.s32 s3, s9;
	s6 =	sadd.s32 @!p0 $0x88, s6;
	s7 =	simm.s32 @p2 $0x1082  }
0x22: {  	[simem:s7], [sflag:s8] =	dma.local @!p0 [hbm:s6], $0xF7A  }
0x23: {  	s9 =	sor.u32 $0xD0000000, s2;
	s6 =	simm.s32 $0x108;
	_ =	swait.ge @!p0 [sflag:s8], $0x0  }
0x24: {  	s3 =	sadd.s32 $0x88, s3;
	s6 =	simm.s32 @!p1 $0x1082;
	[sflag:s4] =	ssyncset.s32 $0xFFFFF086  }
0x25: {  	[simem:s6], [sflag:s4] =	dma.local [hbm:s3], $0xF7A  }
0x26: {  	[smem:$0x3F83] =	sst s1;
	(tag) =	ssettag s2;
	_ =	strace s9  }
0x27: {  	s1 =	sld [smem:$0x3F93]  }
0x28: {  	s2 =	sld [smem:$0x3F94]  }
0x29: {  	s4 =	sld [smem:$0x3F96]  }
0x2a: {  	p0 =	seq.s32 s5, $0x0;
	s5 =	sld [smem:$0x3F97]  }
0x2b: {  	s6 =	sld [smem:$0x3F98]  }
0x2c: {  	s7 =	sld [smem:$0x3F99]  }
0x2d: {  	s3 =	simm.s32 $0x108;
	s8 =	sld [smem:$0x3F9A]  }
0x2e: {  	s3 =	simm.s32 @!p0 $0x1082;
	s9 =	sld [smem:$0x3F9B]  }
0x2f: {  	lr =	sadd.s32 s0, s3;
	s0 =	sld [smem:$0x3F92]  }
0x30: {  	s3 =	sld [smem:$0x3F95]  }
0x31: {  	[smem:$0x3F9E] =	sst s10  }
0x32: {  	s10 =	sld [smem:$0x3F9C];
	_ =	sdelay $0x3  }
0x33: {  	p0 =	seq.s32 s10, $0x1;
	s10 =	sld [smem:$0x3F9E];
	_ =	sdelay $0x3  }
0x34: {  	[smem:$0x3F9E] =	sst s10  }
0x35: {  	s10 =	sld [smem:$0x3F9D];
	_ =	sdelay $0x3  }
0x36: {  	p1 =	seq.s32 s10, $0x1;
	s10 =	sld [smem:$0x3F9E];
	_ =	sdelay $0x3  }
0x37: {  	[smem:$0x3F9E] =	sst s10  }
0x38: {  	s10 =	sld [smem:$0x3F9F]  }
0x39: {  	_ = 	snop;
	(pc) =	sbr.ind lr, $3  }
0x3a: {  	_ = 	snop  }
0x3b: {  	_ = 	snop  }
0x3c: {  	p2 =	seq.s32 s10, $0x1;
	s10 =	sld [smem:$0x3F9E]  }
0x3d: {  	_ =	shalt  }
0x3e: {  	_ =	shalt  }
0x3f: {  	_ =	shalt  }
0x40: {  	_ =	shalt  }
0x41: {  	_ =	shalt  }
0x42: {  	_ =	shalt  }
0x43: {  	_ =	shalt  }
0x44: {  	_ =	shalt  }
0x45: {  	_ =	shalt  }
0x46: {  	_ =	shalt  }
0x47: {  	_ =	shalt  }
0x48: {  	_ =	shalt  }
0x49: {  	_ =	shalt  }
0x4a: {  	_ =	shalt  }
0x4b: {  	_ =	shalt  }
0x4c: {  	_ =	shalt  }
0x4d: {  	_ =	shalt  }
0x4e: {  	_ =	shalt  }
0x4f: {  	_ =	shalt  }
0x50: {  	_ =	shalt  }
0x51: {  	_ =	shalt  }
0x52: {  	_ =	shalt  }
0x53: {  	_ =	shalt  }
0x54: {  	_ =	shalt  }
0x55: {  	_ =	shalt  }
0x56: {  	_ =	shalt  }
0x57: {  	_ =	shalt  }
0x58: {  	_ =	shalt  }
0x59: {  	_ =	shalt  }
0x5a: {  	_ =	shalt  }
0x5b: {  	_ =	shalt  }
0x5c: {  	_ =	shalt  }
0x5d: {  	_ =	shalt  }
0x5e: {  	_ =	shalt  }
0x5f: {  	_ =	shalt  }
0x60: {  	_ =	shalt  }
0x61: {  	_ =	shalt  }
0x62: {  	_ =	shalt  }
0x63: {  	_ =	shalt  }
0x64: {  	_ =	shalt  }
0x65: {  	_ =	shalt  }
0x66: {  	_ =	shalt  }
0x67: {  	_ =	shalt  }
0x68: {  	_ =	shalt  }
0x69: {  	_ =	shalt  }
0x6a: {  	_ =	shalt  }
0x6b: {  	_ =	shalt  }
0x6c: {  	_ =	shalt  }
0x6d: {  	_ =	shalt  }
0x6e: {  	_ =	shalt  }
0x6f: {  	_ =	shalt  }
0x70: {  	_ =	shalt  }
0x71: {  	_ =	shalt  }
0x72: {  	_ =	shalt  }
0x73: {  	_ =	shalt  }
0x74: {  	_ =	shalt  }
0x75: {  	_ =	shalt  }
0x76: {  	_ =	shalt  }
0x77: {  	_ =	shalt  }
0x78: {  	_ =	shalt  }
0x79: {  	_ =	shalt  }
0x7a: {  	_ =	shalt  }
0x7b: {  	_ =	shalt  }
0x7c: {  	_ =	shalt  }
0x7d: {  	_ =	shalt  }
0x7e: {  	_ =	shalt  }
0x7f: {  	_ =	shalt  }
0x80: {  	_ =	shalt  }
0x81: {  	_ =	shalt  }
0x82: {  	_ =	shalt  }
0x83: {  	_ =	shalt  }
0x84: {  	_ =	shalt  }
0x85: {  	_ =	shalt  }
0x86: {  	_ =	shalt  }
0x87: {  	_ =	shalt  }
.Lfunc_end0:
.L_simem_size_0:
called_computation.3_lowered:
.L_overlay_start_0:
0x88: {  	s2 =	sld [smem:$0x3FD9]  }
0x89: {  	s3 =	sld [smem:$0x3FFE];
	_ =	sdelay $0x1  }
0x8a: {  	s1 =	srdreg.scid  }
0x8b: {  	s0 =	sand.u32 $0x1, s1  }
0x8c: {  	s16 =	sshll.u32 s0, $0xA;
	s2 =	sadd.s32 s3, s2  }
0x8d: {  	s2 =	sadd.s32 s2, s16  }
0x8e: {  	[smem:$0x3FAA] =	sst s2  }
0x8f: {  	_ = 	snop  }
0x90: {  	(tm) =	ssettm $0x1  }
0x91: {  	s17 =	sld [smem:$0x3FFB];
	_ =	sdelay $0x3  }
0x92: {  	_ =	strace s17  }
0x93: {  	s2 =	sld [smem:$0x3FFC];
	_ =	sdelay $0x3  }
0x94: {  	_ =	strace s2  }
0x95: {  	s2 =	sld [smem:$0x3FFD];
	_ =	sdelay $0x3  }
0x96: {  	_ =	strace s2  }
0x97: {  	_ =	strace $0x8FFFFFFF  }
0x98: {  	s18 =	sld [smem:$0x3FDB];
	_ =	sdelay $0x1  }
0x99: {  	s19 =	simm.s32 $_scs_section_size  }
0x9a: {  	s4 =	simm.s32 $_size__tile_overlayer_lowered;
	s5 =	simm.s32 $_tile_overlayer_lowered  }
0x9b: {  	s22 =	simm.s32 $0x1BFF;
	s21 =	sshll.u32 s5, $0x1;
	s2 =	sadd.s32 s19, s18  }
0x9c: {  	s6 =	simm.s32 $0x0;
	s20 =	sshll.u32 s4, $0x1;
	s4 =	sadd.s32 s21, s2  }
0x9d: {  	[timem:s6], [sflag:s22] =	dma.local [hbm:s4], s20  }
0x9e: {  	_ =	swait.ge [sflag:s22], s20  }
0x9f: {  	s3 =	ssub.s32 $0x0, s20;
	[sflag:s22] =	ssyncset.done $0x0  }
0xa0: {  	[sflag:s22] =	ssyncadd.s32 s3;
	_ =	sdelay $0x1  }
0xa1: {  	s23 =	simm.s32 $0x1B8B  }
0xa2: {  	_ =	swait.ge [sflag:s23], $0x1  }
0xa3: {  	[sflag:s23] =	ssyncset.done $0x0  }
0xa4: {  	s25 =	simm.s32 $0x1B8E;
	s24 =	sld [smem:$0x3FFE];
	[sflag:s23] =	ssyncadd.s32 $0xFFFFFFFF  }
0xa5: {  	s26 =	simm.s32 $execute0_lowered;
	[smem:$0x3FD2] =	sst s25  }
0xa6: {  	s4 =	sshll.u32 s26, $0x1;
	_ =	strace $0x8000004F;
	[dreg:$0x1] =	wrdreg $0xFFFFFFFF  }
0xa7: {  	s28 =	simm.s32 $_size_execute0_lowered;
	s2 =	sadd.s32 s2, s4;
	[dreg:$0x0] =	wrdreg $0x0  }
0xa8: {  	s4 =	sshll.u32 s28, $0x1;
	[dreg:$0x2] =	wrdreg s2  }
0xa9: {  	[dreg:$0x3] =	wrdreg s4  }
0xaa: {  	[dreg:$0x4] =	wrdreg $0xC0  }
0xab: {  	_ =	task [dreg:s6], $0x5FFFF  }
0xac: {  	[dreg:$0x1] =	wrdreg $0xFFFFFFFF  }
0xad: {  	[dreg:$0x0] =	wrdreg $0x60  }
0xae: {  	[dreg:$0x2] =	wrdreg s24  }
0xaf: {  	[dreg:$0x3] =	wrdreg $0x0  }
0xb0: {  	[dreg:$0x4] =	wrdreg $0x9  }
0xb1: {  	_ =	task.clear_ibuf [dreg:s6], $0x5FFFF;
	_ =	strace $0x9000004F  }
0xb2: {  	s29 =	simm.s32 $0x9;
	_ =	strace $0x80000051  }
0xb3: {  	_ =	swait.ge [sflag:s29], $0x1  }
0xb4: {  	[sflag:s29] =	ssyncadd.s32 $0xFFFFFFFF  }
0xb5: {  	_ =	strace $0x90000051  }
0xb6: {  	_ =	sfence  }
0xb7: {  	s30 =	sld [smem:$0x0];
	_ =	sdelay $0x2  }
0xb8: {  	s31 =	sshll.u32 s1, $0xD;
	s1 =	sshrl.u32 s1, $0x2  }
0xb9: {  	s3 =	sand.u32 $0x4000, s31;
	s1 =	sadd.s32 s1, s30  }
0xba: {  	s0 =	sor.u32 s3, s0;
	s1 =	sshll.u32 s1, $0x11  }
0xbb: {  	s0 =	sor.u32 s1, s0  }
0xbc: {  	s0 =	sadd.s32 $0x8F2B, s0  }
0xbd: {  	[sflag:s0] =	ssyncadd.remote.s32 $0x1  }
0xbe: {  	_ =	sfence.sel $0xFFFF  }
0xbf: {  	[dreg:$0x0] =	wrdreg $0xFFFFFFFF;
	(pc) =	sbr.abs _section_cstart, $3  }
0xc0: {  	[dreg:$0x1] =	wrdreg $0xFFFFFFFF  }
0xc1: {  	_ =	task.clear_ibuf [dreg:s6], $0x2FFFF;
	_ =	strace $0x9FFFFFFF  }
0xc2: {  	(tm) =	ssettm $0x7FFFFFFF  }
0xc3: {  	_ =	shalt  }
tec
execute0_lowered:
.L_overlay_start_1:
0x0: {  	(tag) =	ssettag $0x1  }
0x1: {  	s0 =	rddreg [dreg:$0x0]  }
0x2: {  	s2 =	rddreg [dreg:$0x1];
	s1 =	srdreg.scid  }
0x3: {  	s13 =	stileid.u32;
	s4 =	simm.s32 $0x0;
	s28 =	simm.s32 $0xA0  }
0x4: {  	s29 =	simm.s32 $0x1E100;
	s30 =	simm.s32 $0x1E300;
	s3 =	smul.u32 $0x2800, s13  }
0x5: {  	s31 =	simm.s32 $0x5;
	s1 =	sand.u32 $0x1, s1;
	s10 =	smul.u32 $0x4E20, s13  }
0x6: {  	[smem:$0x7FF] =	sst s4;
	s5 =	sadd.s32 $0xF6F600, s0;
	s13 =	smul.u32 $0x50000, s13  }
0x7: {  	s4 =	sadd.s32 $0xA800, s0;
	s7 =	sadd.s32 $0x4F9A00, s0;
	s9 =	smul.u32 $0x28000, s1  }
0x8: {  	s8 =	sadd.s32 $0x4EFC00, s0;
	s6 =	smul.u32 $0x4E200, s1;
	s1 =	ssub.s32 $0x2, s1  }
0x9: {  	_ =	strace $0x80000050;
	s11 =	sshrl.u32 s1, $0x1;
	s20 =	sshrl.u32 s10, $0x3  }
0xa: {  	s21 =	sshrl.u32 s13, $0x2;
	s16 =	sadd.s32 $0xA0, s10;
	s17 =	sadd.s32 $0x140, s10  }
0xb: {  	s13 =	simm.s32 $0x0;
	s3 =	sadd.s32 s3, s9;
	s18 =	sadd.s32 s10, s6  }
0xc: {  	s1 =	ssub.s32 s1, s11;
	s0 =	sadd.s32 s3, s0;
	s3 =	sadd.s32 s8, s20  }
0xd: {  	s12 =	sshrl.u32 s18, $0x3;
	s26 =	smax.u32 s1, $0x1;
	[dreg:$0x4] =	wrdreg s3  }
0xe: {  	s9 =	sshll.u32 s18, $0x4;
	s19 =	sadd.s32 s7, s12;
	[dreg:$0xb] =	wrdreg s26  }
0xf: {  	s10 =	simm.s32 $0x6;
	s22 =	sadd.s32 s5, s9;
	[dreg:$0x3] =	wrdreg s19  }
0x10: {  	s20 =	simm.s32 $0x1E000;
	s0 =	sadd.s32 $0x58A00, s0;
	[dreg:$0x5] =	wrdreg s22  }
0x11: {  	s1 =	simm.s32 $0x4;
	s12 =	sadd.s32 s21, s2;
	[dreg:$0xa] =	wrdreg s0  }
0x12: {  	s21 =	simm.s32 $0x1E200;
	s23 =	sadd.s32 $0x5000, s12;
	[dreg:$0x6] =	wrdreg s12  }
0x13: {  	s26 =	simm.s32 $0x3;
	s24 =	sadd.s32 $0xA000, s12;
	[dreg:$0x7] =	wrdreg s23  }
0x14: {  	s9 =	simm.s32 $0x7;
	s25 =	sadd.s32 $0xF000, s12;
	[dreg:$0x8] =	wrdreg s24  }
0x15: {  	s22 =	simm.s32 $0x14000;
	s0 =	simm.s32 $0x2;
	[dreg:$0x9] =	wrdreg s25  }
0x16: {  	v0 =	vimm.f32 $0.0e+00;
	s23 =	simm.s32 $0x19000;
	s24 =	simm.s32 $0x9;
	s25 =	simm.s32 $0x1  }
.LBB2_1:
0x17: {  	s3 =	simm.s32 $0x0;
	s11 =	rddreg [dreg:$0x3]  }
0x18: {  	[tilespmem:s20], [sflag:$0x1] =	stream.linear.gather [hbm4b:s11+s3], $0xA0, $0x38;
	[tilespmem:$0x1E400] =	vst v63  }
0x19: {  	s18 =	rddreg [dreg:$0x4]  }
0x1a: {  	[tilespmem:s21], [sflag:$0x1] =	stream.linear.gather [hbm4b:s18+s3], $0xA0, $0x38;
	[tilespmem:$0x1E400] =	vst v63  }
0x1b: {  	s19 =	rddreg [dreg:$0x5]  }
0x1c: {  	[tilespmem:s22], [sflag:$0x3] =	stream.linear.gather [hbm4b:s19+s3], $0x5000, $0x38;
	[tilespmem:$0x1E400] =	vst v63  }
0x1d: {  	s14 =	simm.s32 $0x200;
	s3 =	simm.s32 $0x0  }
.LBB2_2:
0x1e: {  	p0 =	sne.s32 s14, $0x13E00;
	[tilespmem:s3+$0x19070] =	vst v0  }
0x1f: {  	[tilespmem:s3+$0x19000] =	vst v0  }
0x20: {  	[tilespmem:s3+$0x19010] =	vst v0  }
.Ltmp0:
0x21: {  	[tilespmem:s3+$0x19020] =	vst v0;
	(pc) =	sbr.rel @p0 .LBB2_2-.Ltmp0, $4  }
0x22: {  	[tilespmem:s3+$0x19030] =	vst v0  }
0x23: {  	[tilespmem:s3+$0x19040] =	vst v0  }
0x24: {  	[tilespmem:s3+$0x19050] =	vst v0  }
0x25: {  	[tilespmem:s3+$0x19060] =	vst v0;
	s3 =	sshra.s32 s14, $0x2;
	s14 =	sadd.s32 $0x200, s14  }
0x26: {  	[tilespmem:s3+$0x19070] =	vst v0  }
0x27: {  	[tilespmem:s3+$0x19000] =	vst v0  }
0x28: {  	[tilespmem:s3+$0x19010] =	vst v0  }
0x29: {  	[tilespmem:s3+$0x19020] =	vst v0  }
0x2a: {  	[tilespmem:s3+$0x19030] =	vst v0  }
0x2b: {  	[tilespmem:s3+$0x19040] =	vst v0  }
0x2c: {  	[tilespmem:s3+$0x19050] =	vst v0  }
0x2d: {  	[tilespmem:s3+$0x19060] =	vst v0  }
0x2e: {  	[spmem:s12] =	stream.linear.scatter [tilespmem:s23], [sflag:$0x9], $0x5000, $0x38;
	[tilespmem:$0x1E400] =	vst v63  }
0x2f: {  	_ =	swait.ge [sflag:s24], $0x5000  }
0x30: {  	[sflag:s24] =	ssyncset.done $0x0  }
0x31: {  	s15 =	rddreg [dreg:$0x7];
	[sflag:s24] =	ssyncadd.s32 $0xFFFFB000  }
0x32: {  	[spmem:s15] =	stream.linear.scatter [tilespmem:s23], [sflag:$0x9], $0x5000, $0x38;
	[tilespmem:$0x1E400] =	vst v63  }
0x33: {  	_ =	swait.ge [sflag:s24], $0x5000  }
0x34: {  	[sflag:s24] =	ssyncset.done $0x0  }
0x35: {  	s18 =	rddreg [dreg:$0x8];
	[sflag:s24] =	ssyncadd.s32 $0xFFFFB000  }
0x36: {  	[spmem:s18] =	stream.linear.scatter [tilespmem:s23], [sflag:$0x9], $0x5000, $0x38;
	[tilespmem:$0x1E400] =	vst v63  }
0x37: {  	_ =	swait.ge [sflag:s24], $0x5000  }
0x38: {  	[sflag:s24] =	ssyncset.done $0x0  }
0x39: {  	s19 =	rddreg [dreg:$0x9];
	[sflag:s24] =	ssyncadd.s32 $0xFFFFB000  }
0x3a: {  	[spmem:s19] =	stream.linear.scatter [tilespmem:s23], [sflag:$0x9], $0x5000, $0x38;
	[tilespmem:$0x1E400] =	vst v63  }
0x3b: {  	_ =	swait.ge [sflag:s24], $0x5000  }
0x3c: {  	[sflag:s24] =	ssyncset.done $0x0  }
0x3d: {  	[sflag:s24] =	ssyncadd.s32 $0xFFFFB000  }
0x3e: {  	[bflag:$0x0] =	sbarrier.arrive $0xFFFF  }
0x3f: {  	_ =	swait.ge [sflag:s25], $0xA0  }
0x40: {  	[sflag:s25] =	ssyncset.done $0x0  }
0x41: {  	[sflag:s25] =	ssyncadd.s32 $0xFFFFFF60  }
0x42: {  	_ =	swait.ge [sflag:s25], $0xA0  }
0x43: {  	[sflag:s25] =	ssyncset.done $0x0  }
0x44: {  	[sflag:s25] =	ssyncadd.s32 $0xFFFFFF60  }
0x45: {  	_ =	swait.ge [sflag:s26], $0x5000  }
0x46: {  	[sflag:s26] =	ssyncset.done $0x0  }
0x47: {  	s14 =	simm.s32 $0x0;
	s15 =	simm.s32 $0x0;
	[sflag:s26] =	ssyncadd.s32 $0xFFFFB000  }
0x48: {  	[tilespmem:s22], [sflag:$0x5] =	stream.indirect.gather.add.f32 [hbm:s4], $0x80, s20, s28, $0xb8;
	[tilespmem:$0x1E400] =	vst v63  }
.LBB2_4:
0x49: {  	s18 =	smul.u32 $0x140, s15  }
0x4a: {  	p0 =	seq.s32 s15, $0x0  }
0x4b: {  	s3 =	simm.s32 @!p0 $0x8;
	s19 =	sadd.s32 s18, s16  }
0x4c: {  	_ =	swait.ge @!p0 [sflag:s3], $0x5000;
	s11 =	sadd.s32 s6, s19  }
0x4d: {  	[sflag:s3] =	ssyncset.done @!p0 $0x0;
	s12 =	sshrl.u32 s11, $0x3  }
0x4e: {  	[sflag:s3] =	ssyncadd.s32 @!p0 $0xFFFFB000;
	s12 =	sadd.s32 s7, s12  }
0x4f: {  	[tilespmem:s29], [sflag:$0x2] =	stream.linear.gather [hbm4b:s12+s14], $0xA0, $0x38;
	[tilespmem:$0x1E400] =	vst v63  }
0x50: {  	s12 =	sshrl.u32 s19, $0x3  }
0x51: {  	s19 =	sshll.u32 s11, $0x4;
	s3 =	sadd.s32 s8, s12  }
0x52: {  	[tilespmem:s30], [sflag:$0x2] =	stream.linear.gather [hbm4b:s3+s14], $0xA0, $0x38;
	[tilespmem:$0x1E400] =	vst v63  }
0x53: {  	s3 =	sadd.s32 s5, s19  }
0x54: {  	[tilespmem:s23], [sflag:$0x4] =	stream.linear.gather [hbm4b:s3+s14], $0x5000, $0x38;
	[tilespmem:$0x1E400] =	vst v63  }
0x55: {  	_ =	swait.ge [sflag:s31], $0x5000  }
0x56: {  	[sflag:s31] =	ssyncset.done $0x0  }
0x57: {  	s19 =	simm.s32 $0x0;
	[sflag:s31] =	ssyncadd.s32 $0xFFFFB000  }
0x58: {  	v3 =	vld [tilespmem:s19+$0x14000]  }
0x59: {  	v5 =	vld [tilespmem:s19+$0x14010]  }
0x5a: {  	v4 =	vld [tilespmem:s19+$0x14020]  }
0x5b: {  	v2 =	vld [tilespmem:s19+$0x14030]  }
0x5c: {  	v1 =	vld [tilespmem:s19+$0x14040]  }
0x5d: {  	v6 =	vmax.f32 v3, $0.0e+00;
	v3 =	vld [tilespmem:s19+$0x14050]  }
0x5e: {  	s3 =	simm.s32 $0x200;
	[tilespmem:s19+$0x14000] =	vst v6;
	v6 =	vmax.f32 v5, $0.0e+00;
	v5 =	vld [tilespmem:s19+$0x14060]  }
.LBB2_5:
0x5f: {  	s11 =	sshra.s32 s3, $0x2;
	p0 =	sne.s32 s3, $0x13E00;
	[tilespmem:s19+$0x14010] =	vst v6;
	v4 =	vmax.f32 v4, $0.0e+00;
	v6 =	vld [tilespmem:s19+$0x14070]  }
0x60: {  	v7 =	vld [tilespmem:s11+$0x14000];
	[tilespmem:s19+$0x14020] =	vst v4;
	v2 =	vmax.f32 v2, $0.0e+00  }
0x61: {  	v8 =	vld [tilespmem:s11+$0x14010];
	[tilespmem:s19+$0x14030] =	vst v2;
	v1 =	vmax.f32 v1, $0.0e+00  }
.Ltmp1:
0x62: {  	v4 =	vld [tilespmem:s11+$0x14020];
	[tilespmem:s19+$0x14040] =	vst v1;
	v1 =	vmax.f32 v3, $0.0e+00;
	(pc) =	sbr.rel @p0 .LBB2_5-.Ltmp1, $4  }
0x63: {  	v2 =	vld [tilespmem:s11+$0x14030];
	[tilespmem:s19+$0x14050] =	vst v1;
	v3 =	vmax.f32 v5, $0.0e+00  }
0x64: {  	v1 =	vld [tilespmem:s11+$0x14040];
	[tilespmem:s19+$0x14060] =	vst v3;
	v5 =	vmax.f32 v6, $0.0e+00  }
0x65: {  	v6 =	vmax.f32 v7, $0.0e+00;
	v3 =	vld [tilespmem:s11+$0x14050];
	[tilespmem:s19+$0x14070] =	vst v5;
	s19 =	smov.u32 s11  }
0x66: {  	s3 =	sadd.s32 $0x200, s3;
	[tilespmem:s19+$0x14000] =	vst v6;
	v6 =	vmax.f32 v8, $0.0e+00;
	v5 =	vld [tilespmem:s19+$0x14060]  }
0x67: {  	[tilespmem:s19+$0x14010] =	vst v6;
	v4 =	vmax.f32 v4, $0.0e+00;
	v6 =	vld [tilespmem:s19+$0x14070]  }
0x68: {  	[tilespmem:s19+$0x14020] =	vst v4;
	v2 =	vmax.f32 v2, $0.0e+00  }
0x69: {  	[tilespmem:s19+$0x14030] =	vst v2;
	v1 =	vmax.f32 v1, $0.0e+00  }
0x6a: {  	[tilespmem:s19+$0x14040] =	vst v1;
	v1 =	vmax.f32 v3, $0.0e+00  }
0x6b: {  	[tilespmem:s19+$0x14050] =	vst v1;
	v1 =	vmax.f32 v5, $0.0e+00  }
0x6c: {  	[tilespmem:s19+$0x14060] =	vst v1;
	v1 =	vmax.f32 v6, $0.0e+00  }
0x6d: {  	[tilespmem:s19+$0x14070] =	vst v1  }
0x6e: {  	[spmem:s2] =	stream.indirect.scatter.add.f32 [tilespmem:s22], [sflag:$0x7], $0x80, s21, s28, $0xb8;
	[tilespmem:$0x1E400] =	vst v63  }
0x6f: {  	_ =	swait.ge [sflag:s0], $0xA0  }
0x70: {  	[sflag:s0] =	ssyncset.done $0x0  }
0x71: {  	[sflag:s0] =	ssyncadd.s32 $0xFFFFFF60  }
0x72: {  	_ =	swait.ge [sflag:s0], $0xA0  }
0x73: {  	[sflag:s0] =	ssyncset.done $0x0  }
0x74: {  	[sflag:s0] =	ssyncadd.s32 $0xFFFFFF60  }
0x75: {  	_ =	swait.ge [sflag:s1], $0x5000  }
0x76: {  	[sflag:s1] =	ssyncset.done $0x0  }
0x77: {  	s3 =	sadd.s32 s18, s17;
	[sflag:s1] =	ssyncadd.s32 $0xFFFFB000  }
0x78: {  	[tilespmem:s23], [sflag:$0x6] =	stream.indirect.gather.add.f32 [hbm:s4], $0x80, s29, s28, $0xb8;
	[tilespmem:$0x1E400] =	vst v63  }
0x79: {  	s11 =	sadd.s32 s6, s3;
	_ =	swait.ge [sflag:s9], $0x5000  }
0x7a: {  	s18 =	simm.s32 $0x0;
	s12 =	sshrl.u32 s11, $0x3;
	[sflag:s9] =	ssyncset.done $0x0  }
0x7b: {  	s3 =	sshrl.u32 s3, $0x3;
	s12 =	sadd.s32 s7, s12;
	[sflag:s9] =	ssyncadd.s32 $0xFFFFB000  }
0x7c: {  	[tilespmem:s20], [sflag:$0x1] =	stream.linear.gather [hbm4b:s12+s18], $0xA0, $0x38;
	[tilespmem:$0x1E400] =	vst v63  }
0x7d: {  	s3 =	sadd.s32 s8, s3;
	s19 =	sshll.u32 s11, $0x4  }
0x7e: {  	[tilespmem:s21], [sflag:$0x1] =	stream.linear.gather [hbm4b:s3+s18], $0xA0, $0x38;
	[tilespmem:$0x1E400] =	vst v63  }
0x7f: {  	s3 =	sadd.s32 s5, s19  }
0x80: {  	[tilespmem:s22], [sflag:$0x3] =	stream.linear.gather [hbm4b:s3+s18], $0x5000, $0x38;
	[tilespmem:$0x1E400] =	vst v63  }
0x81: {  	_ =	swait.ge [sflag:s10], $0x5000  }
0x82: {  	[sflag:s10] =	ssyncset.done $0x0  }
0x83: {  	s18 =	simm.s32 $0x0;
	[sflag:s10] =	ssyncadd.s32 $0xFFFFB000  }
0x84: {  	v3 =	vld [tilespmem:s18+$0x19000]  }
0x85: {  	v5 =	vld [tilespmem:s18+$0x19010]  }
0x86: {  	v4 =	vld [tilespmem:s18+$0x19020]  }
0x87: {  	v2 =	vld [tilespmem:s18+$0x19030]  }
0x88: {  	v1 =	vld [tilespmem:s18+$0x19040]  }
0x89: {  	v6 =	vmax.f32 v3, $0.0e+00;
	v3 =	vld [tilespmem:s18+$0x19050]  }
0x8a: {  	s3 =	simm.s32 $0x200;
	[tilespmem:s18+$0x19000] =	vst v6;
	v6 =	vmax.f32 v5, $0.0e+00;
	v5 =	vld [tilespmem:s18+$0x19060]  }
.LBB2_7:
0x8b: {  	s11 =	sshra.s32 s3, $0x2;
	p0 =	sne.s32 s3, $0x13E00;
	[tilespmem:s18+$0x19010] =	vst v6;
	v4 =	vmax.f32 v4, $0.0e+00;
	v6 =	vld [tilespmem:s18+$0x19070]  }
0x8c: {  	v7 =	vld [tilespmem:s11+$0x19000];
	[tilespmem:s18+$0x19020] =	vst v4;
	v2 =	vmax.f32 v2, $0.0e+00  }
0x8d: {  	v8 =	vld [tilespmem:s11+$0x19010];
	[tilespmem:s18+$0x19030] =	vst v2;
	v1 =	vmax.f32 v1, $0.0e+00  }
.Ltmp2:
0x8e: {  	v4 =	vld [tilespmem:s11+$0x19020];
	[tilespmem:s18+$0x19040] =	vst v1;
	v1 =	vmax.f32 v3, $0.0e+00;
	(pc) =	sbr.rel @p0 .LBB2_7-.Ltmp2, $4  }
0x8f: {  	v2 =	vld [tilespmem:s11+$0x19030];
	[tilespmem:s18+$0x19050] =	vst v1;
	v3 =	vmax.f32 v5, $0.0e+00  }
0x90: {  	v1 =	vld [tilespmem:s11+$0x19040];
	[tilespmem:s18+$0x19060] =	vst v3;
	v5 =	vmax.f32 v6, $0.0e+00  }
0x91: {  	v6 =	vmax.f32 v7, $0.0e+00;
	v3 =	vld [tilespmem:s11+$0x19050];
	[tilespmem:s18+$0x19070] =	vst v5;
	s18 =	smov.u32 s11  }
0x92: {  	s3 =	sadd.s32 $0x200, s3;
	[tilespmem:s18+$0x19000] =	vst v6;
	v6 =	vmax.f32 v8, $0.0e+00;
	v5 =	vld [tilespmem:s18+$0x19060]  }
0x93: {  	[tilespmem:s18+$0x19010] =	vst v6;
	v4 =	vmax.f32 v4, $0.0e+00;
	v63 =	vld [tilespmem:s18+$0x19070]  }
0x94: {  	[tilespmem:s18+$0x19020] =	vst v4;
	v2 =	vmax.f32 v2, $0.0e+00  }
0x95: {  	[tilespmem:s18+$0x19030] =	vst v2;
	v1 =	vmax.f32 v1, $0.0e+00  }
0x96: {  	[tilespmem:s18+$0x19040] =	vst v1;
	v1 =	vmax.f32 v3, $0.0e+00  }
0x97: {  	[tilespmem:s18+$0x19050] =	vst v1;
	v1 =	vmax.f32 v5, $0.0e+00  }
0x98: {  	[tilespmem:s18+$0x19060] =	vst v1;
	v1 =	vmax.f32 v63, $0.0e+00  }
0x99: {  	[tilespmem:s18+$0x19070] =	vst v1  }
0x9a: {  	[spmem:s2] =	stream.indirect.scatter.add.f32 [tilespmem:s23], [sflag:$0x8], $0x80, s30, s28, $0xb8;
	[tilespmem:$0x1E400] =	vst v63  }
0x9b: {  	_ =	swait.ge [sflag:s25], $0xA0  }
0x9c: {  	[sflag:s25] =	ssyncset.done $0x0  }
0x9d: {  	[sflag:s25] =	ssyncadd.s32 $0xFFFFFF60  }
0x9e: {  	s15 =	sadd.s32 $0x1, s15;
	_ =	swait.ge [sflag:s25], $0xA0  }
0x9f: {  	p0 =	sne.s32 s15, $0x3E;
	[sflag:s25] =	ssyncset.done $0x0  }
.Ltmp3:
0xa0: {  	[sflag:s25] =	ssyncadd.s32 $0xFFFFFF60;
	(pc) =	sbr.rel @p0 .LBB2_4-.Ltmp3, $4  }
0xa1: {  	_ =	swait.ge [sflag:s26], $0x5000  }
0xa2: {  	[sflag:s26] =	ssyncset.done $0x0  }
0xa3: {  	[sflag:s26] =	ssyncadd.s32 $0xFFFFB000  }
0xa4: {  	[tilespmem:s22], [sflag:$0x5] =	stream.indirect.gather.add.f32 [hbm:s4], $0x80, s20, s28, $0xb8;
	[tilespmem:$0x1E400] =	vst v63  }
0xa5: {  	_ =	swait.ge [sflag:s31], $0x5000  }
0xa6: {  	[sflag:s31] =	ssyncset.done $0x0  }
0xa7: {  	s14 =	simm.s32 $0x0;
	[sflag:s31] =	ssyncadd.s32 $0xFFFFB000  }
0xa8: {  	v3 =	vld [tilespmem:s14+$0x14000]  }
0xa9: {  	v5 =	vld [tilespmem:s14+$0x14010]  }
0xaa: {  	v4 =	vld [tilespmem:s14+$0x14020]  }
0xab: {  	v2 =	vld [tilespmem:s14+$0x14030]  }
0xac: {  	v1 =	vld [tilespmem:s14+$0x14040]  }
0xad: {  	v6 =	vmax.f32 v3, $0.0e+00;
	v3 =	vld [tilespmem:s14+$0x14050]  }
0xae: {  	s3 =	simm.s32 $0x200;
	[tilespmem:s14+$0x14000] =	vst v6;
	v6 =	vmax.f32 v5, $0.0e+00;
	v5 =	vld [tilespmem:s14+$0x14060]  }
.LBB2_10:
0xaf: {  	s11 =	sshra.s32 s3, $0x2;
	p0 =	sne.s32 s3, $0x13E00;
	[tilespmem:s14+$0x14010] =	vst v6;
	v4 =	vmax.f32 v4, $0.0e+00;
	v6 =	vld [tilespmem:s14+$0x14070]  }
0xb0: {  	v7 =	vld [tilespmem:s11+$0x14000];
	[tilespmem:s14+$0x14020] =	vst v4;
	v2 =	vmax.f32 v2, $0.0e+00  }
0xb1: {  	v8 =	vld [tilespmem:s11+$0x14010];
	[tilespmem:s14+$0x14030] =	vst v2;
	v1 =	vmax.f32 v1, $0.0e+00  }
.Ltmp4:
0xb2: {  	v4 =	vld [tilespmem:s11+$0x14020];
	[tilespmem:s14+$0x14040] =	vst v1;
	v1 =	vmax.f32 v3, $0.0e+00;
	(pc) =	sbr.rel @p0 .LBB2_10-.Ltmp4, $4  }
0xb3: {  	v2 =	vld [tilespmem:s11+$0x14030];
	[tilespmem:s14+$0x14050] =	vst v1;
	v3 =	vmax.f32 v5, $0.0e+00  }
0xb4: {  	v1 =	vld [tilespmem:s11+$0x14040];
	[tilespmem:s14+$0x14060] =	vst v3;
	v5 =	vmax.f32 v6, $0.0e+00  }
0xb5: {  	v6 =	vmax.f32 v7, $0.0e+00;
	v3 =	vld [tilespmem:s11+$0x14050];
	[tilespmem:s14+$0x14070] =	vst v5;
	s14 =	smov.u32 s11  }
0xb6: {  	s3 =	sadd.s32 $0x200, s3;
	[tilespmem:s14+$0x14000] =	vst v6;
	v6 =	vmax.f32 v8, $0.0e+00;
	v5 =	vld [tilespmem:s14+$0x14060]  }
0xb7: {  	[tilespmem:s14+$0x14010] =	vst v6;
	v4 =	vmax.f32 v4, $0.0e+00;
	v63 =	vld [tilespmem:s14+$0x14070]  }
0xb8: {  	[tilespmem:s14+$0x14020] =	vst v4;
	v2 =	vmax.f32 v2, $0.0e+00  }
0xb9: {  	[tilespmem:s14+$0x14030] =	vst v2;
	v1 =	vmax.f32 v1, $0.0e+00  }
0xba: {  	[tilespmem:s14+$0x14040] =	vst v1;
	v1 =	vmax.f32 v3, $0.0e+00  }
0xbb: {  	[tilespmem:s14+$0x14050] =	vst v1;
	v1 =	vmax.f32 v5, $0.0e+00  }
0xbc: {  	[tilespmem:s14+$0x14060] =	vst v1;
	v1 =	vmax.f32 v63, $0.0e+00  }
0xbd: {  	[tilespmem:s14+$0x14070] =	vst v1  }
0xbe: {  	[spmem:s2] =	stream.indirect.scatter.add.f32 [tilespmem:s22], [sflag:$0x7], $0x80, s21, s28, $0xb8;
	[tilespmem:$0x1E400] =	vst v63  }
0xbf: {  	_ =	swait.ge [sflag:s9], $0x5000  }
0xc0: {  	[sflag:s9] =	ssyncset.done $0x0  }
0xc1: {  	s3 =	simm.s32 $0x8;
	[sflag:s9] =	ssyncadd.s32 $0xFFFFB000  }
0xc2: {  	_ =	swait.ge [sflag:s3], $0x5000  }
0xc3: {  	[sflag:s3] =	ssyncset.done $0x0  }
0xc4: {  	[sflag:s3] =	ssyncadd.s32 $0xFFFFB000  }
0xc5: {  	s15 =	stileid.u32;
	[bflag:$0x0] =	sbarrier.arrive $0xFFFF  }
0xc6: {  	s3 =	sshll.u32 s15, $0x6;
	s12 =	rddreg [dreg:$0x6]  }
0xc7: {  	s3 =	sor.u32 $0x1C09, s3;
	s18 =	rddreg [dreg:$0xa];
	s11 =	sshrl.u32 s12, $0x3  }
0xc8: {  	[hbm:s18], [sflag:s3] =	dma.local [spmem:s11], $0x2800  }
0xc9: {  	_ =	swait.ge [sflag:s24], $0x2800  }
0xca: {  	s13 =	sadd.s32 $0x1, s13;
	s19 =	rddreg [dreg:$0xb]  }
0xcb: {  	p0 =	sne.s32 s13, s19  }
.Ltmp5:
0xcc: {  	_ = 	snop;
	(pc) =	sbr.rel @p0 .LBB2_1-.Ltmp5, $3  }
0xcd: {  	_ =	sdelay $0x1  }
0xce: {  	[sflag:s24] =	ssyncset.done $0x0  }
0xcf: {  	[sflag:s24] =	ssyncadd.s32 $0xFFFFD800  }
0xd0: {  	_ =	sfence.sel $0x180000  }
0xd1: {  	[bflag:$0x0] =	sbarrier.arrive $0xFFFF  }
0xd2: {  	_ =	strace $0x90000050  }
0xd3: {  	s0 =	stileid.u32;
	[bflag:$0x2] =	sbarrier.arrive $0xFFFF  }
0xd4: {  	p0 =	sne.s32 s0, $0x0;
	s0 =	rddreg [dreg:$0x2]  }
0xd5: {  	s0 =	sadd.s32 @!p0 $0x100000, s0  }
0xd6: {  	[sflag:s0] =	ssyncadd.tile.s32 @!p0 $0x1;
	_ =	shalt  }
.Lfunc_end2:
_tile_overlayer_lowered:
.L_overlay_start_2:
0xd7: {  	(tag) =	ssettag $0x2  }
0xd8: {  	s0 =	rddreg [dreg:$0x0];
	s2 =	stileid.u32  }
0xd9: {  	s1 =	rddreg [dreg:$0x1];
	p0 =	sne.s32 s2, $0x0  }
0xda: {  	s3 =	rddreg [dreg:$0x2];
	[bflag:$0x3] =	sbarrier.arrive $0xFFFF;
	s2 =	simm.s32 @!p0 $0x1C09  }
0xdb: {  	[timem:s3], [sflag:s2] =	dma.local @!p0 [hbm:s0], s1  }
0xdc: {  	s0 =	simm.s32 @!p0 $0x9  }
0xdd: {  	_ =	swait.ge @!p0 [sflag:s0], s1  }
0xde: {  	s1 =	ssub.s32 @!p0 $0x0, s1;
	[sflag:s0] =	ssyncset.done @!p0 $0x0  }
0xdf: {  	[sflag:s0] =	ssyncadd.s32 @!p0 s1  }
0xe0: {  	[bflag:$0x3] =	sbarrier.arrive $0xFFFF  }
0xe1: {  	_ =	shalt  }

</sc_bundles>
